<compile_context>
chip_gen: v7x
topology: tpu7x:2x2x1
jax: 0.10.2.dev20260603
libtpu: 0.0.44.dev20260713+nightly
codegen_flags: <defaults>
</compile_context>

<pallas_src>
import functools

import jax
import jax.numpy as jnp
from jax import lax
from jax.experimental import pallas as pl
from jax.experimental.pallas import tpu as pltpu
from jax.experimental.pallas import tpu_sc as plsc

BETA = 0.25
M_TILE = 576
N_CHUNK = 4096


def _vq_argmin_body(z_ref, cb_ref, cn_ref, idx_ref, loss_ref, tab_ref,
                    m_ref, zz_ref):
    n_cb = cb_ref.shape[0]
    n_k = n_cb // 128
    R = 96

    @pl.when(pl.program_id(0) == 0)
    def _():
        tab_ref[:, 0:64] = cb_ref[...]

    zt = z_ref[...]
    zz = jnp.sum(zt * zt, axis=1, keepdims=True)
    zneg = zt * (-2.0)
    m_ref[...] = lax.dot_general(zneg, cb_ref[...], (((1,), (1,)), ((), ())),
                                 preferred_element_type=jnp.float32)
    zz_ref[...] = zz + jnp.zeros((M_TILE, 128), jnp.float32)
    lane = lax.broadcasted_iota(jnp.int32, (R, 128), 1)

    acc = jnp.zeros((1, 1), jnp.float32)
    for r in range(M_TILE // R):
        zzr = zz_ref[r * R:(r + 1) * R, :]
        run_min = jnp.full((R, 128), jnp.inf, jnp.float32)
        run_k = jnp.zeros((R, 128), jnp.int32)
        for k in range(n_k):
            sk = (zzr + m_ref[r * R:(r + 1) * R, k * 128:(k + 1) * 128]) \
                + cn_ref[k:k + 1, :]
            upd = sk < run_min
            run_min = jnp.where(upd, sk, run_min)
            run_k = jnp.where(upd, jnp.int32(k), run_k)
        gmin = jnp.min(run_min, axis=1, keepdims=True)
        cand = run_k * 128 + lane
        bidx = jnp.min(jnp.where(run_min == gmin, cand, jnp.int32(2**30)),
                       axis=1, keepdims=True)
        idx_ref[r * R:(r + 1) * R, :] = bidx
        acc = acc + jnp.sum(gmin, keepdims=True)

    part = acc
    prev = jnp.where(pl.program_id(0) == 0,
                     jnp.zeros((1, 1), jnp.float32), loss_ref[...])
    total_rows = pl.num_programs(0) * M_TILE
    scale = (1.0 + BETA) / total_rows
    loss_ref[...] = prev + part * scale


def _vq_argmin(zf, codebook):
    n_rows = zf.shape[0]
    grid = (n_rows // M_TILE,)
    return pl.pallas_call(
        _vq_argmin_body,
        grid=grid,
        in_specs=[
            pl.BlockSpec((M_TILE, zf.shape[1]), lambda i: (i, 0)),
            pl.BlockSpec(codebook.shape, lambda i: (0, 0)),
            pl.BlockSpec((codebook.shape[0] // 128, 128), lambda i: (0, 0)),
        ],
        out_specs=[
            pl.BlockSpec((M_TILE, 1), lambda i: (i, 0)),
            pl.BlockSpec((1, 1), lambda i: (0, 0)),
            pl.BlockSpec((codebook.shape[0], 128), lambda i: (0, 0)),
        ],
        out_shape=[
            jax.ShapeDtypeStruct((n_rows, 1), jnp.int32),
            jax.ShapeDtypeStruct((1, 1), jnp.float32),
            jax.ShapeDtypeStruct((codebook.shape[0], 128), jnp.float32),
        ],
        scratch_shapes=[
            pltpu.VMEM((M_TILE, codebook.shape[0]), jnp.float32),
            pltpu.VMEM((M_TILE, 128), jnp.float32),
        ],
    )(zf, codebook, jnp.sum(codebook * codebook, axis=1).reshape(-1, 128))


def _sc_gather(table, idx_flat, d_out_cols):
    n_rows = idx_flat.shape[0]
    dt = table.shape[1]
    d_out = d_out_cols
    info = plsc.get_sparse_core_info()
    nw = info.num_cores * info.num_subcores
    b_per_w = n_rows // nw
    n_chunks = 2
    chunk = b_per_w // n_chunks
    mesh = plsc.VectorSubcoreMesh(core_axis_name="c", subcore_axis_name="s")

    @functools.partial(
        pl.kernel,
        mesh=mesh,
        out_type=jax.ShapeDtypeStruct((n_rows, dt), jnp.float32),
        scratch_types=[
            pltpu.VMEM((n_chunks, chunk), jnp.int32),
            pltpu.VMEM((b_per_w, dt), jnp.float32),
            pltpu.SemaphoreType.DMA,
        ],
    )
    def gather_kernel(table_hbm, idx_hbm, out_hbm, idx_v, rows_v, sem):
        wid = lax.axis_index("s") * info.num_cores + lax.axis_index("c")
        base = wid * b_per_w
        for j in range(n_chunks):
            pltpu.sync_copy(idx_hbm.at[pl.ds(base + j * chunk, chunk)],
                            idx_v.at[j])
        copies = [
            pltpu.async_copy(table_hbm.at[idx_v.at[j]],
                             rows_v.at[pl.ds(j * chunk, chunk)], sem)
            for j in range(n_chunks)
        ]
        for c in copies:
            c.wait()
        pltpu.sync_copy(rows_v, out_hbm.at[pl.ds(base, b_per_w)])

    return gather_kernel(table, idx_flat)


def kernel(z, codebook):
    b, t, d = z.shape
    zf = z.reshape(-1, d)
    idx2d, loss, table = _vq_argmin(zf, codebook)
    idx_flat = idx2d.reshape(-1)
    q = _sc_gather(table, idx_flat, d)[:, :d]
    return q.reshape(b, t, d), loss[0, 0], idx_flat.reshape(b, t)

# --- scband reference (transcript-rebuilt; emitter-appended) ---
"""Pipeline reference for scband-abstractinator-pyramid-73607149519512 (READ-ONLY COPY).

The authoritative reference and input builder live on the scoring server;
editing this copy changes nothing except your own understanding.
"""

import jax, jax.numpy as jnp
import numpy as np

BETA = 0.25

def setup_inputs(seed: int = 0) -> dict:
    key = jax.random.key(seed)
    k1, k2 = jax.random.split(key)
    z = jax.random.normal(k1, (8, 576, 64), dtype=jnp.float32)
    codebook = jax.random.normal(k2, (8192, 64), dtype=jnp.float32)
    return {"z": z, "codebook": codebook}


def reference(z, codebook):
    # Core VQ bottleneck used by each Abstractinator level's compressor.vq:
    # nearest-codebook-entry quantization, straight-through estimator,
    # and the VQ loss (codebook loss + beta * commitment loss) that the
    # pyramid accumulates as vq_total = sum(co.vq_loss).
    B, T, D = z.shape
    zf = z.reshape(-1, D)
    # squared L2 distances to every codebook row
    d = (
        jnp.sum(zf * zf, axis=1, keepdims=True)
        - 2.0 * (zf @ codebook.T)
        + jnp.sum(codebook * codebook, axis=1)[None, :]
    )
    idx = jnp.argmin(d, axis=1)
    q = jnp.take(codebook, idx, axis=0)
    codebook_loss = jnp.mean(jnp.sum((q - jax.lax.stop_gradient(zf)) ** 2, axis=1))
    commit_loss = jnp.mean(jnp.sum((jax.lax.stop_gradient(q) - zf) ** 2, axis=1))
    vq_loss = codebook_loss + BETA * commit_loss
    # straight-through: gradients flow to z, values come from codebook
    q_st = zf + jax.lax.stop_gradient(q - zf)
    return q_st.reshape(B, T, D), vq_loss, idx.reshape(B, T)

if __name__ == "__main__":
    import jax
    _d = setup_inputs()
    print(jax.jit(kernel)(*tuple(_d.values())))

</pallas_src>

<mosaic_0001>
#map = affine_map<(d0, d1) -> (0, 0)>
#map1 = affine_map<(d0, d1) -> (0)>
module attributes {stable_mosaic.version = 14 : i64} {
  func.func @gather_kernel(%arg0: i32, %arg1: i32, %arg2: memref<8192x128xf32, #tpu.memory_space<hbm>>, %arg3: memref<4608xi32, #tpu.memory_space<hbm>>, %arg4: memref<4608x128xf32, #tpu.memory_space<hbm>>, %arg5: memref<2x72xi32, #tpu.memory_space<vmem>>, %arg6: memref<144x128xf32, #tpu.memory_space<vmem>>, %arg7: memref<!tpu.dma_semaphore, #tpu.memory_space<semaphore_mem>>) attributes {dimension_semantics = [#tpu.dimension_semantics<core_parallel>, #tpu.dimension_semantics<subcore_parallel>], iteration_bounds = array<i64: 2, 16>, scalar_prefetch = 0 : i64, scratch_operands = 3 : i64, tpu.core_type = #tpu.core_type<sc_vector_subcore>, window_params = [{transform_indices = #map}, {transform_indices = #map1}, {transform_indices = #map}]} {
    %mul3A = arith.constant 2 : i32
    %mul3A_0 = arith.muli %arg1, %mul3A : i32
    %add3A = arith.addi %mul3A_0, %arg0 : i32
    %mul3A_1 = arith.constant 144 : i32
    %mul3A_2 = arith.muli %add3A, %mul3A_1 : i32
    %add3A_3 = arith.constant 0 : i32
    %add3A_4 = arith.addi %mul3A_2, %add3A_3 : i32
    %run_scoped3A = arith.constant 0 : i32
    "tpu.region"() ({
      %run_scoped3A_46 = tpu.sem_alloc : memref<!tpu.dma_semaphore, #tpu.memory_space<semaphore_mem>>
      %dma_start3A_47 = arith.constant 0 : i32
      %dma_start3A_48 = tpu.memref_slice %arg5[%run_scoped3A, %dma_start3A_47] : memref<2x72xi32, #tpu.memory_space<vmem>> -> memref<1x72xi32, #tpu.memory_space<vmem>>
      %dma_start3A_49 = tpu.memref_squeeze %dma_start3A_48 : memref<1x72xi32, #tpu.memory_space<vmem>> -> memref<72xi32, #tpu.memory_space<vmem>>
      %dma_start3A_50 = tpu.memref_slice %arg3[%add3A_4] : memref<4608xi32, #tpu.memory_space<hbm>> -> memref<72xi32, #tpu.memory_space<hbm>>
      %dma_start3A_51 = arith.constant 0 : i32
      %dma_start3A_52 = tpu.memref_slice %arg5[%run_scoped3A, %dma_start3A_51] : memref<2x72xi32, #tpu.memory_space<vmem>> -> memref<1x72xi32, #tpu.memory_space<vmem>>
      %dma_start3A_53 = tpu.memref_squeeze %dma_start3A_52 : memref<1x72xi32, #tpu.memory_space<vmem>> -> memref<72xi32, #tpu.memory_space<vmem>>
      %dma_start3A_54 = tpu.memref_slice %arg3[%add3A_4] : memref<4608xi32, #tpu.memory_space<hbm>> -> memref<72xi32, #tpu.memory_space<hbm>>
      tpu.enqueue_dma source(%dma_start3A_54 : memref<72xi32, #tpu.memory_space<hbm>>) target(%dma_start3A_53 : memref<72xi32, #tpu.memory_space<vmem>>) target_semaphore(%run_scoped3A_46 : memref<!tpu.dma_semaphore, #tpu.memory_space<semaphore_mem>>)
      %dma_wait3A_55 = arith.constant 0 : i32
      %dma_wait3A_56 = tpu.memref_slice %arg5[%run_scoped3A, %dma_wait3A_55] : memref<2x72xi32, #tpu.memory_space<vmem>> -> memref<1x72xi32, #tpu.memory_space<vmem>>
      %dma_wait3A_57 = tpu.memref_squeeze %dma_wait3A_56 : memref<1x72xi32, #tpu.memory_space<vmem>> -> memref<72xi32, #tpu.memory_space<vmem>>
      %dma_wait3A_58 = tpu.memref_slice %arg3[%add3A_4] : memref<4608xi32, #tpu.memory_space<hbm>> -> memref<72xi32, #tpu.memory_space<hbm>>
      %dma_wait3A_59 = arith.constant 0 : i32
      %dma_wait3A_60 = tpu.memref_slice %arg5[%run_scoped3A, %dma_wait3A_59] : memref<2x72xi32, #tpu.memory_space<vmem>> -> memref<1x72xi32, #tpu.memory_space<vmem>>
      %dma_wait3A_61 = tpu.memref_squeeze %dma_wait3A_60 : memref<1x72xi32, #tpu.memory_space<vmem>> -> memref<72xi32, #tpu.memory_space<vmem>>
      %dma_wait3A_62 = tpu.memref_slice %arg3[%add3A_4] : memref<4608xi32, #tpu.memory_space<hbm>> -> memref<72xi32, #tpu.memory_space<hbm>>
      tpu.wait_dma2 semaphore(%run_scoped3A_46 : memref<!tpu.dma_semaphore, #tpu.memory_space<semaphore_mem>>) src(%dma_wait3A_62 : memref<72xi32, #tpu.memory_space<hbm>>) dst(%dma_wait3A_61 : memref<72xi32, #tpu.memory_space<vmem>>)
      tpu.yield
    }) : () -> ()
    %add3A_5 = arith.constant 72 : i32
    %add3A_6 = arith.addi %mul3A_2, %add3A_5 : i32
    %run_scoped3A_7 = arith.constant 1 : i32
    "tpu.region"() ({
      %run_scoped3A_46 = tpu.sem_alloc : memref<!tpu.dma_semaphore, #tpu.memory_space<semaphore_mem>>
      %dma_start3A_47 = arith.constant 0 : i32
      %dma_start3A_48 = tpu.memref_slice %arg5[%run_scoped3A_7, %dma_start3A_47] : memref<2x72xi32, #tpu.memory_space<vmem>> -> memref<1x72xi32, #tpu.memory_space<vmem>>
      %dma_start3A_49 = tpu.memref_squeeze %dma_start3A_48 : memref<1x72xi32, #tpu.memory_space<vmem>> -> memref<72xi32, #tpu.memory_space<vmem>>
      %dma_start3A_50 = tpu.memref_slice %arg3[%add3A_6] : memref<4608xi32, #tpu.memory_space<hbm>> -> memref<72xi32, #tpu.memory_space<hbm>>
      %dma_start3A_51 = arith.constant 0 : i32
      %dma_start3A_52 = tpu.memref_slice %arg5[%run_scoped3A_7, %dma_start3A_51] : memref<2x72xi32, #tpu.memory_space<vmem>> -> memref<1x72xi32, #tpu.memory_space<vmem>>
      %dma_start3A_53 = tpu.memref_squeeze %dma_start3A_52 : memref<1x72xi32, #tpu.memory_space<vmem>> -> memref<72xi32, #tpu.memory_space<vmem>>
      %dma_start3A_54 = tpu.memref_slice %arg3[%add3A_6] : memref<4608xi32, #tpu.memory_space<hbm>> -> memref<72xi32, #tpu.memory_space<hbm>>
      tpu.enqueue_dma source(%dma_start3A_54 : memref<72xi32, #tpu.memory_space<hbm>>) target(%dma_start3A_53 : memref<72xi32, #tpu.memory_space<vmem>>) target_semaphore(%run_scoped3A_46 : memref<!tpu.dma_semaphore, #tpu.memory_space<semaphore_mem>>)
      %dma_wait3A_55 = arith.constant 0 : i32
      %dma_wait3A_56 = tpu.memref_slice %arg5[%run_scoped3A_7, %dma_wait3A_55] : memref<2x72xi32, #tpu.memory_space<vmem>> -> memref<1x72xi32, #tpu.memory_space<vmem>>
      %dma_wait3A_57 = tpu.memref_squeeze %dma_wait3A_56 : memref<1x72xi32, #tpu.memory_space<vmem>> -> memref<72xi32, #tpu.memory_space<vmem>>
      %dma_wait3A_58 = tpu.memref_slice %arg3[%add3A_6] : memref<4608xi32, #tpu.memory_space<hbm>> -> memref<72xi32, #tpu.memory_space<hbm>>
      %dma_wait3A_59 = arith.constant 0 : i32
      %dma_wait3A_60 = tpu.memref_slice %arg5[%run_scoped3A_7, %dma_wait3A_59] : memref<2x72xi32, #tpu.memory_space<vmem>> -> memref<1x72xi32, #tpu.memory_space<vmem>>
      %dma_wait3A_61 = tpu.memref_squeeze %dma_wait3A_60 : memref<1x72xi32, #tpu.memory_space<vmem>> -> memref<72xi32, #tpu.memory_space<vmem>>
      %dma_wait3A_62 = tpu.memref_slice %arg3[%add3A_6] : memref<4608xi32, #tpu.memory_space<hbm>> -> memref<72xi32, #tpu.memory_space<hbm>>
      tpu.wait_dma2 semaphore(%run_scoped3A_46 : memref<!tpu.dma_semaphore, #tpu.memory_space<semaphore_mem>>) src(%dma_wait3A_62 : memref<72xi32, #tpu.memory_space<hbm>>) dst(%dma_wait3A_61 : memref<72xi32, #tpu.memory_space<vmem>>)
      tpu.yield
    }) : () -> ()
    %dma_start3A = arith.constant 0 : i32
    %dma_start3A_8 = arith.constant 0 : i32
    %dma_start3A_9 = arith.constant 0 : i32
    %dma_start3A_10 = tpu.memref_slice %arg6[%dma_start3A_8, %dma_start3A_9] : memref<144x128xf32, #tpu.memory_space<vmem>> -> memref<72x128xf32, #tpu.memory_space<vmem>>
    %dma_start3A_11 = arith.constant 0 : i32
    %dma_start3A_12 = tpu.memref_slice %arg5[%dma_start3A, %dma_start3A_11] : memref<2x72xi32, #tpu.memory_space<vmem>> -> memref<1x72xi32, #tpu.memory_space<vmem>>
    %dma_start3A_13 = tpu.memref_squeeze %dma_start3A_12 : memref<1x72xi32, #tpu.memory_space<vmem>> -> memref<72xi32, #tpu.memory_space<vmem>>
    %dma_start3A_14 = arith.constant 0 : i32
    %dma_start3A_15 = arith.constant 0 : i32
    %dma_start3A_16 = tpu.memref_slice %arg2[%dma_start3A_14, %dma_start3A_15] : memref<8192x128xf32, #tpu.memory_space<hbm>> -> memref<8192x128xf32, #tpu.memory_space<hbm>>
    tpu.enqueue_indirect_dma source(%dma_start3A_16 : memref<8192x128xf32, #tpu.memory_space<hbm>>) target(%dma_start3A_10 : memref<72x128xf32, #tpu.memory_space<vmem>>) offsets(%dma_start3A_13 : memref<72xi32, #tpu.memory_space<vmem>>) semaphore(%arg7 : memref<!tpu.dma_semaphore, #tpu.memory_space<semaphore_mem>>)
    %dma_start3A_17 = arith.constant 1 : i32
    %dma_start3A_18 = arith.constant 72 : i32
    %dma_start3A_19 = arith.constant 0 : i32
    %dma_start3A_20 = tpu.memref_slice %arg6[%dma_start3A_18, %dma_start3A_19] : memref<144x128xf32, #tpu.memory_space<vmem>> -> memref<72x128xf32, #tpu.memory_space<vmem>>
    %dma_start3A_21 = arith.constant 0 : i32
    %dma_start3A_22 = tpu.memref_slice %arg5[%dma_start3A_17, %dma_start3A_21] : memref<2x72xi32, #tpu.memory_space<vmem>> -> memref<1x72xi32, #tpu.memory_space<vmem>>
    %dma_start3A_23 = tpu.memref_squeeze %dma_start3A_22 : memref<1x72xi32, #tpu.memory_space<vmem>> -> memref<72xi32, #tpu.memory_space<vmem>>
    %dma_start3A_24 = arith.constant 0 : i32
    %dma_start3A_25 = arith.constant 0 : i32
    %dma_start3A_26 = tpu.memref_slice %arg2[%dma_start3A_24, %dma_start3A_25] : memref<8192x128xf32, #tpu.memory_space<hbm>> -> memref<8192x128xf32, #tpu.memory_space<hbm>>
    tpu.enqueue_indirect_dma source(%dma_start3A_26 : memref<8192x128xf32, #tpu.memory_space<hbm>>) target(%dma_start3A_20 : memref<72x128xf32, #tpu.memory_space<vmem>>) offsets(%dma_start3A_23 : memref<72xi32, #tpu.memory_space<vmem>>) semaphore(%arg7 : memref<!tpu.dma_semaphore, #tpu.memory_space<semaphore_mem>>)
    %dma_wait3A = arith.constant 0 : i32
    %dma_wait3A_27 = arith.constant 0 : i32
    %dma_wait3A_28 = arith.constant 0 : i32
    %dma_wait3A_29 = tpu.memref_slice %arg6[%dma_wait3A_27, %dma_wait3A_28] : memref<144x128xf32, #tpu.memory_space<vmem>> -> memref<72x128xf32, #tpu.memory_space<vmem>>
    %dma_wait3A_30 = arith.constant 0 : i32
    %dma_wait3A_31 = tpu.memref_slice %arg5[%dma_wait3A, %dma_wait3A_30] : memref<2x72xi32, #tpu.memory_space<vmem>> -> memref<1x72xi32, #tpu.memory_space<vmem>>
    %dma_wait3A_32 = tpu.memref_squeeze %dma_wait3A_31 : memref<1x72xi32, #tpu.memory_space<vmem>> -> memref<72xi32, #tpu.memory_space<vmem>>
    %dma_wait3A_33 = arith.constant 0 : i32
    %dma_wait3A_34 = arith.constant 0 : i32
    %dma_wait3A_35 = tpu.memref_slice %arg2[%dma_wait3A_33, %dma_wait3A_34] : memref<8192x128xf32, #tpu.memory_space<hbm>> -> memref<8192x128xf32, #tpu.memory_space<hbm>>
    tpu.wait_indirect_dma semaphore(%arg7 : memref<!tpu.dma_semaphore, #tpu.memory_space<semaphore_mem>>) src(%dma_wait3A_35 : memref<8192x128xf32, #tpu.memory_space<hbm>>) dst(%dma_wait3A_29 : memref<72x128xf32, #tpu.memory_space<vmem>>)
    %dma_wait3A_36 = arith.constant 1 : i32
    %dma_wait3A_37 = arith.constant 72 : i32
    %dma_wait3A_38 = arith.constant 0 : i32
    %dma_wait3A_39 = tpu.memref_slice %arg6[%dma_wait3A_37, %dma_wait3A_38] : memref<144x128xf32, #tpu.memory_space<vmem>> -> memref<72x128xf32, #tpu.memory_space<vmem>>
    %dma_wait3A_40 = arith.constant 0 : i32
    %dma_wait3A_41 = tpu.memref_slice %arg5[%dma_wait3A_36, %dma_wait3A_40] : memref<2x72xi32, #tpu.memory_space<vmem>> -> memref<1x72xi32, #tpu.memory_space<vmem>>
    %dma_wait3A_42 = tpu.memref_squeeze %dma_wait3A_41 : memref<1x72xi32, #tpu.memory_space<vmem>> -> memref<72xi32, #tpu.memory_space<vmem>>
    %dma_wait3A_43 = arith.constant 0 : i32
    %dma_wait3A_44 = arith.constant 0 : i32
    %dma_wait3A_45 = tpu.memref_slice %arg2[%dma_wait3A_43, %dma_wait3A_44] : memref<8192x128xf32, #tpu.memory_space<hbm>> -> memref<8192x128xf32, #tpu.memory_space<hbm>>
    tpu.wait_indirect_dma semaphore(%arg7 : memref<!tpu.dma_semaphore, #tpu.memory_space<semaphore_mem>>) src(%dma_wait3A_45 : memref<8192x128xf32, #tpu.memory_space<hbm>>) dst(%dma_wait3A_39 : memref<72x128xf32, #tpu.memory_space<vmem>>)
    "tpu.region"() ({
      %run_scoped3A_46 = tpu.sem_alloc : memref<!tpu.dma_semaphore, #tpu.memory_space<semaphore_mem>>
      %dma_start3A_47 = arith.constant 0 : i32
      %dma_start3A_48 = tpu.memref_slice %arg4[%mul3A_2, %dma_start3A_47] : memref<4608x128xf32, #tpu.memory_space<hbm>> -> memref<144x128xf32, #tpu.memory_space<hbm>>
      %dma_start3A_49 = arith.constant 0 : i32
      %dma_start3A_50 = tpu.memref_slice %arg4[%mul3A_2, %dma_start3A_49] : memref<4608x128xf32, #tpu.memory_space<hbm>> -> memref<144x128xf32, #tpu.memory_space<hbm>>
      tpu.enqueue_dma source(%arg6 : memref<144x128xf32, #tpu.memory_space<vmem>>) target(%dma_start3A_50 : memref<144x128xf32, #tpu.memory_space<hbm>>) target_semaphore(%run_scoped3A_46 : memref<!tpu.dma_semaphore, #tpu.memory_space<semaphore_mem>>)
      %dma_wait3A_51 = arith.constant 0 : i32
      %dma_wait3A_52 = tpu.memref_slice %arg4[%mul3A_2, %dma_wait3A_51] : memref<4608x128xf32, #tpu.memory_space<hbm>> -> memref<144x128xf32, #tpu.memory_space<hbm>>
      %dma_wait3A_53 = arith.constant 0 : i32
      %dma_wait3A_54 = tpu.memref_slice %arg4[%mul3A_2, %dma_wait3A_53] : memref<4608x128xf32, #tpu.memory_space<hbm>> -> memref<144x128xf32, #tpu.memory_space<hbm>>
      tpu.wait_dma2 semaphore(%run_scoped3A_46 : memref<!tpu.dma_semaphore, #tpu.memory_space<semaphore_mem>>) src(%arg6 : memref<144x128xf32, #tpu.memory_space<vmem>>) dst(%dma_wait3A_54 : memref<144x128xf32, #tpu.memory_space<hbm>>)
      tpu.yield
    }) : () -> ()
    return
  }
}

module attributes {stable_mosaic.version = 14 : i64} {
  func.func @_vq_argmin_body(%arg0: i32, %arg1: memref<576x64xf32, #tpu.memory_space<vmem>>, %arg2: memref<8192x64xf32, #tpu.memory_space<vmem>>, %arg3: memref<64x128xf32, #tpu.memory_space<vmem>>, %arg4: memref<576x1xi32, #tpu.memory_space<vmem>>, %arg5: memref<1x1xf32, #tpu.memory_space<vmem>>, %arg6: memref<8192x128xf32, #tpu.memory_space<vmem>>, %arg7: memref<576x8192xf32, #tpu.memory_space<vmem>>, %arg8: memref<576x128xf32, #tpu.memory_space<vmem>>) attributes {dimension_semantics = [#tpu.dimension_semantics<arbitrary>], iteration_bounds = array<i64: 8>, scalar_prefetch = 0 : i64, scratch_operands = 2 : i64, tpu.core_type = #tpu.core_type<tc>, window_params = [{transform_indices = @transform_0, window_bounds = array<i64: 576, 64>}, {pipeline_mode = #tpu.pipeline_mode<synchronous>, transform_indices = @transform_1, window_bounds = array<i64: 8192, 64>}, {pipeline_mode = #tpu.pipeline_mode<synchronous>, transform_indices = @transform_2, window_bounds = array<i64: 64, 128>}, {transform_indices = @transform_3, window_bounds = array<i64: 576, 1>}, {pipeline_mode = #tpu.pipeline_mode<synchronous>, transform_indices = @transform_4, window_bounds = array<i64: 1, 1>}, {pipeline_mode = #tpu.pipeline_mode<synchronous>, transform_indices = @transform_5, window_bounds = array<i64: 8192, 128>}]} {
    %eq3A = arith.constant 0 : i32
    %eq3A_0 = arith.cmpi eq, %arg0, %eq3A : i32
    %convert_element_type3A = arith.extui %eq3A_0 : i1 to i32
    %cond3A = arith.constant 0 : i32
    %cond3A_1 = arith.cmpi ne, %convert_element_type3A, %cond3A : i32
    scf.if %cond3A_1 {
      %get3A_5601 = arith.constant 0 : index
      %get3A_5602 = arith.constant 0 : index
      %get3A_5603 = vector.load %arg2[%get3A_5601, %get3A_5602] : memref<8192x64xf32, #tpu.memory_space<vmem>>, vector<8192x64xf32>
      %swap3A_5604 = arith.constant 0 : index
      %swap3A_5605 = arith.constant 0 : index
      %swap3A_5606 = vector.load %arg6[%swap3A_5604, %swap3A_5605] : memref<8192x128xf32, #tpu.memory_space<vmem>>, vector<8192x64xf32>
      tpu.vector_store %arg6[%swap3A_5604, %swap3A_5605], %get3A_5603 {strides = array<i32>} : memref<8192x128xf32, #tpu.memory_space<vmem>>, vector<8192x64xf32>,
    } else {
    }
    %get3A = arith.constant 0 : index
    %get3A_2 = arith.constant 0 : index
    %get3A_3 = vector.load %arg1[%get3A, %get3A_2] : memref<576x64xf32, #tpu.memory_space<vmem>>, vector<576x64xf32>
    %mul3A = arith.mulf %get3A_3, %get3A_3 : vector<576x64xf32>
    %reduce_sum3A = arith.constant dense<0.000000e+00> : vector<576xf32>
    %reduce_sum3A_4 = vector.multi_reduction <add>, %mul3A, %reduce_sum3A [1] : vector<576x64xf32> to vector<576xf32>
    %broadcast_in_dim3A = vector.shape_cast %reduce_sum3A_4 : vector<576xf32> to vector<576x1xf32>
    %mul3A_5 = arith.constant -2.000000e+00 : f32
    %mul3A_6 = vector.broadcast %mul3A_5 : f32 to vector<576x64xf32>
    %mul3A_7 = arith.mulf %get3A_3, %mul3A_6 : vector<576x64xf32>
    %get3A_8 = arith.constant 0 : index
    %get3A_9 = arith.constant 0 : index
    %get3A_10 = vector.load %arg2[%get3A_8, %get3A_9] : memref<8192x64xf32, #tpu.memory_space<vmem>>, vector<8192x64xf32>
    %dot_general3A = arith.constant dense<0.000000e+00> : vector<576x8192xf32>
    %dot_general3A_11 = tpu.matmul %mul3A_7, %get3A_10, %dot_general3A {dimension_numbers = #tpu.dot_dimension_numbers<[1], [1], [0], [0], [0, 0, 1, 0], [], []>, transpose_lhs_hint = false} : vector<576x64xf32>, vector<8192x64xf32>, vector<576x8192xf32> -> vector<576x8192xf32>
    %swap3A = arith.constant 0 : index
    %swap3A_12 = arith.constant 0 : index
    %swap3A_13 = vector.load %arg7[%swap3A, %swap3A_12] : memref<576x8192xf32, #tpu.memory_space<vmem>>, vector<576x8192xf32>
    tpu.vector_store %arg7[%swap3A, %swap3A_12], %dot_general3A_11 {strides = array<i32>} : memref<576x8192xf32, #tpu.memory_space<vmem>>, vector<576x8192xf32>,
    %broadcast_in_dim3A_14 = arith.constant 0.000000e+00 : f32
    %broadcast_in_dim3A_15 = vector.broadcast %broadcast_in_dim3A_14 : f32 to vector<576x128xf32>
    %add3A = vector.broadcast %broadcast_in_dim3A : vector<576x1xf32> to vector<576x128xf32>
    %add3A_16 = arith.addf %add3A, %broadcast_in_dim3A_15 : vector<576x128xf32>
    %swap3A_17 = arith.constant 0 : index
    %swap3A_18 = arith.constant 0 : index
    %swap3A_19 = vector.load %arg8[%swap3A_17, %swap3A_18] : memref<576x128xf32, #tpu.memory_space<vmem>>, vector<576x128xf32>
    tpu.vector_store %arg8[%swap3A_17, %swap3A_18], %add3A_16 {strides = array<i32>} : memref<576x128xf32, #tpu.memory_space<vmem>>, vector<576x128xf32>,
    %iota3A = tpu.iota {dimensions = array<i32: 1>} : vector<96x128xi32>
    %broadcast_in_dim3A_20 = arith.constant 0.000000e+00 : f32
    %broadcast_in_dim3A_21 = vector.broadcast %broadcast_in_dim3A_20 : f32 to vector<1x1xf32>
    %get3A_22 = arith.constant 0 : index
    %get3A_23 = arith.constant 0 : index
    %get3A_24 = vector.load %arg8[%get3A_22, %get3A_23] : memref<576x128xf32, #tpu.memory_space<vmem>>, vector<96x128xf32>
    %broadcast_in_dim3A_25 = arith.constant 0x7F800000 : f32
    %broadcast_in_dim3A_26 = vector.broadcast %broadcast_in_dim3A_25 : f32 to vector<96x128xf32>
    %broadcast_in_dim3A_27 = arith.constant 0 : i32
    %broadcast_in_dim3A_28 = vector.broadcast %broadcast_in_dim3A_27 : i32 to vector<96x128xi32>
    %get3A_29 = arith.constant 0 : index
    %get3A_30 = arith.constant 0 : index
    %get3A_31 = vector.load %arg7[%get3A_29, %get3A_30] : memref<576x8192xf32, #tpu.memory_space<vmem>>, vector<96x128xf32>
    %add3A_32 = arith.addf %get3A_24, %get3A_31 : vector<96x128xf32>
    %get3A_33 = arith.constant 0 : index
    %get3A_34 = arith.constant 0 : index
    %get3A_35 = vector.load %arg3[%get3A_33, %get3A_34] : memref<64x128xf32, #tpu.memory_space<vmem>>, vector<1x128xf32>
    %add3A_36 = vector.broadcast %get3A_35 : vector<1x128xf32> to vector<96x128xf32>
    %add3A_37 = arith.addf %add3A_32, %add3A_36 : vector<96x128xf32>
    %lt3A = arith.cmpf olt, %add3A_37, %broadcast_in_dim3A_26 : vector<96x128xf32>
    %select_n3A = arith.select %lt3A, %add3A_37, %broadcast_in_dim3A_26 : vector<96x128xi1>, vector<96x128xf32>
    %jit3A = arith.constant 0 : i32
    %broadcast_in_dim3A_38 = vector.broadcast %jit3A : i32 to vector<96x128xi32>
    %select_n3A_39 = arith.select %lt3A, %broadcast_in_dim3A_38, %broadcast_in_dim3A_28 : vector<96x128xi1>, vector<96x128xi32>
    %get3A_40 = arith.constant 0 : index
    %get3A_41 = arith.constant 128 : index
    %get3A_42 = vector.load %arg7[%get3A_40, %get3A_41] : memref<576x8192xf32, #tpu.memory_space<vmem>>, vector<96x128xf32>
    %add3A_43 = arith.addf %get3A_24, %get3A_42 : vector<96x128xf32>
    %get3A_44 = arith.constant 1 : index
    %get3A_45 = arith.constant 0 : index
    %get3A_46 = vector.load %arg3[%get3A_44, %get3A_45] : memref<64x128xf32, #tpu.memory_space<vmem>>, vector<1x128xf32>
    %add3A_47 = vector.broadcast %get3A_46 : vector<1x128xf32> to vector<96x128xf32>
    %add3A_48 = arith.addf %add3A_43, %add3A_47 : vector<96x128xf32>
    %lt3A_49 = arith.cmpf olt, %add3A_48, %select_n3A : vector<96x128xf32>
    %select_n3A_50 = arith.select %lt3A_49, %add3A_48, %select_n3A : vector<96x128xi1>, vector<96x128xf32>
    %jit3A_51 = arith.constant 1 : i32
    %broadcast_in_dim3A_52 = vector.broadcast %jit3A_51 : i32 to vector<96x128xi32>
    %select_n3A_53 = arith.select %lt3A_49, %broadcast_in_dim3A_52, %select_n3A_39 : vector<96x128xi1>, vector<96x128xi32>
    %get3A_54 = arith.constant 0 : index
    %get3A_55 = arith.constant 256 : index
    %get3A_56 = vector.load %arg7[%get3A_54, %get3A_55] : memref<576x8192xf32, #tpu.memory_space<vmem>>, vector<96x128xf32>
    %add3A_57 = arith.addf %get3A_24, %get3A_56 : vector<96x128xf32>
    %get3A_58 = arith.constant 2 : index
    %get3A_59 = arith.constant 0 : index
    %get3A_60 = vector.load %arg3[%get3A_58, %get3A_59] : memref<64x128xf32, #tpu.memory_space<vmem>>, vector<1x128xf32>
    %add3A_61 = vector.broadcast %get3A_60 : vector<1x128xf32> to vector<96x128xf32>
    %add3A_62 = arith.addf %add3A_57, %add3A_61 : vector<96x128xf32>
    %lt3A_63 = arith.cmpf olt, %add3A_62, %select_n3A_50 : vector<96x128xf32>
    %select_n3A_64 = arith.select %lt3A_63, %add3A_62, %select_n3A_50 : vector<96x128xi1>, vector<96x128xf32>
    %jit3A_65 = arith.constant 2 : i32
    %broadcast_in_dim3A_66 = vector.broadcast %jit3A_65 : i32 to vector<96x128xi32>
    %select_n3A_67 = arith.select %lt3A_63, %broadcast_in_dim3A_66, %select_n3A_53 : vector<96x128xi1>, vector<96x128xi32>
    %get3A_68 = arith.constant 0 : index
    %get3A_69 = arith.constant 384 : index
    %get3A_70 = vector.load %arg7[%get3A_68, %get3A_69] : memref<576x8192xf32, #tpu.memory_space<vmem>>, vector<96x128xf32>
    %add3A_71 = arith.addf %get3A_24, %get3A_70 : vector<96x128xf32>
    %get3A_72 = arith.constant 3 : index
    %get3A_73 = arith.constant 0 : index
    %get3A_74 = vector.load %arg3[%get3A_72, %get3A_73] : memref<64x128xf32, #tpu.memory_space<vmem>>, vector<1x128xf32>
    %add3A_75 = vector.broadcast %get3A_74 : vector<1x128xf32> to vector<96x128xf32>
    %add3A_76 = arith.addf %add3A_71, %add3A_75 : vector<96x128xf32>
    %lt3A_77 = arith.cmpf olt, %add3A_76, %select_n3A_64 : vector<96x128xf32>
    %select_n3A_78 = arith.select %lt3A_77, %add3A_76, %select_n3A_64 : vector<96x128xi1>, vector<96x128xf32>
    %jit3A_79 = arith.constant 3 : i32
    %broadcast_in_dim3A_80 = vector.broadcast %jit3A_79 : i32 to vector<96x128xi32>
    %select_n3A_81 = arith.select %lt3A_77, %broadcast_in_dim3A_80, %select_n3A_67 : vector<96x128xi1>, vector<96x128xi32>
    %get3A_82 = arith.constant 0 : index
    %get3A_83 = arith.constant 512 : index
    %get3A_84 = vector.load %arg7[%get3A_82, %get3A_83] : memref<576x8192xf32, #tpu.memory_space<vmem>>, vector<96x128xf32>
    %add3A_85 = arith.addf %get3A_24, %get3A_84 : vector<96x128xf32>
    %get3A_86 = arith.constant 4 : index
    %get3A_87 = arith.constant 0 : index
    %get3A_88 = vector.load %arg3[%get3A_86, %get3A_87] : memref<64x128xf32, #tpu.memory_space<vmem>>, vector<1x128xf32>
    %add3A_89 = vector.broadcast %get3A_88 : vector<1x128xf32> to vector<96x128xf32>
    %add3A_90 = arith.addf %add3A_85, %add3A_89 : vector<96x128xf32>
    %lt3A_91 = arith.cmpf olt, %add3A_90, %select_n3A_78 : vector<96x128xf32>
    %select_n3A_92 = arith.select %lt3A_91, %add3A_90, %select_n3A_78 : vector<96x128xi1>, vector<96x128xf32>
    %jit3A_93 = arith.constant 4 : i32
    %broadcast_in_dim3A_94 = vector.broadcast %jit3A_93 : i32 to vector<96x128xi32>
    %select_n3A_95 = arith.select %lt3A_91, %broadcast_in_dim3A_94, %select_n3A_81 : vector<96x128xi1>, vector<96x128xi32>
    %get3A_96 = arith.constant 0 : index
    %get3A_97 = arith.constant 640 : index
    %get3A_98 = vector.load %arg7[%get3A_96, %get3A_97] : memref<576x8192xf32, #tpu.memory_space<vmem>>, vector<96x128xf32>
    %add3A_99 = arith.addf %get3A_24, %get3A_98 : vector<96x128xf32>
    %get3A_100 = arith.constant 5 : index
    %get3A_101 = arith.constant 0 : index
    %get3A_102 = vector.load %arg3[%get3A_100, %get3A_101] : memref<64x128xf32, #tpu.memory_space<vmem>>, vector<1x128xf32>
    %add3A_103 = vector.broadcast %get3A_102 : vector<1x128xf32> to vector<96x128xf32>
    %add3A_104 = arith.addf %add3A_99, %add3A_103 : vector<96x128xf32>
    %lt3A_105 = arith.cmpf olt, %add3A_104, %select_n3A_92 : vector<96x128xf32>
    %select_n3A_106 = arith.select %lt3A_105, %add3A_104, %select_n3A_92 : vector<96x128xi1>, vector<96x128xf32>
    %jit3A_107 = arith.constant 5 : i32
    %broadcast_in_dim3A_108 = vector.broadcast %jit3A_107 : i32 to vector<96x128xi32>
    %select_n3A_109 = arith.select %lt3A_105, %broadcast_in_dim3A_108, %select_n3A_95 : vector<96x128xi1>, vector<96x128xi32>
    %get3A_110 = arith.constant 0 : index
    %get3A_111 = arith.constant 768 : index
    %get3A_112 = vector.load %arg7[%get3A_110, %get3A_111] : memref<576x8192xf32, #tpu.memory_space<vmem>>, vector<96x128xf32>
    %add3A_113 = arith.addf %get3A_24, %get3A_112 : vector<96x128xf32>
    %get3A_114 = arith.constant 6 : index
    %get3A_115 = arith.constant 0 : index
    %get3A_116 = vector.load %arg3[%get3A_114, %get3A_115] : memref<64x128xf32, #tpu.memory_space<vmem>>, vector<1x128xf32>
    %add3A_117 = vector.broadcast %get3A_116 : vector<1x128xf32> to vector<96x128xf32>
    %add3A_118 = arith.addf %add3A_113, %add3A_117 : vector<96x128xf32>
    %lt3A_119 = arith.cmpf olt, %add3A_118, %select_n3A_106 : vector<96x128xf32>
    %select_n3A_120 = arith.select %lt3A_119, %add3A_118, %select_n3A_106 : vector<96x128xi1>, vector<96x128xf32>
    %jit3A_121 = arith.constant 6 : i32
    %broadcast_in_dim3A_122 = vector.broadcast %jit3A_121 : i32 to vector<96x128xi32>
    %select_n3A_123 = arith.select %lt3A_119, %broadcast_in_dim3A_122, %select_n3A_109 : vector<96x128xi1>, vector<96x128xi32>
    %get3A_124 = arith.constant 0 : index
    %get3A_125 = arith.constant 896 : index
    %get3A_126 = vector.load %arg7[%get3A_124, %get3A_125] : memref<576x8192xf32, #tpu.memory_space<vmem>>, vector<96x128xf32>
    %add3A_127 = arith.addf %get3A_24, %get3A_126 : vector<96x128xf32>
    %get3A_128 = arith.constant 7 : index
    %get3A_129 = arith.constant 0 : index
    %get3A_130 = vector.load %arg3[%get3A_128, %get3A_129] : memref<64x128xf32, #tpu.memory_space<vmem>>, vector<1x128xf32>
    %add3A_131 = vector.broadcast %get3A_130 : vector<1x128xf32> to vector<96x128xf32>
    %add3A_132 = arith.addf %add3A_127, %add3A_131 : vector<96x128xf32>
    %lt3A_133 = arith.cmpf olt, %add3A_132, %select_n3A_120 : vector<96x128xf32>
    %select_n3A_134 = arith.select %lt3A_133, %add3A_132, %select_n3A_120 : vector<96x128xi1>, vector<96x128xf32>
    %jit3A_135 = arith.constant 7 : i32
    %broadcast_in_dim3A_136 = vector.broadcast %jit3A_135 : i32 to vector<96x128xi32>
    %select_n3A_137 = arith.select %lt3A_133, %broadcast_in_dim3A_136, %select_n3A_123 : vector<96x128xi1>, vector<96x128xi32>
    %get3A_138 = arith.constant 0 : index
    %get3A_139 = arith.constant 1024 : index
    %get3A_140 = vector.load %arg7[%get3A_138, %get3A_139] : memref<576x8192xf32, #tpu.memory_space<vmem>>, vector<96x128xf32>
    %add3A_141 = arith.addf %get3A_24, %get3A_140 : vector<96x128xf32>
    %get3A_142 = arith.constant 8 : index
    %get3A_143 = arith.constant 0 : index
    %get3A_144 = vector.load %arg3[%get3A_142, %get3A_143] : memref<64x128xf32, #tpu.memory_space<vmem>>, vector<1x128xf32>
    %add3A_145 = vector.broadcast %get3A_144 : vector<1x128xf32> to vector<96x128xf32>
    %add3A_146 = arith.addf %add3A_141, %add3A_145 : vector<96x128xf32>
    %lt3A_147 = arith.cmpf olt, %add3A_146, %select_n3A_134 : vector<96x128xf32>
    %select_n3A_148 = arith.select %lt3A_147, %add3A_146, %select_n3A_134 : vector<96x128xi1>, vector<96x128xf32>
    %jit3A_149 = arith.constant 8 : i32
    %broadcast_in_dim3A_150 = vector.broadcast %jit3A_149 : i32 to vector<96x128xi32>
    %select_n3A_151 = arith.select %lt3A_147, %broadcast_in_dim3A_150, %select_n3A_137 : vector<96x128xi1>, vector<96x128xi32>
    %get3A_152 = arith.constant 0 : index
    %get3A_153 = arith.constant 1152 : index
    %get3A_154 = vector.load %arg7[%get3A_152, %get3A_153] : memref<576x8192xf32, #tpu.memory_space<vmem>>, vector<96x128xf32>
    %add3A_155 = arith.addf %get3A_24, %get3A_154 : vector<96x128xf32>
    %get3A_156 = arith.constant 9 : index
    %get3A_157 = arith.constant 0 : index
    %get3A_158 = vector.load %arg3[%get3A_156, %get3A_157] : memref<64x128xf32, #tpu.memory_space<vmem>>, vector<1x128xf32>
    %add3A_159 = vector.broadcast %get3A_158 : vector<1x128xf32> to vector<96x128xf32>
    %add3A_160 = arith.addf %add3A_155, %add3A_159 : vector<96x128xf32>
    %lt3A_161 = arith.cmpf olt, %add3A_160, %select_n3A_148 : vector<96x128xf32>
    %select_n3A_162 = arith.select %lt3A_161, %add3A_160, %select_n3A_148 : vector<96x128xi1>, vector<96x128xf32>
    %jit3A_163 = arith.constant 9 : i32
    %broadcast_in_dim3A_164 = vector.broadcast %jit3A_163 : i32 to vector<96x128xi32>
    %select_n3A_165 = arith.select %lt3A_161, %broadcast_in_dim3A_164, %select_n3A_151 : vector<96x128xi1>, vector<96x128xi32>
    %get3A_166 = arith.constant 0 : index
    %get3A_167 = arith.constant 1280 : index
    %get3A_168 = vector.load %arg7[%get3A_166, %get3A_167] : memref<576x8192xf32, #tpu.memory_space<vmem>>, vector<96x128xf32>
    %add3A_169 = arith.addf %get3A_24, %get3A_168 : vector<96x128xf32>
    %get3A_170 = arith.constant 10 : index
    %get3A_171 = arith.constant 0 : index
    %get3A_172 = vector.load %arg3[%get3A_170, %get3A_171] : memref<64x128xf32, #tpu.memory_space<vmem>>, vector<1x128xf32>
    %add3A_173 = vector.broadcast %get3A_172 : vector<1x128xf32> to vector<96x128xf32>
    %add3A_174 = arith.addf %add3A_169, %add3A_173 : vector<96x128xf32>
    %lt3A_175 = arith.cmpf olt, %add3A_174, %select_n3A_162 : vector<96x128xf32>
    %select_n3A_176 = arith.select %lt3A_175, %add3A_174, %select_n3A_162 : vector<96x128xi1>, vector<96x128xf32>
    %jit3A_177 = arith.constant 10 : i32
    %broadcast_in_dim3A_178 = vector.broadcast %jit3A_177 : i32 to vector<96x128xi32>
    %select_n3A_179 = arith.select %lt3A_175, %broadcast_in_dim3A_178, %select_n3A_165 : vector<96x128xi1>, vector<96x128xi32>
    %get3A_180 = arith.constant 0 : index
    %get3A_181 = arith.constant 1408 : index
    %get3A_182 = vector.load %arg7[%get3A_180, %get3A_181] : memref<576x8192xf32, #tpu.memory_space<vmem>>, vector<96x128xf32>
    %add3A_183 = arith.addf %get3A_24, %get3A_182 : vector<96x128xf32>
    %get3A_184 = arith.constant 11 : index
    %get3A_185 = arith.constant 0 : index
    %get3A_186 = vector.load %arg3[%get3A_184, %get3A_185] : memref<64x128xf32, #tpu.memory_space<vmem>>, vector<1x128xf32>
    %add3A_187 = vector.broadcast %get3A_186 : vector<1x128xf32> to vector<96x128xf32>
    %add3A_188 = arith.addf %add3A_183, %add3A_187 : vector<96x128xf32>
    %lt3A_189 = arith.cmpf olt, %add3A_188, %select_n3A_176 : vector<96x128xf32>
    %select_n3A_190 = arith.select %lt3A_189, %add3A_188, %select_n3A_176 : vector<96x128xi1>, vector<96x128xf32>
    %jit3A_191 = arith.constant 11 : i32
    %broadcast_in_dim3A_192 = vector.broadcast %jit3A_191 : i32 to vector<96x128xi32>
    %select_n3A_193 = arith.select %lt3A_189, %broadcast_in_dim3A_192, %select_n3A_179 : vector<96x128xi1>, vector<96x128xi32>
    %get3A_194 = arith.constant 0 : index
    %get3A_195 = arith.constant 1536 : index
    %get3A_196 = vector.load %arg7[%get3A_194, %get3A_195] : memref<576x8192xf32, #tpu.memory_space<vmem>>, vector<96x128xf32>
    %add3A_197 = arith.addf %get3A_24, %get3A_196 : vector<96x128xf32>
    %get3A_198 = arith.constant 12 : index
    %get3A_199 = arith.constant 0 : index
    %get3A_200 = vector.load %arg3[%get3A_198, %get3A_199] : memref<64x128xf32, #tpu.memory_space<vmem>>, vector<1x128xf32>
    %add3A_201 = vector.broadcast %get3A_200 : vector<1x128xf32> to vector<96x128xf32>
    %add3A_202 = arith.addf %add3A_197, %add3A_201 : vector<96x128xf32>
    %lt3A_203 = arith.cmpf olt, %add3A_202, %select_n3A_190 : vector<96x128xf32>
    %select_n3A_204 = arith.select %lt3A_203, %add3A_202, %select_n3A_190 : vector<96x128xi1>, vector<96x128xf32>
    %jit3A_205 = arith.constant 12 : i32
    %broadcast_in_dim3A_206 = vector.broadcast %jit3A_205 : i32 to vector<96x128xi32>
    %select_n3A_207 = arith.select %lt3A_203, %broadcast_in_dim3A_206, %select_n3A_193 : vector<96x128xi1>, vector<96x128xi32>
    %get3A_208 = arith.constant 0 : index
    %get3A_209 = arith.constant 1664 : index
    %get3A_210 = vector.load %arg7[%get3A_208, %get3A_209] : memref<576x8192xf32, #tpu.memory_space<vmem>>, vector<96x128xf32>
    %add3A_211 = arith.addf %get3A_24, %get3A_210 : vector<96x128xf32>
    %get3A_212 = arith.constant 13 : index
    %get3A_213 = arith.constant 0 : index
    %get3A_214 = vector.load %arg3[%get3A_212, %get3A_213] : memref<64x128xf32, #tpu.memory_space<vmem>>, vector<1x128xf32>
    %add3A_215 = vector.broadcast %get3A_214 : vector<1x128xf32> to vector<96x128xf32>
    %add3A_216 = arith.addf %add3A_211, %add3A_215 : vector<96x128xf32>
    %lt3A_217 = arith.cmpf olt, %add3A_216, %select_n3A_204 : vector<96x128xf32>
    %select_n3A_218 = arith.select %lt3A_217, %add3A_216, %select_n3A_204 : vector<96x128xi1>, vector<96x128xf32>
    %jit3A_219 = arith.constant 13 : i32
    %broadcast_in_dim3A_220 = vector.broadcast %jit3A_219 : i32 to vector<96x128xi32>
    %select_n3A_221 = arith.select %lt3A_217, %broadcast_in_dim3A_220, %select_n3A_207 : vector<96x128xi1>, vector<96x128xi32>
    %get3A_222 = arith.constant 0 : index
    %get3A_223 = arith.constant 1792 : index
    %get3A_224 = vector.load %arg7[%get3A_222, %get3A_223] : memref<576x8192xf32, #tpu.memory_space<vmem>>, vector<96x128xf32>
    %add3A_225 = arith.addf %get3A_24, %get3A_224 : vector<96x128xf32>
    %get3A_226 = arith.constant 14 : index
    %get3A_227 = arith.constant 0 : index
    %get3A_228 = vector.load %arg3[%get3A_226, %get3A_227] : memref<64x128xf32, #tpu.memory_space<vmem>>, vector<1x128xf32>
    %add3A_229 = vector.broadcast %get3A_228 : vector<1x128xf32> to vector<96x128xf32>
    %add3A_230 = arith.addf %add3A_225, %add3A_229 : vector<96x128xf32>
    %lt3A_231 = arith.cmpf olt, %add3A_230, %select_n3A_218 : vector<96x128xf32>
    %select_n3A_232 = arith.select %lt3A_231, %add3A_230, %select_n3A_218 : vector<96x128xi1>, vector<96x128xf32>
    %jit3A_233 = arith.constant 14 : i32
    %broadcast_in_dim3A_234 = vector.broadcast %jit3A_233 : i32 to vector<96x128xi32>
    %select_n3A_235 = arith.select %lt3A_231, %broadcast_in_dim3A_234, %select_n3A_221 : vector<96x128xi1>, vector<96x128xi32>
    %get3A_236 = arith.constant 0 : index
    %get3A_237 = arith.constant 1920 : index
    %get3A_238 = vector.load %arg7[%get3A_236, %get3A_237] : memref<576x8192xf32, #tpu.memory_space<vmem>>, vector<96x128xf32>
    %add3A_239 = arith.addf %get3A_24, %get3A_238 : vector<96x128xf32>
    %get3A_240 = arith.constant 15 : index
    %get3A_241 = arith.constant 0 : index
    %get3A_242 = vector.load %arg3[%get3A_240, %get3A_241] : memref<64x128xf32, #tpu.memory_space<vmem>>, vector<1x128xf32>
    %add3A_243 = vector.broadcast %get3A_242 : vector<1x128xf32> to vector<96x128xf32>
    %add3A_244 = arith.addf %add3A_239, %add3A_243 : vector<96x128xf32>
    %lt3A_245 = arith.cmpf olt, %add3A_244, %select_n3A_232 : vector<96x128xf32>
    %select_n3A_246 = arith.select %lt3A_245, %add3A_244, %select_n3A_232 : vector<96x128xi1>, vector<96x128xf32>
    %jit3A_247 = arith.constant 15 : i32
    %broadcast_in_dim3A_248 = vector.broadcast %jit3A_247 : i32 to vector<96x128xi32>
    %select_n3A_249 = arith.select %lt3A_245, %broadcast_in_dim3A_248, %select_n3A_235 : vector<96x128xi1>, vector<96x128xi32>
    %get3A_250 = arith.constant 0 : index
    %get3A_251 = arith.constant 2048 : index
    %get3A_252 = vector.load %arg7[%get3A_250, %get3A_251] : memref<576x8192xf32, #tpu.memory_space<vmem>>, vector<96x128xf32>
    %add3A_253 = arith.addf %get3A_24, %get3A_252 : vector<96x128xf32>
    %get3A_254 = arith.constant 16 : index
    %get3A_255 = arith.constant 0 : index
    %get3A_256 = vector.load %arg3[%get3A_254, %get3A_255] : memref<64x128xf32, #tpu.memory_space<vmem>>, vector<1x128xf32>
    %add3A_257 = vector.broadcast %get3A_256 : vector<1x128xf32> to vector<96x128xf32>
    %add3A_258 = arith.addf %add3A_253, %add3A_257 : vector<96x128xf32>
    %lt3A_259 = arith.cmpf olt, %add3A_258, %select_n3A_246 : vector<96x128xf32>
    %select_n3A_260 = arith.select %lt3A_259, %add3A_258, %select_n3A_246 : vector<96x128xi1>, vector<96x128xf32>
    %jit3A_261 = arith.constant 16 : i32
    %broadcast_in_dim3A_262 = vector.broadcast %jit3A_261 : i32 to vector<96x128xi32>
    %select_n3A_263 = arith.select %lt3A_259, %broadcast_in_dim3A_262, %select_n3A_249 : vector<96x128xi1>, vector<96x128xi32>
    %get3A_264 = arith.constant 0 : index
    %get3A_265 = arith.constant 2176 : index
    %get3A_266 = vector.load %arg7[%get3A_264, %get3A_265] : memref<576x8192xf32, #tpu.memory_space<vmem>>, vector<96x128xf32>
    %add3A_267 = arith.addf %get3A_24, %get3A_266 : vector<96x128xf32>
    %get3A_268 = arith.constant 17 : index
    %get3A_269 = arith.constant 0 : index
    %get3A_270 = vector.load %arg3[%get3A_268, %get3A_269] : memref<64x128xf32, #tpu.memory_space<vmem>>, vector<1x128xf32>
    %add3A_271 = vector.broadcast %get3A_270 : vector<1x128xf32> to vector<96x128xf32>
    %add3A_272 = arith.addf %add3A_267, %add3A_271 : vector<96x128xf32>
    %lt3A_273 = arith.cmpf olt, %add3A_272, %select_n3A_260 : vector<96x128xf32>
    %select_n3A_274 = arith.select %lt3A_273, %add3A_272, %select_n3A_260 : vector<96x128xi1>, vector<96x128xf32>
    %jit3A_275 = arith.constant 17 : i32
    %broadcast_in_dim3A_276 = vector.broadcast %jit3A_275 : i32 to vector<96x128xi32>
    %select_n3A_277 = arith.select %lt3A_273, %broadcast_in_dim3A_276, %select_n3A_263 : vector<96x128xi1>, vector<96x128xi32>
    %get3A_278 = arith.constant 0 : index
    %get3A_279 = arith.constant 2304 : index
    %get3A_280 = vector.load %arg7[%get3A_278, %get3A_279] : memref<576x8192xf32, #tpu.memory_space<vmem>>, vector<96x128xf32>
    %add3A_281 = arith.addf %get3A_24, %get3A_280 : vector<96x128xf32>
    %get3A_282 = arith.constant 18 : index
    %get3A_283 = arith.constant 0 : index
    %get3A_284 = vector.load %arg3[%get3A_282, %get3A_283] : memref<64x128xf32, #tpu.memory_space<vmem>>, vector<1x128xf32>
    %add3A_285 = vector.broadcast %get3A_284 : vector<1x128xf32> to vector<96x128xf32>
    %add3A_286 = arith.addf %add3A_281, %add3A_285 : vector<96x128xf32>
    %lt3A_287 = arith.cmpf olt, %add3A_286, %select_n3A_274 : vector<96x128xf32>
    %select_n3A_288 = arith.select %lt3A_287, %add3A_286, %select_n3A_274 : vector<96x128xi1>, vector<96x128xf32>
    %jit3A_289 = arith.constant 18 : i32
    %broadcast_in_dim3A_290 = vector.broadcast %jit3A_289 : i32 to vector<96x128xi32>
    %select_n3A_291 = arith.select %lt3A_287, %broadcast_in_dim3A_290, %select_n3A_277 : vector<96x128xi1>, vector<96x128xi32>
    %get3A_292 = arith.constant 0 : index
    %get3A_293 = arith.constant 2432 : index
    %get3A_294 = vector.load %arg7[%get3A_292, %get3A_293] : memref<576x8192xf32, #tpu.memory_space<vmem>>, vector<96x128xf32>
    %add3A_295 = arith.addf %get3A_24, %get3A_294 : vector<96x128xf32>
    %get3A_296 = arith.constant 19 : index
    %get3A_297 = arith.constant 0 : index
    %get3A_298 = vector.load %arg3[%get3A_296, %get3A_297] : memref<64x128xf32, #tpu.memory_space<vmem>>, vector<1x128xf32>
    %add3A_299 = vector.broadcast %get3A_298 : vector<1x128xf32> to vector<96x128xf32>
    %add3A_300 = arith.addf %add3A_295, %add3A_299 : vector<96x128xf32>
    %lt3A_301 = arith.cmpf olt, %add3A_300, %select_n3A_288 : vector<96x128xf32>
    %select_n3A_302 = arith.select %lt3A_301, %add3A_300, %select_n3A_288 : vector<96x128xi1>, vector<96x128xf32>
    %jit3A_303 = arith.constant 19 : i32
    %broadcast_in_dim3A_304 = vector.broadcast %jit3A_303 : i32 to vector<96x128xi32>
    %select_n3A_305 = arith.select %lt3A_301, %broadcast_in_dim3A_304, %select_n3A_291 : vector<96x128xi1>, vector<96x128xi32>
    %get3A_306 = arith.constant 0 : index
    %get3A_307 = arith.constant 2560 : index
    %get3A_308 = vector.load %arg7[%get3A_306, %get3A_307] : memref<576x8192xf32, #tpu.memory_space<vmem>>, vector<96x128xf32>
    %add3A_309 = arith.addf %get3A_24, %get3A_308 : vector<96x128xf32>
    %get3A_310 = arith.constant 20 : index
    %get3A_311 = arith.constant 0 : index
    %get3A_312 = vector.load %arg3[%get3A_310, %get3A_311] : memref<64x128xf32, #tpu.memory_space<vmem>>, vector<1x128xf32>
    %add3A_313 = vector.broadcast %get3A_312 : vector<1x128xf32> to vector<96x128xf32>
    %add3A_314 = arith.addf %add3A_309, %add3A_313 : vector<96x128xf32>
    %lt3A_315 = arith.cmpf olt, %add3A_314, %select_n3A_302 : vector<96x128xf32>
    %select_n3A_316 = arith.select %lt3A_315, %add3A_314, %select_n3A_302 : vector<96x128xi1>, vector<96x128xf32>
    %jit3A_317 = arith.constant 20 : i32
    %broadcast_in_dim3A_318 = vector.broadcast %jit3A_317 : i32 to vector<96x128xi32>
    %select_n3A_319 = arith.select %lt3A_315, %broadcast_in_dim3A_318, %select_n3A_305 : vector<96x128xi1>, vector<96x128xi32>
    %get3A_320 = arith.constant 0 : index
    %get3A_321 = arith.constant 2688 : index
    %get3A_322 = vector.load %arg7[%get3A_320, %get3A_321] : memref<576x8192xf32, #tpu.memory_space<vmem>>, vector<96x128xf32>
    %add3A_323 = arith.addf %get3A_24, %get3A_322 : vector<96x128xf32>
    %get3A_324 = arith.constant 21 : index
    %get3A_325 = arith.constant 0 : index
    %get3A_326 = vector.load %arg3[%get3A_324, %get3A_325] : memref<64x128xf32, #tpu.memory_space<vmem>>, vector<1x128xf32>
    %add3A_327 = vector.broadcast %get3A_326 : vector<1x128xf32> to vector<96x128xf32>
    %add3A_328 = arith.addf %add3A_323, %add3A_327 : vector<96x128xf32>
    %lt3A_329 = arith.cmpf olt, %add3A_328, %select_n3A_316 : vector<96x128xf32>
    %select_n3A_330 = arith.select %lt3A_329, %add3A_328, %select_n3A_316 : vector<96x128xi1>, vector<96x128xf32>
    %jit3A_331 = arith.constant 21 : i32
    %broadcast_in_dim3A_332 = vector.broadcast %jit3A_331 : i32 to vector<96x128xi32>
    %select_n3A_333 = arith.select %lt3A_329, %broadcast_in_dim3A_332, %select_n3A_319 : vector<96x128xi1>, vector<96x128xi32>
    %get3A_334 = arith.constant 0 : index
    %get3A_335 = arith.constant 2816 : index
    %get3A_336 = vector.load %arg7[%get3A_334, %get3A_335] : memref<576x8192xf32, #tpu.memory_space<vmem>>, vector<96x128xf32>
    %add3A_337 = arith.addf %get3A_24, %get3A_336 : vector<96x128xf32>
    %get3A_338 = arith.constant 22 : index
    %get3A_339 = arith.constant 0 : index
    %get3A_340 = vector.load %arg3[%get3A_338, %get3A_339] : memref<64x128xf32, #tpu.memory_space<vmem>>, vector<1x128xf32>
    %add3A_341 = vector.broadcast %get3A_340 : vector<1x128xf32> to vector<96x128xf32>
    %add3A_342 = arith.addf %add3A_337, %add3A_341 : vector<96x128xf32>
    %lt3A_343 = arith.cmpf olt, %add3A_342, %select_n3A_330 : vector<96x128xf32>
    %select_n3A_344 = arith.select %lt3A_343, %add3A_342, %select_n3A_330 : vector<96x128xi1>, vector<96x128xf32>
    %jit3A_345 = arith.constant 22 : i32
    %broadcast_in_dim3A_346 = vector.broadcast %jit3A_345 : i32 to vector<96x128xi32>
    %select_n3A_347 = arith.select %lt3A_343, %broadcast_in_dim3A_346, %select_n3A_333 : vector<96x128xi1>, vector<96x128xi32>
    %get3A_348 = arith.constant 0 : index
    %get3A_349 = arith.constant 2944 : index
    %get3A_350 = vector.load %arg7[%get3A_348, %get3A_349] : memref<576x8192xf32, #tpu.memory_space<vmem>>, vector<96x128xf32>
    %add3A_351 = arith.addf %get3A_24, %get3A_350 : vector<96x128xf32>
    %get3A_352 = arith.constant 23 : index
    %get3A_353 = arith.constant 0 : index
    %get3A_354 = vector.load %arg3[%get3A_352, %get3A_353] : memref<64x128xf32, #tpu.memory_space<vmem>>, vector<1x128xf32>
    %add3A_355 = vector.broadcast %get3A_354 : vector<1x128xf32> to vector<96x128xf32>
    %add3A_356 = arith.addf %add3A_351, %add3A_355 : vector<96x128xf32>
    %lt3A_357 = arith.cmpf olt, %add3A_356, %select_n3A_344 : vector<96x128xf32>
    %select_n3A_358 = arith.select %lt3A_357, %add3A_356, %select_n3A_344 : vector<96x128xi1>, vector<96x128xf32>
    %jit3A_359 = arith.constant 23 : i32
    %broadcast_in_dim3A_360 = vector.broadcast %jit3A_359 : i32 to vector<96x128xi32>
    %select_n3A_361 = arith.select %lt3A_357, %broadcast_in_dim3A_360, %select_n3A_347 : vector<96x128xi1>, vector<96x128xi32>
    %get3A_362 = arith.constant 0 : index
    %get3A_363 = arith.constant 3072 : index
    %get3A_364 = vector.load %arg7[%get3A_362, %get3A_363] : memref<576x8192xf32, #tpu.memory_space<vmem>>, vector<96x128xf32>
    %add3A_365 = arith.addf %get3A_24, %get3A_364 : vector<96x128xf32>
    %get3A_366 = arith.constant 24 : index
    %get3A_367 = arith.constant 0 : index
    %get3A_368 = vector.load %arg3[%get3A_366, %get3A_367] : memref<64x128xf32, #tpu.memory_space<vmem>>, vector<1x128xf32>
    %add3A_369 = vector.broadcast %get3A_368 : vector<1x128xf32> to vector<96x128xf32>
    %add3A_370 = arith.addf %add3A_365, %add3A_369 : vector<96x128xf32>
    %lt3A_371 = arith.cmpf olt, %add3A_370, %select_n3A_358 : vector<96x128xf32>
    %select_n3A_372 = arith.select %lt3A_371, %add3A_370, %select_n3A_358 : vector<96x128xi1>, vector<96x128xf32>
    %jit3A_373 = arith.constant 24 : i32
    %broadcast_in_dim3A_374 = vector.broadcast %jit3A_373 : i32 to vector<96x128xi32>
    %select_n3A_375 = arith.select %lt3A_371, %broadcast_in_dim3A_374, %select_n3A_361 : vector<96x128xi1>, vector<96x128xi32>
    %get3A_376 = arith.constant 0 : index
    %get3A_377 = arith.constant 3200 : index
    %get3A_378 = vector.load %arg7[%get3A_376, %get3A_377] : memref<576x8192xf32, #tpu.memory_space<vmem>>, vector<96x128xf32>
    %add3A_379 = arith.addf %get3A_24, %get3A_378 : vector<96x128xf32>
    %get3A_380 = arith.constant 25 : index
    %get3A_381 = arith.constant 0 : index
    %get3A_382 = vector.load %arg3[%get3A_380, %get3A_381] : memref<64x128xf32, #tpu.memory_space<vmem>>, vector<1x128xf32>
    %add3A_383 = vector.broadcast %get3A_382 : vector<1x128xf32> to vector<96x128xf32>
    %add3A_384 = arith.addf %add3A_379, %add3A_383 : vector<96x128xf32>
    %lt3A_385 = arith.cmpf olt, %add3A_384, %select_n3A_372 : vector<96x128xf32>
    %select_n3A_386 = arith.select %lt3A_385, %add3A_384, %select_n3A_372 : vector<96x128xi1>, vector<96x128xf32>
    %jit3A_387 = arith.constant 25 : i32
    %broadcast_in_dim3A_388 = vector.broadcast %jit3A_387 : i32 to vector<96x128xi32>
    %select_n3A_389 = arith.select %lt3A_385, %broadcast_in_dim3A_388, %select_n3A_375 : vector<96x128xi1>, vector<96x128xi32>
    %get3A_390 = arith.constant 0 : index
    %get3A_391 = arith.constant 3328 : index
    %get3A_392 = vector.load %arg7[%get3A_390, %get3A_391] : memref<576x8192xf32, #tpu.memory_space<vmem>>, vector<96x128xf32>
    %add3A_393 = arith.addf %get3A_24, %get3A_392 : vector<96x128xf32>
    %get3A_394 = arith.constant 26 : index
    %get3A_395 = arith.constant 0 : index
    %get3A_396 = vector.load %arg3[%get3A_394, %get3A_395] : memref<64x128xf32, #tpu.memory_space<vmem>>, vector<1x128xf32>
    %add3A_397 = vector.broadcast %get3A_396 : vector<1x128xf32> to vector<96x128xf32>
    %add3A_398 = arith.addf %add3A_393, %add3A_397 : vector<96x128xf32>
    %lt3A_399 = arith.cmpf olt, %add3A_398, %select_n3A_386 : vector<96x128xf32>
    %select_n3A_400 = arith.select %lt3A_399, %add3A_398, %select_n3A_386 : vector<96x128xi1>, vector<96x128xf32>
    %jit3A_401 = arith.constant 26 : i32
    %broadcast_in_dim3A_402 = vector.broadcast %jit3A_401 : i32 to vector<96x128xi32>
    %select_n3A_403 = arith.select %lt3A_399, %broadcast_in_dim3A_402, %select_n3A_389 : vector<96x128xi1>, vector<96x128xi32>
    %get3A_404 = arith.constant 0 : index
    %get3A_405 = arith.constant 3456 : index
    %get3A_406 = vector.load %arg7[%get3A_404, %get3A_405] : memref<576x8192xf32, #tpu.memory_space<vmem>>, vector<96x128xf32>
    %add3A_407 = arith.addf %get3A_24, %get3A_406 : vector<96x128xf32>
    %get3A_408 = arith.constant 27 : index
    %get3A_409 = arith.constant 0 : index
    %get3A_410 = vector.load %arg3[%get3A_408, %get3A_409] : memref<64x128xf32, #tpu.memory_space<vmem>>, vector<1x128xf32>
    %add3A_411 = vector.broadcast %get3A_410 : vector<1x128xf32> to vector<96x128xf32>
    %add3A_412 = arith.addf %add3A_407, %add3A_411 : vector<96x128xf32>
    %lt3A_413 = arith.cmpf olt, %add3A_412, %select_n3A_400 : vector<96x128xf32>
    %select_n3A_414 = arith.select %lt3A_413, %add3A_412, %select_n3A_400 : vector<96x128xi1>, vector<96x128xf32>
    %jit3A_415 = arith.constant 27 : i32
    %broadcast_in_dim3A_416 = vector.broadcast %jit3A_415 : i32 to vector<96x128xi32>
    %select_n3A_417 = arith.select %lt3A_413, %broadcast_in_dim3A_416, %select_n3A_403 : vector<96x128xi1>, vector<96x128xi32>
    %get3A_418 = arith.constant 0 : index
    %get3A_419 = arith.constant 3584 : index
    %get3A_420 = vector.load %arg7[%get3A_418, %get3A_419] : memref<576x8192xf32, #tpu.memory_space<vmem>>, vector<96x128xf32>
    %add3A_421 = arith.addf %get3A_24, %get3A_420 : vector<96x128xf32>
    %get3A_422 = arith.constant 28 : index
    %get3A_423 = arith.constant 0 : index
    %get3A_424 = vector.load %arg3[%get3A_422, %get3A_423] : memref<64x128xf32, #tpu.memory_space<vmem>>, vector<1x128xf32>
    %add3A_425 = vector.broadcast %get3A_424 : vector<1x128xf32> to vector<96x128xf32>
    %add3A_426 = arith.addf %add3A_421, %add3A_425 : vector<96x128xf32>
    %lt3A_427 = arith.cmpf olt, %add3A_426, %select_n3A_414 : vector<96x128xf32>
    %select_n3A_428 = arith.select %lt3A_427, %add3A_426, %select_n3A_414 : vector<96x128xi1>, vector<96x128xf32>
    %jit3A_429 = arith.constant 28 : i32
    %broadcast_in_dim3A_430 = vector.broadcast %jit3A_429 : i32 to vector<96x128xi32>
    %select_n3A_431 = arith.select %lt3A_427, %broadcast_in_dim3A_430, %select_n3A_417 : vector<96x128xi1>, vector<96x128xi32>
    %get3A_432 = arith.constant 0 : index
    %get3A_433 = arith.constant 3712 : index
    %get3A_434 = vector.load %arg7[%get3A_432, %get3A_433] : memref<576x8192xf32, #tpu.memory_space<vmem>>, vector<96x128xf32>
    %add3A_435 = arith.addf %get3A_24, %get3A_434 : vector<96x128xf32>
    %get3A_436 = arith.constant 29 : index
    %get3A_437 = arith.constant 0 : index
    %get3A_438 = vector.load %arg3[%get3A_436, %get3A_437] : memref<64x128xf32, #tpu.memory_space<vmem>>, vector<1x128xf32>
    %add3A_439 = vector.broadcast %get3A_438 : vector<1x128xf32> to vector<96x128xf32>
    %add3A_440 = arith.addf %add3A_435, %add3A_439 : vector<96x128xf32>
    %lt3A_441 = arith.cmpf olt, %add3A_440, %select_n3A_428 : vector<96x128xf32>
    %select_n3A_442 = arith.select %lt3A_441, %add3A_440, %select_n3A_428 : vector<96x128xi1>, vector<96x128xf32>
    %jit3A_443 = arith.constant 29 : i32
    %broadcast_in_dim3A_444 = vector.broadcast %jit3A_443 : i32 to vector<96x128xi32>
    %select_n3A_445 = arith.select %lt3A_441, %broadcast_in_dim3A_444, %select_n3A_431 : vector<96x128xi1>, vector<96x128xi32>
    %get3A_446 = arith.constant 0 : index
    %get3A_447 = arith.constant 3840 : index
    %get3A_448 = vector.load %arg7[%get3A_446, %get3A_447] : memref<576x8192xf32, #tpu.memory_space<vmem>>, vector<96x128xf32>
    %add3A_449 = arith.addf %get3A_24, %get3A_448 : vector<96x128xf32>
    %get3A_450 = arith.constant 30 : index
    %get3A_451 = arith.constant 0 : index
    %get3A_452 = vector.load %arg3[%get3A_450, %get3A_451] : memref<64x128xf32, #tpu.memory_space<vmem>>, vector<1x128xf32>
    %add3A_453 = vector.broadcast %get3A_452 : vector<1x128xf32> to vector<96x128xf32>
    %add3A_454 = arith.addf %add3A_449, %add3A_453 : vector<96x128xf32>
    %lt3A_455 = arith.cmpf olt, %add3A_454, %select_n3A_442 : vector<96x128xf32>
    %select_n3A_456 = arith.select %lt3A_455, %add3A_454, %select_n3A_442 : vector<96x128xi1>, vector<96x128xf32>
    %jit3A_457 = arith.constant 30 : i32
    %broadcast_in_dim3A_458 = vector.broadcast %jit3A_457 : i32 to vector<96x128xi32>
    %select_n3A_459 = arith.select %lt3A_455, %broadcast_in_dim3A_458, %select_n3A_445 : vector<96x128xi1>, vector<96x128xi32>
    %get3A_460 = arith.constant 0 : index
    %get3A_461 = arith.constant 3968 : index
    %get3A_462 = vector.load %arg7[%get3A_460, %get3A_461] : memref<576x8192xf32, #tpu.memory_space<vmem>>, vector<96x128xf32>
    %add3A_463 = arith.addf %get3A_24, %get3A_462 : vector<96x128xf32>
    %get3A_464 = arith.constant 31 : index
    %get3A_465 = arith.constant 0 : index
    %get3A_466 = vector.load %arg3[%get3A_464, %get3A_465] : memref<64x128xf32, #tpu.memory_space<vmem>>, vector<1x128xf32>
    %add3A_467 = vector.broadcast %get3A_466 : vector<1x128xf32> to vector<96x128xf32>
    %add3A_468 = arith.addf %add3A_463, %add3A_467 : vector<96x128xf32>
    %lt3A_469 = arith.cmpf olt, %add3A_468, %select_n3A_456 : vector<96x128xf32>
    %select_n3A_470 = arith.select %lt3A_469, %add3A_468, %select_n3A_456 : vector<96x128xi1>, vector<96x128xf32>
    %jit3A_471 = arith.constant 31 : i32
    %broadcast_in_dim3A_472 = vector.broadcast %jit3A_471 : i32 to vector<96x128xi32>
    %select_n3A_473 = arith.select %lt3A_469, %broadcast_in_dim3A_472, %select_n3A_459 : vector<96x128xi1>, vector<96x128xi32>
    %get3A_474 = arith.constant 0 : index
    %get3A_475 = arith.constant 4096 : index
    %get3A_476 = vector.load %arg7[%get3A_474, %get3A_475] : memref<576x8192xf32, #tpu.memory_space<vmem>>, vector<96x128xf32>
    %add3A_477 = arith.addf %get3A_24, %get3A_476 : vector<96x128xf32>
    %get3A_478 = arith.constant 32 : index
    %get3A_479 = arith.constant 0 : index
    %get3A_480 = vector.load %arg3[%get3A_478, %get3A_479] : memref<64x128xf32, #tpu.memory_space<vmem>>, vector<1x128xf32>
    %add3A_481 = vector.broadcast %get3A_480 : vector<1x128xf32> to vector<96x128xf32>
    %add3A_482 = arith.addf %add3A_477, %add3A_481 : vector<96x128xf32>
    %lt3A_483 = arith.cmpf olt, %add3A_482, %select_n3A_470 : vector<96x128xf32>
    %select_n3A_484 = arith.select %lt3A_483, %add3A_482, %select_n3A_470 : vector<96x128xi1>, vector<96x128xf32>
    %jit3A_485 = arith.constant 32 : i32
    %broadcast_in_dim3A_486 = vector.broadcast %jit3A_485 : i32 to vector<96x128xi32>
    %select_n3A_487 = arith.select %lt3A_483, %broadcast_in_dim3A_486, %select_n3A_473 : vector<96x128xi1>, vector<96x128xi32>
    %get3A_488 = arith.constant 0 : index
    %get3A_489 = arith.constant 4224 : index
    %get3A_490 = vector.load %arg7[%get3A_488, %get3A_489] : memref<576x8192xf32, #tpu.memory_space<vmem>>, vector<96x128xf32>
    %add3A_491 = arith.addf %get3A_24, %get3A_490 : vector<96x128xf32>
    %get3A_492 = arith.constant 33 : index
    %get3A_493 = arith.constant 0 : index
    %get3A_494 = vector.load %arg3[%get3A_492, %get3A_493] : memref<64x128xf32, #tpu.memory_space<vmem>>, vector<1x128xf32>
    %add3A_495 = vector.broadcast %get3A_494 : vector<1x128xf32> to vector<96x128xf32>
    %add3A_496 = arith.addf %add3A_491, %add3A_495 : vector<96x128xf32>
    %lt3A_497 = arith.cmpf olt, %add3A_496, %select_n3A_484 : vector<96x128xf32>
    %select_n3A_498 = arith.select %lt3A_497, %add3A_496, %select_n3A_484 : vector<96x128xi1>, vector<96x128xf32>
    %jit3A_499 = arith.constant 33 : i32
    %broadcast_in_dim3A_500 = vector.broadcast %jit3A_499 : i32 to vector<96x128xi32>
    %select_n3A_501 = arith.select %lt3A_497, %broadcast_in_dim3A_500, %select_n3A_487 : vector<96x128xi1>, vector<96x128xi32>
    %get3A_502 = arith.constant 0 : index
    %get3A_503 = arith.constant 4352 : index
    %get3A_504 = vector.load %arg7[%get3A_502, %get3A_503] : memref<576x8192xf32, #tpu.memory_space<vmem>>, vector<96x128xf32>
    %add3A_505 = arith.addf %get3A_24, %get3A_504 : vector<96x128xf32>
    %get3A_506 = arith.constant 34 : index
    %get3A_507 = arith.constant 0 : index
    %get3A_508 = vector.load %arg3[%get3A_506, %get3A_507] : memref<64x128xf32, #tpu.memory_space<vmem>>, vector<1x128xf32>
    %add3A_509 = vector.broadcast %get3A_508 : vector<1x128xf32> to vector<96x128xf32>
    %add3A_510 = arith.addf %add3A_505, %add3A_509 : vector<96x128xf32>
    %lt3A_511 = arith.cmpf olt, %add3A_510, %select_n3A_498 : vector<96x128xf32>
    %select_n3A_512 = arith.select %lt3A_511, %add3A_510, %select_n3A_498 : vector<96x128xi1>, vector<96x128xf32>
    %jit3A_513 = arith.constant 34 : i32
    %broadcast_in_dim3A_514 = vector.broadcast %jit3A_513 : i32 to vector<96x128xi32>
    %select_n3A_515 = arith.select %lt3A_511, %broadcast_in_dim3A_514, %select_n3A_501 : vector<96x128xi1>, vector<96x128xi32>
    %get3A_516 = arith.constant 0 : index
    %get3A_517 = arith.constant 4480 : index
    %get3A_518 = vector.load %arg7[%get3A_516, %get3A_517] : memref<576x8192xf32, #tpu.memory_space<vmem>>, vector<96x128xf32>
    %add3A_519 = arith.addf %get3A_24, %get3A_518 : vector<96x128xf32>
    %get3A_520 = arith.constant 35 : index
    %get3A_521 = arith.constant 0 : index
    %get3A_522 = vector.load %arg3[%get3A_520, %get3A_521] : memref<64x128xf32, #tpu.memory_space<vmem>>, vector<1x128xf32>
    %add3A_523 = vector.broadcast %get3A_522 : vector<1x128xf32> to vector<96x128xf32>
    %add3A_524 = arith.addf %add3A_519, %add3A_523 : vector<96x128xf32>
    %lt3A_525 = arith.cmpf olt, %add3A_524, %select_n3A_512 : vector<96x128xf32>
    %select_n3A_526 = arith.select %lt3A_525, %add3A_524, %select_n3A_512 : vector<96x128xi1>, vector<96x128xf32>
    %jit3A_527 = arith.constant 35 : i32
    %broadcast_in_dim3A_528 = vector.broadcast %jit3A_527 : i32 to vector<96x128xi32>
    %select_n3A_529 = arith.select %lt3A_525, %broadcast_in_dim3A_528, %select_n3A_515 : vector<96x128xi1>, vector<96x128xi32>
    %get3A_530 = arith.constant 0 : index
    %get3A_531 = arith.constant 4608 : index
    %get3A_532 = vector.load %arg7[%get3A_530, %get3A_531] : memref<576x8192xf32, #tpu.memory_space<vmem>>, vector<96x128xf32>
    %add3A_533 = arith.addf %get3A_24, %get3A_532 : vector<96x128xf32>
    %get3A_534 = arith.constant 36 : index
    %get3A_535 = arith.constant 0 : index
    %get3A_536 = vector.load %arg3[%get3A_534, %get3A_535] : memref<64x128xf32, #tpu.memory_space<vmem>>, vector<1x128xf32>
    %add3A_537 = vector.broadcast %get3A_536 : vector<1x128xf32> to vector<96x128xf32>
    %add3A_538 = arith.addf %add3A_533, %add3A_537 : vector<96x128xf32>
    %lt3A_539 = arith.cmpf olt, %add3A_538, %select_n3A_526 : vector<96x128xf32>
    %select_n3A_540 = arith.select %lt3A_539, %add3A_538, %select_n3A_526 : vector<96x128xi1>, vector<96x128xf32>
    %jit3A_541 = arith.constant 36 : i32
    %broadcast_in_dim3A_542 = vector.broadcast %jit3A_541 : i32 to vector<96x128xi32>
    %select_n3A_543 = arith.select %lt3A_539, %broadcast_in_dim3A_542, %select_n3A_529 : vector<96x128xi1>, vector<96x128xi32>
    %get3A_544 = arith.constant 0 : index
    %get3A_545 = arith.constant 4736 : index
    %get3A_546 = vector.load %arg7[%get3A_544, %get3A_545] : memref<576x8192xf32, #tpu.memory_space<vmem>>, vector<96x128xf32>
    %add3A_547 = arith.addf %get3A_24, %get3A_546 : vector<96x128xf32>
    %get3A_548 = arith.constant 37 : index
    %get3A_549 = arith.constant 0 : index
    %get3A_550 = vector.load %arg3[%get3A_548, %get3A_549] : memref<64x128xf32, #tpu.memory_space<vmem>>, vector<1x128xf32>
    %add3A_551 = vector.broadcast %get3A_550 : vector<1x128xf32> to vector<96x128xf32>
    %add3A_552 = arith.addf %add3A_547, %add3A_551 : vector<96x128xf32>
    %lt3A_553 = arith.cmpf olt, %add3A_552, %select_n3A_540 : vector<96x128xf32>
    %select_n3A_554 = arith.select %lt3A_553, %add3A_552, %select_n3A_540 : vector<96x128xi1>, vector<96x128xf32>
    %jit3A_555 = arith.constant 37 : i32
    %broadcast_in_dim3A_556 = vector.broadcast %jit3A_555 : i32 to vector<96x128xi32>
    %select_n3A_557 = arith.select %lt3A_553, %broadcast_in_dim3A_556, %select_n3A_543 : vector<96x128xi1>, vector<96x128xi32>
    %get3A_558 = arith.constant 0 : index
    %get3A_559 = arith.constant 4864 : index
    %get3A_560 = vector.load %arg7[%get3A_558, %get3A_559] : memref<576x8192xf32, #tpu.memory_space<vmem>>, vector<96x128xf32>
    %add3A_561 = arith.addf %get3A_24, %get3A_560 : vector<96x128xf32>
    %get3A_562 = arith.constant 38 : index
    %get3A_563 = arith.constant 0 : index
    %get3A_564 = vector.load %arg3[%get3A_562, %get3A_563] : memref<64x128xf32, #tpu.memory_space<vmem>>, vector<1x128xf32>
    %add3A_565 = vector.broadcast %get3A_564 : vector<1x128xf32> to vector<96x128xf32>
    %add3A_566 = arith.addf %add3A_561, %add3A_565 : vector<96x128xf32>
    %lt3A_567 = arith.cmpf olt, %add3A_566, %select_n3A_554 : vector<96x128xf32>
    %select_n3A_568 = arith.select %lt3A_567, %add3A_566, %select_n3A_554 : vector<96x128xi1>, vector<96x128xf32>
    %jit3A_569 = arith.constant 38 : i32
    %broadcast_in_dim3A_570 = vector.broadcast %jit3A_569 : i32 to vector<96x128xi32>
    %select_n3A_571 = arith.select %lt3A_567, %broadcast_in_dim3A_570, %select_n3A_557 : vector<96x128xi1>, vector<96x128xi32>
    %get3A_572 = arith.constant 0 : index
    %get3A_573 = arith.constant 4992 : index
    %get3A_574 = vector.load %arg7[%get3A_572, %get3A_573] : memref<576x8192xf32, #tpu.memory_space<vmem>>, vector<96x128xf32>
    %add3A_575 = arith.addf %get3A_24, %get3A_574 : vector<96x128xf32>
    %get3A_576 = arith.constant 39 : index
    %get3A_577 = arith.constant 0 : index
    %get3A_578 = vector.load %arg3[%get3A_576, %get3A_577] : memref<64x128xf32, #tpu.memory_space<vmem>>, vector<1x128xf32>
    %add3A_579 = vector.broadcast %get3A_578 : vector<1x128xf32> to vector<96x128xf32>
    %add3A_580 = arith.addf %add3A_575, %add3A_579 : vector<96x128xf32>
    %lt3A_581 = arith.cmpf olt, %add3A_580, %select_n3A_568 : vector<96x128xf32>
    %select_n3A_582 = arith.select %lt3A_581, %add3A_580, %select_n3A_568 : vector<96x128xi1>, vector<96x128xf32>
    %jit3A_583 = arith.constant 39 : i32
    %broadcast_in_dim3A_584 = vector.broadcast %jit3A_583 : i32 to vector<96x128xi32>
    %select_n3A_585 = arith.select %lt3A_581, %broadcast_in_dim3A_584, %select_n3A_571 : vector<96x128xi1>, vector<96x128xi32>
    %get3A_586 = arith.constant 0 : index
    %get3A_587 = arith.constant 5120 : index
    %get3A_588 = vector.load %arg7[%get3A_586, %get3A_587] : memref<576x8192xf32, #tpu.memory_space<vmem>>, vector<96x128xf32>
    %add3A_589 = arith.addf %get3A_24, %get3A_588 : vector<96x128xf32>
    %get3A_590 = arith.constant 40 : index
    %get3A_591 = arith.constant 0 : index
    %get3A_592 = vector.load %arg3[%get3A_590, %get3A_591] : memref<64x128xf32, #tpu.memory_space<vmem>>, vector<1x128xf32>
    %add3A_593 = vector.broadcast %get3A_592 : vector<1x128xf32> to vector<96x128xf32>
    %add3A_594 = arith.addf %add3A_589, %add3A_593 : vector<96x128xf32>
    %lt3A_595 = arith.cmpf olt, %add3A_594, %select_n3A_582 : vector<96x128xf32>
    %select_n3A_596 = arith.select %lt3A_595, %add3A_594, %select_n3A_582 : vector<96x128xi1>, vector<96x128xf32>
    %jit3A_597 = arith.constant 40 : i32
    %broadcast_in_dim3A_598 = vector.broadcast %jit3A_597 : i32 to vector<96x128xi32>
    %select_n3A_599 = arith.select %lt3A_595, %broadcast_in_dim3A_598, %select_n3A_585 : vector<96x128xi1>, vector<96x128xi32>
    %get3A_600 = arith.constant 0 : index
    %get3A_601 = arith.constant 5248 : index
    %get3A_602 = vector.load %arg7[%get3A_600, %get3A_601] : memref<576x8192xf32, #tpu.memory_space<vmem>>, vector<96x128xf32>
    %add3A_603 = arith.addf %get3A_24, %get3A_602 : vector<96x128xf32>
    %get3A_604 = arith.constant 41 : index
    %get3A_605 = arith.constant 0 : index
    %get3A_606 = vector.load %arg3[%get3A_604, %get3A_605] : memref<64x128xf32, #tpu.memory_space<vmem>>, vector<1x128xf32>
    %add3A_607 = vector.broadcast %get3A_606 : vector<1x128xf32> to vector<96x128xf32>
    %add3A_608 = arith.addf %add3A_603, %add3A_607 : vector<96x128xf32>
    %lt3A_609 = arith.cmpf olt, %add3A_608, %select_n3A_596 : vector<96x128xf32>
    %select_n3A_610 = arith.select %lt3A_609, %add3A_608, %select_n3A_596 : vector<96x128xi1>, vector<96x128xf32>
    %jit3A_611 = arith.constant 41 : i32
    %broadcast_in_dim3A_612 = vector.broadcast %jit3A_611 : i32 to vector<96x128xi32>
    %select_n3A_613 = arith.select %lt3A_609, %broadcast_in_dim3A_612, %select_n3A_599 : vector<96x128xi1>, vector<96x128xi32>
    %get3A_614 = arith.constant 0 : index
    %get3A_615 = arith.constant 5376 : index
    %get3A_616 = vector.load %arg7[%get3A_614, %get3A_615] : memref<576x8192xf32, #tpu.memory_space<vmem>>, vector<96x128xf32>
    %add3A_617 = arith.addf %get3A_24, %get3A_616 : vector<96x128xf32>
    %get3A_618 = arith.constant 42 : index
    %get3A_619 = arith.constant 0 : index
    %get3A_620 = vector.load %arg3[%get3A_618, %get3A_619] : memref<64x128xf32, #tpu.memory_space<vmem>>, vector<1x128xf32>
    %add3A_621 = vector.broadcast %get3A_620 : vector<1x128xf32> to vector<96x128xf32>
    %add3A_622 = arith.addf %add3A_617, %add3A_621 : vector<96x128xf32>
    %lt3A_623 = arith.cmpf olt, %add3A_622, %select_n3A_610 : vector<96x128xf32>
    %select_n3A_624 = arith.select %lt3A_623, %add3A_622, %select_n3A_610 : vector<96x128xi1>, vector<96x128xf32>
    %jit3A_625 = arith.constant 42 : i32
    %broadcast_in_dim3A_626 = vector.broadcast %jit3A_625 : i32 to vector<96x128xi32>
    %select_n3A_627 = arith.select %lt3A_623, %broadcast_in_dim3A_626, %select_n3A_613 : vector<96x128xi1>, vector<96x128xi32>
    %get3A_628 = arith.constant 0 : index
    %get3A_629 = arith.constant 5504 : index
    %get3A_630 = vector.load %arg7[%get3A_628, %get3A_629] : memref<576x8192xf32, #tpu.memory_space<vmem>>, vector<96x128xf32>
    %add3A_631 = arith.addf %get3A_24, %get3A_630 : vector<96x128xf32>
    %get3A_632 = arith.constant 43 : index
    %get3A_633 = arith.constant 0 : index
    %get3A_634 = vector.load %arg3[%get3A_632, %get3A_633] : memref<64x128xf32, #tpu.memory_space<vmem>>, vector<1x128xf32>
    %add3A_635 = vector.broadcast %get3A_634 : vector<1x128xf32> to vector<96x128xf32>
    %add3A_636 = arith.addf %add3A_631, %add3A_635 : vector<96x128xf32>
    %lt3A_637 = arith.cmpf olt, %add3A_636, %select_n3A_624 : vector<96x128xf32>
    %select_n3A_638 = arith.select %lt3A_637, %add3A_636, %select_n3A_624 : vector<96x128xi1>, vector<96x128xf32>
    %jit3A_639 = arith.constant 43 : i32
    %broadcast_in_dim3A_640 = vector.broadcast %jit3A_639 : i32 to vector<96x128xi32>
    %select_n3A_641 = arith.select %lt3A_637, %broadcast_in_dim3A_640, %select_n3A_627 : vector<96x128xi1>, vector<96x128xi32>
    %get3A_642 = arith.constant 0 : index
    %get3A_643 = arith.constant 5632 : index
    %get3A_644 = vector.load %arg7[%get3A_642, %get3A_643] : memref<576x8192xf32, #tpu.memory_space<vmem>>, vector<96x128xf32>
    %add3A_645 = arith.addf %get3A_24, %get3A_644 : vector<96x128xf32>
    %get3A_646 = arith.constant 44 : index
    %get3A_647 = arith.constant 0 : index
    %get3A_648 = vector.load %arg3[%get3A_646, %get3A_647] : memref<64x128xf32, #tpu.memory_space<vmem>>, vector<1x128xf32>
    %add3A_649 = vector.broadcast %get3A_648 : vector<1x128xf32> to vector<96x128xf32>
    %add3A_650 = arith.addf %add3A_645, %add3A_649 : vector<96x128xf32>
    %lt3A_651 = arith.cmpf olt, %add3A_650, %select_n3A_638 : vector<96x128xf32>
    %select_n3A_652 = arith.select %lt3A_651, %add3A_650, %select_n3A_638 : vector<96x128xi1>, vector<96x128xf32>
    %jit3A_653 = arith.constant 44 : i32
    %broadcast_in_dim3A_654 = vector.broadcast %jit3A_653 : i32 to vector<96x128xi32>
    %select_n3A_655 = arith.select %lt3A_651, %broadcast_in_dim3A_654, %select_n3A_641 : vector<96x128xi1>, vector<96x128xi32>
    %get3A_656 = arith.constant 0 : index
    %get3A_657 = arith.constant 5760 : index
    %get3A_658 = vector.load %arg7[%get3A_656, %get3A_657] : memref<576x8192xf32, #tpu.memory_space<vmem>>, vector<96x128xf32>
    %add3A_659 = arith.addf %get3A_24, %get3A_658 : vector<96x128xf32>
    %get3A_660 = arith.constant 45 : index
    %get3A_661 = arith.constant 0 : index
    %get3A_662 = vector.load %arg3[%get3A_660, %get3A_661] : memref<64x128xf32, #tpu.memory_space<vmem>>, vector<1x128xf32>
    %add3A_663 = vector.broadcast %get3A_662 : vector<1x128xf32> to vector<96x128xf32>
    %add3A_664 = arith.addf %add3A_659, %add3A_663 : vector<96x128xf32>
    %lt3A_665 = arith.cmpf olt, %add3A_664, %select_n3A_652 : vector<96x128xf32>
    %select_n3A_666 = arith.select %lt3A_665, %add3A_664, %select_n3A_652 : vector<96x128xi1>, vector<96x128xf32>
    %jit3A_667 = arith.constant 45 : i32
    %broadcast_in_dim3A_668 = vector.broadcast %jit3A_667 : i32 to vector<96x128xi32>
    %select_n3A_669 = arith.select %lt3A_665, %broadcast_in_dim3A_668, %select_n3A_655 : vector<96x128xi1>, vector<96x128xi32>
    %get3A_670 = arith.constant 0 : index
    %get3A_671 = arith.constant 5888 : index
    %get3A_672 = vector.load %arg7[%get3A_670, %get3A_671] : memref<576x8192xf32, #tpu.memory_space<vmem>>, vector<96x128xf32>
    %add3A_673 = arith.addf %get3A_24, %get3A_672 : vector<96x128xf32>
    %get3A_674 = arith.constant 46 : index
    %get3A_675 = arith.constant 0 : index
    %get3A_676 = vector.load %arg3[%get3A_674, %get3A_675] : memref<64x128xf32, #tpu.memory_space<vmem>>, vector<1x128xf32>
    %add3A_677 = vector.broadcast %get3A_676 : vector<1x128xf32> to vector<96x128xf32>
    %add3A_678 = arith.addf %add3A_673, %add3A_677 : vector<96x128xf32>
    %lt3A_679 = arith.cmpf olt, %add3A_678, %select_n3A_666 : vector<96x128xf32>
    %select_n3A_680 = arith.select %lt3A_679, %add3A_678, %select_n3A_666 : vector<96x128xi1>, vector<96x128xf32>
    %jit3A_681 = arith.constant 46 : i32
    %broadcast_in_dim3A_682 = vector.broadcast %jit3A_681 : i32 to vector<96x128xi32>
    %select_n3A_683 = arith.select %lt3A_679, %broadcast_in_dim3A_682, %select_n3A_669 : vector<96x128xi1>, vector<96x128xi32>
    %get3A_684 = arith.constant 0 : index
    %get3A_685 = arith.constant 6016 : index
    %get3A_686 = vector.load %arg7[%get3A_684, %get3A_685] : memref<576x8192xf32, #tpu.memory_space<vmem>>, vector<96x128xf32>
    %add3A_687 = arith.addf %get3A_24, %get3A_686 : vector<96x128xf32>
    %get3A_688 = arith.constant 47 : index
    %get3A_689 = arith.constant 0 : index
    %get3A_690 = vector.load %arg3[%get3A_688, %get3A_689] : memref<64x128xf32, #tpu.memory_space<vmem>>, vector<1x128xf32>
    %add3A_691 = vector.broadcast %get3A_690 : vector<1x128xf32> to vector<96x128xf32>
    %add3A_692 = arith.addf %add3A_687, %add3A_691 : vector<96x128xf32>
    %lt3A_693 = arith.cmpf olt, %add3A_692, %select_n3A_680 : vector<96x128xf32>
    %select_n3A_694 = arith.select %lt3A_693, %add3A_692, %select_n3A_680 : vector<96x128xi1>, vector<96x128xf32>
    %jit3A_695 = arith.constant 47 : i32
    %broadcast_in_dim3A_696 = vector.broadcast %jit3A_695 : i32 to vector<96x128xi32>
    %select_n3A_697 = arith.select %lt3A_693, %broadcast_in_dim3A_696, %select_n3A_683 : vector<96x128xi1>, vector<96x128xi32>
    %get3A_698 = arith.constant 0 : index
    %get3A_699 = arith.constant 6144 : index
    %get3A_700 = vector.load %arg7[%get3A_698, %get3A_699] : memref<576x8192xf32, #tpu.memory_space<vmem>>, vector<96x128xf32>
    %add3A_701 = arith.addf %get3A_24, %get3A_700 : vector<96x128xf32>
    %get3A_702 = arith.constant 48 : index
    %get3A_703 = arith.constant 0 : index
    %get3A_704 = vector.load %arg3[%get3A_702, %get3A_703] : memref<64x128xf32, #tpu.memory_space<vmem>>, vector<1x128xf32>
    %add3A_705 = vector.broadcast %get3A_704 : vector<1x128xf32> to vector<96x128xf32>
    %add3A_706 = arith.addf %add3A_701, %add3A_705 : vector<96x128xf32>
    %lt3A_707 = arith.cmpf olt, %add3A_706, %select_n3A_694 : vector<96x128xf32>
    %select_n3A_708 = arith.select %lt3A_707, %add3A_706, %select_n3A_694 : vector<96x128xi1>, vector<96x128xf32>
    %jit3A_709 = arith.constant 48 : i32
    %broadcast_in_dim3A_710 = vector.broadcast %jit3A_709 : i32 to vector<96x128xi32>
    %select_n3A_711 = arith.select %lt3A_707, %broadcast_in_dim3A_710, %select_n3A_697 : vector<96x128xi1>, vector<96x128xi32>
    %get3A_712 = arith.constant 0 : index
    %get3A_713 = arith.constant 6272 : index
    %get3A_714 = vector.load %arg7[%get3A_712, %get3A_713] : memref<576x8192xf32, #tpu.memory_space<vmem>>, vector<96x128xf32>
    %add3A_715 = arith.addf %get3A_24, %get3A_714 : vector<96x128xf32>
    %get3A_716 = arith.constant 49 : index
    %get3A_717 = arith.constant 0 : index
    %get3A_718 = vector.load %arg3[%get3A_716, %get3A_717] : memref<64x128xf32, #tpu.memory_space<vmem>>, vector<1x128xf32>
    %add3A_719 = vector.broadcast %get3A_718 : vector<1x128xf32> to vector<96x128xf32>
    %add3A_720 = arith.addf %add3A_715, %add3A_719 : vector<96x128xf32>
    %lt3A_721 = arith.cmpf olt, %add3A_720, %select_n3A_708 : vector<96x128xf32>
    %select_n3A_722 = arith.select %lt3A_721, %add3A_720, %select_n3A_708 : vector<96x128xi1>, vector<96x128xf32>
    %jit3A_723 = arith.constant 49 : i32
    %broadcast_in_dim3A_724 = vector.broadcast %jit3A_723 : i32 to vector<96x128xi32>
    %select_n3A_725 = arith.select %lt3A_721, %broadcast_in_dim3A_724, %select_n3A_711 : vector<96x128xi1>, vector<96x128xi32>
    %get3A_726 = arith.constant 0 : index
    %get3A_727 = arith.constant 6400 : index
    %get3A_728 = vector.load %arg7[%get3A_726, %get3A_727] : memref<576x8192xf32, #tpu.memory_space<vmem>>, vector<96x128xf32>
    %add3A_729 = arith.addf %get3A_24, %get3A_728 : vector<96x128xf32>
    %get3A_730 = arith.constant 50 : index
    %get3A_731 = arith.constant 0 : index
    %get3A_732 = vector.load %arg3[%get3A_730, %get3A_731] : memref<64x128xf32, #tpu.memory_space<vmem>>, vector<1x128xf32>
    %add3A_733 = vector.broadcast %get3A_732 : vector<1x128xf32> to vector<96x128xf32>
    %add3A_734 = arith.addf %add3A_729, %add3A_733 : vector<96x128xf32>
    %lt3A_735 = arith.cmpf olt, %add3A_734, %select_n3A_722 : vector<96x128xf32>
    %select_n3A_736 = arith.select %lt3A_735, %add3A_734, %select_n3A_722 : vector<96x128xi1>, vector<96x128xf32>
    %jit3A_737 = arith.constant 50 : i32
    %broadcast_in_dim3A_738 = vector.broadcast %jit3A_737 : i32 to vector<96x128xi32>
    %select_n3A_739 = arith.select %lt3A_735, %broadcast_in_dim3A_738, %select_n3A_725 : vector<96x128xi1>, vector<96x128xi32>
    %get3A_740 = arith.constant 0 : index
    %get3A_741 = arith.constant 6528 : index
    %get3A_742 = vector.load %arg7[%get3A_740, %get3A_741] : memref<576x8192xf32, #tpu.memory_space<vmem>>, vector<96x128xf32>
    %add3A_743 = arith.addf %get3A_24, %get3A_742 : vector<96x128xf32>
    %get3A_744 = arith.constant 51 : index
    %get3A_745 = arith.constant 0 : index
    %get3A_746 = vector.load %arg3[%get3A_744, %get3A_745] : memref<64x128xf32, #tpu.memory_space<vmem>>, vector<1x128xf32>
    %add3A_747 = vector.broadcast %get3A_746 : vector<1x128xf32> to vector<96x128xf32>
    %add3A_748 = arith.addf %add3A_743, %add3A_747 : vector<96x128xf32>
    %lt3A_749 = arith.cmpf olt, %add3A_748, %select_n3A_736 : vector<96x128xf32>
    %select_n3A_750 = arith.select %lt3A_749, %add3A_748, %select_n3A_736 : vector<96x128xi1>, vector<96x128xf32>
    %jit3A_751 = arith.constant 51 : i32
    %broadcast_in_dim3A_752 = vector.broadcast %jit3A_751 : i32 to vector<96x128xi32>
    %select_n3A_753 = arith.select %lt3A_749, %broadcast_in_dim3A_752, %select_n3A_739 : vector<96x128xi1>, vector<96x128xi32>
    %get3A_754 = arith.constant 0 : index
    %get3A_755 = arith.constant 6656 : index
    %get3A_756 = vector.load %arg7[%get3A_754, %get3A_755] : memref<576x8192xf32, #tpu.memory_space<vmem>>, vector<96x128xf32>
    %add3A_757 = arith.addf %get3A_24, %get3A_756 : vector<96x128xf32>
    %get3A_758 = arith.constant 52 : index
    %get3A_759 = arith.constant 0 : index
    %get3A_760 = vector.load %arg3[%get3A_758, %get3A_759] : memref<64x128xf32, #tpu.memory_space<vmem>>, vector<1x128xf32>
    %add3A_761 = vector.broadcast %get3A_760 : vector<1x128xf32> to vector<96x128xf32>
    %add3A_762 = arith.addf %add3A_757, %add3A_761 : vector<96x128xf32>
    %lt3A_763 = arith.cmpf olt, %add3A_762, %select_n3A_750 : vector<96x128xf32>
    %select_n3A_764 = arith.select %lt3A_763, %add3A_762, %select_n3A_750 : vector<96x128xi1>, vector<96x128xf32>
    %jit3A_765 = arith.constant 52 : i32
    %broadcast_in_dim3A_766 = vector.broadcast %jit3A_765 : i32 to vector<96x128xi32>
    %select_n3A_767 = arith.select %lt3A_763, %broadcast_in_dim3A_766, %select_n3A_753 : vector<96x128xi1>, vector<96x128xi32>
    %get3A_768 = arith.constant 0 : index
    %get3A_769 = arith.constant 6784 : index
    %get3A_770 = vector.load %arg7[%get3A_768, %get3A_769] : memref<576x8192xf32, #tpu.memory_space<vmem>>, vector<96x128xf32>
    %add3A_771 = arith.addf %get3A_24, %get3A_770 : vector<96x128xf32>
    %get3A_772 = arith.constant 53 : index
    %get3A_773 = arith.constant 0 : index
    %get3A_774 = vector.load %arg3[%get3A_772, %get3A_773] : memref<64x128xf32, #tpu.memory_space<vmem>>, vector<1x128xf32>
    %add3A_775 = vector.broadcast %get3A_774 : vector<1x128xf32> to vector<96x128xf32>
    %add3A_776 = arith.addf %add3A_771, %add3A_775 : vector<96x128xf32>
    %lt3A_777 = arith.cmpf olt, %add3A_776, %select_n3A_764 : vector<96x128xf32>
    %select_n3A_778 = arith.select %lt3A_777, %add3A_776, %select_n3A_764 : vector<96x128xi1>, vector<96x128xf32>
    %jit3A_779 = arith.constant 53 : i32
    %broadcast_in_dim3A_780 = vector.broadcast %jit3A_779 : i32 to vector<96x128xi32>
    %select_n3A_781 = arith.select %lt3A_777, %broadcast_in_dim3A_780, %select_n3A_767 : vector<96x128xi1>, vector<96x128xi32>
    %get3A_782 = arith.constant 0 : index
    %get3A_783 = arith.constant 6912 : index
    %get3A_784 = vector.load %arg7[%get3A_782, %get3A_783] : memref<576x8192xf32, #tpu.memory_space<vmem>>, vector<96x128xf32>
    %add3A_785 = arith.addf %get3A_24, %get3A_784 : vector<96x128xf32>
    %get3A_786 = arith.constant 54 : index
    %get3A_787 = arith.constant 0 : index
    %get3A_788 = vector.load %arg3[%get3A_786, %get3A_787] : memref<64x128xf32, #tpu.memory_space<vmem>>, vector<1x128xf32>
    %add3A_789 = vector.broadcast %get3A_788 : vector<1x128xf32> to vector<96x128xf32>
    %add3A_790 = arith.addf %add3A_785, %add3A_789 : vector<96x128xf32>
    %lt3A_791 = arith.cmpf olt, %add3A_790, %select_n3A_778 : vector<96x128xf32>
    %select_n3A_792 = arith.select %lt3A_791, %add3A_790, %select_n3A_778 : vector<96x128xi1>, vector<96x128xf32>
    %jit3A_793 = arith.constant 54 : i32
    %broadcast_in_dim3A_794 = vector.broadcast %jit3A_793 : i32 to vector<96x128xi32>
    %select_n3A_795 = arith.select %lt3A_791, %broadcast_in_dim3A_794, %select_n3A_781 : vector<96x128xi1>, vector<96x128xi32>
    %get3A_796 = arith.constant 0 : index
    %get3A_797 = arith.constant 7040 : index
    %get3A_798 = vector.load %arg7[%get3A_796, %get3A_797] : memref<576x8192xf32, #tpu.memory_space<vmem>>, vector<96x128xf32>
    %add3A_799 = arith.addf %get3A_24, %get3A_798 : vector<96x128xf32>
    %get3A_800 = arith.constant 55 : index
    %get3A_801 = arith.constant 0 : index
    %get3A_802 = vector.load %arg3[%get3A_800, %get3A_801] : memref<64x128xf32, #tpu.memory_space<vmem>>, vector<1x128xf32>
    %add3A_803 = vector.broadcast %get3A_802 : vector<1x128xf32> to vector<96x128xf32>
    %add3A_804 = arith.addf %add3A_799, %add3A_803 : vector<96x128xf32>
    %lt3A_805 = arith.cmpf olt, %add3A_804, %select_n3A_792 : vector<96x128xf32>
    %select_n3A_806 = arith.select %lt3A_805, %add3A_804, %select_n3A_792 : vector<96x128xi1>, vector<96x128xf32>
    %jit3A_807 = arith.constant 55 : i32
    %broadcast_in_dim3A_808 = vector.broadcast %jit3A_807 : i32 to vector<96x128xi32>
    %select_n3A_809 = arith.select %lt3A_805, %broadcast_in_dim3A_808, %select_n3A_795 : vector<96x128xi1>, vector<96x128xi32>
    %get3A_810 = arith.constant 0 : index
    %get3A_811 = arith.constant 7168 : index
    %get3A_812 = vector.load %arg7[%get3A_810, %get3A_811] : memref<576x8192xf32, #tpu.memory_space<vmem>>, vector<96x128xf32>
    %add3A_813 = arith.addf %get3A_24, %get3A_812 : vector<96x128xf32>
    %get3A_814 = arith.constant 56 : index
    %get3A_815 = arith.constant 0 : index
    %get3A_816 = vector.load %arg3[%get3A_814, %get3A_815] : memref<64x128xf32, #tpu.memory_space<vmem>>, vector<1x128xf32>
    %add3A_817 = vector.broadcast %get3A_816 : vector<1x128xf32> to vector<96x128xf32>
    %add3A_818 = arith.addf %add3A_813, %add3A_817 : vector<96x128xf32>
    %lt3A_819 = arith.cmpf olt, %add3A_818, %select_n3A_806 : vector<96x128xf32>
    %select_n3A_820 = arith.select %lt3A_819, %add3A_818, %select_n3A_806 : vector<96x128xi1>, vector<96x128xf32>
    %jit3A_821 = arith.constant 56 : i32
    %broadcast_in_dim3A_822 = vector.broadcast %jit3A_821 : i32 to vector<96x128xi32>
    %select_n3A_823 = arith.select %lt3A_819, %broadcast_in_dim3A_822, %select_n3A_809 : vector<96x128xi1>, vector<96x128xi32>
    %get3A_824 = arith.constant 0 : index
    %get3A_825 = arith.constant 7296 : index
    %get3A_826 = vector.load %arg7[%get3A_824, %get3A_825] : memref<576x8192xf32, #tpu.memory_space<vmem>>, vector<96x128xf32>
    %add3A_827 = arith.addf %get3A_24, %get3A_826 : vector<96x128xf32>
    %get3A_828 = arith.constant 57 : index
    %get3A_829 = arith.constant 0 : index
    %get3A_830 = vector.load %arg3[%get3A_828, %get3A_829] : memref<64x128xf32, #tpu.memory_space<vmem>>, vector<1x128xf32>
    %add3A_831 = vector.broadcast %get3A_830 : vector<1x128xf32> to vector<96x128xf32>
    %add3A_832 = arith.addf %add3A_827, %add3A_831 : vector<96x128xf32>
    %lt3A_833 = arith.cmpf olt, %add3A_832, %select_n3A_820 : vector<96x128xf32>
    %select_n3A_834 = arith.select %lt3A_833, %add3A_832, %select_n3A_820 : vector<96x128xi1>, vector<96x128xf32>
    %jit3A_835 = arith.constant 57 : i32
    %broadcast_in_dim3A_836 = vector.broadcast %jit3A_835 : i32 to vector<96x128xi32>
    %select_n3A_837 = arith.select %lt3A_833, %broadcast_in_dim3A_836, %select_n3A_823 : vector<96x128xi1>, vector<96x128xi32>
    %get3A_838 = arith.constant 0 : index
    %get3A_839 = arith.constant 7424 : index
    %get3A_840 = vector.load %arg7[%get3A_838, %get3A_839] : memref<576x8192xf32, #tpu.memory_space<vmem>>, vector<96x128xf32>
    %add3A_841 = arith.addf %get3A_24, %get3A_840 : vector<96x128xf32>
    %get3A_842 = arith.constant 58 : index
    %get3A_843 = arith.constant 0 : index
    %get3A_844 = vector.load %arg3[%get3A_842, %get3A_843] : memref<64x128xf32, #tpu.memory_space<vmem>>, vector<1x128xf32>
    %add3A_845 = vector.broadcast %get3A_844 : vector<1x128xf32> to vector<96x128xf32>
    %add3A_846 = arith.addf %add3A_841, %add3A_845 : vector<96x128xf32>
    %lt3A_847 = arith.cmpf olt, %add3A_846, %select_n3A_834 : vector<96x128xf32>
    %select_n3A_848 = arith.select %lt3A_847, %add3A_846, %select_n3A_834 : vector<96x128xi1>, vector<96x128xf32>
    %jit3A_849 = arith.constant 58 : i32
    %broadcast_in_dim3A_850 = vector.broadcast %jit3A_849 : i32 to vector<96x128xi32>
    %select_n3A_851 = arith.select %lt3A_847, %broadcast_in_dim3A_850, %select_n3A_837 : vector<96x128xi1>, vector<96x128xi32>
    %get3A_852 = arith.constant 0 : index
    %get3A_853 = arith.constant 7552 : index
    %get3A_854 = vector.load %arg7[%get3A_852, %get3A_853] : memref<576x8192xf32, #tpu.memory_space<vmem>>, vector<96x128xf32>
    %add3A_855 = arith.addf %get3A_24, %get3A_854 : vector<96x128xf32>
    %get3A_856 = arith.constant 59 : index
    %get3A_857 = arith.constant 0 : index
    %get3A_858 = vector.load %arg3[%get3A_856, %get3A_857] : memref<64x128xf32, #tpu.memory_space<vmem>>, vector<1x128xf32>
    %add3A_859 = vector.broadcast %get3A_858 : vector<1x128xf32> to vector<96x128xf32>
    %add3A_860 = arith.addf %add3A_855, %add3A_859 : vector<96x128xf32>
    %lt3A_861 = arith.cmpf olt, %add3A_860, %select_n3A_848 : vector<96x128xf32>
    %select_n3A_862 = arith.select %lt3A_861, %add3A_860, %select_n3A_848 : vector<96x128xi1>, vector<96x128xf32>
    %jit3A_863 = arith.constant 59 : i32
    %broadcast_in_dim3A_864 = vector.broadcast %jit3A_863 : i32 to vector<96x128xi32>
    %select_n3A_865 = arith.select %lt3A_861, %broadcast_in_dim3A_864, %select_n3A_851 : vector<96x128xi1>, vector<96x128xi32>
    %get3A_866 = arith.constant 0 : index
    %get3A_867 = arith.constant 7680 : index
    %get3A_868 = vector.load %arg7[%get3A_866, %get3A_867] : memref<576x8192xf32, #tpu.memory_space<vmem>>, vector<96x128xf32>
    %add3A_869 = arith.addf %get3A_24, %get3A_868 : vector<96x128xf32>
    %get3A_870 = arith.constant 60 : index
    %get3A_871 = arith.constant 0 : index
    %get3A_872 = vector.load %arg3[%get3A_870, %get3A_871] : memref<64x128xf32, #tpu.memory_space<vmem>>, vector<1x128xf32>
    %add3A_873 = vector.broadcast %get3A_872 : vector<1x128xf32> to vector<96x128xf32>
    %add3A_874 = arith.addf %add3A_869, %add3A_873 : vector<96x128xf32>
    %lt3A_875 = arith.cmpf olt, %add3A_874, %select_n3A_862 : vector<96x128xf32>
    %select_n3A_876 = arith.select %lt3A_875, %add3A_874, %select_n3A_862 : vector<96x128xi1>, vector<96x128xf32>
    %jit3A_877 = arith.constant 60 : i32
    %broadcast_in_dim3A_878 = vector.broadcast %jit3A_877 : i32 to vector<96x128xi32>
    %select_n3A_879 = arith.select %lt3A_875, %broadcast_in_dim3A_878, %select_n3A_865 : vector<96x128xi1>, vector<96x128xi32>
    %get3A_880 = arith.constant 0 : index
    %get3A_881 = arith.constant 7808 : index
    %get3A_882 = vector.load %arg7[%get3A_880, %get3A_881] : memref<576x8192xf32, #tpu.memory_space<vmem>>, vector<96x128xf32>
    %add3A_883 = arith.addf %get3A_24, %get3A_882 : vector<96x128xf32>
    %get3A_884 = arith.constant 61 : index
    %get3A_885 = arith.constant 0 : index
    %get3A_886 = vector.load %arg3[%get3A_884, %get3A_885] : memref<64x128xf32, #tpu.memory_space<vmem>>, vector<1x128xf32>
    %add3A_887 = vector.broadcast %get3A_886 : vector<1x128xf32> to vector<96x128xf32>
    %add3A_888 = arith.addf %add3A_883, %add3A_887 : vector<96x128xf32>
    %lt3A_889 = arith.cmpf olt, %add3A_888, %select_n3A_876 : vector<96x128xf32>
    %select_n3A_890 = arith.select %lt3A_889, %add3A_888, %select_n3A_876 : vector<96x128xi1>, vector<96x128xf32>
    %jit3A_891 = arith.constant 61 : i32
    %broadcast_in_dim3A_892 = vector.broadcast %jit3A_891 : i32 to vector<96x128xi32>
    %select_n3A_893 = arith.select %lt3A_889, %broadcast_in_dim3A_892, %select_n3A_879 : vector<96x128xi1>, vector<96x128xi32>
    %get3A_894 = arith.constant 0 : index
    %get3A_895 = arith.constant 7936 : index
    %get3A_896 = vector.load %arg7[%get3A_894, %get3A_895] : memref<576x8192xf32, #tpu.memory_space<vmem>>, vector<96x128xf32>
    %add3A_897 = arith.addf %get3A_24, %get3A_896 : vector<96x128xf32>
    %get3A_898 = arith.constant 62 : index
    %get3A_899 = arith.constant 0 : index
    %get3A_900 = vector.load %arg3[%get3A_898, %get3A_899] : memref<64x128xf32, #tpu.memory_space<vmem>>, vector<1x128xf32>
    %add3A_901 = vector.broadcast %get3A_900 : vector<1x128xf32> to vector<96x128xf32>
    %add3A_902 = arith.addf %add3A_897, %add3A_901 : vector<96x128xf32>
    %lt3A_903 = arith.cmpf olt, %add3A_902, %select_n3A_890 : vector<96x128xf32>
    %select_n3A_904 = arith.select %lt3A_903, %add3A_902, %select_n3A_890 : vector<96x128xi1>, vector<96x128xf32>
    %jit3A_905 = arith.constant 62 : i32
    %broadcast_in_dim3A_906 = vector.broadcast %jit3A_905 : i32 to vector<96x128xi32>
    %select_n3A_907 = arith.select %lt3A_903, %broadcast_in_dim3A_906, %select_n3A_893 : vector<96x128xi1>, vector<96x128xi32>
    %get3A_908 = arith.constant 0 : index
    %get3A_909 = arith.constant 8064 : index
    %get3A_910 = vector.load %arg7[%get3A_908, %get3A_909] : memref<576x8192xf32, #tpu.memory_space<vmem>>, vector<96x128xf32>
    %add3A_911 = arith.addf %get3A_24, %get3A_910 : vector<96x128xf32>
    %get3A_912 = arith.constant 63 : index
    %get3A_913 = arith.constant 0 : index
    %get3A_914 = vector.load %arg3[%get3A_912, %get3A_913] : memref<64x128xf32, #tpu.memory_space<vmem>>, vector<1x128xf32>
    %add3A_915 = vector.broadcast %get3A_914 : vector<1x128xf32> to vector<96x128xf32>
    %add3A_916 = arith.addf %add3A_911, %add3A_915 : vector<96x128xf32>
    %lt3A_917 = arith.cmpf olt, %add3A_916, %select_n3A_904 : vector<96x128xf32>
    %select_n3A_918 = arith.select %lt3A_917, %add3A_916, %select_n3A_904 : vector<96x128xi1>, vector<96x128xf32>
    %jit3A_919 = arith.constant 63 : i32
    %broadcast_in_dim3A_920 = vector.broadcast %jit3A_919 : i32 to vector<96x128xi32>
    %select_n3A_921 = arith.select %lt3A_917, %broadcast_in_dim3A_920, %select_n3A_907 : vector<96x128xi1>, vector<96x128xi32>
    %reduce_min3A = arith.constant dense<0x7F800000> : vector<96xf32>
    %reduce_min3A_922 = vector.multi_reduction <minimumf>, %select_n3A_918, %reduce_min3A [1] : vector<96x128xf32> to vector<96xf32>
    %broadcast_in_dim3A_923 = vector.shape_cast %reduce_min3A_922 : vector<96xf32> to vector<96x1xf32>
    %mul3A_924 = arith.constant 128 : i32
    %mul3A_925 = vector.broadcast %mul3A_924 : i32 to vector<96x128xi32>
    %mul3A_926 = arith.muli %select_n3A_921, %mul3A_925 : vector<96x128xi32>
    %add3A_927 = arith.addi %mul3A_926, %iota3A : vector<96x128xi32>
    %eq3A_928 = vector.broadcast %broadcast_in_dim3A_923 : vector<96x1xf32> to vector<96x128xf32>
    %eq3A_929 = arith.cmpf oeq, %select_n3A_918, %eq3A_928 : vector<96x128xf32>
    %jit3A_930 = arith.constant 1073741824 : i32
    %broadcast_in_dim3A_931 = vector.broadcast %jit3A_930 : i32 to vector<96x128xi32>
    %select_n3A_932 = arith.select %eq3A_929, %add3A_927, %broadcast_in_dim3A_931 : vector<96x128xi1>, vector<96x128xi32>
    %reduce_min3A_933 = arith.constant dense<2147483647> : vector<96xi32>
    %reduce_min3A_934 = vector.multi_reduction <minsi>, %select_n3A_932, %reduce_min3A_933 [1] : vector<96x128xi32> to vector<96xi32>
    %broadcast_in_dim3A_935 = vector.shape_cast %reduce_min3A_934 : vector<96xi32> to vector<96x1xi32>
    %swap3A_936 = arith.constant 0 : index
    %swap3A_937 = arith.constant 0 : index
    %swap3A_938 = vector.load %arg4[%swap3A_936, %swap3A_937] : memref<576x1xi32, #tpu.memory_space<vmem>>, vector<96x1xi32>
    tpu.vector_store %arg4[%swap3A_936, %swap3A_937], %broadcast_in_dim3A_935 {strides = array<i32>} : memref<576x1xi32, #tpu.memory_space<vmem>>, vector<96x1xi32>,
    %reduce_sum3A_939 = vector.shape_cast %broadcast_in_dim3A_923 : vector<96x1xf32> to vector<1x96x1xf32>
    %reduce_sum3A_940 = arith.constant dense<0.000000e+00> : vector<1xf32>
    %reduce_sum3A_941 = vector.multi_reduction <add>, %reduce_sum3A_939, %reduce_sum3A_940 [1, 2] : vector<1x96x1xf32> to vector<1xf32>
    %reduce_sum3A_942 = vector.shape_cast %reduce_sum3A_941 : vector<1xf32> to vector<1x1x1xf32>
    %reduce_sum3A_943 = vector.extract %reduce_sum3A_942[0, 0, 0] : f32 from vector<1x1x1xf32>
    %broadcast_in_dim3A_944 = vector.broadcast %reduce_sum3A_943 : f32 to vector<1x1xf32>
    %add3A_945 = arith.addf %broadcast_in_dim3A_21, %broadcast_in_dim3A_944 : vector<1x1xf32>
    %get3A_946 = arith.constant 96 : index
    %get3A_947 = arith.constant 0 : index
    %get3A_948 = vector.load %arg8[%get3A_946, %get3A_947] : memref<576x128xf32, #tpu.memory_space<vmem>>, vector<96x128xf32>
    %broadcast_in_dim3A_949 = arith.constant 0x7F800000 : f32
    %broadcast_in_dim3A_950 = vector.broadcast %broadcast_in_dim3A_949 : f32 to vector<96x128xf32>
    %broadcast_in_dim3A_951 = arith.constant 0 : i32
    %broadcast_in_dim3A_952 = vector.broadcast %broadcast_in_dim3A_951 : i32 to vector<96x128xi32>
    %get3A_953 = arith.constant 96 : index
    %get3A_954 = arith.constant 0 : index
    %get3A_955 = vector.load %arg7[%get3A_953, %get3A_954] : memref<576x8192xf32, #tpu.memory_space<vmem>>, vector<96x128xf32>
    %add3A_956 = arith.addf %get3A_948, %get3A_955 : vector<96x128xf32>
    %get3A_957 = arith.constant 0 : index
    %get3A_958 = arith.constant 0 : index
    %get3A_959 = vector.load %arg3[%get3A_957, %get3A_958] : memref<64x128xf32, #tpu.memory_space<vmem>>, vector<1x128xf32>
    %add3A_960 = vector.broadcast %get3A_959 : vector<1x128xf32> to vector<96x128xf32>
    %add3A_961 = arith.addf %add3A_956, %add3A_960 : vector<96x128xf32>
    %lt3A_962 = arith.cmpf olt, %add3A_961, %broadcast_in_dim3A_950 : vector<96x128xf32>
    %select_n3A_963 = arith.select %lt3A_962, %add3A_961, %broadcast_in_dim3A_950 : vector<96x128xi1>, vector<96x128xf32>
    %jit3A_964 = arith.constant 0 : i32
    %broadcast_in_dim3A_965 = vector.broadcast %jit3A_964 : i32 to vector<96x128xi32>
    %select_n3A_966 = arith.select %lt3A_962, %broadcast_in_dim3A_965, %broadcast_in_dim3A_952 : vector<96x128xi1>, vector<96x128xi32>
    %get3A_967 = arith.constant 96 : index
    %get3A_968 = arith.constant 128 : index
    %get3A_969 = vector.load %arg7[%get3A_967, %get3A_968] : memref<576x8192xf32, #tpu.memory_space<vmem>>, vector<96x128xf32>
    %add3A_970 = arith.addf %get3A_948, %get3A_969 : vector<96x128xf32>
    %get3A_971 = arith.constant 1 : index
    %get3A_972 = arith.constant 0 : index
    %get3A_973 = vector.load %arg3[%get3A_971, %get3A_972] : memref<64x128xf32, #tpu.memory_space<vmem>>, vector<1x128xf32>
    %add3A_974 = vector.broadcast %get3A_973 : vector<1x128xf32> to vector<96x128xf32>
    %add3A_975 = arith.addf %add3A_970, %add3A_974 : vector<96x128xf32>
    %lt3A_976 = arith.cmpf olt, %add3A_975, %select_n3A_963 : vector<96x128xf32>
    %select_n3A_977 = arith.select %lt3A_976, %add3A_975, %select_n3A_963 : vector<96x128xi1>, vector<96x128xf32>
    %jit3A_978 = arith.constant 1 : i32
    %broadcast_in_dim3A_979 = vector.broadcast %jit3A_978 : i32 to vector<96x128xi32>
    %select_n3A_980 = arith.select %lt3A_976, %broadcast_in_dim3A_979, %select_n3A_966 : vector<96x128xi1>, vector<96x128xi32>
    %get3A_981 = arith.constant 96 : index
    %get3A_982 = arith.constant 256 : index
    %get3A_983 = vector.load %arg7[%get3A_981, %get3A_982] : memref<576x8192xf32, #tpu.memory_space<vmem>>, vector<96x128xf32>
    %add3A_984 = arith.addf %get3A_948, %get3A_983 : vector<96x128xf32>
    %get3A_985 = arith.constant 2 : index
    %get3A_986 = arith.constant 0 : index
    %get3A_987 = vector.load %arg3[%get3A_985, %get3A_986] : memref<64x128xf32, #tpu.memory_space<vmem>>, vector<1x128xf32>
    %add3A_988 = vector.broadcast %get3A_987 : vector<1x128xf32> to vector<96x128xf32>
    %add3A_989 = arith.addf %add3A_984, %add3A_988 : vector<96x128xf32>
    %lt3A_990 = arith.cmpf olt, %add3A_989, %select_n3A_977 : vector<96x128xf32>
    %select_n3A_991 = arith.select %lt3A_990, %add3A_989, %select_n3A_977 : vector<96x128xi1>, vector<96x128xf32>
    %jit3A_992 = arith.constant 2 : i32
    %broadcast_in_dim3A_993 = vector.broadcast %jit3A_992 : i32 to vector<96x128xi32>
    %select_n3A_994 = arith.select %lt3A_990, %broadcast_in_dim3A_993, %select_n3A_980 : vector<96x128xi1>, vector<96x128xi32>
    %get3A_995 = arith.constant 96 : index
    %get3A_996 = arith.constant 384 : index
    %get3A_997 = vector.load %arg7[%get3A_995, %get3A_996] : memref<576x8192xf32, #tpu.memory_space<vmem>>, vector<96x128xf32>
    %add3A_998 = arith.addf %get3A_948, %get3A_997 : vector<96x128xf32>
    %get3A_999 = arith.constant 3 : index
    %get3A_1000 = arith.constant 0 : index
    %get3A_1001 = vector.load %arg3[%get3A_999, %get3A_1000] : memref<64x128xf32, #tpu.memory_space<vmem>>, vector<1x128xf32>
    %add3A_1002 = vector.broadcast %get3A_1001 : vector<1x128xf32> to vector<96x128xf32>
    %add3A_1003 = arith.addf %add3A_998, %add3A_1002 : vector<96x128xf32>
    %lt3A_1004 = arith.cmpf olt, %add3A_1003, %select_n3A_991 : vector<96x128xf32>
    %select_n3A_1005 = arith.select %lt3A_1004, %add3A_1003, %select_n3A_991 : vector<96x128xi1>, vector<96x128xf32>
    %jit3A_1006 = arith.constant 3 : i32
    %broadcast_in_dim3A_1007 = vector.broadcast %jit3A_1006 : i32 to vector<96x128xi32>
    %select_n3A_1008 = arith.select %lt3A_1004, %broadcast_in_dim3A_1007, %select_n3A_994 : vector<96x128xi1>, vector<96x128xi32>
    %get3A_1009 = arith.constant 96 : index
    %get3A_1010 = arith.constant 512 : index
    %get3A_1011 = vector.load %arg7[%get3A_1009, %get3A_1010] : memref<576x8192xf32, #tpu.memory_space<vmem>>, vector<96x128xf32>
    %add3A_1012 = arith.addf %get3A_948, %get3A_1011 : vector<96x128xf32>
    %get3A_1013 = arith.constant 4 : index
    %get3A_1014 = arith.constant 0 : index
    %get3A_1015 = vector.load %arg3[%get3A_1013, %get3A_1014] : memref<64x128xf32, #tpu.memory_space<vmem>>, vector<1x128xf32>
    %add3A_1016 = vector.broadcast %get3A_1015 : vector<1x128xf32> to vector<96x128xf32>
    %add3A_1017 = arith.addf %add3A_1012, %add3A_1016 : vector<96x128xf32>
    %lt3A_1018 = arith.cmpf olt, %add3A_1017, %select_n3A_1005 : vector<96x128xf32>
    %select_n3A_1019 = arith.select %lt3A_1018, %add3A_1017, %select_n3A_1005 : vector<96x128xi1>, vector<96x128xf32>
    %jit3A_1020 = arith.constant 4 : i32
    %broadcast_in_dim3A_1021 = vector.broadcast %jit3A_1020 : i32 to vector<96x128xi32>
    %select_n3A_1022 = arith.select %lt3A_1018, %broadcast_in_dim3A_1021, %select_n3A_1008 : vector<96x128xi1>, vector<96x128xi32>
    %get3A_1023 = arith.constant 96 : index
    %get3A_1024 = arith.constant 640 : index
    %get3A_1025 = vector.load %arg7[%get3A_1023, %get3A_1024] : memref<576x8192xf32, #tpu.memory_space<vmem>>, vector<96x128xf32>
    %add3A_1026 = arith.addf %get3A_948, %get3A_1025 : vector<96x128xf32>
    %get3A_1027 = arith.constant 5 : index
    %get3A_1028 = arith.constant 0 : index
    %get3A_1029 = vector.load %arg3[%get3A_1027, %get3A_1028] : memref<64x128xf32, #tpu.memory_space<vmem>>, vector<1x128xf32>
    %add3A_1030 = vector.broadcast %get3A_1029 : vector<1x128xf32> to vector<96x128xf32>
    %add3A_1031 = arith.addf %add3A_1026, %add3A_1030 : vector<96x128xf32>
    %lt3A_1032 = arith.cmpf olt, %add3A_1031, %select_n3A_1019 : vector<96x128xf32>
    %select_n3A_1033 = arith.select %lt3A_1032, %add3A_1031, %select_n3A_1019 : vector<96x128xi1>, vector<96x128xf32>
    %jit3A_1034 = arith.constant 5 : i32
    %broadcast_in_dim3A_1035 = vector.broadcast %jit3A_1034 : i32 to vector<96x128xi32>
    %select_n3A_1036 = arith.select %lt3A_1032, %broadcast_in_dim3A_1035, %select_n3A_1022 : vector<96x128xi1>, vector<96x128xi32>
    %get3A_1037 = arith.constant 96 : index
    %get3A_1038 = arith.constant 768 : index
    %get3A_1039 = vector.load %arg7[%get3A_1037, %get3A_1038] : memref<576x8192xf32, #tpu.memory_space<vmem>>, vector<96x128xf32>
    %add3A_1040 = arith.addf %get3A_948, %get3A_1039 : vector<96x128xf32>
    %get3A_1041 = arith.constant 6 : index
    %get3A_1042 = arith.constant 0 : index
    %get3A_1043 = vector.load %arg3[%get3A_1041, %get3A_1042] : memref<64x128xf32, #tpu.memory_space<vmem>>, vector<1x128xf32>
    %add3A_1044 = vector.broadcast %get3A_1043 : vector<1x128xf32> to vector<96x128xf32>
    %add3A_1045 = arith.addf %add3A_1040, %add3A_1044 : vector<96x128xf32>
    %lt3A_1046 = arith.cmpf olt, %add3A_1045, %select_n3A_1033 : vector<96x128xf32>
    %select_n3A_1047 = arith.select %lt3A_1046, %add3A_1045, %select_n3A_1033 : vector<96x128xi1>, vector<96x128xf32>
    %jit3A_1048 = arith.constant 6 : i32
    %broadcast_in_dim3A_1049 = vector.broadcast %jit3A_1048 : i32 to vector<96x128xi32>
    %select_n3A_1050 = arith.select %lt3A_1046, %broadcast_in_dim3A_1049, %select_n3A_1036 : vector<96x128xi1>, vector<96x128xi32>
    %get3A_1051 = arith.constant 96 : index
    %get3A_1052 = arith.constant 896 : index
    %get3A_1053 = vector.load %arg7[%get3A_1051, %get3A_1052] : memref<576x8192xf32, #tpu.memory_space<vmem>>, vector<96x128xf32>
    %add3A_1054 = arith.addf %get3A_948, %get3A_1053 : vector<96x128xf32>
    %get3A_1055 = arith.constant 7 : index
    %get3A_1056 = arith.constant 0 : index
    %get3A_1057 = vector.load %arg3[%get3A_1055, %get3A_1056] : memref<64x128xf32, #tpu.memory_space<vmem>>, vector<1x128xf32>
    %add3A_1058 = vector.broadcast %get3A_1057 : vector<1x128xf32> to vector<96x128xf32>
    %add3A_1059 = arith.addf %add3A_1054, %add3A_1058 : vector<96x128xf32>
    %lt3A_1060 = arith.cmpf olt, %add3A_1059, %select_n3A_1047 : vector<96x128xf32>
    %select_n3A_1061 = arith.select %lt3A_1060, %add3A_1059, %select_n3A_1047 : vector<96x128xi1>, vector<96x128xf32>
    %jit3A_1062 = arith.constant 7 : i32
    %broadcast_in_dim3A_1063 = vector.broadcast %jit3A_1062 : i32 to vector<96x128xi32>
    %select_n3A_1064 = arith.select %lt3A_1060, %broadcast_in_dim3A_1063, %select_n3A_1050 : vector<96x128xi1>, vector<96x128xi32>
    %get3A_1065 = arith.constant 96 : index
    %get3A_1066 = arith.constant 1024 : index
    %get3A_1067 = vector.load %arg7[%get3A_1065, %get3A_1066] : memref<576x8192xf32, #tpu.memory_space<vmem>>, vector<96x128xf32>
    %add3A_1068 = arith.addf %get3A_948, %get3A_1067 : vector<96x128xf32>
    %get3A_1069 = arith.constant 8 : index
    %get3A_1070 = arith.constant 0 : index
    %get3A_1071 = vector.load %arg3[%get3A_1069, %get3A_1070] : memref<64x128xf32, #tpu.memory_space<vmem>>, vector<1x128xf32>
    %add3A_1072 = vector.broadcast %get3A_1071 : vector<1x128xf32> to vector<96x128xf32>
    %add3A_1073 = arith.addf %add3A_1068, %add3A_1072 : vector<96x128xf32>
    %lt3A_1074 = arith.cmpf olt, %add3A_1073, %select_n3A_1061 : vector<96x128xf32>
    %select_n3A_1075 = arith.select %lt3A_1074, %add3A_1073, %select_n3A_1061 : vector<96x128xi1>, vector<96x128xf32>
    %jit3A_1076 = arith.constant 8 : i32
    %broadcast_in_dim3A_1077 = vector.broadcast %jit3A_1076 : i32 to vector<96x128xi32>
    %select_n3A_1078 = arith.select %lt3A_1074, %broadcast_in_dim3A_1077, %select_n3A_1064 : vector<96x128xi1>, vector<96x128xi32>
    %get3A_1079 = arith.constant 96 : index
    %get3A_1080 = arith.constant 1152 : index
    %get3A_1081 = vector.load %arg7[%get3A_1079, %get3A_1080] : memref<576x8192xf32, #tpu.memory_space<vmem>>, vector<96x128xf32>
    %add3A_1082 = arith.addf %get3A_948, %get3A_1081 : vector<96x128xf32>
    %get3A_1083 = arith.constant 9 : index
    %get3A_1084 = arith.constant 0 : index
    %get3A_1085 = vector.load %arg3[%get3A_1083, %get3A_1084] : memref<64x128xf32, #tpu.memory_space<vmem>>, vector<1x128xf32>
    %add3A_1086 = vector.broadcast %get3A_1085 : vector<1x128xf32> to vector<96x128xf32>
    %add3A_1087 = arith.addf %add3A_1082, %add3A_1086 : vector<96x128xf32>
    %lt3A_1088 = arith.cmpf olt, %add3A_1087, %select_n3A_1075 : vector<96x128xf32>
    %select_n3A_1089 = arith.select %lt3A_1088, %add3A_1087, %select_n3A_1075 : vector<96x128xi1>, vector<96x128xf32>
    %jit3A_1090 = arith.constant 9 : i32
    %broadcast_in_dim3A_1091 = vector.broadcast %jit3A_1090 : i32 to vector<96x128xi32>
    %select_n3A_1092 = arith.select %lt3A_1088, %broadcast_in_dim3A_1091, %select_n3A_1078 : vector<96x128xi1>, vector<96x128xi32>
    %get3A_1093 = arith.constant 96 : index
    %get3A_1094 = arith.constant 1280 : index
    %get3A_1095 = vector.load %arg7[%get3A_1093, %get3A_1094] : memref<576x8192xf32, #tpu.memory_space<vmem>>, vector<96x128xf32>
    %add3A_1096 = arith.addf %get3A_948, %get3A_1095 : vector<96x128xf32>
    %get3A_1097 = arith.constant 10 : index
    %get3A_1098 = arith.constant 0 : index
    %get3A_1099 = vector.load %arg3[%get3A_1097, %get3A_1098] : memref<64x128xf32, #tpu.memory_space<vmem>>, vector<1x128xf32>
    %add3A_1100 = vector.broadcast %get3A_1099 : vector<1x128xf32> to vector<96x128xf32>
    %add3A_1101 = arith.addf %add3A_1096, %add3A_1100 : vector<96x128xf32>
    %lt3A_1102 = arith.cmpf olt, %add3A_1101, %select_n3A_1089 : vector<96x128xf32>
    %select_n3A_1103 = arith.select %lt3A_1102, %add3A_1101, %select_n3A_1089 : vector<96x128xi1>, vector<96x128xf32>
    %jit3A_1104 = arith.constant 10 : i32
    %broadcast_in_dim3A_1105 = vector.broadcast %jit3A_1104 : i32 to vector<96x128xi32>
    %select_n3A_1106 = arith.select %lt3A_1102, %broadcast_in_dim3A_1105, %select_n3A_1092 : vector<96x128xi1>, vector<96x128xi32>
    %get3A_1107 = arith.constant 96 : index
    %get3A_1108 = arith.constant 1408 : index
    %get3A_1109 = vector.load %arg7[%get3A_1107, %get3A_1108] : memref<576x8192xf32, #tpu.memory_space<vmem>>, vector<96x128xf32>
    %add3A_1110 = arith.addf %get3A_948, %get3A_1109 : vector<96x128xf32>
    %get3A_1111 = arith.constant 11 : index
    %get3A_1112 = arith.constant 0 : index
    %get3A_1113 = vector.load %arg3[%get3A_1111, %get3A_1112] : memref<64x128xf32, #tpu.memory_space<vmem>>, vector<1x128xf32>
    %add3A_1114 = vector.broadcast %get3A_1113 : vector<1x128xf32> to vector<96x128xf32>
    %add3A_1115 = arith.addf %add3A_1110, %add3A_1114 : vector<96x128xf32>
    %lt3A_1116 = arith.cmpf olt, %add3A_1115, %select_n3A_1103 : vector<96x128xf32>
    %select_n3A_1117 = arith.select %lt3A_1116, %add3A_1115, %select_n3A_1103 : vector<96x128xi1>, vector<96x128xf32>
    %jit3A_1118 = arith.constant 11 : i32
    %broadcast_in_dim3A_1119 = vector.broadcast %jit3A_1118 : i32 to vector<96x128xi32>
    %select_n3A_1120 = arith.select %lt3A_1116, %broadcast_in_dim3A_1119, %select_n3A_1106 : vector<96x128xi1>, vector<96x128xi32>
    %get3A_1121 = arith.constant 96 : index
    %get3A_1122 = arith.constant 1536 : index
    %get3A_1123 = vector.load %arg7[%get3A_1121, %get3A_1122] : memref<576x8192xf32, #tpu.memory_space<vmem>>, vector<96x128xf32>
    %add3A_1124 = arith.addf %get3A_948, %get3A_1123 : vector<96x128xf32>
    %get3A_1125 = arith.constant 12 : index
    %get3A_1126 = arith.constant 0 : index
    %get3A_1127 = vector.load %arg3[%get3A_1125, %get3A_1126] : memref<64x128xf32, #tpu.memory_space<vmem>>, vector<1x128xf32>
    %add3A_1128 = vector.broadcast %get3A_1127 : vector<1x128xf32> to vector<96x128xf32>
    %add3A_1129 = arith.addf %add3A_1124, %add3A_1128 : vector<96x128xf32>
    %lt3A_1130 = arith.cmpf olt, %add3A_1129, %select_n3A_1117 : vector<96x128xf32>
    %select_n3A_1131 = arith.select %lt3A_1130, %add3A_1129, %select_n3A_1117 : vector<96x128xi1>, vector<96x128xf32>
    %jit3A_1132 = arith.constant 12 : i32
    %broadcast_in_dim3A_1133 = vector.broadcast %jit3A_1132 : i32 to vector<96x128xi32>
    %select_n3A_1134 = arith.select %lt3A_1130, %broadcast_in_dim3A_1133, %select_n3A_1120 : vector<96x128xi1>, vector<96x128xi32>
    %get3A_1135 = arith.constant 96 : index
    %get3A_1136 = arith.constant 1664 : index
    %get3A_1137 = vector.load %arg7[%get3A_1135, %get3A_1136] : memref<576x8192xf32, #tpu.memory_space<vmem>>, vector<96x128xf32>
    %add3A_1138 = arith.addf %get3A_948, %get3A_1137 : vector<96x128xf32>
    %get3A_1139 = arith.constant 13 : index
    %get3A_1140 = arith.constant 0 : index
    %get3A_1141 = vector.load %arg3[%get3A_1139, %get3A_1140] : memref<64x128xf32, #tpu.memory_space<vmem>>, vector<1x128xf32>
    %add3A_1142 = vector.broadcast %get3A_1141 : vector<1x128xf32> to vector<96x128xf32>
    %add3A_1143 = arith.addf %add3A_1138, %add3A_1142 : vector<96x128xf32>
    %lt3A_1144 = arith.cmpf olt, %add3A_1143, %select_n3A_1131 : vector<96x128xf32>
    %select_n3A_1145 = arith.select %lt3A_1144, %add3A_1143, %select_n3A_1131 : vector<96x128xi1>, vector<96x128xf32>
    %jit3A_1146 = arith.constant 13 : i32
    %broadcast_in_dim3A_1147 = vector.broadcast %jit3A_1146 : i32 to vector<96x128xi32>
    %select_n3A_1148 = arith.select %lt3A_1144, %broadcast_in_dim3A_1147, %select_n3A_1134 : vector<96x128xi1>, vector<96x128xi32>
    %get3A_1149 = arith.constant 96 : index
    %get3A_1150 = arith.constant 1792 : index
    %get3A_1151 = vector.load %arg7[%get3A_1149, %get3A_1150] : memref<576x8192xf32, #tpu.memory_space<vmem>>, vector<96x128xf32>
    %add3A_1152 = arith.addf %get3A_948, %get3A_1151 : vector<96x128xf32>
    %get3A_1153 = arith.constant 14 : index
    %get3A_1154 = arith.constant 0 : index
    %get3A_1155 = vector.load %arg3[%get3A_1153, %get3A_1154] : memref<64x128xf32, #tpu.memory_space<vmem>>, vector<1x128xf32>
    %add3A_1156 = vector.broadcast %get3A_1155 : vector<1x128xf32> to vector<96x128xf32>
    %add3A_1157 = arith.addf %add3A_1152, %add3A_1156 : vector<96x128xf32>
    %lt3A_1158 = arith.cmpf olt, %add3A_1157, %select_n3A_1145 : vector<96x128xf32>
    %select_n3A_1159 = arith.select %lt3A_1158, %add3A_1157, %select_n3A_1145 : vector<96x128xi1>, vector<96x128xf32>
    %jit3A_1160 = arith.constant 14 : i32
    %broadcast_in_dim3A_1161 = vector.broadcast %jit3A_1160 : i32 to vector<96x128xi32>
    %select_n3A_1162 = arith.select %lt3A_1158, %broadcast_in_dim3A_1161, %select_n3A_1148 : vector<96x128xi1>, vector<96x128xi32>
    %get3A_1163 = arith.constant 96 : index
    %get3A_1164 = arith.constant 1920 : index
    %get3A_1165 = vector.load %arg7[%get3A_1163, %get3A_1164] : memref<576x8192xf32, #tpu.memory_space<vmem>>, vector<96x128xf32>
    %add3A_1166 = arith.addf %get3A_948, %get3A_1165 : vector<96x128xf32>
    %get3A_1167 = arith.constant 15 : index
    %get3A_1168 = arith.constant 0 : index
    %get3A_1169 = vector.load %arg3[%get3A_1167, %get3A_1168] : memref<64x128xf32, #tpu.memory_space<vmem>>, vector<1x128xf32>
    %add3A_1170 = vector.broadcast %get3A_1169 : vector<1x128xf32> to vector<96x128xf32>
    %add3A_1171 = arith.addf %add3A_1166, %add3A_1170 : vector<96x128xf32>
    %lt3A_1172 = arith.cmpf olt, %add3A_1171, %select_n3A_1159 : vector<96x128xf32>
    %select_n3A_1173 = arith.select %lt3A_1172, %add3A_1171, %select_n3A_1159 : vector<96x128xi1>, vector<96x128xf32>
    %jit3A_1174 = arith.constant 15 : i32
    %broadcast_in_dim3A_1175 = vector.broadcast %jit3A_1174 : i32 to vector<96x128xi32>
    %select_n3A_1176 = arith.select %lt3A_1172, %broadcast_in_dim3A_1175, %select_n3A_1162 : vector<96x128xi1>, vector<96x128xi32>
    %get3A_1177 = arith.constant 96 : index
    %get3A_1178 = arith.constant 2048 : index
    %get3A_1179 = vector.load %arg7[%get3A_1177, %get3A_1178] : memref<576x8192xf32, #tpu.memory_space<vmem>>, vector<96x128xf32>
    %add3A_1180 = arith.addf %get3A_948, %get3A_1179 : vector<96x128xf32>
    %get3A_1181 = arith.constant 16 : index
    %get3A_1182 = arith.constant 0 : index
    %get3A_1183 = vector.load %arg3[%get3A_1181, %get3A_1182] : memref<64x128xf32, #tpu.memory_space<vmem>>, vector<1x128xf32>
    %add3A_1184 = vector.broadcast %get3A_1183 : vector<1x128xf32> to vector<96x128xf32>
    %add3A_1185 = arith.addf %add3A_1180, %add3A_1184 : vector<96x128xf32>
    %lt3A_1186 = arith.cmpf olt, %add3A_1185, %select_n3A_1173 : vector<96x128xf32>
    %select_n3A_1187 = arith.select %lt3A_1186, %add3A_1185, %select_n3A_1173 : vector<96x128xi1>, vector<96x128xf32>
    %jit3A_1188 = arith.constant 16 : i32
    %broadcast_in_dim3A_1189 = vector.broadcast %jit3A_1188 : i32 to vector<96x128xi32>
    %select_n3A_1190 = arith.select %lt3A_1186, %broadcast_in_dim3A_1189, %select_n3A_1176 : vector<96x128xi1>, vector<96x128xi32>
    %get3A_1191 = arith.constant 96 : index
    %get3A_1192 = arith.constant 2176 : index
    %get3A_1193 = vector.load %arg7[%get3A_1191, %get3A_1192] : memref<576x8192xf32, #tpu.memory_space<vmem>>, vector<96x128xf32>
    %add3A_1194 = arith.addf %get3A_948, %get3A_1193 : vector<96x128xf32>
    %get3A_1195 = arith.constant 17 : index
    %get3A_1196 = arith.constant 0 : index
    %get3A_1197 = vector.load %arg3[%get3A_1195, %get3A_1196] : memref<64x128xf32, #tpu.memory_space<vmem>>, vector<1x128xf32>
    %add3A_1198 = vector.broadcast %get3A_1197 : vector<1x128xf32> to vector<96x128xf32>
    %add3A_1199 = arith.addf %add3A_1194, %add3A_1198 : vector<96x128xf32>
    %lt3A_1200 = arith.cmpf olt, %add3A_1199, %select_n3A_1187 : vector<96x128xf32>
    %select_n3A_1201 = arith.select %lt3A_1200, %add3A_1199, %select_n3A_1187 : vector<96x128xi1>, vector<96x128xf32>
    %jit3A_1202 = arith.constant 17 : i32
    %broadcast_in_dim3A_1203 = vector.broadcast %jit3A_1202 : i32 to vector<96x128xi32>
    %select_n3A_1204 = arith.select %lt3A_1200, %broadcast_in_dim3A_1203, %select_n3A_1190 : vector<96x128xi1>, vector<96x128xi32>
    %get3A_1205 = arith.constant 96 : index
    %get3A_1206 = arith.constant 2304 : index
    %get3A_1207 = vector.load %arg7[%get3A_1205, %get3A_1206] : memref<576x8192xf32, #tpu.memory_space<vmem>>, vector<96x128xf32>
    %add3A_1208 = arith.addf %get3A_948, %get3A_1207 : vector<96x128xf32>
    %get3A_1209 = arith.constant 18 : index
    %get3A_1210 = arith.constant 0 : index
    %get3A_1211 = vector.load %arg3[%get3A_1209, %get3A_1210] : memref<64x128xf32, #tpu.memory_space<vmem>>, vector<1x128xf32>
    %add3A_1212 = vector.broadcast %get3A_1211 : vector<1x128xf32> to vector<96x128xf32>
    %add3A_1213 = arith.addf %add3A_1208, %add3A_1212 : vector<96x128xf32>
    %lt3A_1214 = arith.cmpf olt, %add3A_1213, %select_n3A_1201 : vector<96x128xf32>
    %select_n3A_1215 = arith.select %lt3A_1214, %add3A_1213, %select_n3A_1201 : vector<96x128xi1>, vector<96x128xf32>
    %jit3A_1216 = arith.constant 18 : i32
    %broadcast_in_dim3A_1217 = vector.broadcast %jit3A_1216 : i32 to vector<96x128xi32>
    %select_n3A_1218 = arith.select %lt3A_1214, %broadcast_in_dim3A_1217, %select_n3A_1204 : vector<96x128xi1>, vector<96x128xi32>
    %get3A_1219 = arith.constant 96 : index
    %get3A_1220 = arith.constant 2432 : index
    %get3A_1221 = vector.load %arg7[%get3A_1219, %get3A_1220] : memref<576x8192xf32, #tpu.memory_space<vmem>>, vector<96x128xf32>
    %add3A_1222 = arith.addf %get3A_948, %get3A_1221 : vector<96x128xf32>
    %get3A_1223 = arith.constant 19 : index
    %get3A_1224 = arith.constant 0 : index
    %get3A_1225 = vector.load %arg3[%get3A_1223, %get3A_1224] : memref<64x128xf32, #tpu.memory_space<vmem>>, vector<1x128xf32>
    %add3A_1226 = vector.broadcast %get3A_1225 : vector<1x128xf32> to vector<96x128xf32>
    %add3A_1227 = arith.addf %add3A_1222, %add3A_1226 : vector<96x128xf32>
    %lt3A_1228 = arith.cmpf olt, %add3A_1227, %select_n3A_1215 : vector<96x128xf32>
    %select_n3A_1229 = arith.select %lt3A_1228, %add3A_1227, %select_n3A_1215 : vector<96x128xi1>, vector<96x128xf32>
    %jit3A_1230 = arith.constant 19 : i32
    %broadcast_in_dim3A_1231 = vector.broadcast %jit3A_1230 : i32 to vector<96x128xi32>
    %select_n3A_1232 = arith.select %lt3A_1228, %broadcast_in_dim3A_1231, %select_n3A_1218 : vector<96x128xi1>, vector<96x128xi32>
    %get3A_1233 = arith.constant 96 : index
    %get3A_1234 = arith.constant 2560 : index
    %get3A_1235 = vector.load %arg7[%get3A_1233, %get3A_1234] : memref<576x8192xf32, #tpu.memory_space<vmem>>, vector<96x128xf32>
    %add3A_1236 = arith.addf %get3A_948, %get3A_1235 : vector<96x128xf32>
    %get3A_1237 = arith.constant 20 : index
    %get3A_1238 = arith.constant 0 : index
    %get3A_1239 = vector.load %arg3[%get3A_1237, %get3A_1238] : memref<64x128xf32, #tpu.memory_space<vmem>>, vector<1x128xf32>
    %add3A_1240 = vector.broadcast %get3A_1239 : vector<1x128xf32> to vector<96x128xf32>
    %add3A_1241 = arith.addf %add3A_1236, %add3A_1240 : vector<96x128xf32>
    %lt3A_1242 = arith.cmpf olt, %add3A_1241, %select_n3A_1229 : vector<96x128xf32>
    %select_n3A_1243 = arith.select %lt3A_1242, %add3A_1241, %select_n3A_1229 : vector<96x128xi1>, vector<96x128xf32>
    %jit3A_1244 = arith.constant 20 : i32
    %broadcast_in_dim3A_1245 = vector.broadcast %jit3A_1244 : i32 to vector<96x128xi32>
    %select_n3A_1246 = arith.select %lt3A_1242, %broadcast_in_dim3A_1245, %select_n3A_1232 : vector<96x128xi1>, vector<96x128xi32>
    %get3A_1247 = arith.constant 96 : index
    %get3A_1248 = arith.constant 2688 : index
    %get3A_1249 = vector.load %arg7[%get3A_1247, %get3A_1248] : memref<576x8192xf32, #tpu.memory_space<vmem>>, vector<96x128xf32>
    %add3A_1250 = arith.addf %get3A_948, %get3A_1249 : vector<96x128xf32>
    %get3A_1251 = arith.constant 21 : index
    %get3A_1252 = arith.constant 0 : index
    %get3A_1253 = vector.load %arg3[%get3A_1251, %get3A_1252] : memref<64x128xf32, #tpu.memory_space<vmem>>, vector<1x128xf32>
    %add3A_1254 = vector.broadcast %get3A_1253 : vector<1x128xf32> to vector<96x128xf32>
    %add3A_1255 = arith.addf %add3A_1250, %add3A_1254 : vector<96x128xf32>
    %lt3A_1256 = arith.cmpf olt, %add3A_1255, %select_n3A_1243 : vector<96x128xf32>
    %select_n3A_1257 = arith.select %lt3A_1256, %add3A_1255, %select_n3A_1243 : vector<96x128xi1>, vector<96x128xf32>
    %jit3A_1258 = arith.constant 21 : i32
    %broadcast_in_dim3A_1259 = vector.broadcast %jit3A_1258 : i32 to vector<96x128xi32>
    %select_n3A_1260 = arith.select %lt3A_1256, %broadcast_in_dim3A_1259, %select_n3A_1246 : vector<96x128xi1>, vector<96x128xi32>
    %get3A_1261 = arith.constant 96 : index
    %get3A_1262 = arith.constant 2816 : index
    %get3A_1263 = vector.load %arg7[%get3A_1261, %get3A_1262] : memref<576x8192xf32, #tpu.memory_space<vmem>>, vector<96x128xf32>
    %add3A_1264 = arith.addf %get3A_948, %get3A_1263 : vector<96x128xf32>
    %get3A_1265 = arith.constant 22 : index
    %get3A_1266 = arith.constant 0 : index
    %get3A_1267 = vector.load %arg3[%get3A_1265, %get3A_1266] : memref<64x128xf32, #tpu.memory_space<vmem>>, vector<1x128xf32>
    %add3A_1268 = vector.broadcast %get3A_1267 : vector<1x128xf32> to vector<96x128xf32>
    %add3A_1269 = arith.addf %add3A_1264, %add3A_1268 : vector<96x128xf32>
    %lt3A_1270 = arith.cmpf olt, %add3A_1269, %select_n3A_1257 : vector<96x128xf32>
    %select_n3A_1271 = arith.select %lt3A_1270, %add3A_1269, %select_n3A_1257 : vector<96x128xi1>, vector<96x128xf32>
    %jit3A_1272 = arith.constant 22 : i32
    %broadcast_in_dim3A_1273 = vector.broadcast %jit3A_1272 : i32 to vector<96x128xi32>
    %select_n3A_1274 = arith.select %lt3A_1270, %broadcast_in_dim3A_1273, %select_n3A_1260 : vector<96x128xi1>, vector<96x128xi32>
    %get3A_1275 = arith.constant 96 : index
    %get3A_1276 = arith.constant 2944 : index
    %get3A_1277 = vector.load %arg7[%get3A_1275, %get3A_1276] : memref<576x8192xf32, #tpu.memory_space<vmem>>, vector<96x128xf32>
    %add3A_1278 = arith.addf %get3A_948, %get3A_1277 : vector<96x128xf32>
    %get3A_1279 = arith.constant 23 : index
    %get3A_1280 = arith.constant 0 : index
    %get3A_1281 = vector.load %arg3[%get3A_1279, %get3A_1280] : memref<64x128xf32, #tpu.memory_space<vmem>>, vector<1x128xf32>
    %add3A_1282 = vector.broadcast %get3A_1281 : vector<1x128xf32> to vector<96x128xf32>
    %add3A_1283 = arith.addf %add3A_1278, %add3A_1282 : vector<96x128xf32>
    %lt3A_1284 = arith.cmpf olt, %add3A_1283, %select_n3A_1271 : vector<96x128xf32>
    %select_n3A_1285 = arith.select %lt3A_1284, %add3A_1283, %select_n3A_1271 : vector<96x128xi1>, vector<96x128xf32>
    %jit3A_1286 = arith.constant 23 : i32
    %broadcast_in_dim3A_1287 = vector.broadcast %jit3A_1286 : i32 to vector<96x128xi32>
    %select_n3A_1288 = arith.select %lt3A_1284, %broadcast_in_dim3A_1287, %select_n3A_1274 : vector<96x128xi1>, vector<96x128xi32>
    %get3A_1289 = arith.constant 96 : index
    %get3A_1290 = arith.constant 3072 : index
    %get3A_1291 = vector.load %arg7[%get3A_1289, %get3A_1290] : memref<576x8192xf32, #tpu.memory_space<vmem>>, vector<96x128xf32>
    %add3A_1292 = arith.addf %get3A_948, %get3A_1291 : vector<96x128xf32>
    %get3A_1293 = arith.constant 24 : index
    %get3A_1294 = arith.constant 0 : index
    %get3A_1295 = vector.load %arg3[%get3A_1293, %get3A_1294] : memref<64x128xf32, #tpu.memory_space<vmem>>, vector<1x128xf32>
    %add3A_1296 = vector.broadcast %get3A_1295 : vector<1x128xf32> to vector<96x128xf32>
    %add3A_1297 = arith.addf %add3A_1292, %add3A_1296 : vector<96x128xf32>
    %lt3A_1298 = arith.cmpf olt, %add3A_1297, %select_n3A_1285 : vector<96x128xf32>
    %select_n3A_1299 = arith.select %lt3A_1298, %add3A_1297, %select_n3A_1285 : vector<96x128xi1>, vector<96x128xf32>
    %jit3A_1300 = arith.constant 24 : i32
    %broadcast_in_dim3A_1301 = vector.broadcast %jit3A_1300 : i32 to vector<96x128xi32>
    %select_n3A_1302 = arith.select %lt3A_1298, %broadcast_in_dim3A_1301, %select_n3A_1288 : vector<96x128xi1>, vector<96x128xi32>
    %get3A_1303 = arith.constant 96 : index
    %get3A_1304 = arith.constant 3200 : index
    %get3A_1305 = vector.load %arg7[%get3A_1303, %get3A_1304] : memref<576x8192xf32, #tpu.memory_space<vmem>>, vector<96x128xf32>
    %add3A_1306 = arith.addf %get3A_948, %get3A_1305 : vector<96x128xf32>
    %get3A_1307 = arith.constant 25 : index
    %get3A_1308 = arith.constant 0 : index
    %get3A_1309 = vector.load %arg3[%get3A_1307, %get3A_1308] : memref<64x128xf32, #tpu.memory_space<vmem>>, vector<1x128xf32>
    %add3A_1310 = vector.broadcast %get3A_1309 : vector<1x128xf32> to vector<96x128xf32>
    %add3A_1311 = arith.addf %add3A_1306, %add3A_1310 : vector<96x128xf32>
    %lt3A_1312 = arith.cmpf olt, %add3A_1311, %select_n3A_1299 : vector<96x128xf32>
    %select_n3A_1313 = arith.select %lt3A_1312, %add3A_1311, %select_n3A_1299 : vector<96x128xi1>, vector<96x128xf32>
    %jit3A_1314 = arith.constant 25 : i32
    %broadcast_in_dim3A_1315 = vector.broadcast %jit3A_1314 : i32 to vector<96x128xi32>
    %select_n3A_1316 = arith.select %lt3A_1312, %broadcast_in_dim3A_1315, %select_n3A_1302 : vector<96x128xi1>, vector<96x128xi32>
    %get3A_1317 = arith.constant 96 : index
    %get3A_1318 = arith.constant 3328 : index
    %get3A_1319 = vector.load %arg7[%get3A_1317, %get3A_1318] : memref<576x8192xf32, #tpu.memory_space<vmem>>, vector<96x128xf32>
    %add3A_1320 = arith.addf %get3A_948, %get3A_1319 : vector<96x128xf32>
    %get3A_1321 = arith.constant 26 : index
    %get3A_1322 = arith.constant 0 : index
    %get3A_1323 = vector.load %arg3[%get3A_1321, %get3A_1322] : memref<64x128xf32, #tpu.memory_space<vmem>>, vector<1x128xf32>
    %add3A_1324 = vector.broadcast %get3A_1323 : vector<1x128xf32> to vector<96x128xf32>
    %add3A_1325 = arith.addf %add3A_1320, %add3A_1324 : vector<96x128xf32>
    %lt3A_1326 = arith.cmpf olt, %add3A_1325, %select_n3A_1313 : vector<96x128xf32>
    %select_n3A_1327 = arith.select %lt3A_1326, %add3A_1325, %select_n3A_1313 : vector<96x128xi1>, vector<96x128xf32>
    %jit3A_1328 = arith.constant 26 : i32
    %broadcast_in_dim3A_1329 = vector.broadcast %jit3A_1328 : i32 to vector<96x128xi32>
    %select_n3A_1330 = arith.select %lt3A_1326, %broadcast_in_dim3A_1329, %select_n3A_1316 : vector<96x128xi1>, vector<96x128xi32>
    %get3A_1331 = arith.constant 96 : index
    %get3A_1332 = arith.constant 3456 : index
    %get3A_1333 = vector.load %arg7[%get3A_1331, %get3A_1332] : memref<576x8192xf32, #tpu.memory_space<vmem>>, vector<96x128xf32>
    %add3A_1334 = arith.addf %get3A_948, %get3A_1333 : vector<96x128xf32>
    %get3A_1335 = arith.constant 27 : index
    %get3A_1336 = arith.constant 0 : index
    %get3A_1337 = vector.load %arg3[%get3A_1335, %get3A_1336] : memref<64x128xf32, #tpu.memory_space<vmem>>, vector<1x128xf32>
    %add3A_1338 = vector.broadcast %get3A_1337 : vector<1x128xf32> to vector<96x128xf32>
    %add3A_1339 = arith.addf %add3A_1334, %add3A_1338 : vector<96x128xf32>
    %lt3A_1340 = arith.cmpf olt, %add3A_1339, %select_n3A_1327 : vector<96x128xf32>
    %select_n3A_1341 = arith.select %lt3A_1340, %add3A_1339, %select_n3A_1327 : vector<96x128xi1>, vector<96x128xf32>
    %jit3A_1342 = arith.constant 27 : i32
    %broadcast_in_dim3A_1343 = vector.broadcast %jit3A_1342 : i32 to vector<96x128xi32>
    %select_n3A_1344 = arith.select %lt3A_1340, %broadcast_in_dim3A_1343, %select_n3A_1330 : vector<96x128xi1>, vector<96x128xi32>
    %get3A_1345 = arith.constant 96 : index
    %get3A_1346 = arith.constant 3584 : index
    %get3A_1347 = vector.load %arg7[%get3A_1345, %get3A_1346] : memref<576x8192xf32, #tpu.memory_space<vmem>>, vector<96x128xf32>
    %add3A_1348 = arith.addf %get3A_948, %get3A_1347 : vector<96x128xf32>
    %get3A_1349 = arith.constant 28 : index
    %get3A_1350 = arith.constant 0 : index
    %get3A_1351 = vector.load %arg3[%get3A_1349, %get3A_1350] : memref<64x128xf32, #tpu.memory_space<vmem>>, vector<1x128xf32>
    %add3A_1352 = vector.broadcast %get3A_1351 : vector<1x128xf32> to vector<96x128xf32>
    %add3A_1353 = arith.addf %add3A_1348, %add3A_1352 : vector<96x128xf32>
    %lt3A_1354 = arith.cmpf olt, %add3A_1353, %select_n3A_1341 : vector<96x128xf32>
    %select_n3A_1355 = arith.select %lt3A_1354, %add3A_1353, %select_n3A_1341 : vector<96x128xi1>, vector<96x128xf32>
    %jit3A_1356 = arith.constant 28 : i32
    %broadcast_in_dim3A_1357 = vector.broadcast %jit3A_1356 : i32 to vector<96x128xi32>
    %select_n3A_1358 = arith.select %lt3A_1354, %broadcast_in_dim3A_1357, %select_n3A_1344 : vector<96x128xi1>, vector<96x128xi32>
    %get3A_1359 = arith.constant 96 : index
    %get3A_1360 = arith.constant 3712 : index
    %get3A_1361 = vector.load %arg7[%get3A_1359, %get3A_1360] : memref<576x8192xf32, #tpu.memory_space<vmem>>, vector<96x128xf32>
    %add3A_1362 = arith.addf %get3A_948, %get3A_1361 : vector<96x128xf32>
    %get3A_1363 = arith.constant 29 : index
    %get3A_1364 = arith.constant 0 : index
    %get3A_1365 = vector.load %arg3[%get3A_1363, %get3A_1364] : memref<64x128xf32, #tpu.memory_space<vmem>>, vector<1x128xf32>
    %add3A_1366 = vector.broadcast %get3A_1365 : vector<1x128xf32> to vector<96x128xf32>
    %add3A_1367 = arith.addf %add3A_1362, %add3A_1366 : vector<96x128xf32>
    %lt3A_1368 = arith.cmpf olt, %add3A_1367, %select_n3A_1355 : vector<96x128xf32>
    %select_n3A_1369 = arith.select %lt3A_1368, %add3A_1367, %select_n3A_1355 : vector<96x128xi1>, vector<96x128xf32>
    %jit3A_1370 = arith.constant 29 : i32
    %broadcast_in_dim3A_1371 = vector.broadcast %jit3A_1370 : i32 to vector<96x128xi32>
    %select_n3A_1372 = arith.select %lt3A_1368, %broadcast_in_dim3A_1371, %select_n3A_1358 : vector<96x128xi1>, vector<96x128xi32>
    %get3A_1373 = arith.constant 96 : index
    %get3A_1374 = arith.constant 3840 : index
    %get3A_1375 = vector.load %arg7[%get3A_1373, %get3A_1374] : memref<576x8192xf32, #tpu.memory_space<vmem>>, vector<96x128xf32>
    %add3A_1376 = arith.addf %get3A_948, %get3A_1375 : vector<96x128xf32>
    %get3A_1377 = arith.constant 30 : index
    %get3A_1378 = arith.constant 0 : index
    %get3A_1379 = vector.load %arg3[%get3A_1377, %get3A_1378] : memref<64x128xf32, #tpu.memory_space<vmem>>, vector<1x128xf32>
    %add3A_1380 = vector.broadcast %get3A_1379 : vector<1x128xf32> to vector<96x128xf32>
    %add3A_1381 = arith.addf %add3A_1376, %add3A_1380 : vector<96x128xf32>
    %lt3A_1382 = arith.cmpf olt, %add3A_1381, %select_n3A_1369 : vector<96x128xf32>
    %select_n3A_1383 = arith.select %lt3A_1382, %add3A_1381, %select_n3A_1369 : vector<96x128xi1>, vector<96x128xf32>
    %jit3A_1384 = arith.constant 30 : i32
    %broadcast_in_dim3A_1385 = vector.broadcast %jit3A_1384 : i32 to vector<96x128xi32>
    %select_n3A_1386 = arith.select %lt3A_1382, %broadcast_in_dim3A_1385, %select_n3A_1372 : vector<96x128xi1>, vector<96x128xi32>
    %get3A_1387 = arith.constant 96 : index
    %get3A_1388 = arith.constant 3968 : index
    %get3A_1389 = vector.load %arg7[%get3A_1387, %get3A_1388] : memref<576x8192xf32, #tpu.memory_space<vmem>>, vector<96x128xf32>
    %add3A_1390 = arith.addf %get3A_948, %get3A_1389 : vector<96x128xf32>
    %get3A_1391 = arith.constant 31 : index
    %get3A_1392 = arith.constant 0 : index
    %get3A_1393 = vector.load %arg3[%get3A_1391, %get3A_1392] : memref<64x128xf32, #tpu.memory_space<vmem>>, vector<1x128xf32>
    %add3A_1394 = vector.broadcast %get3A_1393 : vector<1x128xf32> to vector<96x128xf32>
    %add3A_1395 = arith.addf %add3A_1390, %add3A_1394 : vector<96x128xf32>
    %lt3A_1396 = arith.cmpf olt, %add3A_1395, %select_n3A_1383 : vector<96x128xf32>
    %select_n3A_1397 = arith.select %lt3A_1396, %add3A_1395, %select_n3A_1383 : vector<96x128xi1>, vector<96x128xf32>
    %jit3A_1398 = arith.constant 31 : i32
    %broadcast_in_dim3A_1399 = vector.broadcast %jit3A_1398 : i32 to vector<96x128xi32>
    %select_n3A_1400 = arith.select %lt3A_1396, %broadcast_in_dim3A_1399, %select_n3A_1386 : vector<96x128xi1>, vector<96x128xi32>
    %get3A_1401 = arith.constant 96 : index
    %get3A_1402 = arith.constant 4096 : index
    %get3A_1403 = vector.load %arg7[%get3A_1401, %get3A_1402] : memref<576x8192xf32, #tpu.memory_space<vmem>>, vector<96x128xf32>
    %add3A_1404 = arith.addf %get3A_948, %get3A_1403 : vector<96x128xf32>
    %get3A_1405 = arith.constant 32 : index
    %get3A_1406 = arith.constant 0 : index
    %get3A_1407 = vector.load %arg3[%get3A_1405, %get3A_1406] : memref<64x128xf32, #tpu.memory_space<vmem>>, vector<1x128xf32>
    %add3A_1408 = vector.broadcast %get3A_1407 : vector<1x128xf32> to vector<96x128xf32>
    %add3A_1409 = arith.addf %add3A_1404, %add3A_1408 : vector<96x128xf32>
    %lt3A_1410 = arith.cmpf olt, %add3A_1409, %select_n3A_1397 : vector<96x128xf32>
    %select_n3A_1411 = arith.select %lt3A_1410, %add3A_1409, %select_n3A_1397 : vector<96x128xi1>, vector<96x128xf32>
    %jit3A_1412 = arith.constant 32 : i32
    %broadcast_in_dim3A_1413 = vector.broadcast %jit3A_1412 : i32 to vector<96x128xi32>
    %select_n3A_1414 = arith.select %lt3A_1410, %broadcast_in_dim3A_1413, %select_n3A_1400 : vector<96x128xi1>, vector<96x128xi32>
    %get3A_1415 = arith.constant 96 : index
    %get3A_1416 = arith.constant 4224 : index
    %get3A_1417 = vector.load %arg7[%get3A_1415, %get3A_1416] : memref<576x8192xf32, #tpu.memory_space<vmem>>, vector<96x128xf32>
    %add3A_1418 = arith.addf %get3A_948, %get3A_1417 : vector<96x128xf32>
    %get3A_1419 = arith.constant 33 : index
    %get3A_1420 = arith.constant 0 : index
    %get3A_1421 = vector.load %arg3[%get3A_1419, %get3A_1420] : memref<64x128xf32, #tpu.memory_space<vmem>>, vector<1x128xf32>
    %add3A_1422 = vector.broadcast %get3A_1421 : vector<1x128xf32> to vector<96x128xf32>
    %add3A_1423 = arith.addf %add3A_1418, %add3A_1422 : vector<96x128xf32>
    %lt3A_1424 = arith.cmpf olt, %add3A_1423, %select_n3A_1411 : vector<96x128xf32>
    %select_n3A_1425 = arith.select %lt3A_1424, %add3A_1423, %select_n3A_1411 : vector<96x128xi1>, vector<96x128xf32>
    %jit3A_1426 = arith.constant 33 : i32
    %broadcast_in_dim3A_1427 = vector.broadcast %jit3A_1426 : i32 to vector<96x128xi32>
    %select_n3A_1428 = arith.select %lt3A_1424, %broadcast_in_dim3A_1427, %select_n3A_1414 : vector<96x128xi1>, vector<96x128xi32>
    %get3A_1429 = arith.constant 96 : index
    %get3A_1430 = arith.constant 4352 : index
    %get3A_1431 = vector.load %arg7[%get3A_1429, %get3A_1430] : memref<576x8192xf32, #tpu.memory_space<vmem>>, vector<96x128xf32>
    %add3A_1432 = arith.addf %get3A_948, %get3A_1431 : vector<96x128xf32>
    %get3A_1433 = arith.constant 34 : index
    %get3A_1434 = arith.constant 0 : index
    %get3A_1435 = vector.load %arg3[%get3A_1433, %get3A_1434] : memref<64x128xf32, #tpu.memory_space<vmem>>, vector<1x128xf32>
    %add3A_1436 = vector.broadcast %get3A_1435 : vector<1x128xf32> to vector<96x128xf32>
    %add3A_1437 = arith.addf %add3A_1432, %add3A_1436 : vector<96x128xf32>
    %lt3A_1438 = arith.cmpf olt, %add3A_1437, %select_n3A_1425 : vector<96x128xf32>
    %select_n3A_1439 = arith.select %lt3A_1438, %add3A_1437, %select_n3A_1425 : vector<96x128xi1>, vector<96x128xf32>
    %jit3A_1440 = arith.constant 34 : i32
    %broadcast_in_dim3A_1441 = vector.broadcast %jit3A_1440 : i32 to vector<96x128xi32>
    %select_n3A_1442 = arith.select %lt3A_1438, %broadcast_in_dim3A_1441, %select_n3A_1428 : vector<96x128xi1>, vector<96x128xi32>
    %get3A_1443 = arith.constant 96 : index
    %get3A_1444 = arith.constant 4480 : index
    %get3A_1445 = vector.load %arg7[%get3A_1443, %get3A_1444] : memref<576x8192xf32, #tpu.memory_space<vmem>>, vector<96x128xf32>
    %add3A_1446 = arith.addf %get3A_948, %get3A_1445 : vector<96x128xf32>
    %get3A_1447 = arith.constant 35 : index
    %get3A_1448 = arith.constant 0 : index
    %get3A_1449 = vector.load %arg3[%get3A_1447, %get3A_1448] : memref<64x128xf32, #tpu.memory_space<vmem>>, vector<1x128xf32>
    %add3A_1450 = vector.broadcast %get3A_1449 : vector<1x128xf32> to vector<96x128xf32>
    %add3A_1451 = arith.addf %add3A_1446, %add3A_1450 : vector<96x128xf32>
    %lt3A_1452 = arith.cmpf olt, %add3A_1451, %select_n3A_1439 : vector<96x128xf32>
    %select_n3A_1453 = arith.select %lt3A_1452, %add3A_1451, %select_n3A_1439 : vector<96x128xi1>, vector<96x128xf32>
    %jit3A_1454 = arith.constant 35 : i32
    %broadcast_in_dim3A_1455 = vector.broadcast %jit3A_1454 : i32 to vector<96x128xi32>
    %select_n3A_1456 = arith.select %lt3A_1452, %broadcast_in_dim3A_1455, %select_n3A_1442 : vector<96x128xi1>, vector<96x128xi32>
    %get3A_1457 = arith.constant 96 : index
    %get3A_1458 = arith.constant 4608 : index
    %get3A_1459 = vector.load %arg7[%get3A_1457, %get3A_1458] : memref<576x8192xf32, #tpu.memory_space<vmem>>, vector<96x128xf32>
    %add3A_1460 = arith.addf %get3A_948, %get3A_1459 : vector<96x128xf32>
    %get3A_1461 = arith.constant 36 : index
    %get3A_1462 = arith.constant 0 : index
    %get3A_1463 = vector.load %arg3[%get3A_1461, %get3A_1462] : memref<64x128xf32, #tpu.memory_space<vmem>>, vector<1x128xf32>
    %add3A_1464 = vector.broadcast %get3A_1463 : vector<1x128xf32> to vector<96x128xf32>
    %add3A_1465 = arith.addf %add3A_1460, %add3A_1464 : vector<96x128xf32>
    %lt3A_1466 = arith.cmpf olt, %add3A_1465, %select_n3A_1453 : vector<96x128xf32>
    %select_n3A_1467 = arith.select %lt3A_1466, %add3A_1465, %select_n3A_1453 : vector<96x128xi1>, vector<96x128xf32>
    %jit3A_1468 = arith.constant 36 : i32
    %broadcast_in_dim3A_1469 = vector.broadcast %jit3A_1468 : i32 to vector<96x128xi32>
    %select_n3A_1470 = arith.select %lt3A_1466, %broadcast_in_dim3A_1469, %select_n3A_1456 : vector<96x128xi1>, vector<96x128xi32>
    %get3A_1471 = arith.constant 96 : index
    %get3A_1472 = arith.constant 4736 : index
    %get3A_1473 = vector.load %arg7[%get3A_1471, %get3A_1472] : memref<576x8192xf32, #tpu.memory_space<vmem>>, vector<96x128xf32>
    %add3A_1474 = arith.addf %get3A_948, %get3A_1473 : vector<96x128xf32>
    %get3A_1475 = arith.constant 37 : index
    %get3A_1476 = arith.constant 0 : index
    %get3A_1477 = vector.load %arg3[%get3A_1475, %get3A_1476] : memref<64x128xf32, #tpu.memory_space<vmem>>, vector<1x128xf32>
    %add3A_1478 = vector.broadcast %get3A_1477 : vector<1x128xf32> to vector<96x128xf32>
    %add3A_1479 = arith.addf %add3A_1474, %add3A_1478 : vector<96x128xf32>
    %lt3A_1480 = arith.cmpf olt, %add3A_1479, %select_n3A_1467 : vector<96x128xf32>
    %select_n3A_1481 = arith.select %lt3A_1480, %add3A_1479, %select_n3A_1467 : vector<96x128xi1>, vector<96x128xf32>
    %jit3A_1482 = arith.constant 37 : i32
    %broadcast_in_dim3A_1483 = vector.broadcast %jit3A_1482 : i32 to vector<96x128xi32>
    %select_n3A_1484 = arith.select %lt3A_1480, %broadcast_in_dim3A_1483, %select_n3A_1470 : vector<96x128xi1>, vector<96x128xi32>
    %get3A_1485 = arith.constant 96 : index
    %get3A_1486 = arith.constant 4864 : index
    %get3A_1487 = vector.load %arg7[%get3A_1485, %get3A_1486] : memref<576x8192xf32, #tpu.memory_space<vmem>>, vector<96x128xf32>
    %add3A_1488 = arith.addf %get3A_948, %get3A_1487 : vector<96x128xf32>
    %get3A_1489 = arith.constant 38 : index
    %get3A_1490 = arith.constant 0 : index
    %get3A_1491 = vector.load %arg3[%get3A_1489, %get3A_1490] : memref<64x128xf32, #tpu.memory_space<vmem>>, vector<1x128xf32>
    %add3A_1492 = vector.broadcast %get3A_1491 : vector<1x128xf32> to vector<96x128xf32>
    %add3A_1493 = arith.addf %add3A_1488, %add3A_1492 : vector<96x128xf32>
    %lt3A_1494 = arith.cmpf olt, %add3A_1493, %select_n3A_1481 : vector<96x128xf32>
    %select_n3A_1495 = arith.select %lt3A_1494, %add3A_1493, %select_n3A_1481 : vector<96x128xi1>, vector<96x128xf32>
    %jit3A_1496 = arith.constant 38 : i32
    %broadcast_in_dim3A_1497 = vector.broadcast %jit3A_1496 : i32 to vector<96x128xi32>
    %select_n3A_1498 = arith.select %lt3A_1494, %broadcast_in_dim3A_1497, %select_n3A_1484 : vector<96x128xi1>, vector<96x128xi32>
    %get3A_1499 = arith.constant 96 : index
    %get3A_1500 = arith.constant 4992 : index
    %get3A_1501 = vector.load %arg7[%get3A_1499, %get3A_1500] : memref<576x8192xf32, #tpu.memory_space<vmem>>, vector<96x128xf32>
    %add3A_1502 = arith.addf %get3A_948, %get3A_1501 : vector<96x128xf32>
    %get3A_1503 = arith.constant 39 : index
    %get3A_1504 = arith.constant 0 : index
    %get3A_1505 = vector.load %arg3[%get3A_1503, %get3A_1504] : memref<64x128xf32, #tpu.memory_space<vmem>>, vector<1x128xf32>
    %add3A_1506 = vector.broadcast %get3A_1505 : vector<1x128xf32> to vector<96x128xf32>
    %add3A_1507 = arith.addf %add3A_1502, %add3A_1506 : vector<96x128xf32>
    %lt3A_1508 = arith.cmpf olt, %add3A_1507, %select_n3A_1495 : vector<96x128xf32>
    %select_n3A_1509 = arith.select %lt3A_1508, %add3A_1507, %select_n3A_1495 : vector<96x128xi1>, vector<96x128xf32>
    %jit3A_1510 = arith.constant 39 : i32
    %broadcast_in_dim3A_1511 = vector.broadcast %jit3A_1510 : i32 to vector<96x128xi32>
    %select_n3A_1512 = arith.select %lt3A_1508, %broadcast_in_dim3A_1511, %select_n3A_1498 : vector<96x128xi1>, vector<96x128xi32>
    %get3A_1513 = arith.constant 96 : index
    %get3A_1514 = arith.constant 5120 : index
    %get3A_1515 = vector.load %arg7[%get3A_1513, %get3A_1514] : memref<576x8192xf32, #tpu.memory_space<vmem>>, vector<96x128xf32>
    %add3A_1516 = arith.addf %get3A_948, %get3A_1515 : vector<96x128xf32>
    %get3A_1517 = arith.constant 40 : index
    %get3A_1518 = arith.constant 0 : index
    %get3A_1519 = vector.load %arg3[%get3A_1517, %get3A_1518] : memref<64x128xf32, #tpu.memory_space<vmem>>, vector<1x128xf32>
    %add3A_1520 = vector.broadcast %get3A_1519 : vector<1x128xf32> to vector<96x128xf32>
    %add3A_1521 = arith.addf %add3A_1516, %add3A_1520 : vector<96x128xf32>
    %lt3A_1522 = arith.cmpf olt, %add3A_1521, %select_n3A_1509 : vector<96x128xf32>
    %select_n3A_1523 = arith.select %lt3A_1522, %add3A_1521, %select_n3A_1509 : vector<96x128xi1>, vector<96x128xf32>
    %jit3A_1524 = arith.constant 40 : i32
    %broadcast_in_dim3A_1525 = vector.broadcast %jit3A_1524 : i32 to vector<96x128xi32>
    %select_n3A_1526 = arith.select %lt3A_1522, %broadcast_in_dim3A_1525, %select_n3A_1512 : vector<96x128xi1>, vector<96x128xi32>
    %get3A_1527 = arith.constant 96 : index
    %get3A_1528 = arith.constant 5248 : index
    %get3A_1529 = vector.load %arg7[%get3A_1527, %get3A_1528] : memref<576x8192xf32, #tpu.memory_space<vmem>>, vector<96x128xf32>
    %add3A_1530 = arith.addf %get3A_948, %get3A_1529 : vector<96x128xf32>
    %get3A_1531 = arith.constant 41 : index
    %get3A_1532 = arith.constant 0 : index
    %get3A_1533 = vector.load %arg3[%get3A_1531, %get3A_1532] : memref<64x128xf32, #tpu.memory_space<vmem>>, vector<1x128xf32>
    %add3A_1534 = vector.broadcast %get3A_1533 : vector<1x128xf32> to vector<96x128xf32>
    %add3A_1535 = arith.addf %add3A_1530, %add3A_1534 : vector<96x128xf32>
    %lt3A_1536 = arith.cmpf olt, %add3A_1535, %select_n3A_1523 : vector<96x128xf32>
    %select_n3A_1537 = arith.select %lt3A_1536, %add3A_1535, %select_n3A_1523 : vector<96x128xi1>, vector<96x128xf32>
    %jit3A_1538 = arith.constant 41 : i32
    %broadcast_in_dim3A_1539 = vector.broadcast %jit3A_1538 : i32 to vector<96x128xi32>
    %select_n3A_1540 = arith.select %lt3A_1536, %broadcast_in_dim3A_1539, %select_n3A_1526 : vector<96x128xi1>, vector<96x128xi32>
    %get3A_1541 = arith.constant 96 : index
    %get3A_1542 = arith.constant 5376 : index
    %get3A_1543 = vector.load %arg7[%get3A_1541, %get3A_1542] : memref<576x8192xf32, #tpu.memory_space<vmem>>, vector<96x128xf32>
    %add3A_1544 = arith.addf %get3A_948, %get3A_1543 : vector<96x128xf32>
    %get3A_1545 = arith.constant 42 : index
    %get3A_1546 = arith.constant 0 : index
    %get3A_1547 = vector.load %arg3[%get3A_1545, %get3A_1546] : memref<64x128xf32, #tpu.memory_space<vmem>>, vector<1x128xf32>
    %add3A_1548 = vector.broadcast %get3A_1547 : vector<1x128xf32> to vector<96x128xf32>
    %add3A_1549 = arith.addf %add3A_1544, %add3A_1548 : vector<96x128xf32>
    %lt3A_1550 = arith.cmpf olt, %add3A_1549, %select_n3A_1537 : vector<96x128xf32>
    %select_n3A_1551 = arith.select %lt3A_1550, %add3A_1549, %select_n3A_1537 : vector<96x128xi1>, vector<96x128xf32>
    %jit3A_1552 = arith.constant 42 : i32
    %broadcast_in_dim3A_1553 = vector.broadcast %jit3A_1552 : i32 to vector<96x128xi32>
    %select_n3A_1554 = arith.select %lt3A_1550, %broadcast_in_dim3A_1553, %select_n3A_1540 : vector<96x128xi1>, vector<96x128xi32>
    %get3A_1555 = arith.constant 96 : index
    %get3A_1556 = arith.constant 5504 : index
    %get3A_1557 = vector.load %arg7[%get3A_1555, %get3A_1556] : memref<576x8192xf32, #tpu.memory_space<vmem>>, vector<96x128xf32>
    %add3A_1558 = arith.addf %get3A_948, %get3A_1557 : vector<96x128xf32>
    %get3A_1559 = arith.constant 43 : index
    %get3A_1560 = arith.constant 0 : index
    %get3A_1561 = vector.load %arg3[%get3A_1559, %get3A_1560] : memref<64x128xf32, #tpu.memory_space<vmem>>, vector<1x128xf32>
    %add3A_1562 = vector.broadcast %get3A_1561 : vector<1x128xf32> to vector<96x128xf32>
    %add3A_1563 = arith.addf %add3A_1558, %add3A_1562 : vector<96x128xf32>
    %lt3A_1564 = arith.cmpf olt, %add3A_1563, %select_n3A_1551 : vector<96x128xf32>
    %select_n3A_1565 = arith.select %lt3A_1564, %add3A_1563, %select_n3A_1551 : vector<96x128xi1>, vector<96x128xf32>
    %jit3A_1566 = arith.constant 43 : i32
    %broadcast_in_dim3A_1567 = vector.broadcast %jit3A_1566 : i32 to vector<96x128xi32>
    %select_n3A_1568 = arith.select %lt3A_1564, %broadcast_in_dim3A_1567, %select_n3A_1554 : vector<96x128xi1>, vector<96x128xi32>
    %get3A_1569 = arith.constant 96 : index
    %get3A_1570 = arith.constant 5632 : index
    %get3A_1571 = vector.load %arg7[%get3A_1569, %get3A_1570] : memref<576x8192xf32, #tpu.memory_space<vmem>>, vector<96x128xf32>
    %add3A_1572 = arith.addf %get3A_948, %get3A_1571 : vector<96x128xf32>
    %get3A_1573 = arith.constant 44 : index
    %get3A_1574 = arith.constant 0 : index
    %get3A_1575 = vector.load %arg3[%get3A_1573, %get3A_1574] : memref<64x128xf32, #tpu.memory_space<vmem>>, vector<1x128xf32>
    %add3A_1576 = vector.broadcast %get3A_1575 : vector<1x128xf32> to vector<96x128xf32>
    %add3A_1577 = arith.addf %add3A_1572, %add3A_1576 : vector<96x128xf32>
    %lt3A_1578 = arith.cmpf olt, %add3A_1577, %select_n3A_1565 : vector<96x128xf32>
    %select_n3A_1579 = arith.select %lt3A_1578, %add3A_1577, %select_n3A_1565 : vector<96x128xi1>, vector<96x128xf32>
    %jit3A_1580 = arith.constant 44 : i32
    %broadcast_in_dim3A_1581 = vector.broadcast %jit3A_1580 : i32 to vector<96x128xi32>
    %select_n3A_1582 = arith.select %lt3A_1578, %broadcast_in_dim3A_1581, %select_n3A_1568 : vector<96x128xi1>, vector<96x128xi32>
    %get3A_1583 = arith.constant 96 : index
    %get3A_1584 = arith.constant 5760 : index
    %get3A_1585 = vector.load %arg7[%get3A_1583, %get3A_1584] : memref<576x8192xf32, #tpu.memory_space<vmem>>, vector<96x128xf32>
    %add3A_1586 = arith.addf %get3A_948, %get3A_1585 : vector<96x128xf32>
    %get3A_1587 = arith.constant 45 : index
    %get3A_1588 = arith.constant 0 : index
    %get3A_1589 = vector.load %arg3[%get3A_1587, %get3A_1588] : memref<64x128xf32, #tpu.memory_space<vmem>>, vector<1x128xf32>
    %add3A_1590 = vector.broadcast %get3A_1589 : vector<1x128xf32> to vector<96x128xf32>
    %add3A_1591 = arith.addf %add3A_1586, %add3A_1590 : vector<96x128xf32>
    %lt3A_1592 = arith.cmpf olt, %add3A_1591, %select_n3A_1579 : vector<96x128xf32>
    %select_n3A_1593 = arith.select %lt3A_1592, %add3A_1591, %select_n3A_1579 : vector<96x128xi1>, vector<96x128xf32>
    %jit3A_1594 = arith.constant 45 : i32
    %broadcast_in_dim3A_1595 = vector.broadcast %jit3A_1594 : i32 to vector<96x128xi32>
    %select_n3A_1596 = arith.select %lt3A_1592, %broadcast_in_dim3A_1595, %select_n3A_1582 : vector<96x128xi1>, vector<96x128xi32>
    %get3A_1597 = arith.constant 96 : index
    %get3A_1598 = arith.constant 5888 : index
    %get3A_1599 = vector.load %arg7[%get3A_1597, %get3A_1598] : memref<576x8192xf32, #tpu.memory_space<vmem>>, vector<96x128xf32>
    %add3A_1600 = arith.addf %get3A_948, %get3A_1599 : vector<96x128xf32>
    %get3A_1601 = arith.constant 46 : index
    %get3A_1602 = arith.constant 0 : index
    %get3A_1603 = vector.load %arg3[%get3A_1601, %get3A_1602] : memref<64x128xf32, #tpu.memory_space<vmem>>, vector<1x128xf32>
    %add3A_1604 = vector.broadcast %get3A_1603 : vector<1x128xf32> to vector<96x128xf32>
    %add3A_1605 = arith.addf %add3A_1600, %add3A_1604 : vector<96x128xf32>
    %lt3A_1606 = arith.cmpf olt, %add3A_1605, %select_n3A_1593 : vector<96x128xf32>
    %select_n3A_1607 = arith.select %lt3A_1606, %add3A_1605, %select_n3A_1593 : vector<96x128xi1>, vector<96x128xf32>
    %jit3A_1608 = arith.constant 46 : i32
    %broadcast_in_dim3A_1609 = vector.broadcast %jit3A_1608 : i32 to vector<96x128xi32>
    %select_n3A_1610 = arith.select %lt3A_1606, %broadcast_in_dim3A_1609, %select_n3A_1596 : vector<96x128xi1>, vector<96x128xi32>
    %get3A_1611 = arith.constant 96 : index
    %get3A_1612 = arith.constant 6016 : index
    %get3A_1613 = vector.load %arg7[%get3A_1611, %get3A_1612] : memref<576x8192xf32, #tpu.memory_space<vmem>>, vector<96x128xf32>
    %add3A_1614 = arith.addf %get3A_948, %get3A_1613 : vector<96x128xf32>
    %get3A_1615 = arith.constant 47 : index
    %get3A_1616 = arith.constant 0 : index
    %get3A_1617 = vector.load %arg3[%get3A_1615, %get3A_1616] : memref<64x128xf32, #tpu.memory_space<vmem>>, vector<1x128xf32>
    %add3A_1618 = vector.broadcast %get3A_1617 : vector<1x128xf32> to vector<96x128xf32>
    %add3A_1619 = arith.addf %add3A_1614, %add3A_1618 : vector<96x128xf32>
    %lt3A_1620 = arith.cmpf olt, %add3A_1619, %select_n3A_1607 : vector<96x128xf32>
    %select_n3A_1621 = arith.select %lt3A_1620, %add3A_1619, %select_n3A_1607 : vector<96x128xi1>, vector<96x128xf32>
    %jit3A_1622 = arith.constant 47 : i32
    %broadcast_in_dim3A_1623 = vector.broadcast %jit3A_1622 : i32 to vector<96x128xi32>
    %select_n3A_1624 = arith.select %lt3A_1620, %broadcast_in_dim3A_1623, %select_n3A_1610 : vector<96x128xi1>, vector<96x128xi32>
    %get3A_1625 = arith.constant 96 : index
    %get3A_1626 = arith.constant 6144 : index
    %get3A_1627 = vector.load %arg7[%get3A_1625, %get3A_1626] : memref<576x8192xf32, #tpu.memory_space<vmem>>, vector<96x128xf32>
    %add3A_1628 = arith.addf %get3A_948, %get3A_1627 : vector<96x128xf32>
    %get3A_1629 = arith.constant 48 : index
    %get3A_1630 = arith.constant 0 : index
    %get3A_1631 = vector.load %arg3[%get3A_1629, %get3A_1630] : memref<64x128xf32, #tpu.memory_space<vmem>>, vector<1x128xf32>
    %add3A_1632 = vector.broadcast %get3A_1631 : vector<1x128xf32> to vector<96x128xf32>
    %add3A_1633 = arith.addf %add3A_1628, %add3A_1632 : vector<96x128xf32>
    %lt3A_1634 = arith.cmpf olt, %add3A_1633, %select_n3A_1621 : vector<96x128xf32>
    %select_n3A_1635 = arith.select %lt3A_1634, %add3A_1633, %select_n3A_1621 : vector<96x128xi1>, vector<96x128xf32>
    %jit3A_1636 = arith.constant 48 : i32
    %broadcast_in_dim3A_1637 = vector.broadcast %jit3A_1636 : i32 to vector<96x128xi32>
    %select_n3A_1638 = arith.select %lt3A_1634, %broadcast_in_dim3A_1637, %select_n3A_1624 : vector<96x128xi1>, vector<96x128xi32>
    %get3A_1639 = arith.constant 96 : index
    %get3A_1640 = arith.constant 6272 : index
    %get3A_1641 = vector.load %arg7[%get3A_1639, %get3A_1640] : memref<576x8192xf32, #tpu.memory_space<vmem>>, vector<96x128xf32>
    %add3A_1642 = arith.addf %get3A_948, %get3A_1641 : vector<96x128xf32>
    %get3A_1643 = arith.constant 49 : index
    %get3A_1644 = arith.constant 0 : index
    %get3A_1645 = vector.load %arg3[%get3A_1643, %get3A_1644] : memref<64x128xf32, #tpu.memory_space<vmem>>, vector<1x128xf32>
    %add3A_1646 = vector.broadcast %get3A_1645 : vector<1x128xf32> to vector<96x128xf32>
    %add3A_1647 = arith.addf %add3A_1642, %add3A_1646 : vector<96x128xf32>
    %lt3A_1648 = arith.cmpf olt, %add3A_1647, %select_n3A_1635 : vector<96x128xf32>
    %select_n3A_1649 = arith.select %lt3A_1648, %add3A_1647, %select_n3A_1635 : vector<96x128xi1>, vector<96x128xf32>
    %jit3A_1650 = arith.constant 49 : i32
    %broadcast_in_dim3A_1651 = vector.broadcast %jit3A_1650 : i32 to vector<96x128xi32>
    %select_n3A_1652 = arith.select %lt3A_1648, %broadcast_in_dim3A_1651, %select_n3A_1638 : vector<96x128xi1>, vector<96x128xi32>
    %get3A_1653 = arith.constant 96 : index
    %get3A_1654 = arith.constant 6400 : index
    %get3A_1655 = vector.load %arg7[%get3A_1653, %get3A_1654] : memref<576x8192xf32, #tpu.memory_space<vmem>>, vector<96x128xf32>
    %add3A_1656 = arith.addf %get3A_948, %get3A_1655 : vector<96x128xf32>
    %get3A_1657 = arith.constant 50 : index
    %get3A_1658 = arith.constant 0 : index
    %get3A_1659 = vector.load %arg3[%get3A_1657, %get3A_1658] : memref<64x128xf32, #tpu.memory_space<vmem>>, vector<1x128xf32>
    %add3A_1660 = vector.broadcast %get3A_1659 : vector<1x128xf32> to vector<96x128xf32>
    %add3A_1661 = arith.addf %add3A_1656, %add3A_1660 : vector<96x128xf32>
    %lt3A_1662 = arith.cmpf olt, %add3A_1661, %select_n3A_1649 : vector<96x128xf32>
    %select_n3A_1663 = arith.select %lt3A_1662, %add3A_1661, %select_n3A_1649 : vector<96x128xi1>, vector<96x128xf32>
    %jit3A_1664 = arith.constant 50 : i32
    %broadcast_in_dim3A_1665 = vector.broadcast %jit3A_1664 : i32 to vector<96x128xi32>
    %select_n3A_1666 = arith.select %lt3A_1662, %broadcast_in_dim3A_1665, %select_n3A_1652 : vector<96x128xi1>, vector<96x128xi32>
    %get3A_1667 = arith.constant 96 : index
    %get3A_1668 = arith.constant 6528 : index
    %get3A_1669 = vector.load %arg7[%get3A_1667, %get3A_1668] : memref<576x8192xf32, #tpu.memory_space<vmem>>, vector<96x128xf32>
    %add3A_1670 = arith.addf %get3A_948, %get3A_1669 : vector<96x128xf32>
    %get3A_1671 = arith.constant 51 : index
    %get3A_1672 = arith.constant 0 : index
    %get3A_1673 = vector.load %arg3[%get3A_1671, %get3A_1672] : memref<64x128xf32, #tpu.memory_space<vmem>>, vector<1x128xf32>
    %add3A_1674 = vector.broadcast %get3A_1673 : vector<1x128xf32> to vector<96x128xf32>
    %add3A_1675 = arith.addf %add3A_1670, %add3A_1674 : vector<96x128xf32>
    %lt3A_1676 = arith.cmpf olt, %add3A_1675, %select_n3A_1663 : vector<96x128xf32>
    %select_n3A_1677 = arith.select %lt3A_1676, %add3A_1675, %select_n3A_1663 : vector<96x128xi1>, vector<96x128xf32>
    %jit3A_1678 = arith.constant 51 : i32
    %broadcast_in_dim3A_1679 = vector.broadcast %jit3A_1678 : i32 to vector<96x128xi32>
    %select_n3A_1680 = arith.select %lt3A_1676, %broadcast_in_dim3A_1679, %select_n3A_1666 : vector<96x128xi1>, vector<96x128xi32>
    %get3A_1681 = arith.constant 96 : index
    %get3A_1682 = arith.constant 6656 : index
    %get3A_1683 = vector.load %arg7[%get3A_1681, %get3A_1682] : memref<576x8192xf32, #tpu.memory_space<vmem>>, vector<96x128xf32>
    %add3A_1684 = arith.addf %get3A_948, %get3A_1683 : vector<96x128xf32>
    %get3A_1685 = arith.constant 52 : index
    %get3A_1686 = arith.constant 0 : index
    %get3A_1687 = vector.load %arg3[%get3A_1685, %get3A_1686] : memref<64x128xf32, #tpu.memory_space<vmem>>, vector<1x128xf32>
    %add3A_1688 = vector.broadcast %get3A_1687 : vector<1x128xf32> to vector<96x128xf32>
    %add3A_1689 = arith.addf %add3A_1684, %add3A_1688 : vector<96x128xf32>
    %lt3A_1690 = arith.cmpf olt, %add3A_1689, %select_n3A_1677 : vector<96x128xf32>
    %select_n3A_1691 = arith.select %lt3A_1690, %add3A_1689, %select_n3A_1677 : vector<96x128xi1>, vector<96x128xf32>
    %jit3A_1692 = arith.constant 52 : i32
    %broadcast_in_dim3A_1693 = vector.broadcast %jit3A_1692 : i32 to vector<96x128xi32>
    %select_n3A_1694 = arith.select %lt3A_1690, %broadcast_in_dim3A_1693, %select_n3A_1680 : vector<96x128xi1>, vector<96x128xi32>
    %get3A_1695 = arith.constant 96 : index
    %get3A_1696 = arith.constant 6784 : index
    %get3A_1697 = vector.load %arg7[%get3A_1695, %get3A_1696] : memref<576x8192xf32, #tpu.memory_space<vmem>>, vector<96x128xf32>
    %add3A_1698 = arith.addf %get3A_948, %get3A_1697 : vector<96x128xf32>
    %get3A_1699 = arith.constant 53 : index
    %get3A_1700 = arith.constant 0 : index
    %get3A_1701 = vector.load %arg3[%get3A_1699, %get3A_1700] : memref<64x128xf32, #tpu.memory_space<vmem>>, vector<1x128xf32>
    %add3A_1702 = vector.broadcast %get3A_1701 : vector<1x128xf32> to vector<96x128xf32>
    %add3A_1703 = arith.addf %add3A_1698, %add3A_1702 : vector<96x128xf32>
    %lt3A_1704 = arith.cmpf olt, %add3A_1703, %select_n3A_1691 : vector<96x128xf32>
    %select_n3A_1705 = arith.select %lt3A_1704, %add3A_1703, %select_n3A_1691 : vector<96x128xi1>, vector<96x128xf32>
    %jit3A_1706 = arith.constant 53 : i32
    %broadcast_in_dim3A_1707 = vector.broadcast %jit3A_1706 : i32 to vector<96x128xi32>
    %select_n3A_1708 = arith.select %lt3A_1704, %broadcast_in_dim3A_1707, %select_n3A_1694 : vector<96x128xi1>, vector<96x128xi32>
    %get3A_1709 = arith.constant 96 : index
    %get3A_1710 = arith.constant 6912 : index
    %get3A_1711 = vector.load %arg7[%get3A_1709, %get3A_1710] : memref<576x8192xf32, #tpu.memory_space<vmem>>, vector<96x128xf32>
    %add3A_1712 = arith.addf %get3A_948, %get3A_1711 : vector<96x128xf32>
    %get3A_1713 = arith.constant 54 : index
    %get3A_1714 = arith.constant 0 : index
    %get3A_1715 = vector.load %arg3[%get3A_1713, %get3A_1714] : memref<64x128xf32, #tpu.memory_space<vmem>>, vector<1x128xf32>
    %add3A_1716 = vector.broadcast %get3A_1715 : vector<1x128xf32> to vector<96x128xf32>
    %add3A_1717 = arith.addf %add3A_1712, %add3A_1716 : vector<96x128xf32>
    %lt3A_1718 = arith.cmpf olt, %add3A_1717, %select_n3A_1705 : vector<96x128xf32>
    %select_n3A_1719 = arith.select %lt3A_1718, %add3A_1717, %select_n3A_1705 : vector<96x128xi1>, vector<96x128xf32>
    %jit3A_1720 = arith.constant 54 : i32
    %broadcast_in_dim3A_1721 = vector.broadcast %jit3A_1720 : i32 to vector<96x128xi32>
    %select_n3A_1722 = arith.select %lt3A_1718, %broadcast_in_dim3A_1721, %select_n3A_1708 : vector<96x128xi1>, vector<96x128xi32>
    %get3A_1723 = arith.constant 96 : index
    %get3A_1724 = arith.constant 7040 : index
    %get3A_1725 = vector.load %arg7[%get3A_1723, %get3A_1724] : memref<576x8192xf32, #tpu.memory_space<vmem>>, vector<96x128xf32>
    %add3A_1726 = arith.addf %get3A_948, %get3A_1725 : vector<96x128xf32>
    %get3A_1727 = arith.constant 55 : index
    %get3A_1728 = arith.constant 0 : index
    %get3A_1729 = vector.load %arg3[%get3A_1727, %get3A_1728] : memref<64x128xf32, #tpu.memory_space<vmem>>, vector<1x128xf32>
    %add3A_1730 = vector.broadcast %get3A_1729 : vector<1x128xf32> to vector<96x128xf32>
    %add3A_1731 = arith.addf %add3A_1726, %add3A_1730 : vector<96x128xf32>
    %lt3A_1732 = arith.cmpf olt, %add3A_1731, %select_n3A_1719 : vector<96x128xf32>
    %select_n3A_1733 = arith.select %lt3A_1732, %add3A_1731, %select_n3A_1719 : vector<96x128xi1>, vector<96x128xf32>
    %jit3A_1734 = arith.constant 55 : i32
    %broadcast_in_dim3A_1735 = vector.broadcast %jit3A_1734 : i32 to vector<96x128xi32>
    %select_n3A_1736 = arith.select %lt3A_1732, %broadcast_in_dim3A_1735, %select_n3A_1722 : vector<96x128xi1>, vector<96x128xi32>
    %get3A_1737 = arith.constant 96 : index
    %get3A_1738 = arith.constant 7168 : index
    %get3A_1739 = vector.load %arg7[%get3A_1737, %get3A_1738] : memref<576x8192xf32, #tpu.memory_space<vmem>>, vector<96x128xf32>
    %add3A_1740 = arith.addf %get3A_948, %get3A_1739 : vector<96x128xf32>
    %get3A_1741 = arith.constant 56 : index
    %get3A_1742 = arith.constant 0 : index
    %get3A_1743 = vector.load %arg3[%get3A_1741, %get3A_1742] : memref<64x128xf32, #tpu.memory_space<vmem>>, vector<1x128xf32>
    %add3A_1744 = vector.broadcast %get3A_1743 : vector<1x128xf32> to vector<96x128xf32>
    %add3A_1745 = arith.addf %add3A_1740, %add3A_1744 : vector<96x128xf32>
    %lt3A_1746 = arith.cmpf olt, %add3A_1745, %select_n3A_1733 : vector<96x128xf32>
    %select_n3A_1747 = arith.select %lt3A_1746, %add3A_1745, %select_n3A_1733 : vector<96x128xi1>, vector<96x128xf32>
    %jit3A_1748 = arith.constant 56 : i32
    %broadcast_in_dim3A_1749 = vector.broadcast %jit3A_1748 : i32 to vector<96x128xi32>
    %select_n3A_1750 = arith.select %lt3A_1746, %broadcast_in_dim3A_1749, %select_n3A_1736 : vector<96x128xi1>, vector<96x128xi32>
    %get3A_1751 = arith.constant 96 : index
    %get3A_1752 = arith.constant 7296 : index
    %get3A_1753 = vector.load %arg7[%get3A_1751, %get3A_1752] : memref<576x8192xf32, #tpu.memory_space<vmem>>, vector<96x128xf32>
    %add3A_1754 = arith.addf %get3A_948, %get3A_1753 : vector<96x128xf32>
    %get3A_1755 = arith.constant 57 : index
    %get3A_1756 = arith.constant 0 : index
    %get3A_1757 = vector.load %arg3[%get3A_1755, %get3A_1756] : memref<64x128xf32, #tpu.memory_space<vmem>>, vector<1x128xf32>
    %add3A_1758 = vector.broadcast %get3A_1757 : vector<1x128xf32> to vector<96x128xf32>
    %add3A_1759 = arith.addf %add3A_1754, %add3A_1758 : vector<96x128xf32>
    %lt3A_1760 = arith.cmpf olt, %add3A_1759, %select_n3A_1747 : vector<96x128xf32>
    %select_n3A_1761 = arith.select %lt3A_1760, %add3A_1759, %select_n3A_1747 : vector<96x128xi1>, vector<96x128xf32>
    %jit3A_1762 = arith.constant 57 : i32
    %broadcast_in_dim3A_1763 = vector.broadcast %jit3A_1762 : i32 to vector<96x128xi32>
    %select_n3A_1764 = arith.select %lt3A_1760, %broadcast_in_dim3A_1763, %select_n3A_1750 : vector<96x128xi1>, vector<96x128xi32>
    %get3A_1765 = arith.constant 96 : index
    %get3A_1766 = arith.constant 7424 : index
    %get3A_1767 = vector.load %arg7[%get3A_1765, %get3A_1766] : memref<576x8192xf32, #tpu.memory_space<vmem>>, vector<96x128xf32>
    %add3A_1768 = arith.addf %get3A_948, %get3A_1767 : vector<96x128xf32>
    %get3A_1769 = arith.constant 58 : index
    %get3A_1770 = arith.constant 0 : index
    %get3A_1771 = vector.load %arg3[%get3A_1769, %get3A_1770] : memref<64x128xf32, #tpu.memory_space<vmem>>, vector<1x128xf32>
    %add3A_1772 = vector.broadcast %get3A_1771 : vector<1x128xf32> to vector<96x128xf32>
    %add3A_1773 = arith.addf %add3A_1768, %add3A_1772 : vector<96x128xf32>
    %lt3A_1774 = arith.cmpf olt, %add3A_1773, %select_n3A_1761 : vector<96x128xf32>
    %select_n3A_1775 = arith.select %lt3A_1774, %add3A_1773, %select_n3A_1761 : vector<96x128xi1>, vector<96x128xf32>
    %jit3A_1776 = arith.constant 58 : i32
    %broadcast_in_dim3A_1777 = vector.broadcast %jit3A_1776 : i32 to vector<96x128xi32>
    %select_n3A_1778 = arith.select %lt3A_1774, %broadcast_in_dim3A_1777, %select_n3A_1764 : vector<96x128xi1>, vector<96x128xi32>
    %get3A_1779 = arith.constant 96 : index
    %get3A_1780 = arith.constant 7552 : index
    %get3A_1781 = vector.load %arg7[%get3A_1779, %get3A_1780] : memref<576x8192xf32, #tpu.memory_space<vmem>>, vector<96x128xf32>
    %add3A_1782 = arith.addf %get3A_948, %get3A_1781 : vector<96x128xf32>
    %get3A_1783 = arith.constant 59 : index
    %get3A_1784 = arith.constant 0 : index
    %get3A_1785 = vector.load %arg3[%get3A_1783, %get3A_1784] : memref<64x128xf32, #tpu.memory_space<vmem>>, vector<1x128xf32>
    %add3A_1786 = vector.broadcast %get3A_1785 : vector<1x128xf32> to vector<96x128xf32>
    %add3A_1787 = arith.addf %add3A_1782, %add3A_1786 : vector<96x128xf32>
    %lt3A_1788 = arith.cmpf olt, %add3A_1787, %select_n3A_1775 : vector<96x128xf32>
    %select_n3A_1789 = arith.select %lt3A_1788, %add3A_1787, %select_n3A_1775 : vector<96x128xi1>, vector<96x128xf32>
    %jit3A_1790 = arith.constant 59 : i32
    %broadcast_in_dim3A_1791 = vector.broadcast %jit3A_1790 : i32 to vector<96x128xi32>
    %select_n3A_1792 = arith.select %lt3A_1788, %broadcast_in_dim3A_1791, %select_n3A_1778 : vector<96x128xi1>, vector<96x128xi32>
    %get3A_1793 = arith.constant 96 : index
    %get3A_1794 = arith.constant 7680 : index
    %get3A_1795 = vector.load %arg7[%get3A_1793, %get3A_1794] : memref<576x8192xf32, #tpu.memory_space<vmem>>, vector<96x128xf32>
    %add3A_1796 = arith.addf %get3A_948, %get3A_1795 : vector<96x128xf32>
    %get3A_1797 = arith.constant 60 : index
    %get3A_1798 = arith.constant 0 : index
    %get3A_1799 = vector.load %arg3[%get3A_1797, %get3A_1798] : memref<64x128xf32, #tpu.memory_space<vmem>>, vector<1x128xf32>
    %add3A_1800 = vector.broadcast %get3A_1799 : vector<1x128xf32> to vector<96x128xf32>
    %add3A_1801 = arith.addf %add3A_1796, %add3A_1800 : vector<96x128xf32>
    %lt3A_1802 = arith.cmpf olt, %add3A_1801, %select_n3A_1789 : vector<96x128xf32>
    %select_n3A_1803 = arith.select %lt3A_1802, %add3A_1801, %select_n3A_1789 : vector<96x128xi1>, vector<96x128xf32>
    %jit3A_1804 = arith.constant 60 : i32
    %broadcast_in_dim3A_1805 = vector.broadcast %jit3A_1804 : i32 to vector<96x128xi32>
    %select_n3A_1806 = arith.select %lt3A_1802, %broadcast_in_dim3A_1805, %select_n3A_1792 : vector<96x128xi1>, vector<96x128xi32>
    %get3A_1807 = arith.constant 96 : index
    %get3A_1808 = arith.constant 7808 : index
    %get3A_1809 = vector.load %arg7[%get3A_1807, %get3A_1808] : memref<576x8192xf32, #tpu.memory_space<vmem>>, vector<96x128xf32>
    %add3A_1810 = arith.addf %get3A_948, %get3A_1809 : vector<96x128xf32>
    %get3A_1811 = arith.constant 61 : index
    %get3A_1812 = arith.constant 0 : index
    %get3A_1813 = vector.load %arg3[%get3A_1811, %get3A_1812] : memref<64x128xf32, #tpu.memory_space<vmem>>, vector<1x128xf32>
    %add3A_1814 = vector.broadcast %get3A_1813 : vector<1x128xf32> to vector<96x128xf32>
    %add3A_1815 = arith.addf %add3A_1810, %add3A_1814 : vector<96x128xf32>
    %lt3A_1816 = arith.cmpf olt, %add3A_1815, %select_n3A_1803 : vector<96x128xf32>
    %select_n3A_1817 = arith.select %lt3A_1816, %add3A_1815, %select_n3A_1803 : vector<96x128xi1>, vector<96x128xf32>
    %jit3A_1818 = arith.constant 61 : i32
    %broadcast_in_dim3A_1819 = vector.broadcast %jit3A_1818 : i32 to vector<96x128xi32>
    %select_n3A_1820 = arith.select %lt3A_1816, %broadcast_in_dim3A_1819, %select_n3A_1806 : vector<96x128xi1>, vector<96x128xi32>
    %get3A_1821 = arith.constant 96 : index
    %get3A_1822 = arith.constant 7936 : index
    %get3A_1823 = vector.load %arg7[%get3A_1821, %get3A_1822] : memref<576x8192xf32, #tpu.memory_space<vmem>>, vector<96x128xf32>
    %add3A_1824 = arith.addf %get3A_948, %get3A_1823 : vector<96x128xf32>
    %get3A_1825 = arith.constant 62 : index
    %get3A_1826 = arith.constant 0 : index
    %get3A_1827 = vector.load %arg3[%get3A_1825, %get3A_1826] : memref<64x128xf32, #tpu.memory_space<vmem>>, vector<1x128xf32>
    %add3A_1828 = vector.broadcast %get3A_1827 : vector<1x128xf32> to vector<96x128xf32>
    %add3A_1829 = arith.addf %add3A_1824, %add3A_1828 : vector<96x128xf32>
    %lt3A_1830 = arith.cmpf olt, %add3A_1829, %select_n3A_1817 : vector<96x128xf32>
    %select_n3A_1831 = arith.select %lt3A_1830, %add3A_1829, %select_n3A_1817 : vector<96x128xi1>, vector<96x128xf32>
    %jit3A_1832 = arith.constant 62 : i32
    %broadcast_in_dim3A_1833 = vector.broadcast %jit3A_1832 : i32 to vector<96x128xi32>
    %select_n3A_1834 = arith.select %lt3A_1830, %broadcast_in_dim3A_1833, %select_n3A_1820 : vector<96x128xi1>, vector<96x128xi32>
    %get3A_1835 = arith.constant 96 : index
    %get3A_1836 = arith.constant 8064 : index
    %get3A_1837 = vector.load %arg7[%get3A_1835, %get3A_1836] : memref<576x8192xf32, #tpu.memory_space<vmem>>, vector<96x128xf32>
    %add3A_1838 = arith.addf %get3A_948, %get3A_1837 : vector<96x128xf32>
    %get3A_1839 = arith.constant 63 : index
    %get3A_1840 = arith.constant 0 : index
    %get3A_1841 = vector.load %arg3[%get3A_1839, %get3A_1840] : memref<64x128xf32, #tpu.memory_space<vmem>>, vector<1x128xf32>
    %add3A_1842 = vector.broadcast %get3A_1841 : vector<1x128xf32> to vector<96x128xf32>
    %add3A_1843 = arith.addf %add3A_1838, %add3A_1842 : vector<96x128xf32>
    %lt3A_1844 = arith.cmpf olt, %add3A_1843, %select_n3A_1831 : vector<96x128xf32>
    %select_n3A_1845 = arith.select %lt3A_1844, %add3A_1843, %select_n3A_1831 : vector<96x128xi1>, vector<96x128xf32>
    %jit3A_1846 = arith.constant 63 : i32
    %broadcast_in_dim3A_1847 = vector.broadcast %jit3A_1846 : i32 to vector<96x128xi32>
    %select_n3A_1848 = arith.select %lt3A_1844, %broadcast_in_dim3A_1847, %select_n3A_1834 : vector<96x128xi1>, vector<96x128xi32>
    %reduce_min3A_1849 = arith.constant dense<0x7F800000> : vector<96xf32>
    %reduce_min3A_1850 = vector.multi_reduction <minimumf>, %select_n3A_1845, %reduce_min3A_1849 [1] : vector<96x128xf32> to vector<96xf32>
    %broadcast_in_dim3A_1851 = vector.shape_cast %reduce_min3A_1850 : vector<96xf32> to vector<96x1xf32>
    %mul3A_1852 = arith.constant 128 : i32
    %mul3A_1853 = vector.broadcast %mul3A_1852 : i32 to vector<96x128xi32>
    %mul3A_1854 = arith.muli %select_n3A_1848, %mul3A_1853 : vector<96x128xi32>
    %add3A_1855 = arith.addi %mul3A_1854, %iota3A : vector<96x128xi32>
    %eq3A_1856 = vector.broadcast %broadcast_in_dim3A_1851 : vector<96x1xf32> to vector<96x128xf32>
    %eq3A_1857 = arith.cmpf oeq, %select_n3A_1845, %eq3A_1856 : vector<96x128xf32>
    %jit3A_1858 = arith.constant 1073741824 : i32
    %broadcast_in_dim3A_1859 = vector.broadcast %jit3A_1858 : i32 to vector<96x128xi32>
    %select_n3A_1860 = arith.select %eq3A_1857, %add3A_1855, %broadcast_in_dim3A_1859 : vector<96x128xi1>, vector<96x128xi32>
    %reduce_min3A_1861 = arith.constant dense<2147483647> : vector<96xi32>
    %reduce_min3A_1862 = vector.multi_reduction <minsi>, %select_n3A_1860, %reduce_min3A_1861 [1] : vector<96x128xi32> to vector<96xi32>
    %broadcast_in_dim3A_1863 = vector.shape_cast %reduce_min3A_1862 : vector<96xi32> to vector<96x1xi32>
    %swap3A_1864 = arith.constant 96 : index
    %swap3A_1865 = arith.constant 0 : index
    %swap3A_1866 = vector.load %arg4[%swap3A_1864, %swap3A_1865] : memref<576x1xi32, #tpu.memory_space<vmem>>, vector<96x1xi32>
    tpu.vector_store %arg4[%swap3A_1864, %swap3A_1865], %broadcast_in_dim3A_1863 {strides = array<i32>} : memref<576x1xi32, #tpu.memory_space<vmem>>, vector<96x1xi32>,
    %reduce_sum3A_1867 = vector.shape_cast %broadcast_in_dim3A_1851 : vector<96x1xf32> to vector<1x96x1xf32>
    %reduce_sum3A_1868 = arith.constant dense<0.000000e+00> : vector<1xf32>
    %reduce_sum3A_1869 = vector.multi_reduction <add>, %reduce_sum3A_1867, %reduce_sum3A_1868 [1, 2] : vector<1x96x1xf32> to vector<1xf32>
    %reduce_sum3A_1870 = vector.shape_cast %reduce_sum3A_1869 : vector<1xf32> to vector<1x1x1xf32>
    %reduce_sum3A_1871 = vector.extract %reduce_sum3A_1870[0, 0, 0] : f32 from vector<1x1x1xf32>
    %broadcast_in_dim3A_1872 = vector.broadcast %reduce_sum3A_1871 : f32 to vector<1x1xf32>
    %add3A_1873 = arith.addf %add3A_945, %broadcast_in_dim3A_1872 : vector<1x1xf32>
    %get3A_1874 = arith.constant 192 : index
    %get3A_1875 = arith.constant 0 : index
    %get3A_1876 = vector.load %arg8[%get3A_1874, %get3A_1875] : memref<576x128xf32, #tpu.memory_space<vmem>>, vector<96x128xf32>
    %broadcast_in_dim3A_1877 = arith.constant 0x7F800000 : f32
    %broadcast_in_dim3A_1878 = vector.broadcast %broadcast_in_dim3A_1877 : f32 to vector<96x128xf32>
    %broadcast_in_dim3A_1879 = arith.constant 0 : i32
    %broadcast_in_dim3A_1880 = vector.broadcast %broadcast_in_dim3A_1879 : i32 to vector<96x128xi32>
    %get3A_1881 = arith.constant 192 : index
    %get3A_1882 = arith.constant 0 : index
    %get3A_1883 = vector.load %arg7[%get3A_1881, %get3A_1882] : memref<576x8192xf32, #tpu.memory_space<vmem>>, vector<96x128xf32>
    %add3A_1884 = arith.addf %get3A_1876, %get3A_1883 : vector<96x128xf32>
    %get3A_1885 = arith.constant 0 : index
    %get3A_1886 = arith.constant 0 : index
    %get3A_1887 = vector.load %arg3[%get3A_1885, %get3A_1886] : memref<64x128xf32, #tpu.memory_space<vmem>>, vector<1x128xf32>
    %add3A_1888 = vector.broadcast %get3A_1887 : vector<1x128xf32> to vector<96x128xf32>
    %add3A_1889 = arith.addf %add3A_1884, %add3A_1888 : vector<96x128xf32>
    %lt3A_1890 = arith.cmpf olt, %add3A_1889, %broadcast_in_dim3A_1878 : vector<96x128xf32>
    %select_n3A_1891 = arith.select %lt3A_1890, %add3A_1889, %broadcast_in_dim3A_1878 : vector<96x128xi1>, vector<96x128xf32>
    %jit3A_1892 = arith.constant 0 : i32
    %broadcast_in_dim3A_1893 = vector.broadcast %jit3A_1892 : i32 to vector<96x128xi32>
    %select_n3A_1894 = arith.select %lt3A_1890, %broadcast_in_dim3A_1893, %broadcast_in_dim3A_1880 : vector<96x128xi1>, vector<96x128xi32>
    %get3A_1895 = arith.constant 192 : index
    %get3A_1896 = arith.constant 128 : index
    %get3A_1897 = vector.load %arg7[%get3A_1895, %get3A_1896] : memref<576x8192xf32, #tpu.memory_space<vmem>>, vector<96x128xf32>
    %add3A_1898 = arith.addf %get3A_1876, %get3A_1897 : vector<96x128xf32>
    %get3A_1899 = arith.constant 1 : index
    %get3A_1900 = arith.constant 0 : index
    %get3A_1901 = vector.load %arg3[%get3A_1899, %get3A_1900] : memref<64x128xf32, #tpu.memory_space<vmem>>, vector<1x128xf32>
    %add3A_1902 = vector.broadcast %get3A_1901 : vector<1x128xf32> to vector<96x128xf32>
    %add3A_1903 = arith.addf %add3A_1898, %add3A_1902 : vector<96x128xf32>
    %lt3A_1904 = arith.cmpf olt, %add3A_1903, %select_n3A_1891 : vector<96x128xf32>
    %select_n3A_1905 = arith.select %lt3A_1904, %add3A_1903, %select_n3A_1891 : vector<96x128xi1>, vector<96x128xf32>
    %jit3A_1906 = arith.constant 1 : i32
    %broadcast_in_dim3A_1907 = vector.broadcast %jit3A_1906 : i32 to vector<96x128xi32>
    %select_n3A_1908 = arith.select %lt3A_1904, %broadcast_in_dim3A_1907, %select_n3A_1894 : vector<96x128xi1>, vector<96x128xi32>
    %get3A_1909 = arith.constant 192 : index
    %get3A_1910 = arith.constant 256 : index
    %get3A_1911 = vector.load %arg7[%get3A_1909, %get3A_1910] : memref<576x8192xf32, #tpu.memory_space<vmem>>, vector<96x128xf32>
    %add3A_1912 = arith.addf %get3A_1876, %get3A_1911 : vector<96x128xf32>
    %get3A_1913 = arith.constant 2 : index
    %get3A_1914 = arith.constant 0 : index
    %get3A_1915 = vector.load %arg3[%get3A_1913, %get3A_1914] : memref<64x128xf32, #tpu.memory_space<vmem>>, vector<1x128xf32>
    %add3A_1916 = vector.broadcast %get3A_1915 : vector<1x128xf32> to vector<96x128xf32>
    %add3A_1917 = arith.addf %add3A_1912, %add3A_1916 : vector<96x128xf32>
    %lt3A_1918 = arith.cmpf olt, %add3A_1917, %select_n3A_1905 : vector<96x128xf32>
    %select_n3A_1919 = arith.select %lt3A_1918, %add3A_1917, %select_n3A_1905 : vector<96x128xi1>, vector<96x128xf32>
    %jit3A_1920 = arith.constant 2 : i32
    %broadcast_in_dim3A_1921 = vector.broadcast %jit3A_1920 : i32 to vector<96x128xi32>
    %select_n3A_1922 = arith.select %lt3A_1918, %broadcast_in_dim3A_1921, %select_n3A_1908 : vector<96x128xi1>, vector<96x128xi32>
    %get3A_1923 = arith.constant 192 : index
    %get3A_1924 = arith.constant 384 : index
    %get3A_1925 = vector.load %arg7[%get3A_1923, %get3A_1924] : memref<576x8192xf32, #tpu.memory_space<vmem>>, vector<96x128xf32>
    %add3A_1926 = arith.addf %get3A_1876, %get3A_1925 : vector<96x128xf32>
    %get3A_1927 = arith.constant 3 : index
    %get3A_1928 = arith.constant 0 : index
    %get3A_1929 = vector.load %arg3[%get3A_1927, %get3A_1928] : memref<64x128xf32, #tpu.memory_space<vmem>>, vector<1x128xf32>
    %add3A_1930 = vector.broadcast %get3A_1929 : vector<1x128xf32> to vector<96x128xf32>
    %add3A_1931 = arith.addf %add3A_1926, %add3A_1930 : vector<96x128xf32>
    %lt3A_1932 = arith.cmpf olt, %add3A_1931, %select_n3A_1919 : vector<96x128xf32>
    %select_n3A_1933 = arith.select %lt3A_1932, %add3A_1931, %select_n3A_1919 : vector<96x128xi1>, vector<96x128xf32>
    %jit3A_1934 = arith.constant 3 : i32
    %broadcast_in_dim3A_1935 = vector.broadcast %jit3A_1934 : i32 to vector<96x128xi32>
    %select_n3A_1936 = arith.select %lt3A_1932, %broadcast_in_dim3A_1935, %select_n3A_1922 : vector<96x128xi1>, vector<96x128xi32>
    %get3A_1937 = arith.constant 192 : index
    %get3A_1938 = arith.constant 512 : index
    %get3A_1939 = vector.load %arg7[%get3A_1937, %get3A_1938] : memref<576x8192xf32, #tpu.memory_space<vmem>>, vector<96x128xf32>
    %add3A_1940 = arith.addf %get3A_1876, %get3A_1939 : vector<96x128xf32>
    %get3A_1941 = arith.constant 4 : index
    %get3A_1942 = arith.constant 0 : index
    %get3A_1943 = vector.load %arg3[%get3A_1941, %get3A_1942] : memref<64x128xf32, #tpu.memory_space<vmem>>, vector<1x128xf32>
    %add3A_1944 = vector.broadcast %get3A_1943 : vector<1x128xf32> to vector<96x128xf32>
    %add3A_1945 = arith.addf %add3A_1940, %add3A_1944 : vector<96x128xf32>
    %lt3A_1946 = arith.cmpf olt, %add3A_1945, %select_n3A_1933 : vector<96x128xf32>
    %select_n3A_1947 = arith.select %lt3A_1946, %add3A_1945, %select_n3A_1933 : vector<96x128xi1>, vector<96x128xf32>
    %jit3A_1948 = arith.constant 4 : i32
    %broadcast_in_dim3A_1949 = vector.broadcast %jit3A_1948 : i32 to vector<96x128xi32>
    %select_n3A_1950 = arith.select %lt3A_1946, %broadcast_in_dim3A_1949, %select_n3A_1936 : vector<96x128xi1>, vector<96x128xi32>
    %get3A_1951 = arith.constant 192 : index
    %get3A_1952 = arith.constant 640 : index
    %get3A_1953 = vector.load %arg7[%get3A_1951, %get3A_1952] : memref<576x8192xf32, #tpu.memory_space<vmem>>, vector<96x128xf32>
    %add3A_1954 = arith.addf %get3A_1876, %get3A_1953 : vector<96x128xf32>
    %get3A_1955 = arith.constant 5 : index
    %get3A_1956 = arith.constant 0 : index
    %get3A_1957 = vector.load %arg3[%get3A_1955, %get3A_1956] : memref<64x128xf32, #tpu.memory_space<vmem>>, vector<1x128xf32>
    %add3A_1958 = vector.broadcast %get3A_1957 : vector<1x128xf32> to vector<96x128xf32>
    %add3A_1959 = arith.addf %add3A_1954, %add3A_1958 : vector<96x128xf32>
    %lt3A_1960 = arith.cmpf olt, %add3A_1959, %select_n3A_1947 : vector<96x128xf32>
    %select_n3A_1961 = arith.select %lt3A_1960, %add3A_1959, %select_n3A_1947 : vector<96x128xi1>, vector<96x128xf32>
    %jit3A_1962 = arith.constant 5 : i32
    %broadcast_in_dim3A_1963 = vector.broadcast %jit3A_1962 : i32 to vector<96x128xi32>
    %select_n3A_1964 = arith.select %lt3A_1960, %broadcast_in_dim3A_1963, %select_n3A_1950 : vector<96x128xi1>, vector<96x128xi32>
    %get3A_1965 = arith.constant 192 : index
    %get3A_1966 = arith.constant 768 : index
    %get3A_1967 = vector.load %arg7[%get3A_1965, %get3A_1966] : memref<576x8192xf32, #tpu.memory_space<vmem>>, vector<96x128xf32>
    %add3A_1968 = arith.addf %get3A_1876, %get3A_1967 : vector<96x128xf32>
    %get3A_1969 = arith.constant 6 : index
    %get3A_1970 = arith.constant 0 : index
    %get3A_1971 = vector.load %arg3[%get3A_1969, %get3A_1970] : memref<64x128xf32, #tpu.memory_space<vmem>>, vector<1x128xf32>
    %add3A_1972 = vector.broadcast %get3A_1971 : vector<1x128xf32> to vector<96x128xf32>
    %add3A_1973 = arith.addf %add3A_1968, %add3A_1972 : vector<96x128xf32>
    %lt3A_1974 = arith.cmpf olt, %add3A_1973, %select_n3A_1961 : vector<96x128xf32>
    %select_n3A_1975 = arith.select %lt3A_1974, %add3A_1973, %select_n3A_1961 : vector<96x128xi1>, vector<96x128xf32>
    %jit3A_1976 = arith.constant 6 : i32
    %broadcast_in_dim3A_1977 = vector.broadcast %jit3A_1976 : i32 to vector<96x128xi32>
    %select_n3A_1978 = arith.select %lt3A_1974, %broadcast_in_dim3A_1977, %select_n3A_1964 : vector<96x128xi1>, vector<96x128xi32>
    %get3A_1979 = arith.constant 192 : index
    %get3A_1980 = arith.constant 896 : index
    %get3A_1981 = vector.load %arg7[%get3A_1979, %get3A_1980] : memref<576x8192xf32, #tpu.memory_space<vmem>>, vector<96x128xf32>
    %add3A_1982 = arith.addf %get3A_1876, %get3A_1981 : vector<96x128xf32>
    %get3A_1983 = arith.constant 7 : index
    %get3A_1984 = arith.constant 0 : index
    %get3A_1985 = vector.load %arg3[%get3A_1983, %get3A_1984] : memref<64x128xf32, #tpu.memory_space<vmem>>, vector<1x128xf32>
    %add3A_1986 = vector.broadcast %get3A_1985 : vector<1x128xf32> to vector<96x128xf32>
    %add3A_1987 = arith.addf %add3A_1982, %add3A_1986 : vector<96x128xf32>
    %lt3A_1988 = arith.cmpf olt, %add3A_1987, %select_n3A_1975 : vector<96x128xf32>
    %select_n3A_1989 = arith.select %lt3A_1988, %add3A_1987, %select_n3A_1975 : vector<96x128xi1>, vector<96x128xf32>
    %jit3A_1990 = arith.constant 7 : i32
    %broadcast_in_dim3A_1991 = vector.broadcast %jit3A_1990 : i32 to vector<96x128xi32>
    %select_n3A_1992 = arith.select %lt3A_1988, %broadcast_in_dim3A_1991, %select_n3A_1978 : vector<96x128xi1>, vector<96x128xi32>
    %get3A_1993 = arith.constant 192 : index
    %get3A_1994 = arith.constant 1024 : index
    %get3A_1995 = vector.load %arg7[%get3A_1993, %get3A_1994] : memref<576x8192xf32, #tpu.memory_space<vmem>>, vector<96x128xf32>
    %add3A_1996 = arith.addf %get3A_1876, %get3A_1995 : vector<96x128xf32>
    %get3A_1997 = arith.constant 8 : index
    %get3A_1998 = arith.constant 0 : index
    %get3A_1999 = vector.load %arg3[%get3A_1997, %get3A_1998] : memref<64x128xf32, #tpu.memory_space<vmem>>, vector<1x128xf32>
    %add3A_2000 = vector.broadcast %get3A_1999 : vector<1x128xf32> to vector<96x128xf32>
    %add3A_2001 = arith.addf %add3A_1996, %add3A_2000 : vector<96x128xf32>
    %lt3A_2002 = arith.cmpf olt, %add3A_2001, %select_n3A_1989 : vector<96x128xf32>
    %select_n3A_2003 = arith.select %lt3A_2002, %add3A_2001, %select_n3A_1989 : vector<96x128xi1>, vector<96x128xf32>
    %jit3A_2004 = arith.constant 8 : i32
    %broadcast_in_dim3A_2005 = vector.broadcast %jit3A_2004 : i32 to vector<96x128xi32>
    %select_n3A_2006 = arith.select %lt3A_2002, %broadcast_in_dim3A_2005, %select_n3A_1992 : vector<96x128xi1>, vector<96x128xi32>
    %get3A_2007 = arith.constant 192 : index
    %get3A_2008 = arith.constant 1152 : index
    %get3A_2009 = vector.load %arg7[%get3A_2007, %get3A_2008] : memref<576x8192xf32, #tpu.memory_space<vmem>>, vector<96x128xf32>
    %add3A_2010 = arith.addf %get3A_1876, %get3A_2009 : vector<96x128xf32>
    %get3A_2011 = arith.constant 9 : index
    %get3A_2012 = arith.constant 0 : index
    %get3A_2013 = vector.load %arg3[%get3A_2011, %get3A_2012] : memref<64x128xf32, #tpu.memory_space<vmem>>, vector<1x128xf32>
    %add3A_2014 = vector.broadcast %get3A_2013 : vector<1x128xf32> to vector<96x128xf32>
    %add3A_2015 = arith.addf %add3A_2010, %add3A_2014 : vector<96x128xf32>
    %lt3A_2016 = arith.cmpf olt, %add3A_2015, %select_n3A_2003 : vector<96x128xf32>
    %select_n3A_2017 = arith.select %lt3A_2016, %add3A_2015, %select_n3A_2003 : vector<96x128xi1>, vector<96x128xf32>
    %jit3A_2018 = arith.constant 9 : i32
    %broadcast_in_dim3A_2019 = vector.broadcast %jit3A_2018 : i32 to vector<96x128xi32>
    %select_n3A_2020 = arith.select %lt3A_2016, %broadcast_in_dim3A_2019, %select_n3A_2006 : vector<96x128xi1>, vector<96x128xi32>
    %get3A_2021 = arith.constant 192 : index
    %get3A_2022 = arith.constant 1280 : index
    %get3A_2023 = vector.load %arg7[%get3A_2021, %get3A_2022] : memref<576x8192xf32, #tpu.memory_space<vmem>>, vector<96x128xf32>
    %add3A_2024 = arith.addf %get3A_1876, %get3A_2023 : vector<96x128xf32>
    %get3A_2025 = arith.constant 10 : index
    %get3A_2026 = arith.constant 0 : index
    %get3A_2027 = vector.load %arg3[%get3A_2025, %get3A_2026] : memref<64x128xf32, #tpu.memory_space<vmem>>, vector<1x128xf32>
    %add3A_2028 = vector.broadcast %get3A_2027 : vector<1x128xf32> to vector<96x128xf32>
    %add3A_2029 = arith.addf %add3A_2024, %add3A_2028 : vector<96x128xf32>
    %lt3A_2030 = arith.cmpf olt, %add3A_2029, %select_n3A_2017 : vector<96x128xf32>
    %select_n3A_2031 = arith.select %lt3A_2030, %add3A_2029, %select_n3A_2017 : vector<96x128xi1>, vector<96x128xf32>
    %jit3A_2032 = arith.constant 10 : i32
    %broadcast_in_dim3A_2033 = vector.broadcast %jit3A_2032 : i32 to vector<96x128xi32>
    %select_n3A_2034 = arith.select %lt3A_2030, %broadcast_in_dim3A_2033, %select_n3A_2020 : vector<96x128xi1>, vector<96x128xi32>
    %get3A_2035 = arith.constant 192 : index
    %get3A_2036 = arith.constant 1408 : index
    %get3A_2037 = vector.load %arg7[%get3A_2035, %get3A_2036] : memref<576x8192xf32, #tpu.memory_space<vmem>>, vector<96x128xf32>
    %add3A_2038 = arith.addf %get3A_1876, %get3A_2037 : vector<96x128xf32>
    %get3A_2039 = arith.constant 11 : index
    %get3A_2040 = arith.constant 0 : index
    %get3A_2041 = vector.load %arg3[%get3A_2039, %get3A_2040] : memref<64x128xf32, #tpu.memory_space<vmem>>, vector<1x128xf32>
    %add3A_2042 = vector.broadcast %get3A_2041 : vector<1x128xf32> to vector<96x128xf32>
    %add3A_2043 = arith.addf %add3A_2038, %add3A_2042 : vector<96x128xf32>
    %lt3A_2044 = arith.cmpf olt, %add3A_2043, %select_n3A_2031 : vector<96x128xf32>
    %select_n3A_2045 = arith.select %lt3A_2044, %add3A_2043, %select_n3A_2031 : vector<96x128xi1>, vector<96x128xf32>
    %jit3A_2046 = arith.constant 11 : i32
    %broadcast_in_dim3A_2047 = vector.broadcast %jit3A_2046 : i32 to vector<96x128xi32>
    %select_n3A_2048 = arith.select %lt3A_2044, %broadcast_in_dim3A_2047, %select_n3A_2034 : vector<96x128xi1>, vector<96x128xi32>
    %get3A_2049 = arith.constant 192 : index
    %get3A_2050 = arith.constant 1536 : index
    %get3A_2051 = vector.load %arg7[%get3A_2049, %get3A_2050] : memref<576x8192xf32, #tpu.memory_space<vmem>>, vector<96x128xf32>
    %add3A_2052 = arith.addf %get3A_1876, %get3A_2051 : vector<96x128xf32>
    %get3A_2053 = arith.constant 12 : index
    %get3A_2054 = arith.constant 0 : index
    %get3A_2055 = vector.load %arg3[%get3A_2053, %get3A_2054] : memref<64x128xf32, #tpu.memory_space<vmem>>, vector<1x128xf32>
    %add3A_2056 = vector.broadcast %get3A_2055 : vector<1x128xf32> to vector<96x128xf32>
    %add3A_2057 = arith.addf %add3A_2052, %add3A_2056 : vector<96x128xf32>
    %lt3A_2058 = arith.cmpf olt, %add3A_2057, %select_n3A_2045 : vector<96x128xf32>
    %select_n3A_2059 = arith.select %lt3A_2058, %add3A_2057, %select_n3A_2045 : vector<96x128xi1>, vector<96x128xf32>
    %jit3A_2060 = arith.constant 12 : i32
    %broadcast_in_dim3A_2061 = vector.broadcast %jit3A_2060 : i32 to vector<96x128xi32>
    %select_n3A_2062 = arith.select %lt3A_2058, %broadcast_in_dim3A_2061, %select_n3A_2048 : vector<96x128xi1>, vector<96x128xi32>
    %get3A_2063 = arith.constant 192 : index
    %get3A_2064 = arith.constant 1664 : index
    %get3A_2065 = vector.load %arg7[%get3A_2063, %get3A_2064] : memref<576x8192xf32, #tpu.memory_space<vmem>>, vector<96x128xf32>
    %add3A_2066 = arith.addf %get3A_1876, %get3A_2065 : vector<96x128xf32>
    %get3A_2067 = arith.constant 13 : index
    %get3A_2068 = arith.constant 0 : index
    %get3A_2069 = vector.load %arg3[%get3A_2067, %get3A_2068] : memref<64x128xf32, #tpu.memory_space<vmem>>, vector<1x128xf32>
    %add3A_2070 = vector.broadcast %get3A_2069 : vector<1x128xf32> to vector<96x128xf32>
    %add3A_2071 = arith.addf %add3A_2066, %add3A_2070 : vector<96x128xf32>
    %lt3A_2072 = arith.cmpf olt, %add3A_2071, %select_n3A_2059 : vector<96x128xf32>
    %select_n3A_2073 = arith.select %lt3A_2072, %add3A_2071, %select_n3A_2059 : vector<96x128xi1>, vector<96x128xf32>
    %jit3A_2074 = arith.constant 13 : i32
    %broadcast_in_dim3A_2075 = vector.broadcast %jit3A_2074 : i32 to vector<96x128xi32>
    %select_n3A_2076 = arith.select %lt3A_2072, %broadcast_in_dim3A_2075, %select_n3A_2062 : vector<96x128xi1>, vector<96x128xi32>
    %get3A_2077 = arith.constant 192 : index
    %get3A_2078 = arith.constant 1792 : index
    %get3A_2079 = vector.load %arg7[%get3A_2077, %get3A_2078] : memref<576x8192xf32, #tpu.memory_space<vmem>>, vector<96x128xf32>
    %add3A_2080 = arith.addf %get3A_1876, %get3A_2079 : vector<96x128xf32>
    %get3A_2081 = arith.constant 14 : index
    %get3A_2082 = arith.constant 0 : index
    %get3A_2083 = vector.load %arg3[%get3A_2081, %get3A_2082] : memref<64x128xf32, #tpu.memory_space<vmem>>, vector<1x128xf32>
    %add3A_2084 = vector.broadcast %get3A_2083 : vector<1x128xf32> to vector<96x128xf32>
    %add3A_2085 = arith.addf %add3A_2080, %add3A_2084 : vector<96x128xf32>
    %lt3A_2086 = arith.cmpf olt, %add3A_2085, %select_n3A_2073 : vector<96x128xf32>
    %select_n3A_2087 = arith.select %lt3A_2086, %add3A_2085, %select_n3A_2073 : vector<96x128xi1>, vector<96x128xf32>
    %jit3A_2088 = arith.constant 14 : i32
    %broadcast_in_dim3A_2089 = vector.broadcast %jit3A_2088 : i32 to vector<96x128xi32>
    %select_n3A_2090 = arith.select %lt3A_2086, %broadcast_in_dim3A_2089, %select_n3A_2076 : vector<96x128xi1>, vector<96x128xi32>
    %get3A_2091 = arith.constant 192 : index
    %get3A_2092 = arith.constant 1920 : index
    %get3A_2093 = vector.load %arg7[%get3A_2091, %get3A_2092] : memref<576x8192xf32, #tpu.memory_space<vmem>>, vector<96x128xf32>
    %add3A_2094 = arith.addf %get3A_1876, %get3A_2093 : vector<96x128xf32>
    %get3A_2095 = arith.constant 15 : index
    %get3A_2096 = arith.constant 0 : index
    %get3A_2097 = vector.load %arg3[%get3A_2095, %get3A_2096] : memref<64x128xf32, #tpu.memory_space<vmem>>, vector<1x128xf32>
    %add3A_2098 = vector.broadcast %get3A_2097 : vector<1x128xf32> to vector<96x128xf32>
    %add3A_2099 = arith.addf %add3A_2094, %add3A_2098 : vector<96x128xf32>
    %lt3A_2100 = arith.cmpf olt, %add3A_2099, %select_n3A_2087 : vector<96x128xf32>
    %select_n3A_2101 = arith.select %lt3A_2100, %add3A_2099, %select_n3A_2087 : vector<96x128xi1>, vector<96x128xf32>
    %jit3A_2102 = arith.constant 15 : i32
    %broadcast_in_dim3A_2103 = vector.broadcast %jit3A_2102 : i32 to vector<96x128xi32>
    %select_n3A_2104 = arith.select %lt3A_2100, %broadcast_in_dim3A_2103, %select_n3A_2090 : vector<96x128xi1>, vector<96x128xi32>
    %get3A_2105 = arith.constant 192 : index
    %get3A_2106 = arith.constant 2048 : index
    %get3A_2107 = vector.load %arg7[%get3A_2105, %get3A_2106] : memref<576x8192xf32, #tpu.memory_space<vmem>>, vector<96x128xf32>
    %add3A_2108 = arith.addf %get3A_1876, %get3A_2107 : vector<96x128xf32>
    %get3A_2109 = arith.constant 16 : index
    %get3A_2110 = arith.constant 0 : index
    %get3A_2111 = vector.load %arg3[%get3A_2109, %get3A_2110] : memref<64x128xf32, #tpu.memory_space<vmem>>, vector<1x128xf32>
    %add3A_2112 = vector.broadcast %get3A_2111 : vector<1x128xf32> to vector<96x128xf32>
    %add3A_2113 = arith.addf %add3A_2108, %add3A_2112 : vector<96x128xf32>
    %lt3A_2114 = arith.cmpf olt, %add3A_2113, %select_n3A_2101 : vector<96x128xf32>
    %select_n3A_2115 = arith.select %lt3A_2114, %add3A_2113, %select_n3A_2101 : vector<96x128xi1>, vector<96x128xf32>
    %jit3A_2116 = arith.constant 16 : i32
    %broadcast_in_dim3A_2117 = vector.broadcast %jit3A_2116 : i32 to vector<96x128xi32>
    %select_n3A_2118 = arith.select %lt3A_2114, %broadcast_in_dim3A_2117, %select_n3A_2104 : vector<96x128xi1>, vector<96x128xi32>
    %get3A_2119 = arith.constant 192 : index
    %get3A_2120 = arith.constant 2176 : index
    %get3A_2121 = vector.load %arg7[%get3A_2119, %get3A_2120] : memref<576x8192xf32, #tpu.memory_space<vmem>>, vector<96x128xf32>
    %add3A_2122 = arith.addf %get3A_1876, %get3A_2121 : vector<96x128xf32>
    %get3A_2123 = arith.constant 17 : index
    %get3A_2124 = arith.constant 0 : index
    %get3A_2125 = vector.load %arg3[%get3A_2123, %get3A_2124] : memref<64x128xf32, #tpu.memory_space<vmem>>, vector<1x128xf32>
    %add3A_2126 = vector.broadcast %get3A_2125 : vector<1x128xf32> to vector<96x128xf32>
    %add3A_2127 = arith.addf %add3A_2122, %add3A_2126 : vector<96x128xf32>
    %lt3A_2128 = arith.cmpf olt, %add3A_2127, %select_n3A_2115 : vector<96x128xf32>
    %select_n3A_2129 = arith.select %lt3A_2128, %add3A_2127, %select_n3A_2115 : vector<96x128xi1>, vector<96x128xf32>
    %jit3A_2130 = arith.constant 17 : i32
    %broadcast_in_dim3A_2131 = vector.broadcast %jit3A_2130 : i32 to vector<96x128xi32>
    %select_n3A_2132 = arith.select %lt3A_2128, %broadcast_in_dim3A_2131, %select_n3A_2118 : vector<96x128xi1>, vector<96x128xi32>
    %get3A_2133 = arith.constant 192 : index
    %get3A_2134 = arith.constant 2304 : index
    %get3A_2135 = vector.load %arg7[%get3A_2133, %get3A_2134] : memref<576x8192xf32, #tpu.memory_space<vmem>>, vector<96x128xf32>
    %add3A_2136 = arith.addf %get3A_1876, %get3A_2135 : vector<96x128xf32>
    %get3A_2137 = arith.constant 18 : index
    %get3A_2138 = arith.constant 0 : index
    %get3A_2139 = vector.load %arg3[%get3A_2137, %get3A_2138] : memref<64x128xf32, #tpu.memory_space<vmem>>, vector<1x128xf32>
    %add3A_2140 = vector.broadcast %get3A_2139 : vector<1x128xf32> to vector<96x128xf32>
    %add3A_2141 = arith.addf %add3A_2136, %add3A_2140 : vector<96x128xf32>
    %lt3A_2142 = arith.cmpf olt, %add3A_2141, %select_n3A_2129 : vector<96x128xf32>
    %select_n3A_2143 = arith.select %lt3A_2142, %add3A_2141, %select_n3A_2129 : vector<96x128xi1>, vector<96x128xf32>
    %jit3A_2144 = arith.constant 18 : i32
    %broadcast_in_dim3A_2145 = vector.broadcast %jit3A_2144 : i32 to vector<96x128xi32>
    %select_n3A_2146 = arith.select %lt3A_2142, %broadcast_in_dim3A_2145, %select_n3A_2132 : vector<96x128xi1>, vector<96x128xi32>
    %get3A_2147 = arith.constant 192 : index
    %get3A_2148 = arith.constant 2432 : index
    %get3A_2149 = vector.load %arg7[%get3A_2147, %get3A_2148] : memref<576x8192xf32, #tpu.memory_space<vmem>>, vector<96x128xf32>
    %add3A_2150 = arith.addf %get3A_1876, %get3A_2149 : vector<96x128xf32>
    %get3A_2151 = arith.constant 19 : index
    %get3A_2152 = arith.constant 0 : index
    %get3A_2153 = vector.load %arg3[%get3A_2151, %get3A_2152] : memref<64x128xf32, #tpu.memory_space<vmem>>, vector<1x128xf32>
    %add3A_2154 = vector.broadcast %get3A_2153 : vector<1x128xf32> to vector<96x128xf32>
    %add3A_2155 = arith.addf %add3A_2150, %add3A_2154 : vector<96x128xf32>
    %lt3A_2156 = arith.cmpf olt, %add3A_2155, %select_n3A_2143 : vector<96x128xf32>
    %select_n3A_2157 = arith.select %lt3A_2156, %add3A_2155, %select_n3A_2143 : vector<96x128xi1>, vector<96x128xf32>
    %jit3A_2158 = arith.constant 19 : i32
    %broadcast_in_dim3A_2159 = vector.broadcast %jit3A_2158 : i32 to vector<96x128xi32>
    %select_n3A_2160 = arith.select %lt3A_2156, %broadcast_in_dim3A_2159, %select_n3A_2146 : vector<96x128xi1>, vector<96x128xi32>
    %get3A_2161 = arith.constant 192 : index
    %get3A_2162 = arith.constant 2560 : index
    %get3A_2163 = vector.load %arg7[%get3A_2161, %get3A_2162] : memref<576x8192xf32, #tpu.memory_space<vmem>>, vector<96x128xf32>
    %add3A_2164 = arith.addf %get3A_1876, %get3A_2163 : vector<96x128xf32>
    %get3A_2165 = arith.constant 20 : index
    %get3A_2166 = arith.constant 0 : index
    %get3A_2167 = vector.load %arg3[%get3A_2165, %get3A_2166] : memref<64x128xf32, #tpu.memory_space<vmem>>, vector<1x128xf32>
    %add3A_2168 = vector.broadcast %get3A_2167 : vector<1x128xf32> to vector<96x128xf32>
    %add3A_2169 = arith.addf %add3A_2164, %add3A_2168 : vector<96x128xf32>
    %lt3A_2170 = arith.cmpf olt, %add3A_2169, %select_n3A_2157 : vector<96x128xf32>
    %select_n3A_2171 = arith.select %lt3A_2170, %add3A_2169, %select_n3A_2157 : vector<96x128xi1>, vector<96x128xf32>
    %jit3A_2172 = arith.constant 20 : i32
    %broadcast_in_dim3A_2173 = vector.broadcast %jit3A_2172 : i32 to vector<96x128xi32>
    %select_n3A_2174 = arith.select %lt3A_2170, %broadcast_in_dim3A_2173, %select_n3A_2160 : vector<96x128xi1>, vector<96x128xi32>
    %get3A_2175 = arith.constant 192 : index
    %get3A_2176 = arith.constant 2688 : index
    %get3A_2177 = vector.load %arg7[%get3A_2175, %get3A_2176] : memref<576x8192xf32, #tpu.memory_space<vmem>>, vector<96x128xf32>
    %add3A_2178 = arith.addf %get3A_1876, %get3A_2177 : vector<96x128xf32>
    %get3A_2179 = arith.constant 21 : index
    %get3A_2180 = arith.constant 0 : index
    %get3A_2181 = vector.load %arg3[%get3A_2179, %get3A_2180] : memref<64x128xf32, #tpu.memory_space<vmem>>, vector<1x128xf32>
    %add3A_2182 = vector.broadcast %get3A_2181 : vector<1x128xf32> to vector<96x128xf32>
    %add3A_2183 = arith.addf %add3A_2178, %add3A_2182 : vector<96x128xf32>
    %lt3A_2184 = arith.cmpf olt, %add3A_2183, %select_n3A_2171 : vector<96x128xf32>
    %select_n3A_2185 = arith.select %lt3A_2184, %add3A_2183, %select_n3A_2171 : vector<96x128xi1>, vector<96x128xf32>
    %jit3A_2186 = arith.constant 21 : i32
    %broadcast_in_dim3A_2187 = vector.broadcast %jit3A_2186 : i32 to vector<96x128xi32>
    %select_n3A_2188 = arith.select %lt3A_2184, %broadcast_in_dim3A_2187, %select_n3A_2174 : vector<96x128xi1>, vector<96x128xi32>
    %get3A_2189 = arith.constant 192 : index
    %get3A_2190 = arith.constant 2816 : index
    %get3A_2191 = vector.load %arg7[%get3A_2189, %get3A_2190] : memref<576x8192xf32, #tpu.memory_space<vmem>>, vector<96x128xf32>
    %add3A_2192 = arith.addf %get3A_1876, %get3A_2191 : vector<96x128xf32>
    %get3A_2193 = arith.constant 22 : index
    %get3A_2194 = arith.constant 0 : index
    %get3A_2195 = vector.load %arg3[%get3A_2193, %get3A_2194] : memref<64x128xf32, #tpu.memory_space<vmem>>, vector<1x128xf32>
    %add3A_2196 = vector.broadcast %get3A_2195 : vector<1x128xf32> to vector<96x128xf32>
    %add3A_2197 = arith.addf %add3A_2192, %add3A_2196 : vector<96x128xf32>
    %lt3A_2198 = arith.cmpf olt, %add3A_2197, %select_n3A_2185 : vector<96x128xf32>
    %select_n3A_2199 = arith.select %lt3A_2198, %add3A_2197, %select_n3A_2185 : vector<96x128xi1>, vector<96x128xf32>
    %jit3A_2200 = arith.constant 22 : i32
    %broadcast_in_dim3A_2201 = vector.broadcast %jit3A_2200 : i32 to vector<96x128xi32>
    %select_n3A_2202 = arith.select %lt3A_2198, %broadcast_in_dim3A_2201, %select_n3A_2188 : vector<96x128xi1>, vector<96x128xi32>
    %get3A_2203 = arith.constant 192 : index
    %get3A_2204 = arith.constant 2944 : index
    %get3A_2205 = vector.load %arg7[%get3A_2203, %get3A_2204] : memref<576x8192xf32, #tpu.memory_space<vmem>>, vector<96x128xf32>
    %add3A_2206 = arith.addf %get3A_1876, %get3A_2205 : vector<96x128xf32>
    %get3A_2207 = arith.constant 23 : index
    %get3A_2208 = arith.constant 0 : index
    %get3A_2209 = vector.load %arg3[%get3A_2207, %get3A_2208] : memref<64x128xf32, #tpu.memory_space<vmem>>, vector<1x128xf32>
    %add3A_2210 = vector.broadcast %get3A_2209 : vector<1x128xf32> to vector<96x128xf32>
    %add3A_2211 = arith.addf %add3A_2206, %add3A_2210 : vector<96x128xf32>
    %lt3A_2212 = arith.cmpf olt, %add3A_2211, %select_n3A_2199 : vector<96x128xf32>
    %select_n3A_2213 = arith.select %lt3A_2212, %add3A_2211, %select_n3A_2199 : vector<96x128xi1>, vector<96x128xf32>
    %jit3A_2214 = arith.constant 23 : i32
    %broadcast_in_dim3A_2215 = vector.broadcast %jit3A_2214 : i32 to vector<96x128xi32>
    %select_n3A_2216 = arith.select %lt3A_2212, %broadcast_in_dim3A_2215, %select_n3A_2202 : vector<96x128xi1>, vector<96x128xi32>
    %get3A_2217 = arith.constant 192 : index
    %get3A_2218 = arith.constant 3072 : index
    %get3A_2219 = vector.load %arg7[%get3A_2217, %get3A_2218] : memref<576x8192xf32, #tpu.memory_space<vmem>>, vector<96x128xf32>
    %add3A_2220 = arith.addf %get3A_1876, %get3A_2219 : vector<96x128xf32>
    %get3A_2221 = arith.constant 24 : index
    %get3A_2222 = arith.constant 0 : index
    %get3A_2223 = vector.load %arg3[%get3A_2221, %get3A_2222] : memref<64x128xf32, #tpu.memory_space<vmem>>, vector<1x128xf32>
    %add3A_2224 = vector.broadcast %get3A_2223 : vector<1x128xf32> to vector<96x128xf32>
    %add3A_2225 = arith.addf %add3A_2220, %add3A_2224 : vector<96x128xf32>
    %lt3A_2226 = arith.cmpf olt, %add3A_2225, %select_n3A_2213 : vector<96x128xf32>
    %select_n3A_2227 = arith.select %lt3A_2226, %add3A_2225, %select_n3A_2213 : vector<96x128xi1>, vector<96x128xf32>
    %jit3A_2228 = arith.constant 24 : i32
    %broadcast_in_dim3A_2229 = vector.broadcast %jit3A_2228 : i32 to vector<96x128xi32>
    %select_n3A_2230 = arith.select %lt3A_2226, %broadcast_in_dim3A_2229, %select_n3A_2216 : vector<96x128xi1>, vector<96x128xi32>
    %get3A_2231 = arith.constant 192 : index
    %get3A_2232 = arith.constant 3200 : index
    %get3A_2233 = vector.load %arg7[%get3A_2231, %get3A_2232] : memref<576x8192xf32, #tpu.memory_space<vmem>>, vector<96x128xf32>
    %add3A_2234 = arith.addf %get3A_1876, %get3A_2233 : vector<96x128xf32>
    %get3A_2235 = arith.constant 25 : index
    %get3A_2236 = arith.constant 0 : index
    %get3A_2237 = vector.load %arg3[%get3A_2235, %get3A_2236] : memref<64x128xf32, #tpu.memory_space<vmem>>, vector<1x128xf32>
    %add3A_2238 = vector.broadcast %get3A_2237 : vector<1x128xf32> to vector<96x128xf32>
    %add3A_2239 = arith.addf %add3A_2234, %add3A_2238 : vector<96x128xf32>
    %lt3A_2240 = arith.cmpf olt, %add3A_2239, %select_n3A_2227 : vector<96x128xf32>
    %select_n3A_2241 = arith.select %lt3A_2240, %add3A_2239, %select_n3A_2227 : vector<96x128xi1>, vector<96x128xf32>
    %jit3A_2242 = arith.constant 25 : i32
    %broadcast_in_dim3A_2243 = vector.broadcast %jit3A_2242 : i32 to vector<96x128xi32>
    %select_n3A_2244 = arith.select %lt3A_2240, %broadcast_in_dim3A_2243, %select_n3A_2230 : vector<96x128xi1>, vector<96x128xi32>
    %get3A_2245 = arith.constant 192 : index
    %get3A_2246 = arith.constant 3328 : index
    %get3A_2247 = vector.load %arg7[%get3A_2245, %get3A_2246] : memref<576x8192xf32, #tpu.memory_space<vmem>>, vector<96x128xf32>
    %add3A_2248 = arith.addf %get3A_1876, %get3A_2247 : vector<96x128xf32>
    %get3A_2249 = arith.constant 26 : index
    %get3A_2250 = arith.constant 0 : index
    %get3A_2251 = vector.load %arg3[%get3A_2249, %get3A_2250] : memref<64x128xf32, #tpu.memory_space<vmem>>, vector<1x128xf32>
    %add3A_2252 = vector.broadcast %get3A_2251 : vector<1x128xf32> to vector<96x128xf32>
    %add3A_2253 = arith.addf %add3A_2248, %add3A_2252 : vector<96x128xf32>
    %lt3A_2254 = arith.cmpf olt, %add3A_2253, %select_n3A_2241 : vector<96x128xf32>
    %select_n3A_2255 = arith.select %lt3A_2254, %add3A_2253, %select_n3A_2241 : vector<96x128xi1>, vector<96x128xf32>
    %jit3A_2256 = arith.constant 26 : i32
    %broadcast_in_dim3A_2257 = vector.broadcast %jit3A_2256 : i32 to vector<96x128xi32>
    %select_n3A_2258 = arith.select %lt3A_2254, %broadcast_in_dim3A_2257, %select_n3A_2244 : vector<96x128xi1>, vector<96x128xi32>
    %get3A_2259 = arith.constant 192 : index
    %get3A_2260 = arith.constant 3456 : index
    %get3A_2261 = vector.load %arg7[%get3A_2259, %get3A_2260] : memref<576x8192xf32, #tpu.memory_space<vmem>>, vector<96x128xf32>
    %add3A_2262 = arith.addf %get3A_1876, %get3A_2261 : vector<96x128xf32>
    %get3A_2263 = arith.constant 27 : index
    %get3A_2264 = arith.constant 0 : index
    %get3A_2265 = vector.load %arg3[%get3A_2263, %get3A_2264] : memref<64x128xf32, #tpu.memory_space<vmem>>, vector<1x128xf32>
    %add3A_2266 = vector.broadcast %get3A_2265 : vector<1x128xf32> to vector<96x128xf32>
    %add3A_2267 = arith.addf %add3A_2262, %add3A_2266 : vector<96x128xf32>
    %lt3A_2268 = arith.cmpf olt, %add3A_2267, %select_n3A_2255 : vector<96x128xf32>
    %select_n3A_2269 = arith.select %lt3A_2268, %add3A_2267, %select_n3A_2255 : vector<96x128xi1>, vector<96x128xf32>
    %jit3A_2270 = arith.constant 27 : i32
    %broadcast_in_dim3A_2271 = vector.broadcast %jit3A_2270 : i32 to vector<96x128xi32>
    %select_n3A_2272 = arith.select %lt3A_2268, %broadcast_in_dim3A_2271, %select_n3A_2258 : vector<96x128xi1>, vector<96x128xi32>
    %get3A_2273 = arith.constant 192 : index
    %get3A_2274 = arith.constant 3584 : index
    %get3A_2275 = vector.load %arg7[%get3A_2273, %get3A_2274] : memref<576x8192xf32, #tpu.memory_space<vmem>>, vector<96x128xf32>
    %add3A_2276 = arith.addf %get3A_1876, %get3A_2275 : vector<96x128xf32>
    %get3A_2277 = arith.constant 28 : index
    %get3A_2278 = arith.constant 0 : index
    %get3A_2279 = vector.load %arg3[%get3A_2277, %get3A_2278] : memref<64x128xf32, #tpu.memory_space<vmem>>, vector<1x128xf32>
    %add3A_2280 = vector.broadcast %get3A_2279 : vector<1x128xf32> to vector<96x128xf32>
    %add3A_2281 = arith.addf %add3A_2276, %add3A_2280 : vector<96x128xf32>
    %lt3A_2282 = arith.cmpf olt, %add3A_2281, %select_n3A_2269 : vector<96x128xf32>
    %select_n3A_2283 = arith.select %lt3A_2282, %add3A_2281, %select_n3A_2269 : vector<96x128xi1>, vector<96x128xf32>
    %jit3A_2284 = arith.constant 28 : i32
    %broadcast_in_dim3A_2285 = vector.broadcast %jit3A_2284 : i32 to vector<96x128xi32>
    %select_n3A_2286 = arith.select %lt3A_2282, %broadcast_in_dim3A_2285, %select_n3A_2272 : vector<96x128xi1>, vector<96x128xi32>
    %get3A_2287 = arith.constant 192 : index
    %get3A_2288 = arith.constant 3712 : index
    %get3A_2289 = vector.load %arg7[%get3A_2287, %get3A_2288] : memref<576x8192xf32, #tpu.memory_space<vmem>>, vector<96x128xf32>
    %add3A_2290 = arith.addf %get3A_1876, %get3A_2289 : vector<96x128xf32>
    %get3A_2291 = arith.constant 29 : index
    %get3A_2292 = arith.constant 0 : index
    %get3A_2293 = vector.load %arg3[%get3A_2291, %get3A_2292] : memref<64x128xf32, #tpu.memory_space<vmem>>, vector<1x128xf32>
    %add3A_2294 = vector.broadcast %get3A_2293 : vector<1x128xf32> to vector<96x128xf32>
    %add3A_2295 = arith.addf %add3A_2290, %add3A_2294 : vector<96x128xf32>
    %lt3A_2296 = arith.cmpf olt, %add3A_2295, %select_n3A_2283 : vector<96x128xf32>
    %select_n3A_2297 = arith.select %lt3A_2296, %add3A_2295, %select_n3A_2283 : vector<96x128xi1>, vector<96x128xf32>
    %jit3A_2298 = arith.constant 29 : i32
    %broadcast_in_dim3A_2299 = vector.broadcast %jit3A_2298 : i32 to vector<96x128xi32>
    %select_n3A_2300 = arith.select %lt3A_2296, %broadcast_in_dim3A_2299, %select_n3A_2286 : vector<96x128xi1>, vector<96x128xi32>
    %get3A_2301 = arith.constant 192 : index
    %get3A_2302 = arith.constant 3840 : index
    %get3A_2303 = vector.load %arg7[%get3A_2301, %get3A_2302] : memref<576x8192xf32, #tpu.memory_space<vmem>>, vector<96x128xf32>
    %add3A_2304 = arith.addf %get3A_1876, %get3A_2303 : vector<96x128xf32>
    %get3A_2305 = arith.constant 30 : index
    %get3A_2306 = arith.constant 0 : index
    %get3A_2307 = vector.load %arg3[%get3A_2305, %get3A_2306] : memref<64x128xf32, #tpu.memory_space<vmem>>, vector<1x128xf32>
    %add3A_2308 = vector.broadcast %get3A_2307 : vector<1x128xf32> to vector<96x128xf32>
    %add3A_2309 = arith.addf %add3A_2304, %add3A_2308 : vector<96x128xf32>
    %lt3A_2310 = arith.cmpf olt, %add3A_2309, %select_n3A_2297 : vector<96x128xf32>
    %select_n3A_2311 = arith.select %lt3A_2310, %add3A_2309, %select_n3A_2297 : vector<96x128xi1>, vector<96x128xf32>
    %jit3A_2312 = arith.constant 30 : i32
    %broadcast_in_dim3A_2313 = vector.broadcast %jit3A_2312 : i32 to vector<96x128xi32>
    %select_n3A_2314 = arith.select %lt3A_2310, %broadcast_in_dim3A_2313, %select_n3A_2300 : vector<96x128xi1>, vector<96x128xi32>
    %get3A_2315 = arith.constant 192 : index
    %get3A_2316 = arith.constant 3968 : index
    %get3A_2317 = vector.load %arg7[%get3A_2315, %get3A_2316] : memref<576x8192xf32, #tpu.memory_space<vmem>>, vector<96x128xf32>
    %add3A_2318 = arith.addf %get3A_1876, %get3A_2317 : vector<96x128xf32>
    %get3A_2319 = arith.constant 31 : index
    %get3A_2320 = arith.constant 0 : index
    %get3A_2321 = vector.load %arg3[%get3A_2319, %get3A_2320] : memref<64x128xf32, #tpu.memory_space<vmem>>, vector<1x128xf32>
    %add3A_2322 = vector.broadcast %get3A_2321 : vector<1x128xf32> to vector<96x128xf32>
    %add3A_2323 = arith.addf %add3A_2318, %add3A_2322 : vector<96x128xf32>
    %lt3A_2324 = arith.cmpf olt, %add3A_2323, %select_n3A_2311 : vector<96x128xf32>
    %select_n3A_2325 = arith.select %lt3A_2324, %add3A_2323, %select_n3A_2311 : vector<96x128xi1>, vector<96x128xf32>
    %jit3A_2326 = arith.constant 31 : i32
    %broadcast_in_dim3A_2327 = vector.broadcast %jit3A_2326 : i32 to vector<96x128xi32>
    %select_n3A_2328 = arith.select %lt3A_2324, %broadcast_in_dim3A_2327, %select_n3A_2314 : vector<96x128xi1>, vector<96x128xi32>
    %get3A_2329 = arith.constant 192 : index
    %get3A_2330 = arith.constant 4096 : index
    %get3A_2331 = vector.load %arg7[%get3A_2329, %get3A_2330] : memref<576x8192xf32, #tpu.memory_space<vmem>>, vector<96x128xf32>
    %add3A_2332 = arith.addf %get3A_1876, %get3A_2331 : vector<96x128xf32>
    %get3A_2333 = arith.constant 32 : index
    %get3A_2334 = arith.constant 0 : index
    %get3A_2335 = vector.load %arg3[%get3A_2333, %get3A_2334] : memref<64x128xf32, #tpu.memory_space<vmem>>, vector<1x128xf32>
    %add3A_2336 = vector.broadcast %get3A_2335 : vector<1x128xf32> to vector<96x128xf32>
    %add3A_2337 = arith.addf %add3A_2332, %add3A_2336 : vector<96x128xf32>
    %lt3A_2338 = arith.cmpf olt, %add3A_2337, %select_n3A_2325 : vector<96x128xf32>
    %select_n3A_2339 = arith.select %lt3A_2338, %add3A_2337, %select_n3A_2325 : vector<96x128xi1>, vector<96x128xf32>
    %jit3A_2340 = arith.constant 32 : i32
    %broadcast_in_dim3A_2341 = vector.broadcast %jit3A_2340 : i32 to vector<96x128xi32>
    %select_n3A_2342 = arith.select %lt3A_2338, %broadcast_in_dim3A_2341, %select_n3A_2328 : vector<96x128xi1>, vector<96x128xi32>
    %get3A_2343 = arith.constant 192 : index
    %get3A_2344 = arith.constant 4224 : index
    %get3A_2345 = vector.load %arg7[%get3A_2343, %get3A_2344] : memref<576x8192xf32, #tpu.memory_space<vmem>>, vector<96x128xf32>
    %add3A_2346 = arith.addf %get3A_1876, %get3A_2345 : vector<96x128xf32>
    %get3A_2347 = arith.constant 33 : index
    %get3A_2348 = arith.constant 0 : index
    %get3A_2349 = vector.load %arg3[%get3A_2347, %get3A_2348] : memref<64x128xf32, #tpu.memory_space<vmem>>, vector<1x128xf32>
    %add3A_2350 = vector.broadcast %get3A_2349 : vector<1x128xf32> to vector<96x128xf32>
    %add3A_2351 = arith.addf %add3A_2346, %add3A_2350 : vector<96x128xf32>
    %lt3A_2352 = arith.cmpf olt, %add3A_2351, %select_n3A_2339 : vector<96x128xf32>
    %select_n3A_2353 = arith.select %lt3A_2352, %add3A_2351, %select_n3A_2339 : vector<96x128xi1>, vector<96x128xf32>
    %jit3A_2354 = arith.constant 33 : i32
    %broadcast_in_dim3A_2355 = vector.broadcast %jit3A_2354 : i32 to vector<96x128xi32>
    %select_n3A_2356 = arith.select %lt3A_2352, %broadcast_in_dim3A_2355, %select_n3A_2342 : vector<96x128xi1>, vector<96x128xi32>
    %get3A_2357 = arith.constant 192 : index
    %get3A_2358 = arith.constant 4352 : index
    %get3A_2359 = vector.load %arg7[%get3A_2357, %get3A_2358] : memref<576x8192xf32, #tpu.memory_space<vmem>>, vector<96x128xf32>
    %add3A_2360 = arith.addf %get3A_1876, %get3A_2359 : vector<96x128xf32>
    %get3A_2361 = arith.constant 34 : index
    %get3A_2362 = arith.constant 0 : index
    %get3A_2363 = vector.load %arg3[%get3A_2361, %get3A_2362] : memref<64x128xf32, #tpu.memory_space<vmem>>, vector<1x128xf32>
    %add3A_2364 = vector.broadcast %get3A_2363 : vector<1x128xf32> to vector<96x128xf32>
    %add3A_2365 = arith.addf %add3A_2360, %add3A_2364 : vector<96x128xf32>
    %lt3A_2366 = arith.cmpf olt, %add3A_2365, %select_n3A_2353 : vector<96x128xf32>
    %select_n3A_2367 = arith.select %lt3A_2366, %add3A_2365, %select_n3A_2353 : vector<96x128xi1>, vector<96x128xf32>
    %jit3A_2368 = arith.constant 34 : i32
    %broadcast_in_dim3A_2369 = vector.broadcast %jit3A_2368 : i32 to vector<96x128xi32>
    %select_n3A_2370 = arith.select %lt3A_2366, %broadcast_in_dim3A_2369, %select_n3A_2356 : vector<96x128xi1>, vector<96x128xi32>
    %get3A_2371 = arith.constant 192 : index
    %get3A_2372 = arith.constant 4480 : index
    %get3A_2373 = vector.load %arg7[%get3A_2371, %get3A_2372] : memref<576x8192xf32, #tpu.memory_space<vmem>>, vector<96x128xf32>
    %add3A_2374 = arith.addf %get3A_1876, %get3A_2373 : vector<96x128xf32>
    %get3A_2375 = arith.constant 35 : index
    %get3A_2376 = arith.constant 0 : index
    %get3A_2377 = vector.load %arg3[%get3A_2375, %get3A_2376] : memref<64x128xf32, #tpu.memory_space<vmem>>, vector<1x128xf32>
    %add3A_2378 = vector.broadcast %get3A_2377 : vector<1x128xf32> to vector<96x128xf32>
    %add3A_2379 = arith.addf %add3A_2374, %add3A_2378 : vector<96x128xf32>
    %lt3A_2380 = arith.cmpf olt, %add3A_2379, %select_n3A_2367 : vector<96x128xf32>
    %select_n3A_2381 = arith.select %lt3A_2380, %add3A_2379, %select_n3A_2367 : vector<96x128xi1>, vector<96x128xf32>
    %jit3A_2382 = arith.constant 35 : i32
    %broadcast_in_dim3A_2383 = vector.broadcast %jit3A_2382 : i32 to vector<96x128xi32>
    %select_n3A_2384 = arith.select %lt3A_2380, %broadcast_in_dim3A_2383, %select_n3A_2370 : vector<96x128xi1>, vector<96x128xi32>
    %get3A_2385 = arith.constant 192 : index
    %get3A_2386 = arith.constant 4608 : index
    %get3A_2387 = vector.load %arg7[%get3A_2385, %get3A_2386] : memref<576x8192xf32, #tpu.memory_space<vmem>>, vector<96x128xf32>
    %add3A_2388 = arith.addf %get3A_1876, %get3A_2387 : vector<96x128xf32>
    %get3A_2389 = arith.constant 36 : index
    %get3A_2390 = arith.constant 0 : index
    %get3A_2391 = vector.load %arg3[%get3A_2389, %get3A_2390] : memref<64x128xf32, #tpu.memory_space<vmem>>, vector<1x128xf32>
    %add3A_2392 = vector.broadcast %get3A_2391 : vector<1x128xf32> to vector<96x128xf32>
    %add3A_2393 = arith.addf %add3A_2388, %add3A_2392 : vector<96x128xf32>
    %lt3A_2394 = arith.cmpf olt, %add3A_2393, %select_n3A_2381 : vector<96x128xf32>
    %select_n3A_2395 = arith.select %lt3A_2394, %add3A_2393, %select_n3A_2381 : vector<96x128xi1>, vector<96x128xf32>
    %jit3A_2396 = arith.constant 36 : i32
    %broadcast_in_dim3A_2397 = vector.broadcast %jit3A_2396 : i32 to vector<96x128xi32>
    %select_n3A_2398 = arith.select %lt3A_2394, %broadcast_in_dim3A_2397, %select_n3A_2384 : vector<96x128xi1>, vector<96x128xi32>
    %get3A_2399 = arith.constant 192 : index
    %get3A_2400 = arith.constant 4736 : index
    %get3A_2401 = vector.load %arg7[%get3A_2399, %get3A_2400] : memref<576x8192xf32, #tpu.memory_space<vmem>>, vector<96x128xf32>
    %add3A_2402 = arith.addf %get3A_1876, %get3A_2401 : vector<96x128xf32>
    %get3A_2403 = arith.constant 37 : index
    %get3A_2404 = arith.constant 0 : index
    %get3A_2405 = vector.load %arg3[%get3A_2403, %get3A_2404] : memref<64x128xf32, #tpu.memory_space<vmem>>, vector<1x128xf32>
    %add3A_2406 = vector.broadcast %get3A_2405 : vector<1x128xf32> to vector<96x128xf32>
    %add3A_2407 = arith.addf %add3A_2402, %add3A_2406 : vector<96x128xf32>
    %lt3A_2408 = arith.cmpf olt, %add3A_2407, %select_n3A_2395 : vector<96x128xf32>
    %select_n3A_2409 = arith.select %lt3A_2408, %add3A_2407, %select_n3A_2395 : vector<96x128xi1>, vector<96x128xf32>
    %jit3A_2410 = arith.constant 37 : i32
    %broadcast_in_dim3A_2411 = vector.broadcast %jit3A_2410 : i32 to vector<96x128xi32>
    %select_n3A_2412 = arith.select %lt3A_2408, %broadcast_in_dim3A_2411, %select_n3A_2398 : vector<96x128xi1>, vector<96x128xi32>
    %get3A_2413 = arith.constant 192 : index
    %get3A_2414 = arith.constant 4864 : index
    %get3A_2415 = vector.load %arg7[%get3A_2413, %get3A_2414] : memref<576x8192xf32, #tpu.memory_space<vmem>>, vector<96x128xf32>
    %add3A_2416 = arith.addf %get3A_1876, %get3A_2415 : vector<96x128xf32>
    %get3A_2417 = arith.constant 38 : index
    %get3A_2418 = arith.constant 0 : index
    %get3A_2419 = vector.load %arg3[%get3A_2417, %get3A_2418] : memref<64x128xf32, #tpu.memory_space<vmem>>, vector<1x128xf32>
    %add3A_2420 = vector.broadcast %get3A_2419 : vector<1x128xf32> to vector<96x128xf32>
    %add3A_2421 = arith.addf %add3A_2416, %add3A_2420 : vector<96x128xf32>
    %lt3A_2422 = arith.cmpf olt, %add3A_2421, %select_n3A_2409 : vector<96x128xf32>
    %select_n3A_2423 = arith.select %lt3A_2422, %add3A_2421, %select_n3A_2409 : vector<96x128xi1>, vector<96x128xf32>
    %jit3A_2424 = arith.constant 38 : i32
    %broadcast_in_dim3A_2425 = vector.broadcast %jit3A_2424 : i32 to vector<96x128xi32>
    %select_n3A_2426 = arith.select %lt3A_2422, %broadcast_in_dim3A_2425, %select_n3A_2412 : vector<96x128xi1>, vector<96x128xi32>
    %get3A_2427 = arith.constant 192 : index
    %get3A_2428 = arith.constant 4992 : index
    %get3A_2429 = vector.load %arg7[%get3A_2427, %get3A_2428] : memref<576x8192xf32, #tpu.memory_space<vmem>>, vector<96x128xf32>
    %add3A_2430 = arith.addf %get3A_1876, %get3A_2429 : vector<96x128xf32>
    %get3A_2431 = arith.constant 39 : index
    %get3A_2432 = arith.constant 0 : index
    %get3A_2433 = vector.load %arg3[%get3A_2431, %get3A_2432] : memref<64x128xf32, #tpu.memory_space<vmem>>, vector<1x128xf32>
    %add3A_2434 = vector.broadcast %get3A_2433 : vector<1x128xf32> to vector<96x128xf32>
    %add3A_2435 = arith.addf %add3A_2430, %add3A_2434 : vector<96x128xf32>
    %lt3A_2436 = arith.cmpf olt, %add3A_2435, %select_n3A_2423 : vector<96x128xf32>
    %select_n3A_2437 = arith.select %lt3A_2436, %add3A_2435, %select_n3A_2423 : vector<96x128xi1>, vector<96x128xf32>
    %jit3A_2438 = arith.constant 39 : i32
    %broadcast_in_dim3A_2439 = vector.broadcast %jit3A_2438 : i32 to vector<96x128xi32>
    %select_n3A_2440 = arith.select %lt3A_2436, %broadcast_in_dim3A_2439, %select_n3A_2426 : vector<96x128xi1>, vector<96x128xi32>
    %get3A_2441 = arith.constant 192 : index
    %get3A_2442 = arith.constant 5120 : index
    %get3A_2443 = vector.load %arg7[%get3A_2441, %get3A_2442] : memref<576x8192xf32, #tpu.memory_space<vmem>>, vector<96x128xf32>
    %add3A_2444 = arith.addf %get3A_1876, %get3A_2443 : vector<96x128xf32>
    %get3A_2445 = arith.constant 40 : index
    %get3A_2446 = arith.constant 0 : index
    %get3A_2447 = vector.load %arg3[%get3A_2445, %get3A_2446] : memref<64x128xf32, #tpu.memory_space<vmem>>, vector<1x128xf32>
    %add3A_2448 = vector.broadcast %get3A_2447 : vector<1x128xf32> to vector<96x128xf32>
    %add3A_2449 = arith.addf %add3A_2444, %add3A_2448 : vector<96x128xf32>
    %lt3A_2450 = arith.cmpf olt, %add3A_2449, %select_n3A_2437 : vector<96x128xf32>
    %select_n3A_2451 = arith.select %lt3A_2450, %add3A_2449, %select_n3A_2437 : vector<96x128xi1>, vector<96x128xf32>
    %jit3A_2452 = arith.constant 40 : i32
    %broadcast_in_dim3A_2453 = vector.broadcast %jit3A_2452 : i32 to vector<96x128xi32>
    %select_n3A_2454 = arith.select %lt3A_2450, %broadcast_in_dim3A_2453, %select_n3A_2440 : vector<96x128xi1>, vector<96x128xi32>
    %get3A_2455 = arith.constant 192 : index
    %get3A_2456 = arith.constant 5248 : index
    %get3A_2457 = vector.load %arg7[%get3A_2455, %get3A_2456] : memref<576x8192xf32, #tpu.memory_space<vmem>>, vector<96x128xf32>
    %add3A_2458 = arith.addf %get3A_1876, %get3A_2457 : vector<96x128xf32>
    %get3A_2459 = arith.constant 41 : index
    %get3A_2460 = arith.constant 0 : index
    %get3A_2461 = vector.load %arg3[%get3A_2459, %get3A_2460] : memref<64x128xf32, #tpu.memory_space<vmem>>, vector<1x128xf32>
    %add3A_2462 = vector.broadcast %get3A_2461 : vector<1x128xf32> to vector<96x128xf32>
    %add3A_2463 = arith.addf %add3A_2458, %add3A_2462 : vector<96x128xf32>
    %lt3A_2464 = arith.cmpf olt, %add3A_2463, %select_n3A_2451 : vector<96x128xf32>
    %select_n3A_2465 = arith.select %lt3A_2464, %add3A_2463, %select_n3A_2451 : vector<96x128xi1>, vector<96x128xf32>
    %jit3A_2466 = arith.constant 41 : i32
    %broadcast_in_dim3A_2467 = vector.broadcast %jit3A_2466 : i32 to vector<96x128xi32>
    %select_n3A_2468 = arith.select %lt3A_2464, %broadcast_in_dim3A_2467, %select_n3A_2454 : vector<96x128xi1>, vector<96x128xi32>
    %get3A_2469 = arith.constant 192 : index
    %get3A_2470 = arith.constant 5376 : index
    %get3A_2471 = vector.load %arg7[%get3A_2469, %get3A_2470] : memref<576x8192xf32, #tpu.memory_space<vmem>>, vector<96x128xf32>
    %add3A_2472 = arith.addf %get3A_1876, %get3A_2471 : vector<96x128xf32>
    %get3A_2473 = arith.constant 42 : index
    %get3A_2474 = arith.constant 0 : index
    %get3A_2475 = vector.load %arg3[%get3A_2473, %get3A_2474] : memref<64x128xf32, #tpu.memory_space<vmem>>, vector<1x128xf32>
    %add3A_2476 = vector.broadcast %get3A_2475 : vector<1x128xf32> to vector<96x128xf32>
    %add3A_2477 = arith.addf %add3A_2472, %add3A_2476 : vector<96x128xf32>
    %lt3A_2478 = arith.cmpf olt, %add3A_2477, %select_n3A_2465 : vector<96x128xf32>
    %select_n3A_2479 = arith.select %lt3A_2478, %add3A_2477, %select_n3A_2465 : vector<96x128xi1>, vector<96x128xf32>
    %jit3A_2480 = arith.constant 42 : i32
    %broadcast_in_dim3A_2481 = vector.broadcast %jit3A_2480 : i32 to vector<96x128xi32>
    %select_n3A_2482 = arith.select %lt3A_2478, %broadcast_in_dim3A_2481, %select_n3A_2468 : vector<96x128xi1>, vector<96x128xi32>
    %get3A_2483 = arith.constant 192 : index
    %get3A_2484 = arith.constant 5504 : index
    %get3A_2485 = vector.load %arg7[%get3A_2483, %get3A_2484] : memref<576x8192xf32, #tpu.memory_space<vmem>>, vector<96x128xf32>
    %add3A_2486 = arith.addf %get3A_1876, %get3A_2485 : vector<96x128xf32>
    %get3A_2487 = arith.constant 43 : index
    %get3A_2488 = arith.constant 0 : index
    %get3A_2489 = vector.load %arg3[%get3A_2487, %get3A_2488] : memref<64x128xf32, #tpu.memory_space<vmem>>, vector<1x128xf32>
    %add3A_2490 = vector.broadcast %get3A_2489 : vector<1x128xf32> to vector<96x128xf32>
    %add3A_2491 = arith.addf %add3A_2486, %add3A_2490 : vector<96x128xf32>
    %lt3A_2492 = arith.cmpf olt, %add3A_2491, %select_n3A_2479 : vector<96x128xf32>
    %select_n3A_2493 = arith.select %lt3A_2492, %add3A_2491, %select_n3A_2479 : vector<96x128xi1>, vector<96x128xf32>
    %jit3A_2494 = arith.constant 43 : i32
    %broadcast_in_dim3A_2495 = vector.broadcast %jit3A_2494 : i32 to vector<96x128xi32>
    %select_n3A_2496 = arith.select %lt3A_2492, %broadcast_in_dim3A_2495, %select_n3A_2482 : vector<96x128xi1>, vector<96x128xi32>
    %get3A_2497 = arith.constant 192 : index
    %get3A_2498 = arith.constant 5632 : index
    %get3A_2499 = vector.load %arg7[%get3A_2497, %get3A_2498] : memref<576x8192xf32, #tpu.memory_space<vmem>>, vector<96x128xf32>
    %add3A_2500 = arith.addf %get3A_1876, %get3A_2499 : vector<96x128xf32>
    %get3A_2501 = arith.constant 44 : index
    %get3A_2502 = arith.constant 0 : index
    %get3A_2503 = vector.load %arg3[%get3A_2501, %get3A_2502] : memref<64x128xf32, #tpu.memory_space<vmem>>, vector<1x128xf32>
    %add3A_2504 = vector.broadcast %get3A_2503 : vector<1x128xf32> to vector<96x128xf32>
    %add3A_2505 = arith.addf %add3A_2500, %add3A_2504 : vector<96x128xf32>
    %lt3A_2506 = arith.cmpf olt, %add3A_2505, %select_n3A_2493 : vector<96x128xf32>
    %select_n3A_2507 = arith.select %lt3A_2506, %add3A_2505, %select_n3A_2493 : vector<96x128xi1>, vector<96x128xf32>
    %jit3A_2508 = arith.constant 44 : i32
    %broadcast_in_dim3A_2509 = vector.broadcast %jit3A_2508 : i32 to vector<96x128xi32>
    %select_n3A_2510 = arith.select %lt3A_2506, %broadcast_in_dim3A_2509, %select_n3A_2496 : vector<96x128xi1>, vector<96x128xi32>
    %get3A_2511 = arith.constant 192 : index
    %get3A_2512 = arith.constant 5760 : index
    %get3A_2513 = vector.load %arg7[%get3A_2511, %get3A_2512] : memref<576x8192xf32, #tpu.memory_space<vmem>>, vector<96x128xf32>
    %add3A_2514 = arith.addf %get3A_1876, %get3A_2513 : vector<96x128xf32>
    %get3A_2515 = arith.constant 45 : index
    %get3A_2516 = arith.constant 0 : index
    %get3A_2517 = vector.load %arg3[%get3A_2515, %get3A_2516] : memref<64x128xf32, #tpu.memory_space<vmem>>, vector<1x128xf32>
    %add3A_2518 = vector.broadcast %get3A_2517 : vector<1x128xf32> to vector<96x128xf32>
    %add3A_2519 = arith.addf %add3A_2514, %add3A_2518 : vector<96x128xf32>
    %lt3A_2520 = arith.cmpf olt, %add3A_2519, %select_n3A_2507 : vector<96x128xf32>
    %select_n3A_2521 = arith.select %lt3A_2520, %add3A_2519, %select_n3A_2507 : vector<96x128xi1>, vector<96x128xf32>
    %jit3A_2522 = arith.constant 45 : i32
    %broadcast_in_dim3A_2523 = vector.broadcast %jit3A_2522 : i32 to vector<96x128xi32>
    %select_n3A_2524 = arith.select %lt3A_2520, %broadcast_in_dim3A_2523, %select_n3A_2510 : vector<96x128xi1>, vector<96x128xi32>
    %get3A_2525 = arith.constant 192 : index
    %get3A_2526 = arith.constant 5888 : index
    %get3A_2527 = vector.load %arg7[%get3A_2525, %get3A_2526] : memref<576x8192xf32, #tpu.memory_space<vmem>>, vector<96x128xf32>
    %add3A_2528 = arith.addf %get3A_1876, %get3A_2527 : vector<96x128xf32>
    %get3A_2529 = arith.constant 46 : index
    %get3A_2530 = arith.constant 0 : index
    %get3A_2531 = vector.load %arg3[%get3A_2529, %get3A_2530] : memref<64x128xf32, #tpu.memory_space<vmem>>, vector<1x128xf32>
    %add3A_2532 = vector.broadcast %get3A_2531 : vector<1x128xf32> to vector<96x128xf32>
    %add3A_2533 = arith.addf %add3A_2528, %add3A_2532 : vector<96x128xf32>
    %lt3A_2534 = arith.cmpf olt, %add3A_2533, %select_n3A_2521 : vector<96x128xf32>
    %select_n3A_2535 = arith.select %lt3A_2534, %add3A_2533, %select_n3A_2521 : vector<96x128xi1>, vector<96x128xf32>
    %jit3A_2536 = arith.constant 46 : i32
    %broadcast_in_dim3A_2537 = vector.broadcast %jit3A_2536 : i32 to vector<96x128xi32>
    %select_n3A_2538 = arith.select %lt3A_2534, %broadcast_in_dim3A_2537, %select_n3A_2524 : vector<96x128xi1>, vector<96x128xi32>
    %get3A_2539 = arith.constant 192 : index
    %get3A_2540 = arith.constant 6016 : index
    %get3A_2541 = vector.load %arg7[%get3A_2539, %get3A_2540] : memref<576x8192xf32, #tpu.memory_space<vmem>>, vector<96x128xf32>
    %add3A_2542 = arith.addf %get3A_1876, %get3A_2541 : vector<96x128xf32>
    %get3A_2543 = arith.constant 47 : index
    %get3A_2544 = arith.constant 0 : index
    %get3A_2545 = vector.load %arg3[%get3A_2543, %get3A_2544] : memref<64x128xf32, #tpu.memory_space<vmem>>, vector<1x128xf32>
    %add3A_2546 = vector.broadcast %get3A_2545 : vector<1x128xf32> to vector<96x128xf32>
    %add3A_2547 = arith.addf %add3A_2542, %add3A_2546 : vector<96x128xf32>
    %lt3A_2548 = arith.cmpf olt, %add3A_2547, %select_n3A_2535 : vector<96x128xf32>
    %select_n3A_2549 = arith.select %lt3A_2548, %add3A_2547, %select_n3A_2535 : vector<96x128xi1>, vector<96x128xf32>
    %jit3A_2550 = arith.constant 47 : i32
    %broadcast_in_dim3A_2551 = vector.broadcast %jit3A_2550 : i32 to vector<96x128xi32>
    %select_n3A_2552 = arith.select %lt3A_2548, %broadcast_in_dim3A_2551, %select_n3A_2538 : vector<96x128xi1>, vector<96x128xi32>
    %get3A_2553 = arith.constant 192 : index
    %get3A_2554 = arith.constant 6144 : index
    %get3A_2555 = vector.load %arg7[%get3A_2553, %get3A_2554] : memref<576x8192xf32, #tpu.memory_space<vmem>>, vector<96x128xf32>
    %add3A_2556 = arith.addf %get3A_1876, %get3A_2555 : vector<96x128xf32>
    %get3A_2557 = arith.constant 48 : index
    %get3A_2558 = arith.constant 0 : index
    %get3A_2559 = vector.load %arg3[%get3A_2557, %get3A_2558] : memref<64x128xf32, #tpu.memory_space<vmem>>, vector<1x128xf32>
    %add3A_2560 = vector.broadcast %get3A_2559 : vector<1x128xf32> to vector<96x128xf32>
    %add3A_2561 = arith.addf %add3A_2556, %add3A_2560 : vector<96x128xf32>
    %lt3A_2562 = arith.cmpf olt, %add3A_2561, %select_n3A_2549 : vector<96x128xf32>
    %select_n3A_2563 = arith.select %lt3A_2562, %add3A_2561, %select_n3A_2549 : vector<96x128xi1>, vector<96x128xf32>
    %jit3A_2564 = arith.constant 48 : i32
    %broadcast_in_dim3A_2565 = vector.broadcast %jit3A_2564 : i32 to vector<96x128xi32>
    %select_n3A_2566 = arith.select %lt3A_2562, %broadcast_in_dim3A_2565, %select_n3A_2552 : vector<96x128xi1>, vector<96x128xi32>
    %get3A_2567 = arith.constant 192 : index
    %get3A_2568 = arith.constant 6272 : index
    %get3A_2569 = vector.load %arg7[%get3A_2567, %get3A_2568] : memref<576x8192xf32, #tpu.memory_space<vmem>>, vector<96x128xf32>
    %add3A_2570 = arith.addf %get3A_1876, %get3A_2569 : vector<96x128xf32>
    %get3A_2571 = arith.constant 49 : index
    %get3A_2572 = arith.constant 0 : index
    %get3A_2573 = vector.load %arg3[%get3A_2571, %get3A_2572] : memref<64x128xf32, #tpu.memory_space<vmem>>, vector<1x128xf32>
    %add3A_2574 = vector.broadcast %get3A_2573 : vector<1x128xf32> to vector<96x128xf32>
    %add3A_2575 = arith.addf %add3A_2570, %add3A_2574 : vector<96x128xf32>
    %lt3A_2576 = arith.cmpf olt, %add3A_2575, %select_n3A_2563 : vector<96x128xf32>
    %select_n3A_2577 = arith.select %lt3A_2576, %add3A_2575, %select_n3A_2563 : vector<96x128xi1>, vector<96x128xf32>
    %jit3A_2578 = arith.constant 49 : i32
    %broadcast_in_dim3A_2579 = vector.broadcast %jit3A_2578 : i32 to vector<96x128xi32>
    %select_n3A_2580 = arith.select %lt3A_2576, %broadcast_in_dim3A_2579, %select_n3A_2566 : vector<96x128xi1>, vector<96x128xi32>
    %get3A_2581 = arith.constant 192 : index
    %get3A_2582 = arith.constant 6400 : index
    %get3A_2583 = vector.load %arg7[%get3A_2581, %get3A_2582] : memref<576x8192xf32, #tpu.memory_space<vmem>>, vector<96x128xf32>
    %add3A_2584 = arith.addf %get3A_1876, %get3A_2583 : vector<96x128xf32>
    %get3A_2585 = arith.constant 50 : index
    %get3A_2586 = arith.constant 0 : index
    %get3A_2587 = vector.load %arg3[%get3A_2585, %get3A_2586] : memref<64x128xf32, #tpu.memory_space<vmem>>, vector<1x128xf32>
    %add3A_2588 = vector.broadcast %get3A_2587 : vector<1x128xf32> to vector<96x128xf32>
    %add3A_2589 = arith.addf %add3A_2584, %add3A_2588 : vector<96x128xf32>
    %lt3A_2590 = arith.cmpf olt, %add3A_2589, %select_n3A_2577 : vector<96x128xf32>
    %select_n3A_2591 = arith.select %lt3A_2590, %add3A_2589, %select_n3A_2577 : vector<96x128xi1>, vector<96x128xf32>
    %jit3A_2592 = arith.constant 50 : i32
    %broadcast_in_dim3A_2593 = vector.broadcast %jit3A_2592 : i32 to vector<96x128xi32>
    %select_n3A_2594 = arith.select %lt3A_2590, %broadcast_in_dim3A_2593, %select_n3A_2580 : vector<96x128xi1>, vector<96x128xi32>
    %get3A_2595 = arith.constant 192 : index
    %get3A_2596 = arith.constant 6528 : index
    %get3A_2597 = vector.load %arg7[%get3A_2595, %get3A_2596] : memref<576x8192xf32, #tpu.memory_space<vmem>>, vector<96x128xf32>
    %add3A_2598 = arith.addf %get3A_1876, %get3A_2597 : vector<96x128xf32>
    %get3A_2599 = arith.constant 51 : index
    %get3A_2600 = arith.constant 0 : index
    %get3A_2601 = vector.load %arg3[%get3A_2599, %get3A_2600] : memref<64x128xf32, #tpu.memory_space<vmem>>, vector<1x128xf32>
    %add3A_2602 = vector.broadcast %get3A_2601 : vector<1x128xf32> to vector<96x128xf32>
    %add3A_2603 = arith.addf %add3A_2598, %add3A_2602 : vector<96x128xf32>
    %lt3A_2604 = arith.cmpf olt, %add3A_2603, %select_n3A_2591 : vector<96x128xf32>
    %select_n3A_2605 = arith.select %lt3A_2604, %add3A_2603, %select_n3A_2591 : vector<96x128xi1>, vector<96x128xf32>
    %jit3A_2606 = arith.constant 51 : i32
    %broadcast_in_dim3A_2607 = vector.broadcast %jit3A_2606 : i32 to vector<96x128xi32>
    %select_n3A_2608 = arith.select %lt3A_2604, %broadcast_in_dim3A_2607, %select_n3A_2594 : vector<96x128xi1>, vector<96x128xi32>
    %get3A_2609 = arith.constant 192 : index
    %get3A_2610 = arith.constant 6656 : index
    %get3A_2611 = vector.load %arg7[%get3A_2609, %get3A_2610] : memref<576x8192xf32, #tpu.memory_space<vmem>>, vector<96x128xf32>
    %add3A_2612 = arith.addf %get3A_1876, %get3A_2611 : vector<96x128xf32>
    %get3A_2613 = arith.constant 52 : index
    %get3A_2614 = arith.constant 0 : index
    %get3A_2615 = vector.load %arg3[%get3A_2613, %get3A_2614] : memref<64x128xf32, #tpu.memory_space<vmem>>, vector<1x128xf32>
    %add3A_2616 = vector.broadcast %get3A_2615 : vector<1x128xf32> to vector<96x128xf32>
    %add3A_2617 = arith.addf %add3A_2612, %add3A_2616 : vector<96x128xf32>
    %lt3A_2618 = arith.cmpf olt, %add3A_2617, %select_n3A_2605 : vector<96x128xf32>
    %select_n3A_2619 = arith.select %lt3A_2618, %add3A_2617, %select_n3A_2605 : vector<96x128xi1>, vector<96x128xf32>
    %jit3A_2620 = arith.constant 52 : i32
    %broadcast_in_dim3A_2621 = vector.broadcast %jit3A_2620 : i32 to vector<96x128xi32>
    %select_n3A_2622 = arith.select %lt3A_2618, %broadcast_in_dim3A_2621, %select_n3A_2608 : vector<96x128xi1>, vector<96x128xi32>
    %get3A_2623 = arith.constant 192 : index
    %get3A_2624 = arith.constant 6784 : index
    %get3A_2625 = vector.load %arg7[%get3A_2623, %get3A_2624] : memref<576x8192xf32, #tpu.memory_space<vmem>>, vector<96x128xf32>
    %add3A_2626 = arith.addf %get3A_1876, %get3A_2625 : vector<96x128xf32>
    %get3A_2627 = arith.constant 53 : index
    %get3A_2628 = arith.constant 0 : index
    %get3A_2629 = vector.load %arg3[%get3A_2627, %get3A_2628] : memref<64x128xf32, #tpu.memory_space<vmem>>, vector<1x128xf32>
    %add3A_2630 = vector.broadcast %get3A_2629 : vector<1x128xf32> to vector<96x128xf32>
    %add3A_2631 = arith.addf %add3A_2626, %add3A_2630 : vector<96x128xf32>
    %lt3A_2632 = arith.cmpf olt, %add3A_2631, %select_n3A_2619 : vector<96x128xf32>
    %select_n3A_2633 = arith.select %lt3A_2632, %add3A_2631, %select_n3A_2619 : vector<96x128xi1>, vector<96x128xf32>
    %jit3A_2634 = arith.constant 53 : i32
    %broadcast_in_dim3A_2635 = vector.broadcast %jit3A_2634 : i32 to vector<96x128xi32>
    %select_n3A_2636 = arith.select %lt3A_2632, %broadcast_in_dim3A_2635, %select_n3A_2622 : vector<96x128xi1>, vector<96x128xi32>
    %get3A_2637 = arith.constant 192 : index
    %get3A_2638 = arith.constant 6912 : index
    %get3A_2639 = vector.load %arg7[%get3A_2637, %get3A_2638] : memref<576x8192xf32, #tpu.memory_space<vmem>>, vector<96x128xf32>
    %add3A_2640 = arith.addf %get3A_1876, %get3A_2639 : vector<96x128xf32>
    %get3A_2641 = arith.constant 54 : index
    %get3A_2642 = arith.constant 0 : index
    %get3A_2643 = vector.load %arg3[%get3A_2641, %get3A_2642] : memref<64x128xf32, #tpu.memory_space<vmem>>, vector<1x128xf32>
    %add3A_2644 = vector.broadcast %get3A_2643 : vector<1x128xf32> to vector<96x128xf32>
    %add3A_2645 = arith.addf %add3A_2640, %add3A_2644 : vector<96x128xf32>
    %lt3A_2646 = arith.cmpf olt, %add3A_2645, %select_n3A_2633 : vector<96x128xf32>
    %select_n3A_2647 = arith.select %lt3A_2646, %add3A_2645, %select_n3A_2633 : vector<96x128xi1>, vector<96x128xf32>
    %jit3A_2648 = arith.constant 54 : i32
    %broadcast_in_dim3A_2649 = vector.broadcast %jit3A_2648 : i32 to vector<96x128xi32>
    %select_n3A_2650 = arith.select %lt3A_2646, %broadcast_in_dim3A_2649, %select_n3A_2636 : vector<96x128xi1>, vector<96x128xi32>
    %get3A_2651 = arith.constant 192 : index
    %get3A_2652 = arith.constant 7040 : index
    %get3A_2653 = vector.load %arg7[%get3A_2651, %get3A_2652] : memref<576x8192xf32, #tpu.memory_space<vmem>>, vector<96x128xf32>
    %add3A_2654 = arith.addf %get3A_1876, %get3A_2653 : vector<96x128xf32>
    %get3A_2655 = arith.constant 55 : index
    %get3A_2656 = arith.constant 0 : index
    %get3A_2657 = vector.load %arg3[%get3A_2655, %get3A_2656] : memref<64x128xf32, #tpu.memory_space<vmem>>, vector<1x128xf32>
    %add3A_2658 = vector.broadcast %get3A_2657 : vector<1x128xf32> to vector<96x128xf32>
    %add3A_2659 = arith.addf %add3A_2654, %add3A_2658 : vector<96x128xf32>
    %lt3A_2660 = arith.cmpf olt, %add3A_2659, %select_n3A_2647 : vector<96x128xf32>
    %select_n3A_2661 = arith.select %lt3A_2660, %add3A_2659, %select_n3A_2647 : vector<96x128xi1>, vector<96x128xf32>
    %jit3A_2662 = arith.constant 55 : i32
    %broadcast_in_dim3A_2663 = vector.broadcast %jit3A_2662 : i32 to vector<96x128xi32>
    %select_n3A_2664 = arith.select %lt3A_2660, %broadcast_in_dim3A_2663, %select_n3A_2650 : vector<96x128xi1>, vector<96x128xi32>
    %get3A_2665 = arith.constant 192 : index
    %get3A_2666 = arith.constant 7168 : index
    %get3A_2667 = vector.load %arg7[%get3A_2665, %get3A_2666] : memref<576x8192xf32, #tpu.memory_space<vmem>>, vector<96x128xf32>
    %add3A_2668 = arith.addf %get3A_1876, %get3A_2667 : vector<96x128xf32>
    %get3A_2669 = arith.constant 56 : index
    %get3A_2670 = arith.constant 0 : index
    %get3A_2671 = vector.load %arg3[%get3A_2669, %get3A_2670] : memref<64x128xf32, #tpu.memory_space<vmem>>, vector<1x128xf32>
    %add3A_2672 = vector.broadcast %get3A_2671 : vector<1x128xf32> to vector<96x128xf32>
    %add3A_2673 = arith.addf %add3A_2668, %add3A_2672 : vector<96x128xf32>
    %lt3A_2674 = arith.cmpf olt, %add3A_2673, %select_n3A_2661 : vector<96x128xf32>
    %select_n3A_2675 = arith.select %lt3A_2674, %add3A_2673, %select_n3A_2661 : vector<96x128xi1>, vector<96x128xf32>
    %jit3A_2676 = arith.constant 56 : i32
    %broadcast_in_dim3A_2677 = vector.broadcast %jit3A_2676 : i32 to vector<96x128xi32>
    %select_n3A_2678 = arith.select %lt3A_2674, %broadcast_in_dim3A_2677, %select_n3A_2664 : vector<96x128xi1>, vector<96x128xi32>
    %get3A_2679 = arith.constant 192 : index
    %get3A_2680 = arith.constant 7296 : index
    %get3A_2681 = vector.load %arg7[%get3A_2679, %get3A_2680] : memref<576x8192xf32, #tpu.memory_space<vmem>>, vector<96x128xf32>
    %add3A_2682 = arith.addf %get3A_1876, %get3A_2681 : vector<96x128xf32>
    %get3A_2683 = arith.constant 57 : index
    %get3A_2684 = arith.constant 0 : index
    %get3A_2685 = vector.load %arg3[%get3A_2683, %get3A_2684] : memref<64x128xf32, #tpu.memory_space<vmem>>, vector<1x128xf32>
    %add3A_2686 = vector.broadcast %get3A_2685 : vector<1x128xf32> to vector<96x128xf32>
    %add3A_2687 = arith.addf %add3A_2682, %add3A_2686 : vector<96x128xf32>
    %lt3A_2688 = arith.cmpf olt, %add3A_2687, %select_n3A_2675 : vector<96x128xf32>
    %select_n3A_2689 = arith.select %lt3A_2688, %add3A_2687, %select_n3A_2675 : vector<96x128xi1>, vector<96x128xf32>
    %jit3A_2690 = arith.constant 57 : i32
    %broadcast_in_dim3A_2691 = vector.broadcast %jit3A_2690 : i32 to vector<96x128xi32>
    %select_n3A_2692 = arith.select %lt3A_2688, %broadcast_in_dim3A_2691, %select_n3A_2678 : vector<96x128xi1>, vector<96x128xi32>
    %get3A_2693 = arith.constant 192 : index
    %get3A_2694 = arith.constant 7424 : index
    %get3A_2695 = vector.load %arg7[%get3A_2693, %get3A_2694] : memref<576x8192xf32, #tpu.memory_space<vmem>>, vector<96x128xf32>
    %add3A_2696 = arith.addf %get3A_1876, %get3A_2695 : vector<96x128xf32>
    %get3A_2697 = arith.constant 58 : index
    %get3A_2698 = arith.constant 0 : index
    %get3A_2699 = vector.load %arg3[%get3A_2697, %get3A_2698] : memref<64x128xf32, #tpu.memory_space<vmem>>, vector<1x128xf32>
    %add3A_2700 = vector.broadcast %get3A_2699 : vector<1x128xf32> to vector<96x128xf32>
    %add3A_2701 = arith.addf %add3A_2696, %add3A_2700 : vector<96x128xf32>
    %lt3A_2702 = arith.cmpf olt, %add3A_2701, %select_n3A_2689 : vector<96x128xf32>
    %select_n3A_2703 = arith.select %lt3A_2702, %add3A_2701, %select_n3A_2689 : vector<96x128xi1>, vector<96x128xf32>
    %jit3A_2704 = arith.constant 58 : i32
    %broadcast_in_dim3A_2705 = vector.broadcast %jit3A_2704 : i32 to vector<96x128xi32>
    %select_n3A_2706 = arith.select %lt3A_2702, %broadcast_in_dim3A_2705, %select_n3A_2692 : vector<96x128xi1>, vector<96x128xi32>
    %get3A_2707 = arith.constant 192 : index
    %get3A_2708 = arith.constant 7552 : index
    %get3A_2709 = vector.load %arg7[%get3A_2707, %get3A_2708] : memref<576x8192xf32, #tpu.memory_space<vmem>>, vector<96x128xf32>
    %add3A_2710 = arith.addf %get3A_1876, %get3A_2709 : vector<96x128xf32>
    %get3A_2711 = arith.constant 59 : index
    %get3A_2712 = arith.constant 0 : index
    %get3A_2713 = vector.load %arg3[%get3A_2711, %get3A_2712] : memref<64x128xf32, #tpu.memory_space<vmem>>, vector<1x128xf32>
    %add3A_2714 = vector.broadcast %get3A_2713 : vector<1x128xf32> to vector<96x128xf32>
    %add3A_2715 = arith.addf %add3A_2710, %add3A_2714 : vector<96x128xf32>
    %lt3A_2716 = arith.cmpf olt, %add3A_2715, %select_n3A_2703 : vector<96x128xf32>
    %select_n3A_2717 = arith.select %lt3A_2716, %add3A_2715, %select_n3A_2703 : vector<96x128xi1>, vector<96x128xf32>
    %jit3A_2718 = arith.constant 59 : i32
    %broadcast_in_dim3A_2719 = vector.broadcast %jit3A_2718 : i32 to vector<96x128xi32>
    %select_n3A_2720 = arith.select %lt3A_2716, %broadcast_in_dim3A_2719, %select_n3A_2706 : vector<96x128xi1>, vector<96x128xi32>
    %get3A_2721 = arith.constant 192 : index
    %get3A_2722 = arith.constant 7680 : index
    %get3A_2723 = vector.load %arg7[%get3A_2721, %get3A_2722] : memref<576x8192xf32, #tpu.memory_space<vmem>>, vector<96x128xf32>
    %add3A_2724 = arith.addf %get3A_1876, %get3A_2723 : vector<96x128xf32>
    %get3A_2725 = arith.constant 60 : index
    %get3A_2726 = arith.constant 0 : index
    %get3A_2727 = vector.load %arg3[%get3A_2725, %get3A_2726] : memref<64x128xf32, #tpu.memory_space<vmem>>, vector<1x128xf32>
    %add3A_2728 = vector.broadcast %get3A_2727 : vector<1x128xf32> to vector<96x128xf32>
    %add3A_2729 = arith.addf %add3A_2724, %add3A_2728 : vector<96x128xf32>
    %lt3A_2730 = arith.cmpf olt, %add3A_2729, %select_n3A_2717 : vector<96x128xf32>
    %select_n3A_2731 = arith.select %lt3A_2730, %add3A_2729, %select_n3A_2717 : vector<96x128xi1>, vector<96x128xf32>
    %jit3A_2732 = arith.constant 60 : i32
    %broadcast_in_dim3A_2733 = vector.broadcast %jit3A_2732 : i32 to vector<96x128xi32>
    %select_n3A_2734 = arith.select %lt3A_2730, %broadcast_in_dim3A_2733, %select_n3A_2720 : vector<96x128xi1>, vector<96x128xi32>
    %get3A_2735 = arith.constant 192 : index
    %get3A_2736 = arith.constant 7808 : index
    %get3A_2737 = vector.load %arg7[%get3A_2735, %get3A_2736] : memref<576x8192xf32, #tpu.memory_space<vmem>>, vector<96x128xf32>
    %add3A_2738 = arith.addf %get3A_1876, %get3A_2737 : vector<96x128xf32>
    %get3A_2739 = arith.constant 61 : index
    %get3A_2740 = arith.constant 0 : index
    %get3A_2741 = vector.load %arg3[%get3A_2739, %get3A_2740] : memref<64x128xf32, #tpu.memory_space<vmem>>, vector<1x128xf32>
    %add3A_2742 = vector.broadcast %get3A_2741 : vector<1x128xf32> to vector<96x128xf32>
    %add3A_2743 = arith.addf %add3A_2738, %add3A_2742 : vector<96x128xf32>
    %lt3A_2744 = arith.cmpf olt, %add3A_2743, %select_n3A_2731 : vector<96x128xf32>
    %select_n3A_2745 = arith.select %lt3A_2744, %add3A_2743, %select_n3A_2731 : vector<96x128xi1>, vector<96x128xf32>
    %jit3A_2746 = arith.constant 61 : i32
    %broadcast_in_dim3A_2747 = vector.broadcast %jit3A_2746 : i32 to vector<96x128xi32>
    %select_n3A_2748 = arith.select %lt3A_2744, %broadcast_in_dim3A_2747, %select_n3A_2734 : vector<96x128xi1>, vector<96x128xi32>
    %get3A_2749 = arith.constant 192 : index
    %get3A_2750 = arith.constant 7936 : index
    %get3A_2751 = vector.load %arg7[%get3A_2749, %get3A_2750] : memref<576x8192xf32, #tpu.memory_space<vmem>>, vector<96x128xf32>
    %add3A_2752 = arith.addf %get3A_1876, %get3A_2751 : vector<96x128xf32>
    %get3A_2753 = arith.constant 62 : index
    %get3A_2754 = arith.constant 0 : index
    %get3A_2755 = vector.load %arg3[%get3A_2753, %get3A_2754] : memref<64x128xf32, #tpu.memory_space<vmem>>, vector<1x128xf32>
    %add3A_2756 = vector.broadcast %get3A_2755 : vector<1x128xf32> to vector<96x128xf32>
    %add3A_2757 = arith.addf %add3A_2752, %add3A_2756 : vector<96x128xf32>
    %lt3A_2758 = arith.cmpf olt, %add3A_2757, %select_n3A_2745 : vector<96x128xf32>
    %select_n3A_2759 = arith.select %lt3A_2758, %add3A_2757, %select_n3A_2745 : vector<96x128xi1>, vector<96x128xf32>
    %jit3A_2760 = arith.constant 62 : i32
    %broadcast_in_dim3A_2761 = vector.broadcast %jit3A_2760 : i32 to vector<96x128xi32>
    %select_n3A_2762 = arith.select %lt3A_2758, %broadcast_in_dim3A_2761, %select_n3A_2748 : vector<96x128xi1>, vector<96x128xi32>
    %get3A_2763 = arith.constant 192 : index
    %get3A_2764 = arith.constant 8064 : index
    %get3A_2765 = vector.load %arg7[%get3A_2763, %get3A_2764] : memref<576x8192xf32, #tpu.memory_space<vmem>>, vector<96x128xf32>
    %add3A_2766 = arith.addf %get3A_1876, %get3A_2765 : vector<96x128xf32>
    %get3A_2767 = arith.constant 63 : index
    %get3A_2768 = arith.constant 0 : index
    %get3A_2769 = vector.load %arg3[%get3A_2767, %get3A_2768] : memref<64x128xf32, #tpu.memory_space<vmem>>, vector<1x128xf32>
    %add3A_2770 = vector.broadcast %get3A_2769 : vector<1x128xf32> to vector<96x128xf32>
    %add3A_2771 = arith.addf %add3A_2766, %add3A_2770 : vector<96x128xf32>
    %lt3A_2772 = arith.cmpf olt, %add3A_2771, %select_n3A_2759 : vector<96x128xf32>
    %select_n3A_2773 = arith.select %lt3A_2772, %add3A_2771, %select_n3A_2759 : vector<96x128xi1>, vector<96x128xf32>
    %jit3A_2774 = arith.constant 63 : i32
    %broadcast_in_dim3A_2775 = vector.broadcast %jit3A_2774 : i32 to vector<96x128xi32>
    %select_n3A_2776 = arith.select %lt3A_2772, %broadcast_in_dim3A_2775, %select_n3A_2762 : vector<96x128xi1>, vector<96x128xi32>
    %reduce_min3A_2777 = arith.constant dense<0x7F800000> : vector<96xf32>
    %reduce_min3A_2778 = vector.multi_reduction <minimumf>, %select_n3A_2773, %reduce_min3A_2777 [1] : vector<96x128xf32> to vector<96xf32>
    %broadcast_in_dim3A_2779 = vector.shape_cast %reduce_min3A_2778 : vector<96xf32> to vector<96x1xf32>
    %mul3A_2780 = arith.constant 128 : i32
    %mul3A_2781 = vector.broadcast %mul3A_2780 : i32 to vector<96x128xi32>
    %mul3A_2782 = arith.muli %select_n3A_2776, %mul3A_2781 : vector<96x128xi32>
    %add3A_2783 = arith.addi %mul3A_2782, %iota3A : vector<96x128xi32>
    %eq3A_2784 = vector.broadcast %broadcast_in_dim3A_2779 : vector<96x1xf32> to vector<96x128xf32>
    %eq3A_2785 = arith.cmpf oeq, %select_n3A_2773, %eq3A_2784 : vector<96x128xf32>
    %jit3A_2786 = arith.constant 1073741824 : i32
    %broadcast_in_dim3A_2787 = vector.broadcast %jit3A_2786 : i32 to vector<96x128xi32>
    %select_n3A_2788 = arith.select %eq3A_2785, %add3A_2783, %broadcast_in_dim3A_2787 : vector<96x128xi1>, vector<96x128xi32>
    %reduce_min3A_2789 = arith.constant dense<2147483647> : vector<96xi32>
    %reduce_min3A_2790 = vector.multi_reduction <minsi>, %select_n3A_2788, %reduce_min3A_2789 [1] : vector<96x128xi32> to vector<96xi32>
    %broadcast_in_dim3A_2791 = vector.shape_cast %reduce_min3A_2790 : vector<96xi32> to vector<96x1xi32>
    %swap3A_2792 = arith.constant 192 : index
    %swap3A_2793 = arith.constant 0 : index
    %swap3A_2794 = vector.load %arg4[%swap3A_2792, %swap3A_2793] : memref<576x1xi32, #tpu.memory_space<vmem>>, vector<96x1xi32>
    tpu.vector_store %arg4[%swap3A_2792, %swap3A_2793], %broadcast_in_dim3A_2791 {strides = array<i32>} : memref<576x1xi32, #tpu.memory_space<vmem>>, vector<96x1xi32>,
    %reduce_sum3A_2795 = vector.shape_cast %broadcast_in_dim3A_2779 : vector<96x1xf32> to vector<1x96x1xf32>
    %reduce_sum3A_2796 = arith.constant dense<0.000000e+00> : vector<1xf32>
    %reduce_sum3A_2797 = vector.multi_reduction <add>, %reduce_sum3A_2795, %reduce_sum3A_2796 [1, 2] : vector<1x96x1xf32> to vector<1xf32>
    %reduce_sum3A_2798 = vector.shape_cast %reduce_sum3A_2797 : vector<1xf32> to vector<1x1x1xf32>
    %reduce_sum3A_2799 = vector.extract %reduce_sum3A_2798[0, 0, 0] : f32 from vector<1x1x1xf32>
    %broadcast_in_dim3A_2800 = vector.broadcast %reduce_sum3A_2799 : f32 to vector<1x1xf32>
    %add3A_2801 = arith.addf %add3A_1873, %broadcast_in_dim3A_2800 : vector<1x1xf32>
    %get3A_2802 = arith.constant 288 : index
    %get3A_2803 = arith.constant 0 : index
    %get3A_2804 = vector.load %arg8[%get3A_2802, %get3A_2803] : memref<576x128xf32, #tpu.memory_space<vmem>>, vector<96x128xf32>
    %broadcast_in_dim3A_2805 = arith.constant 0x7F800000 : f32
    %broadcast_in_dim3A_2806 = vector.broadcast %broadcast_in_dim3A_2805 : f32 to vector<96x128xf32>
    %broadcast_in_dim3A_2807 = arith.constant 0 : i32
    %broadcast_in_dim3A_2808 = vector.broadcast %broadcast_in_dim3A_2807 : i32 to vector<96x128xi32>
    %get3A_2809 = arith.constant 288 : index
    %get3A_2810 = arith.constant 0 : index
    %get3A_2811 = vector.load %arg7[%get3A_2809, %get3A_2810] : memref<576x8192xf32, #tpu.memory_space<vmem>>, vector<96x128xf32>
    %add3A_2812 = arith.addf %get3A_2804, %get3A_2811 : vector<96x128xf32>
    %get3A_2813 = arith.constant 0 : index
    %get3A_2814 = arith.constant 0 : index
    %get3A_2815 = vector.load %arg3[%get3A_2813, %get3A_2814] : memref<64x128xf32, #tpu.memory_space<vmem>>, vector<1x128xf32>
    %add3A_2816 = vector.broadcast %get3A_2815 : vector<1x128xf32> to vector<96x128xf32>
    %add3A_2817 = arith.addf %add3A_2812, %add3A_2816 : vector<96x128xf32>
    %lt3A_2818 = arith.cmpf olt, %add3A_2817, %broadcast_in_dim3A_2806 : vector<96x128xf32>
    %select_n3A_2819 = arith.select %lt3A_2818, %add3A_2817, %broadcast_in_dim3A_2806 : vector<96x128xi1>, vector<96x128xf32>
    %jit3A_2820 = arith.constant 0 : i32
    %broadcast_in_dim3A_2821 = vector.broadcast %jit3A_2820 : i32 to vector<96x128xi32>
    %select_n3A_2822 = arith.select %lt3A_2818, %broadcast_in_dim3A_2821, %broadcast_in_dim3A_2808 : vector<96x128xi1>, vector<96x128xi32>
    %get3A_2823 = arith.constant 288 : index
    %get3A_2824 = arith.constant 128 : index
    %get3A_2825 = vector.load %arg7[%get3A_2823, %get3A_2824] : memref<576x8192xf32, #tpu.memory_space<vmem>>, vector<96x128xf32>
    %add3A_2826 = arith.addf %get3A_2804, %get3A_2825 : vector<96x128xf32>
    %get3A_2827 = arith.constant 1 : index
    %get3A_2828 = arith.constant 0 : index
    %get3A_2829 = vector.load %arg3[%get3A_2827, %get3A_2828] : memref<64x128xf32, #tpu.memory_space<vmem>>, vector<1x128xf32>
    %add3A_2830 = vector.broadcast %get3A_2829 : vector<1x128xf32> to vector<96x128xf32>
    %add3A_2831 = arith.addf %add3A_2826, %add3A_2830 : vector<96x128xf32>
    %lt3A_2832 = arith.cmpf olt, %add3A_2831, %select_n3A_2819 : vector<96x128xf32>
    %select_n3A_2833 = arith.select %lt3A_2832, %add3A_2831, %select_n3A_2819 : vector<96x128xi1>, vector<96x128xf32>
    %jit3A_2834 = arith.constant 1 : i32
    %broadcast_in_dim3A_2835 = vector.broadcast %jit3A_2834 : i32 to vector<96x128xi32>
    %select_n3A_2836 = arith.select %lt3A_2832, %broadcast_in_dim3A_2835, %select_n3A_2822 : vector<96x128xi1>, vector<96x128xi32>
    %get3A_2837 = arith.constant 288 : index
    %get3A_2838 = arith.constant 256 : index
    %get3A_2839 = vector.load %arg7[%get3A_2837, %get3A_2838] : memref<576x8192xf32, #tpu.memory_space<vmem>>, vector<96x128xf32>
    %add3A_2840 = arith.addf %get3A_2804, %get3A_2839 : vector<96x128xf32>
    %get3A_2841 = arith.constant 2 : index
    %get3A_2842 = arith.constant 0 : index
    %get3A_2843 = vector.load %arg3[%get3A_2841, %get3A_2842] : memref<64x128xf32, #tpu.memory_space<vmem>>, vector<1x128xf32>
    %add3A_2844 = vector.broadcast %get3A_2843 : vector<1x128xf32> to vector<96x128xf32>
    %add3A_2845 = arith.addf %add3A_2840, %add3A_2844 : vector<96x128xf32>
    %lt3A_2846 = arith.cmpf olt, %add3A_2845, %select_n3A_2833 : vector<96x128xf32>
    %select_n3A_2847 = arith.select %lt3A_2846, %add3A_2845, %select_n3A_2833 : vector<96x128xi1>, vector<96x128xf32>
    %jit3A_2848 = arith.constant 2 : i32
    %broadcast_in_dim3A_2849 = vector.broadcast %jit3A_2848 : i32 to vector<96x128xi32>
    %select_n3A_2850 = arith.select %lt3A_2846, %broadcast_in_dim3A_2849, %select_n3A_2836 : vector<96x128xi1>, vector<96x128xi32>
    %get3A_2851 = arith.constant 288 : index
    %get3A_2852 = arith.constant 384 : index
    %get3A_2853 = vector.load %arg7[%get3A_2851, %get3A_2852] : memref<576x8192xf32, #tpu.memory_space<vmem>>, vector<96x128xf32>
    %add3A_2854 = arith.addf %get3A_2804, %get3A_2853 : vector<96x128xf32>
    %get3A_2855 = arith.constant 3 : index
    %get3A_2856 = arith.constant 0 : index
    %get3A_2857 = vector.load %arg3[%get3A_2855, %get3A_2856] : memref<64x128xf32, #tpu.memory_space<vmem>>, vector<1x128xf32>
    %add3A_2858 = vector.broadcast %get3A_2857 : vector<1x128xf32> to vector<96x128xf32>
    %add3A_2859 = arith.addf %add3A_2854, %add3A_2858 : vector<96x128xf32>
    %lt3A_2860 = arith.cmpf olt, %add3A_2859, %select_n3A_2847 : vector<96x128xf32>
    %select_n3A_2861 = arith.select %lt3A_2860, %add3A_2859, %select_n3A_2847 : vector<96x128xi1>, vector<96x128xf32>
    %jit3A_2862 = arith.constant 3 : i32
    %broadcast_in_dim3A_2863 = vector.broadcast %jit3A_2862 : i32 to vector<96x128xi32>
    %select_n3A_2864 = arith.select %lt3A_2860, %broadcast_in_dim3A_2863, %select_n3A_2850 : vector<96x128xi1>, vector<96x128xi32>
    %get3A_2865 = arith.constant 288 : index
    %get3A_2866 = arith.constant 512 : index
    %get3A_2867 = vector.load %arg7[%get3A_2865, %get3A_2866] : memref<576x8192xf32, #tpu.memory_space<vmem>>, vector<96x128xf32>
    %add3A_2868 = arith.addf %get3A_2804, %get3A_2867 : vector<96x128xf32>
    %get3A_2869 = arith.constant 4 : index
    %get3A_2870 = arith.constant 0 : index
    %get3A_2871 = vector.load %arg3[%get3A_2869, %get3A_2870] : memref<64x128xf32, #tpu.memory_space<vmem>>, vector<1x128xf32>
    %add3A_2872 = vector.broadcast %get3A_2871 : vector<1x128xf32> to vector<96x128xf32>
    %add3A_2873 = arith.addf %add3A_2868, %add3A_2872 : vector<96x128xf32>
    %lt3A_2874 = arith.cmpf olt, %add3A_2873, %select_n3A_2861 : vector<96x128xf32>
    %select_n3A_2875 = arith.select %lt3A_2874, %add3A_2873, %select_n3A_2861 : vector<96x128xi1>, vector<96x128xf32>
    %jit3A_2876 = arith.constant 4 : i32
    %broadcast_in_dim3A_2877 = vector.broadcast %jit3A_2876 : i32 to vector<96x128xi32>
    %select_n3A_2878 = arith.select %lt3A_2874, %broadcast_in_dim3A_2877, %select_n3A_2864 : vector<96x128xi1>, vector<96x128xi32>
    %get3A_2879 = arith.constant 288 : index
    %get3A_2880 = arith.constant 640 : index
    %get3A_2881 = vector.load %arg7[%get3A_2879, %get3A_2880] : memref<576x8192xf32, #tpu.memory_space<vmem>>, vector<96x128xf32>
    %add3A_2882 = arith.addf %get3A_2804, %get3A_2881 : vector<96x128xf32>
    %get3A_2883 = arith.constant 5 : index
    %get3A_2884 = arith.constant 0 : index
    %get3A_2885 = vector.load %arg3[%get3A_2883, %get3A_2884] : memref<64x128xf32, #tpu.memory_space<vmem>>, vector<1x128xf32>
    %add3A_2886 = vector.broadcast %get3A_2885 : vector<1x128xf32> to vector<96x128xf32>
    %add3A_2887 = arith.addf %add3A_2882, %add3A_2886 : vector<96x128xf32>
    %lt3A_2888 = arith.cmpf olt, %add3A_2887, %select_n3A_2875 : vector<96x128xf32>
    %select_n3A_2889 = arith.select %lt3A_2888, %add3A_2887, %select_n3A_2875 : vector<96x128xi1>, vector<96x128xf32>
    %jit3A_2890 = arith.constant 5 : i32
    %broadcast_in_dim3A_2891 = vector.broadcast %jit3A_2890 : i32 to vector<96x128xi32>
    %select_n3A_2892 = arith.select %lt3A_2888, %broadcast_in_dim3A_2891, %select_n3A_2878 : vector<96x128xi1>, vector<96x128xi32>
    %get3A_2893 = arith.constant 288 : index
    %get3A_2894 = arith.constant 768 : index
    %get3A_2895 = vector.load %arg7[%get3A_2893, %get3A_2894] : memref<576x8192xf32, #tpu.memory_space<vmem>>, vector<96x128xf32>
    %add3A_2896 = arith.addf %get3A_2804, %get3A_2895 : vector<96x128xf32>
    %get3A_2897 = arith.constant 6 : index
    %get3A_2898 = arith.constant 0 : index
    %get3A_2899 = vector.load %arg3[%get3A_2897, %get3A_2898] : memref<64x128xf32, #tpu.memory_space<vmem>>, vector<1x128xf32>
    %add3A_2900 = vector.broadcast %get3A_2899 : vector<1x128xf32> to vector<96x128xf32>
    %add3A_2901 = arith.addf %add3A_2896, %add3A_2900 : vector<96x128xf32>
    %lt3A_2902 = arith.cmpf olt, %add3A_2901, %select_n3A_2889 : vector<96x128xf32>
    %select_n3A_2903 = arith.select %lt3A_2902, %add3A_2901, %select_n3A_2889 : vector<96x128xi1>, vector<96x128xf32>
    %jit3A_2904 = arith.constant 6 : i32
    %broadcast_in_dim3A_2905 = vector.broadcast %jit3A_2904 : i32 to vector<96x128xi32>
    %select_n3A_2906 = arith.select %lt3A_2902, %broadcast_in_dim3A_2905, %select_n3A_2892 : vector<96x128xi1>, vector<96x128xi32>
    %get3A_2907 = arith.constant 288 : index
    %get3A_2908 = arith.constant 896 : index
    %get3A_2909 = vector.load %arg7[%get3A_2907, %get3A_2908] : memref<576x8192xf32, #tpu.memory_space<vmem>>, vector<96x128xf32>
    %add3A_2910 = arith.addf %get3A_2804, %get3A_2909 : vector<96x128xf32>
    %get3A_2911 = arith.constant 7 : index
    %get3A_2912 = arith.constant 0 : index
    %get3A_2913 = vector.load %arg3[%get3A_2911, %get3A_2912] : memref<64x128xf32, #tpu.memory_space<vmem>>, vector<1x128xf32>
    %add3A_2914 = vector.broadcast %get3A_2913 : vector<1x128xf32> to vector<96x128xf32>
    %add3A_2915 = arith.addf %add3A_2910, %add3A_2914 : vector<96x128xf32>
    %lt3A_2916 = arith.cmpf olt, %add3A_2915, %select_n3A_2903 : vector<96x128xf32>
    %select_n3A_2917 = arith.select %lt3A_2916, %add3A_2915, %select_n3A_2903 : vector<96x128xi1>, vector<96x128xf32>
    %jit3A_2918 = arith.constant 7 : i32
    %broadcast_in_dim3A_2919 = vector.broadcast %jit3A_2918 : i32 to vector<96x128xi32>
    %select_n3A_2920 = arith.select %lt3A_2916, %broadcast_in_dim3A_2919, %select_n3A_2906 : vector<96x128xi1>, vector<96x128xi32>
    %get3A_2921 = arith.constant 288 : index
    %get3A_2922 = arith.constant 1024 : index
    %get3A_2923 = vector.load %arg7[%get3A_2921, %get3A_2922] : memref<576x8192xf32, #tpu.memory_space<vmem>>, vector<96x128xf32>
    %add3A_2924 = arith.addf %get3A_2804, %get3A_2923 : vector<96x128xf32>
    %get3A_2925 = arith.constant 8 : index
    %get3A_2926 = arith.constant 0 : index
    %get3A_2927 = vector.load %arg3[%get3A_2925, %get3A_2926] : memref<64x128xf32, #tpu.memory_space<vmem>>, vector<1x128xf32>
    %add3A_2928 = vector.broadcast %get3A_2927 : vector<1x128xf32> to vector<96x128xf32>
    %add3A_2929 = arith.addf %add3A_2924, %add3A_2928 : vector<96x128xf32>
    %lt3A_2930 = arith.cmpf olt, %add3A_2929, %select_n3A_2917 : vector<96x128xf32>
    %select_n3A_2931 = arith.select %lt3A_2930, %add3A_2929, %select_n3A_2917 : vector<96x128xi1>, vector<96x128xf32>
    %jit3A_2932 = arith.constant 8 : i32
    %broadcast_in_dim3A_2933 = vector.broadcast %jit3A_2932 : i32 to vector<96x128xi32>
    %select_n3A_2934 = arith.select %lt3A_2930, %broadcast_in_dim3A_2933, %select_n3A_2920 : vector<96x128xi1>, vector<96x128xi32>
    %get3A_2935 = arith.constant 288 : index
    %get3A_2936 = arith.constant 1152 : index
    %get3A_2937 = vector.load %arg7[%get3A_2935, %get3A_2936] : memref<576x8192xf32, #tpu.memory_space<vmem>>, vector<96x128xf32>
    %add3A_2938 = arith.addf %get3A_2804, %get3A_2937 : vector<96x128xf32>
    %get3A_2939 = arith.constant 9 : index
    %get3A_2940 = arith.constant 0 : index
    %get3A_2941 = vector.load %arg3[%get3A_2939, %get3A_2940] : memref<64x128xf32, #tpu.memory_space<vmem>>, vector<1x128xf32>
    %add3A_2942 = vector.broadcast %get3A_2941 : vector<1x128xf32> to vector<96x128xf32>
    %add3A_2943 = arith.addf %add3A_2938, %add3A_2942 : vector<96x128xf32>
    %lt3A_2944 = arith.cmpf olt, %add3A_2943, %select_n3A_2931 : vector<96x128xf32>
    %select_n3A_2945 = arith.select %lt3A_2944, %add3A_2943, %select_n3A_2931 : vector<96x128xi1>, vector<96x128xf32>
    %jit3A_2946 = arith.constant 9 : i32
    %broadcast_in_dim3A_2947 = vector.broadcast %jit3A_2946 : i32 to vector<96x128xi32>
    %select_n3A_2948 = arith.select %lt3A_2944, %broadcast_in_dim3A_2947, %select_n3A_2934 : vector<96x128xi1>, vector<96x128xi32>
    %get3A_2949 = arith.constant 288 : index
    %get3A_2950 = arith.constant 1280 : index
    %get3A_2951 = vector.load %arg7[%get3A_2949, %get3A_2950] : memref<576x8192xf32, #tpu.memory_space<vmem>>, vector<96x128xf32>
    %add3A_2952 = arith.addf %get3A_2804, %get3A_2951 : vector<96x128xf32>
    %get3A_2953 = arith.constant 10 : index
    %get3A_2954 = arith.constant 0 : index
    %get3A_2955 = vector.load %arg3[%get3A_2953, %get3A_2954] : memref<64x128xf32, #tpu.memory_space<vmem>>, vector<1x128xf32>
    %add3A_2956 = vector.broadcast %get3A_2955 : vector<1x128xf32> to vector<96x128xf32>
    %add3A_2957 = arith.addf %add3A_2952, %add3A_2956 : vector<96x128xf32>
    %lt3A_2958 = arith.cmpf olt, %add3A_2957, %select_n3A_2945 : vector<96x128xf32>
    %select_n3A_2959 = arith.select %lt3A_2958, %add3A_2957, %select_n3A_2945 : vector<96x128xi1>, vector<96x128xf32>
    %jit3A_2960 = arith.constant 10 : i32
    %broadcast_in_dim3A_2961 = vector.broadcast %jit3A_2960 : i32 to vector<96x128xi32>
    %select_n3A_2962 = arith.select %lt3A_2958, %broadcast_in_dim3A_2961, %select_n3A_2948 : vector<96x128xi1>, vector<96x128xi32>
    %get3A_2963 = arith.constant 288 : index
    %get3A_2964 = arith.constant 1408 : index
    %get3A_2965 = vector.load %arg7[%get3A_2963, %get3A_2964] : memref<576x8192xf32, #tpu.memory_space<vmem>>, vector<96x128xf32>
    %add3A_2966 = arith.addf %get3A_2804, %get3A_2965 : vector<96x128xf32>
    %get3A_2967 = arith.constant 11 : index
    %get3A_2968 = arith.constant 0 : index
    %get3A_2969 = vector.load %arg3[%get3A_2967, %get3A_2968] : memref<64x128xf32, #tpu.memory_space<vmem>>, vector<1x128xf32>
    %add3A_2970 = vector.broadcast %get3A_2969 : vector<1x128xf32> to vector<96x128xf32>
    %add3A_2971 = arith.addf %add3A_2966, %add3A_2970 : vector<96x128xf32>
    %lt3A_2972 = arith.cmpf olt, %add3A_2971, %select_n3A_2959 : vector<96x128xf32>
    %select_n3A_2973 = arith.select %lt3A_2972, %add3A_2971, %select_n3A_2959 : vector<96x128xi1>, vector<96x128xf32>
    %jit3A_2974 = arith.constant 11 : i32
    %broadcast_in_dim3A_2975 = vector.broadcast %jit3A_2974 : i32 to vector<96x128xi32>
    %select_n3A_2976 = arith.select %lt3A_2972, %broadcast_in_dim3A_2975, %select_n3A_2962 : vector<96x128xi1>, vector<96x128xi32>
    %get3A_2977 = arith.constant 288 : index
    %get3A_2978 = arith.constant 1536 : index
    %get3A_2979 = vector.load %arg7[%get3A_2977, %get3A_2978] : memref<576x8192xf32, #tpu.memory_space<vmem>>, vector<96x128xf32>
    %add3A_2980 = arith.addf %get3A_2804, %get3A_2979 : vector<96x128xf32>
    %get3A_2981 = arith.constant 12 : index
    %get3A_2982 = arith.constant 0 : index
    %get3A_2983 = vector.load %arg3[%get3A_2981, %get3A_2982] : memref<64x128xf32, #tpu.memory_space<vmem>>, vector<1x128xf32>
    %add3A_2984 = vector.broadcast %get3A_2983 : vector<1x128xf32> to vector<96x128xf32>
    %add3A_2985 = arith.addf %add3A_2980, %add3A_2984 : vector<96x128xf32>
    %lt3A_2986 = arith.cmpf olt, %add3A_2985, %select_n3A_2973 : vector<96x128xf32>
    %select_n3A_2987 = arith.select %lt3A_2986, %add3A_2985, %select_n3A_2973 : vector<96x128xi1>, vector<96x128xf32>
    %jit3A_2988 = arith.constant 12 : i32
    %broadcast_in_dim3A_2989 = vector.broadcast %jit3A_2988 : i32 to vector<96x128xi32>
    %select_n3A_2990 = arith.select %lt3A_2986, %broadcast_in_dim3A_2989, %select_n3A_2976 : vector<96x128xi1>, vector<96x128xi32>
    %get3A_2991 = arith.constant 288 : index
    %get3A_2992 = arith.constant 1664 : index
    %get3A_2993 = vector.load %arg7[%get3A_2991, %get3A_2992] : memref<576x8192xf32, #tpu.memory_space<vmem>>, vector<96x128xf32>
    %add3A_2994 = arith.addf %get3A_2804, %get3A_2993 : vector<96x128xf32>
    %get3A_2995 = arith.constant 13 : index
    %get3A_2996 = arith.constant 0 : index
    %get3A_2997 = vector.load %arg3[%get3A_2995, %get3A_2996] : memref<64x128xf32, #tpu.memory_space<vmem>>, vector<1x128xf32>
    %add3A_2998 = vector.broadcast %get3A_2997 : vector<1x128xf32> to vector<96x128xf32>
    %add3A_2999 = arith.addf %add3A_2994, %add3A_2998 : vector<96x128xf32>
    %lt3A_3000 = arith.cmpf olt, %add3A_2999, %select_n3A_2987 : vector<96x128xf32>
    %select_n3A_3001 = arith.select %lt3A_3000, %add3A_2999, %select_n3A_2987 : vector<96x128xi1>, vector<96x128xf32>
    %jit3A_3002 = arith.constant 13 : i32
    %broadcast_in_dim3A_3003 = vector.broadcast %jit3A_3002 : i32 to vector<96x128xi32>
    %select_n3A_3004 = arith.select %lt3A_3000, %broadcast_in_dim3A_3003, %select_n3A_2990 : vector<96x128xi1>, vector<96x128xi32>
    %get3A_3005 = arith.constant 288 : index
    %get3A_3006 = arith.constant 1792 : index
    %get3A_3007 = vector.load %arg7[%get3A_3005, %get3A_3006] : memref<576x8192xf32, #tpu.memory_space<vmem>>, vector<96x128xf32>
    %add3A_3008 = arith.addf %get3A_2804, %get3A_3007 : vector<96x128xf32>
    %get3A_3009 = arith.constant 14 : index
    %get3A_3010 = arith.constant 0 : index
    %get3A_3011 = vector.load %arg3[%get3A_3009, %get3A_3010] : memref<64x128xf32, #tpu.memory_space<vmem>>, vector<1x128xf32>
    %add3A_3012 = vector.broadcast %get3A_3011 : vector<1x128xf32> to vector<96x128xf32>
    %add3A_3013 = arith.addf %add3A_3008, %add3A_3012 : vector<96x128xf32>
    %lt3A_3014 = arith.cmpf olt, %add3A_3013, %select_n3A_3001 : vector<96x128xf32>
    %select_n3A_3015 = arith.select %lt3A_3014, %add3A_3013, %select_n3A_3001 : vector<96x128xi1>, vector<96x128xf32>
    %jit3A_3016 = arith.constant 14 : i32
    %broadcast_in_dim3A_3017 = vector.broadcast %jit3A_3016 : i32 to vector<96x128xi32>
    %select_n3A_3018 = arith.select %lt3A_3014, %broadcast_in_dim3A_3017, %select_n3A_3004 : vector<96x128xi1>, vector<96x128xi32>
    %get3A_3019 = arith.constant 288 : index
    %get3A_3020 = arith.constant 1920 : index
    %get3A_3021 = vector.load %arg7[%get3A_3019, %get3A_3020] : memref<576x8192xf32, #tpu.memory_space<vmem>>, vector<96x128xf32>
    %add3A_3022 = arith.addf %get3A_2804, %get3A_3021 : vector<96x128xf32>
    %get3A_3023 = arith.constant 15 : index
    %get3A_3024 = arith.constant 0 : index
    %get3A_3025 = vector.load %arg3[%get3A_3023, %get3A_3024] : memref<64x128xf32, #tpu.memory_space<vmem>>, vector<1x128xf32>
    %add3A_3026 = vector.broadcast %get3A_3025 : vector<1x128xf32> to vector<96x128xf32>
    %add3A_3027 = arith.addf %add3A_3022, %add3A_3026 : vector<96x128xf32>
    %lt3A_3028 = arith.cmpf olt, %add3A_3027, %select_n3A_3015 : vector<96x128xf32>
    %select_n3A_3029 = arith.select %lt3A_3028, %add3A_3027, %select_n3A_3015 : vector<96x128xi1>, vector<96x128xf32>
    %jit3A_3030 = arith.constant 15 : i32
    %broadcast_in_dim3A_3031 = vector.broadcast %jit3A_3030 : i32 to vector<96x128xi32>
    %select_n3A_3032 = arith.select %lt3A_3028, %broadcast_in_dim3A_3031, %select_n3A_3018 : vector<96x128xi1>, vector<96x128xi32>
    %get3A_3033 = arith.constant 288 : index
    %get3A_3034 = arith.constant 2048 : index
    %get3A_3035 = vector.load %arg7[%get3A_3033, %get3A_3034] : memref<576x8192xf32, #tpu.memory_space<vmem>>, vector<96x128xf32>
    %add3A_3036 = arith.addf %get3A_2804, %get3A_3035 : vector<96x128xf32>
    %get3A_3037 = arith.constant 16 : index
    %get3A_3038 = arith.constant 0 : index
    %get3A_3039 = vector.load %arg3[%get3A_3037, %get3A_3038] : memref<64x128xf32, #tpu.memory_space<vmem>>, vector<1x128xf32>
    %add3A_3040 = vector.broadcast %get3A_3039 : vector<1x128xf32> to vector<96x128xf32>
    %add3A_3041 = arith.addf %add3A_3036, %add3A_3040 : vector<96x128xf32>
    %lt3A_3042 = arith.cmpf olt, %add3A_3041, %select_n3A_3029 : vector<96x128xf32>
    %select_n3A_3043 = arith.select %lt3A_3042, %add3A_3041, %select_n3A_3029 : vector<96x128xi1>, vector<96x128xf32>
    %jit3A_3044 = arith.constant 16 : i32
    %broadcast_in_dim3A_3045 = vector.broadcast %jit3A_3044 : i32 to vector<96x128xi32>
    %select_n3A_3046 = arith.select %lt3A_3042, %broadcast_in_dim3A_3045, %select_n3A_3032 : vector<96x128xi1>, vector<96x128xi32>
    %get3A_3047 = arith.constant 288 : index
    %get3A_3048 = arith.constant 2176 : index
    %get3A_3049 = vector.load %arg7[%get3A_3047, %get3A_3048] : memref<576x8192xf32, #tpu.memory_space<vmem>>, vector<96x128xf32>
    %add3A_3050 = arith.addf %get3A_2804, %get3A_3049 : vector<96x128xf32>
    %get3A_3051 = arith.constant 17 : index
    %get3A_3052 = arith.constant 0 : index
    %get3A_3053 = vector.load %arg3[%get3A_3051, %get3A_3052] : memref<64x128xf32, #tpu.memory_space<vmem>>, vector<1x128xf32>
    %add3A_3054 = vector.broadcast %get3A_3053 : vector<1x128xf32> to vector<96x128xf32>
    %add3A_3055 = arith.addf %add3A_3050, %add3A_3054 : vector<96x128xf32>
    %lt3A_3056 = arith.cmpf olt, %add3A_3055, %select_n3A_3043 : vector<96x128xf32>
    %select_n3A_3057 = arith.select %lt3A_3056, %add3A_3055, %select_n3A_3043 : vector<96x128xi1>, vector<96x128xf32>
    %jit3A_3058 = arith.constant 17 : i32
    %broadcast_in_dim3A_3059 = vector.broadcast %jit3A_3058 : i32 to vector<96x128xi32>
    %select_n3A_3060 = arith.select %lt3A_3056, %broadcast_in_dim3A_3059, %select_n3A_3046 : vector<96x128xi1>, vector<96x128xi32>
    %get3A_3061 = arith.constant 288 : index
    %get3A_3062 = arith.constant 2304 : index
    %get3A_3063 = vector.load %arg7[%get3A_3061, %get3A_3062] : memref<576x8192xf32, #tpu.memory_space<vmem>>, vector<96x128xf32>
    %add3A_3064 = arith.addf %get3A_2804, %get3A_3063 : vector<96x128xf32>
    %get3A_3065 = arith.constant 18 : index
    %get3A_3066 = arith.constant 0 : index
    %get3A_3067 = vector.load %arg3[%get3A_3065, %get3A_3066] : memref<64x128xf32, #tpu.memory_space<vmem>>, vector<1x128xf32>
    %add3A_3068 = vector.broadcast %get3A_3067 : vector<1x128xf32> to vector<96x128xf32>
    %add3A_3069 = arith.addf %add3A_3064, %add3A_3068 : vector<96x128xf32>
    %lt3A_3070 = arith.cmpf olt, %add3A_3069, %select_n3A_3057 : vector<96x128xf32>
    %select_n3A_3071 = arith.select %lt3A_3070, %add3A_3069, %select_n3A_3057 : vector<96x128xi1>, vector<96x128xf32>
    %jit3A_3072 = arith.constant 18 : i32
    %broadcast_in_dim3A_3073 = vector.broadcast %jit3A_3072 : i32 to vector<96x128xi32>
    %select_n3A_3074 = arith.select %lt3A_3070, %broadcast_in_dim3A_3073, %select_n3A_3060 : vector<96x128xi1>, vector<96x128xi32>
    %get3A_3075 = arith.constant 288 : index
    %get3A_3076 = arith.constant 2432 : index
    %get3A_3077 = vector.load %arg7[%get3A_3075, %get3A_3076] : memref<576x8192xf32, #tpu.memory_space<vmem>>, vector<96x128xf32>
    %add3A_3078 = arith.addf %get3A_2804, %get3A_3077 : vector<96x128xf32>
    %get3A_3079 = arith.constant 19 : index
    %get3A_3080 = arith.constant 0 : index
    %get3A_3081 = vector.load %arg3[%get3A_3079, %get3A_3080] : memref<64x128xf32, #tpu.memory_space<vmem>>, vector<1x128xf32>
    %add3A_3082 = vector.broadcast %get3A_3081 : vector<1x128xf32> to vector<96x128xf32>
    %add3A_3083 = arith.addf %add3A_3078, %add3A_3082 : vector<96x128xf32>
    %lt3A_3084 = arith.cmpf olt, %add3A_3083, %select_n3A_3071 : vector<96x128xf32>
    %select_n3A_3085 = arith.select %lt3A_3084, %add3A_3083, %select_n3A_3071 : vector<96x128xi1>, vector<96x128xf32>
    %jit3A_3086 = arith.constant 19 : i32
    %broadcast_in_dim3A_3087 = vector.broadcast %jit3A_3086 : i32 to vector<96x128xi32>
    %select_n3A_3088 = arith.select %lt3A_3084, %broadcast_in_dim3A_3087, %select_n3A_3074 : vector<96x128xi1>, vector<96x128xi32>
    %get3A_3089 = arith.constant 288 : index
    %get3A_3090 = arith.constant 2560 : index
    %get3A_3091 = vector.load %arg7[%get3A_3089, %get3A_3090] : memref<576x8192xf32, #tpu.memory_space<vmem>>, vector<96x128xf32>
    %add3A_3092 = arith.addf %get3A_2804, %get3A_3091 : vector<96x128xf32>
    %get3A_3093 = arith.constant 20 : index
    %get3A_3094 = arith.constant 0 : index
    %get3A_3095 = vector.load %arg3[%get3A_3093, %get3A_3094] : memref<64x128xf32, #tpu.memory_space<vmem>>, vector<1x128xf32>
    %add3A_3096 = vector.broadcast %get3A_3095 : vector<1x128xf32> to vector<96x128xf32>
    %add3A_3097 = arith.addf %add3A_3092, %add3A_3096 : vector<96x128xf32>
    %lt3A_3098 = arith.cmpf olt, %add3A_3097, %select_n3A_3085 : vector<96x128xf32>
    %select_n3A_3099 = arith.select %lt3A_3098, %add3A_3097, %select_n3A_3085 : vector<96x128xi1>, vector<96x128xf32>
    %jit3A_3100 = arith.constant 20 : i32
    %broadcast_in_dim3A_3101 = vector.broadcast %jit3A_3100 : i32 to vector<96x128xi32>
    %select_n3A_3102 = arith.select %lt3A_3098, %broadcast_in_dim3A_3101, %select_n3A_3088 : vector<96x128xi1>, vector<96x128xi32>
    %get3A_3103 = arith.constant 288 : index
    %get3A_3104 = arith.constant 2688 : index
    %get3A_3105 = vector.load %arg7[%get3A_3103, %get3A_3104] : memref<576x8192xf32, #tpu.memory_space<vmem>>, vector<96x128xf32>
    %add3A_3106 = arith.addf %get3A_2804, %get3A_3105 : vector<96x128xf32>
    %get3A_3107 = arith.constant 21 : index
    %get3A_3108 = arith.constant 0 : index
    %get3A_3109 = vector.load %arg3[%get3A_3107, %get3A_3108] : memref<64x128xf32, #tpu.memory_space<vmem>>, vector<1x128xf32>
    %add3A_3110 = vector.broadcast %get3A_3109 : vector<1x128xf32> to vector<96x128xf32>
    %add3A_3111 = arith.addf %add3A_3106, %add3A_3110 : vector<96x128xf32>
    %lt3A_3112 = arith.cmpf olt, %add3A_3111, %select_n3A_3099 : vector<96x128xf32>
    %select_n3A_3113 = arith.select %lt3A_3112, %add3A_3111, %select_n3A_3099 : vector<96x128xi1>, vector<96x128xf32>
    %jit3A_3114 = arith.constant 21 : i32
    %broadcast_in_dim3A_3115 = vector.broadcast %jit3A_3114 : i32 to vector<96x128xi32>
    %select_n3A_3116 = arith.select %lt3A_3112, %broadcast_in_dim3A_3115, %select_n3A_3102 : vector<96x128xi1>, vector<96x128xi32>
    %get3A_3117 = arith.constant 288 : index
    %get3A_3118 = arith.constant 2816 : index
    %get3A_3119 = vector.load %arg7[%get3A_3117, %get3A_3118] : memref<576x8192xf32, #tpu.memory_space<vmem>>, vector<96x128xf32>
    %add3A_3120 = arith.addf %get3A_2804, %get3A_3119 : vector<96x128xf32>
    %get3A_3121 = arith.constant 22 : index
    %get3A_3122 = arith.constant 0 : index
    %get3A_3123 = vector.load %arg3[%get3A_3121, %get3A_3122] : memref<64x128xf32, #tpu.memory_space<vmem>>, vector<1x128xf32>
    %add3A_3124 = vector.broadcast %get3A_3123 : vector<1x128xf32> to vector<96x128xf32>
    %add3A_3125 = arith.addf %add3A_3120, %add3A_3124 : vector<96x128xf32>
    %lt3A_3126 = arith.cmpf olt, %add3A_3125, %select_n3A_3113 : vector<96x128xf32>
    %select_n3A_3127 = arith.select %lt3A_3126, %add3A_3125, %select_n3A_3113 : vector<96x128xi1>, vector<96x128xf32>
    %jit3A_3128 = arith.constant 22 : i32
    %broadcast_in_dim3A_3129 = vector.broadcast %jit3A_3128 : i32 to vector<96x128xi32>
    %select_n3A_3130 = arith.select %lt3A_3126, %broadcast_in_dim3A_3129, %select_n3A_3116 : vector<96x128xi1>, vector<96x128xi32>
    %get3A_3131 = arith.constant 288 : index
    %get3A_3132 = arith.constant 2944 : index
    %get3A_3133 = vector.load %arg7[%get3A_3131, %get3A_3132] : memref<576x8192xf32, #tpu.memory_space<vmem>>, vector<96x128xf32>
    %add3A_3134 = arith.addf %get3A_2804, %get3A_3133 : vector<96x128xf32>
    %get3A_3135 = arith.constant 23 : index
    %get3A_3136 = arith.constant 0 : index
    %get3A_3137 = vector.load %arg3[%get3A_3135, %get3A_3136] : memref<64x128xf32, #tpu.memory_space<vmem>>, vector<1x128xf32>
    %add3A_3138 = vector.broadcast %get3A_3137 : vector<1x128xf32> to vector<96x128xf32>
    %add3A_3139 = arith.addf %add3A_3134, %add3A_3138 : vector<96x128xf32>
    %lt3A_3140 = arith.cmpf olt, %add3A_3139, %select_n3A_3127 : vector<96x128xf32>
    %select_n3A_3141 = arith.select %lt3A_3140, %add3A_3139, %select_n3A_3127 : vector<96x128xi1>, vector<96x128xf32>
    %jit3A_3142 = arith.constant 23 : i32
    %broadcast_in_dim3A_3143 = vector.broadcast %jit3A_3142 : i32 to vector<96x128xi32>
    %select_n3A_3144 = arith.select %lt3A_3140, %broadcast_in_dim3A_3143, %select_n3A_3130 : vector<96x128xi1>, vector<96x128xi32>
    %get3A_3145 = arith.constant 288 : index
    %get3A_3146 = arith.constant 3072 : index
    %get3A_3147 = vector.load %arg7[%get3A_3145, %get3A_3146] : memref<576x8192xf32, #tpu.memory_space<vmem>>, vector<96x128xf32>
    %add3A_3148 = arith.addf %get3A_2804, %get3A_3147 : vector<96x128xf32>
    %get3A_3149 = arith.constant 24 : index
    %get3A_3150 = arith.constant 0 : index
    %get3A_3151 = vector.load %arg3[%get3A_3149, %get3A_3150] : memref<64x128xf32, #tpu.memory_space<vmem>>, vector<1x128xf32>
    %add3A_3152 = vector.broadcast %get3A_3151 : vector<1x128xf32> to vector<96x128xf32>
    %add3A_3153 = arith.addf %add3A_3148, %add3A_3152 : vector<96x128xf32>
    %lt3A_3154 = arith.cmpf olt, %add3A_3153, %select_n3A_3141 : vector<96x128xf32>
    %select_n3A_3155 = arith.select %lt3A_3154, %add3A_3153, %select_n3A_3141 : vector<96x128xi1>, vector<96x128xf32>
    %jit3A_3156 = arith.constant 24 : i32
    %broadcast_in_dim3A_3157 = vector.broadcast %jit3A_3156 : i32 to vector<96x128xi32>
    %select_n3A_3158 = arith.select %lt3A_3154, %broadcast_in_dim3A_3157, %select_n3A_3144 : vector<96x128xi1>, vector<96x128xi32>
    %get3A_3159 = arith.constant 288 : index
    %get3A_3160 = arith.constant 3200 : index
    %get3A_3161 = vector.load %arg7[%get3A_3159, %get3A_3160] : memref<576x8192xf32, #tpu.memory_space<vmem>>, vector<96x128xf32>
    %add3A_3162 = arith.addf %get3A_2804, %get3A_3161 : vector<96x128xf32>
    %get3A_3163 = arith.constant 25 : index
    %get3A_3164 = arith.constant 0 : index
    %get3A_3165 = vector.load %arg3[%get3A_3163, %get3A_3164] : memref<64x128xf32, #tpu.memory_space<vmem>>, vector<1x128xf32>
    %add3A_3166 = vector.broadcast %get3A_3165 : vector<1x128xf32> to vector<96x128xf32>
    %add3A_3167 = arith.addf %add3A_3162, %add3A_3166 : vector<96x128xf32>
    %lt3A_3168 = arith.cmpf olt, %add3A_3167, %select_n3A_3155 : vector<96x128xf32>
    %select_n3A_3169 = arith.select %lt3A_3168, %add3A_3167, %select_n3A_3155 : vector<96x128xi1>, vector<96x128xf32>
    %jit3A_3170 = arith.constant 25 : i32
    %broadcast_in_dim3A_3171 = vector.broadcast %jit3A_3170 : i32 to vector<96x128xi32>
    %select_n3A_3172 = arith.select %lt3A_3168, %broadcast_in_dim3A_3171, %select_n3A_3158 : vector<96x128xi1>, vector<96x128xi32>
    %get3A_3173 = arith.constant 288 : index
    %get3A_3174 = arith.constant 3328 : index
    %get3A_3175 = vector.load %arg7[%get3A_3173, %get3A_3174] : memref<576x8192xf32, #tpu.memory_space<vmem>>, vector<96x128xf32>
    %add3A_3176 = arith.addf %get3A_2804, %get3A_3175 : vector<96x128xf32>
    %get3A_3177 = arith.constant 26 : index
    %get3A_3178 = arith.constant 0 : index
    %get3A_3179 = vector.load %arg3[%get3A_3177, %get3A_3178] : memref<64x128xf32, #tpu.memory_space<vmem>>, vector<1x128xf32>
    %add3A_3180 = vector.broadcast %get3A_3179 : vector<1x128xf32> to vector<96x128xf32>
    %add3A_3181 = arith.addf %add3A_3176, %add3A_3180 : vector<96x128xf32>
    %lt3A_3182 = arith.cmpf olt, %add3A_3181, %select_n3A_3169 : vector<96x128xf32>
    %select_n3A_3183 = arith.select %lt3A_3182, %add3A_3181, %select_n3A_3169 : vector<96x128xi1>, vector<96x128xf32>
    %jit3A_3184 = arith.constant 26 : i32
    %broadcast_in_dim3A_3185 = vector.broadcast %jit3A_3184 : i32 to vector<96x128xi32>
    %select_n3A_3186 = arith.select %lt3A_3182, %broadcast_in_dim3A_3185, %select_n3A_3172 : vector<96x128xi1>, vector<96x128xi32>
    %get3A_3187 = arith.constant 288 : index
    %get3A_3188 = arith.constant 3456 : index
    %get3A_3189 = vector.load %arg7[%get3A_3187, %get3A_3188] : memref<576x8192xf32, #tpu.memory_space<vmem>>, vector<96x128xf32>
    %add3A_3190 = arith.addf %get3A_2804, %get3A_3189 : vector<96x128xf32>
    %get3A_3191 = arith.constant 27 : index
    %get3A_3192 = arith.constant 0 : index
    %get3A_3193 = vector.load %arg3[%get3A_3191, %get3A_3192] : memref<64x128xf32, #tpu.memory_space<vmem>>, vector<1x128xf32>
    %add3A_3194 = vector.broadcast %get3A_3193 : vector<1x128xf32> to vector<96x128xf32>
    %add3A_3195 = arith.addf %add3A_3190, %add3A_3194 : vector<96x128xf32>
    %lt3A_3196 = arith.cmpf olt, %add3A_3195, %select_n3A_3183 : vector<96x128xf32>
    %select_n3A_3197 = arith.select %lt3A_3196, %add3A_3195, %select_n3A_3183 : vector<96x128xi1>, vector<96x128xf32>
    %jit3A_3198 = arith.constant 27 : i32
    %broadcast_in_dim3A_3199 = vector.broadcast %jit3A_3198 : i32 to vector<96x128xi32>
    %select_n3A_3200 = arith.select %lt3A_3196, %broadcast_in_dim3A_3199, %select_n3A_3186 : vector<96x128xi1>, vector<96x128xi32>
    %get3A_3201 = arith.constant 288 : index
    %get3A_3202 = arith.constant 3584 : index
    %get3A_3203 = vector.load %arg7[%get3A_3201, %get3A_3202] : memref<576x8192xf32, #tpu.memory_space<vmem>>, vector<96x128xf32>
    %add3A_3204 = arith.addf %get3A_2804, %get3A_3203 : vector<96x128xf32>
    %get3A_3205 = arith.constant 28 : index
    %get3A_3206 = arith.constant 0 : index
    %get3A_3207 = vector.load %arg3[%get3A_3205, %get3A_3206] : memref<64x128xf32, #tpu.memory_space<vmem>>, vector<1x128xf32>
    %add3A_3208 = vector.broadcast %get3A_3207 : vector<1x128xf32> to vector<96x128xf32>
    %add3A_3209 = arith.addf %add3A_3204, %add3A_3208 : vector<96x128xf32>
    %lt3A_3210 = arith.cmpf olt, %add3A_3209, %select_n3A_3197 : vector<96x128xf32>
    %select_n3A_3211 = arith.select %lt3A_3210, %add3A_3209, %select_n3A_3197 : vector<96x128xi1>, vector<96x128xf32>
    %jit3A_3212 = arith.constant 28 : i32
    %broadcast_in_dim3A_3213 = vector.broadcast %jit3A_3212 : i32 to vector<96x128xi32>
    %select_n3A_3214 = arith.select %lt3A_3210, %broadcast_in_dim3A_3213, %select_n3A_3200 : vector<96x128xi1>, vector<96x128xi32>
    %get3A_3215 = arith.constant 288 : index
    %get3A_3216 = arith.constant 3712 : index
    %get3A_3217 = vector.load %arg7[%get3A_3215, %get3A_3216] : memref<576x8192xf32, #tpu.memory_space<vmem>>, vector<96x128xf32>
    %add3A_3218 = arith.addf %get3A_2804, %get3A_3217 : vector<96x128xf32>
    %get3A_3219 = arith.constant 29 : index
    %get3A_3220 = arith.constant 0 : index
    %get3A_3221 = vector.load %arg3[%get3A_3219, %get3A_3220] : memref<64x128xf32, #tpu.memory_space<vmem>>, vector<1x128xf32>
    %add3A_3222 = vector.broadcast %get3A_3221 : vector<1x128xf32> to vector<96x128xf32>
    %add3A_3223 = arith.addf %add3A_3218, %add3A_3222 : vector<96x128xf32>
    %lt3A_3224 = arith.cmpf olt, %add3A_3223, %select_n3A_3211 : vector<96x128xf32>
    %select_n3A_3225 = arith.select %lt3A_3224, %add3A_3223, %select_n3A_3211 : vector<96x128xi1>, vector<96x128xf32>
    %jit3A_3226 = arith.constant 29 : i32
    %broadcast_in_dim3A_3227 = vector.broadcast %jit3A_3226 : i32 to vector<96x128xi32>
    %select_n3A_3228 = arith.select %lt3A_3224, %broadcast_in_dim3A_3227, %select_n3A_3214 : vector<96x128xi1>, vector<96x128xi32>
    %get3A_3229 = arith.constant 288 : index
    %get3A_3230 = arith.constant 3840 : index
    %get3A_3231 = vector.load %arg7[%get3A_3229, %get3A_3230] : memref<576x8192xf32, #tpu.memory_space<vmem>>, vector<96x128xf32>
    %add3A_3232 = arith.addf %get3A_2804, %get3A_3231 : vector<96x128xf32>
    %get3A_3233 = arith.constant 30 : index
    %get3A_3234 = arith.constant 0 : index
    %get3A_3235 = vector.load %arg3[%get3A_3233, %get3A_3234] : memref<64x128xf32, #tpu.memory_space<vmem>>, vector<1x128xf32>
    %add3A_3236 = vector.broadcast %get3A_3235 : vector<1x128xf32> to vector<96x128xf32>
    %add3A_3237 = arith.addf %add3A_3232, %add3A_3236 : vector<96x128xf32>
    %lt3A_3238 = arith.cmpf olt, %add3A_3237, %select_n3A_3225 : vector<96x128xf32>
    %select_n3A_3239 = arith.select %lt3A_3238, %add3A_3237, %select_n3A_3225 : vector<96x128xi1>, vector<96x128xf32>
    %jit3A_3240 = arith.constant 30 : i32
    %broadcast_in_dim3A_3241 = vector.broadcast %jit3A_3240 : i32 to vector<96x128xi32>
    %select_n3A_3242 = arith.select %lt3A_3238, %broadcast_in_dim3A_3241, %select_n3A_3228 : vector<96x128xi1>, vector<96x128xi32>
    %get3A_3243 = arith.constant 288 : index
    %get3A_3244 = arith.constant 3968 : index
    %get3A_3245 = vector.load %arg7[%get3A_3243, %get3A_3244] : memref<576x8192xf32, #tpu.memory_space<vmem>>, vector<96x128xf32>
    %add3A_3246 = arith.addf %get3A_2804, %get3A_3245 : vector<96x128xf32>
    %get3A_3247 = arith.constant 31 : index
    %get3A_3248 = arith.constant 0 : index
    %get3A_3249 = vector.load %arg3[%get3A_3247, %get3A_3248] : memref<64x128xf32, #tpu.memory_space<vmem>>, vector<1x128xf32>
    %add3A_3250 = vector.broadcast %get3A_3249 : vector<1x128xf32> to vector<96x128xf32>
    %add3A_3251 = arith.addf %add3A_3246, %add3A_3250 : vector<96x128xf32>
    %lt3A_3252 = arith.cmpf olt, %add3A_3251, %select_n3A_3239 : vector<96x128xf32>
    %select_n3A_3253 = arith.select %lt3A_3252, %add3A_3251, %select_n3A_3239 : vector<96x128xi1>, vector<96x128xf32>
    %jit3A_3254 = arith.constant 31 : i32
    %broadcast_in_dim3A_3255 = vector.broadcast %jit3A_3254 : i32 to vector<96x128xi32>
    %select_n3A_3256 = arith.select %lt3A_3252, %broadcast_in_dim3A_3255, %select_n3A_3242 : vector<96x128xi1>, vector<96x128xi32>
    %get3A_3257 = arith.constant 288 : index
    %get3A_3258 = arith.constant 4096 : index
    %get3A_3259 = vector.load %arg7[%get3A_3257, %get3A_3258] : memref<576x8192xf32, #tpu.memory_space<vmem>>, vector<96x128xf32>
    %add3A_3260 = arith.addf %get3A_2804, %get3A_3259 : vector<96x128xf32>
    %get3A_3261 = arith.constant 32 : index
    %get3A_3262 = arith.constant 0 : index
    %get3A_3263 = vector.load %arg3[%get3A_3261, %get3A_3262] : memref<64x128xf32, #tpu.memory_space<vmem>>, vector<1x128xf32>
    %add3A_3264 = vector.broadcast %get3A_3263 : vector<1x128xf32> to vector<96x128xf32>
    %add3A_3265 = arith.addf %add3A_3260, %add3A_3264 : vector<96x128xf32>
    %lt3A_3266 = arith.cmpf olt, %add3A_3265, %select_n3A_3253 : vector<96x128xf32>
    %select_n3A_3267 = arith.select %lt3A_3266, %add3A_3265, %select_n3A_3253 : vector<96x128xi1>, vector<96x128xf32>
    %jit3A_3268 = arith.constant 32 : i32
    %broadcast_in_dim3A_3269 = vector.broadcast %jit3A_3268 : i32 to vector<96x128xi32>
    %select_n3A_3270 = arith.select %lt3A_3266, %broadcast_in_dim3A_3269, %select_n3A_3256 : vector<96x128xi1>, vector<96x128xi32>
    %get3A_3271 = arith.constant 288 : index
    %get3A_3272 = arith.constant 4224 : index
    %get3A_3273 = vector.load %arg7[%get3A_3271, %get3A_3272] : memref<576x8192xf32, #tpu.memory_space<vmem>>, vector<96x128xf32>
    %add3A_3274 = arith.addf %get3A_2804, %get3A_3273 : vector<96x128xf32>
    %get3A_3275 = arith.constant 33 : index
    %get3A_3276 = arith.constant 0 : index
    %get3A_3277 = vector.load %arg3[%get3A_3275, %get3A_3276] : memref<64x128xf32, #tpu.memory_space<vmem>>, vector<1x128xf32>
    %add3A_3278 = vector.broadcast %get3A_3277 : vector<1x128xf32> to vector<96x128xf32>
    %add3A_3279 = arith.addf %add3A_3274, %add3A_3278 : vector<96x128xf32>
    %lt3A_3280 = arith.cmpf olt, %add3A_3279, %select_n3A_3267 : vector<96x128xf32>
    %select_n3A_3281 = arith.select %lt3A_3280, %add3A_3279, %select_n3A_3267 : vector<96x128xi1>, vector<96x128xf32>
    %jit3A_3282 = arith.constant 33 : i32
    %broadcast_in_dim3A_3283 = vector.broadcast %jit3A_3282 : i32 to vector<96x128xi32>
    %select_n3A_3284 = arith.select %lt3A_3280, %broadcast_in_dim3A_3283, %select_n3A_3270 : vector<96x128xi1>, vector<96x128xi32>
    %get3A_3285 = arith.constant 288 : index
    %get3A_3286 = arith.constant 4352 : index
    %get3A_3287 = vector.load %arg7[%get3A_3285, %get3A_3286] : memref<576x8192xf32, #tpu.memory_space<vmem>>, vector<96x128xf32>
    %add3A_3288 = arith.addf %get3A_2804, %get3A_3287 : vector<96x128xf32>
    %get3A_3289 = arith.constant 34 : index
    %get3A_3290 = arith.constant 0 : index
    %get3A_3291 = vector.load %arg3[%get3A_3289, %get3A_3290] : memref<64x128xf32, #tpu.memory_space<vmem>>, vector<1x128xf32>
    %add3A_3292 = vector.broadcast %get3A_3291 : vector<1x128xf32> to vector<96x128xf32>
    %add3A_3293 = arith.addf %add3A_3288, %add3A_3292 : vector<96x128xf32>
    %lt3A_3294 = arith.cmpf olt, %add3A_3293, %select_n3A_3281 : vector<96x128xf32>
    %select_n3A_3295 = arith.select %lt3A_3294, %add3A_3293, %select_n3A_3281 : vector<96x128xi1>, vector<96x128xf32>
    %jit3A_3296 = arith.constant 34 : i32
    %broadcast_in_dim3A_3297 = vector.broadcast %jit3A_3296 : i32 to vector<96x128xi32>
    %select_n3A_3298 = arith.select %lt3A_3294, %broadcast_in_dim3A_3297, %select_n3A_3284 : vector<96x128xi1>, vector<96x128xi32>
    %get3A_3299 = arith.constant 288 : index
    %get3A_3300 = arith.constant 4480 : index
    %get3A_3301 = vector.load %arg7[%get3A_3299, %get3A_3300] : memref<576x8192xf32, #tpu.memory_space<vmem>>, vector<96x128xf32>
    %add3A_3302 = arith.addf %get3A_2804, %get3A_3301 : vector<96x128xf32>
    %get3A_3303 = arith.constant 35 : index
    %get3A_3304 = arith.constant 0 : index
    %get3A_3305 = vector.load %arg3[%get3A_3303, %get3A_3304] : memref<64x128xf32, #tpu.memory_space<vmem>>, vector<1x128xf32>
    %add3A_3306 = vector.broadcast %get3A_3305 : vector<1x128xf32> to vector<96x128xf32>
    %add3A_3307 = arith.addf %add3A_3302, %add3A_3306 : vector<96x128xf32>
    %lt3A_3308 = arith.cmpf olt, %add3A_3307, %select_n3A_3295 : vector<96x128xf32>
    %select_n3A_3309 = arith.select %lt3A_3308, %add3A_3307, %select_n3A_3295 : vector<96x128xi1>, vector<96x128xf32>
    %jit3A_3310 = arith.constant 35 : i32
    %broadcast_in_dim3A_3311 = vector.broadcast %jit3A_3310 : i32 to vector<96x128xi32>
    %select_n3A_3312 = arith.select %lt3A_3308, %broadcast_in_dim3A_3311, %select_n3A_3298 : vector<96x128xi1>, vector<96x128xi32>
    %get3A_3313 = arith.constant 288 : index
    %get3A_3314 = arith.constant 4608 : index
    %get3A_3315 = vector.load %arg7[%get3A_3313, %get3A_3314] : memref<576x8192xf32, #tpu.memory_space<vmem>>, vector<96x128xf32>
    %add3A_3316 = arith.addf %get3A_2804, %get3A_3315 : vector<96x128xf32>
    %get3A_3317 = arith.constant 36 : index
    %get3A_3318 = arith.constant 0 : index
    %get3A_3319 = vector.load %arg3[%get3A_3317, %get3A_3318] : memref<64x128xf32, #tpu.memory_space<vmem>>, vector<1x128xf32>
    %add3A_3320 = vector.broadcast %get3A_3319 : vector<1x128xf32> to vector<96x128xf32>
    %add3A_3321 = arith.addf %add3A_3316, %add3A_3320 : vector<96x128xf32>
    %lt3A_3322 = arith.cmpf olt, %add3A_3321, %select_n3A_3309 : vector<96x128xf32>
    %select_n3A_3323 = arith.select %lt3A_3322, %add3A_3321, %select_n3A_3309 : vector<96x128xi1>, vector<96x128xf32>
    %jit3A_3324 = arith.constant 36 : i32
    %broadcast_in_dim3A_3325 = vector.broadcast %jit3A_3324 : i32 to vector<96x128xi32>
    %select_n3A_3326 = arith.select %lt3A_3322, %broadcast_in_dim3A_3325, %select_n3A_3312 : vector<96x128xi1>, vector<96x128xi32>
    %get3A_3327 = arith.constant 288 : index
    %get3A_3328 = arith.constant 4736 : index
    %get3A_3329 = vector.load %arg7[%get3A_3327, %get3A_3328] : memref<576x8192xf32, #tpu.memory_space<vmem>>, vector<96x128xf32>
    %add3A_3330 = arith.addf %get3A_2804, %get3A_3329 : vector<96x128xf32>
    %get3A_3331 = arith.constant 37 : index
    %get3A_3332 = arith.constant 0 : index
    %get3A_3333 = vector.load %arg3[%get3A_3331, %get3A_3332] : memref<64x128xf32, #tpu.memory_space<vmem>>, vector<1x128xf32>
    %add3A_3334 = vector.broadcast %get3A_3333 : vector<1x128xf32> to vector<96x128xf32>
    %add3A_3335 = arith.addf %add3A_3330, %add3A_3334 : vector<96x128xf32>
    %lt3A_3336 = arith.cmpf olt, %add3A_3335, %select_n3A_3323 : vector<96x128xf32>
    %select_n3A_3337 = arith.select %lt3A_3336, %add3A_3335, %select_n3A_3323 : vector<96x128xi1>, vector<96x128xf32>
    %jit3A_3338 = arith.constant 37 : i32
    %broadcast_in_dim3A_3339 = vector.broadcast %jit3A_3338 : i32 to vector<96x128xi32>
    %select_n3A_3340 = arith.select %lt3A_3336, %broadcast_in_dim3A_3339, %select_n3A_3326 : vector<96x128xi1>, vector<96x128xi32>
    %get3A_3341 = arith.constant 288 : index
    %get3A_3342 = arith.constant 4864 : index
    %get3A_3343 = vector.load %arg7[%get3A_3341, %get3A_3342] : memref<576x8192xf32, #tpu.memory_space<vmem>>, vector<96x128xf32>
    %add3A_3344 = arith.addf %get3A_2804, %get3A_3343 : vector<96x128xf32>
    %get3A_3345 = arith.constant 38 : index
    %get3A_3346 = arith.constant 0 : index
    %get3A_3347 = vector.load %arg3[%get3A_3345, %get3A_3346] : memref<64x128xf32, #tpu.memory_space<vmem>>, vector<1x128xf32>
    %add3A_3348 = vector.broadcast %get3A_3347 : vector<1x128xf32> to vector<96x128xf32>
    %add3A_3349 = arith.addf %add3A_3344, %add3A_3348 : vector<96x128xf32>
    %lt3A_3350 = arith.cmpf olt, %add3A_3349, %select_n3A_3337 : vector<96x128xf32>
    %select_n3A_3351 = arith.select %lt3A_3350, %add3A_3349, %select_n3A_3337 : vector<96x128xi1>, vector<96x128xf32>
    %jit3A_3352 = arith.constant 38 : i32
    %broadcast_in_dim3A_3353 = vector.broadcast %jit3A_3352 : i32 to vector<96x128xi32>
    %select_n3A_3354 = arith.select %lt3A_3350, %broadcast_in_dim3A_3353, %select_n3A_3340 : vector<96x128xi1>, vector<96x128xi32>
    %get3A_3355 = arith.constant 288 : index
    %get3A_3356 = arith.constant 4992 : index
    %get3A_3357 = vector.load %arg7[%get3A_3355, %get3A_3356] : memref<576x8192xf32, #tpu.memory_space<vmem>>, vector<96x128xf32>
    %add3A_3358 = arith.addf %get3A_2804, %get3A_3357 : vector<96x128xf32>
    %get3A_3359 = arith.constant 39 : index
    %get3A_3360 = arith.constant 0 : index
    %get3A_3361 = vector.load %arg3[%get3A_3359, %get3A_3360] : memref<64x128xf32, #tpu.memory_space<vmem>>, vector<1x128xf32>
    %add3A_3362 = vector.broadcast %get3A_3361 : vector<1x128xf32> to vector<96x128xf32>
    %add3A_3363 = arith.addf %add3A_3358, %add3A_3362 : vector<96x128xf32>
    %lt3A_3364 = arith.cmpf olt, %add3A_3363, %select_n3A_3351 : vector<96x128xf32>
    %select_n3A_3365 = arith.select %lt3A_3364, %add3A_3363, %select_n3A_3351 : vector<96x128xi1>, vector<96x128xf32>
    %jit3A_3366 = arith.constant 39 : i32
    %broadcast_in_dim3A_3367 = vector.broadcast %jit3A_3366 : i32 to vector<96x128xi32>
    %select_n3A_3368 = arith.select %lt3A_3364, %broadcast_in_dim3A_3367, %select_n3A_3354 : vector<96x128xi1>, vector<96x128xi32>
    %get3A_3369 = arith.constant 288 : index
    %get3A_3370 = arith.constant 5120 : index
    %get3A_3371 = vector.load %arg7[%get3A_3369, %get3A_3370] : memref<576x8192xf32, #tpu.memory_space<vmem>>, vector<96x128xf32>
    %add3A_3372 = arith.addf %get3A_2804, %get3A_3371 : vector<96x128xf32>
    %get3A_3373 = arith.constant 40 : index
    %get3A_3374 = arith.constant 0 : index
    %get3A_3375 = vector.load %arg3[%get3A_3373, %get3A_3374] : memref<64x128xf32, #tpu.memory_space<vmem>>, vector<1x128xf32>
    %add3A_3376 = vector.broadcast %get3A_3375 : vector<1x128xf32> to vector<96x128xf32>
    %add3A_3377 = arith.addf %add3A_3372, %add3A_3376 : vector<96x128xf32>
    %lt3A_3378 = arith.cmpf olt, %add3A_3377, %select_n3A_3365 : vector<96x128xf32>
    %select_n3A_3379 = arith.select %lt3A_3378, %add3A_3377, %select_n3A_3365 : vector<96x128xi1>, vector<96x128xf32>
    %jit3A_3380 = arith.constant 40 : i32
    %broadcast_in_dim3A_3381 = vector.broadcast %jit3A_3380 : i32 to vector<96x128xi32>
    %select_n3A_3382 = arith.select %lt3A_3378, %broadcast_in_dim3A_3381, %select_n3A_3368 : vector<96x128xi1>, vector<96x128xi32>
    %get3A_3383 = arith.constant 288 : index
    %get3A_3384 = arith.constant 5248 : index
    %get3A_3385 = vector.load %arg7[%get3A_3383, %get3A_3384] : memref<576x8192xf32, #tpu.memory_space<vmem>>, vector<96x128xf32>
    %add3A_3386 = arith.addf %get3A_2804, %get3A_3385 : vector<96x128xf32>
    %get3A_3387 = arith.constant 41 : index
    %get3A_3388 = arith.constant 0 : index
    %get3A_3389 = vector.load %arg3[%get3A_3387, %get3A_3388] : memref<64x128xf32, #tpu.memory_space<vmem>>, vector<1x128xf32>
    %add3A_3390 = vector.broadcast %get3A_3389 : vector<1x128xf32> to vector<96x128xf32>
    %add3A_3391 = arith.addf %add3A_3386, %add3A_3390 : vector<96x128xf32>
    %lt3A_3392 = arith.cmpf olt, %add3A_3391, %select_n3A_3379 : vector<96x128xf32>
    %select_n3A_3393 = arith.select %lt3A_3392, %add3A_3391, %select_n3A_3379 : vector<96x128xi1>, vector<96x128xf32>
    %jit3A_3394 = arith.constant 41 : i32
    %broadcast_in_dim3A_3395 = vector.broadcast %jit3A_3394 : i32 to vector<96x128xi32>
    %select_n3A_3396 = arith.select %lt3A_3392, %broadcast_in_dim3A_3395, %select_n3A_3382 : vector<96x128xi1>, vector<96x128xi32>
    %get3A_3397 = arith.constant 288 : index
    %get3A_3398 = arith.constant 5376 : index
    %get3A_3399 = vector.load %arg7[%get3A_3397, %get3A_3398] : memref<576x8192xf32, #tpu.memory_space<vmem>>, vector<96x128xf32>
    %add3A_3400 = arith.addf %get3A_2804, %get3A_3399 : vector<96x128xf32>
    %get3A_3401 = arith.constant 42 : index
    %get3A_3402 = arith.constant 0 : index
    %get3A_3403 = vector.load %arg3[%get3A_3401, %get3A_3402] : memref<64x128xf32, #tpu.memory_space<vmem>>, vector<1x128xf32>
    %add3A_3404 = vector.broadcast %get3A_3403 : vector<1x128xf32> to vector<96x128xf32>
    %add3A_3405 = arith.addf %add3A_3400, %add3A_3404 : vector<96x128xf32>
    %lt3A_3406 = arith.cmpf olt, %add3A_3405, %select_n3A_3393 : vector<96x128xf32>
    %select_n3A_3407 = arith.select %lt3A_3406, %add3A_3405, %select_n3A_3393 : vector<96x128xi1>, vector<96x128xf32>
    %jit3A_3408 = arith.constant 42 : i32
    %broadcast_in_dim3A_3409 = vector.broadcast %jit3A_3408 : i32 to vector<96x128xi32>
    %select_n3A_3410 = arith.select %lt3A_3406, %broadcast_in_dim3A_3409, %select_n3A_3396 : vector<96x128xi1>, vector<96x128xi32>
    %get3A_3411 = arith.constant 288 : index
    %get3A_3412 = arith.constant 5504 : index
    %get3A_3413 = vector.load %arg7[%get3A_3411, %get3A_3412] : memref<576x8192xf32, #tpu.memory_space<vmem>>, vector<96x128xf32>
    %add3A_3414 = arith.addf %get3A_2804, %get3A_3413 : vector<96x128xf32>
    %get3A_3415 = arith.constant 43 : index
    %get3A_3416 = arith.constant 0 : index
    %get3A_3417 = vector.load %arg3[%get3A_3415, %get3A_3416] : memref<64x128xf32, #tpu.memory_space<vmem>>, vector<1x128xf32>
    %add3A_3418 = vector.broadcast %get3A_3417 : vector<1x128xf32> to vector<96x128xf32>
    %add3A_3419 = arith.addf %add3A_3414, %add3A_3418 : vector<96x128xf32>
    %lt3A_3420 = arith.cmpf olt, %add3A_3419, %select_n3A_3407 : vector<96x128xf32>
    %select_n3A_3421 = arith.select %lt3A_3420, %add3A_3419, %select_n3A_3407 : vector<96x128xi1>, vector<96x128xf32>
    %jit3A_3422 = arith.constant 43 : i32
    %broadcast_in_dim3A_3423 = vector.broadcast %jit3A_3422 : i32 to vector<96x128xi32>
    %select_n3A_3424 = arith.select %lt3A_3420, %broadcast_in_dim3A_3423, %select_n3A_3410 : vector<96x128xi1>, vector<96x128xi32>
    %get3A_3425 = arith.constant 288 : index
    %get3A_3426 = arith.constant 5632 : index
    %get3A_3427 = vector.load %arg7[%get3A_3425, %get3A_3426] : memref<576x8192xf32, #tpu.memory_space<vmem>>, vector<96x128xf32>
    %add3A_3428 = arith.addf %get3A_2804, %get3A_3427 : vector<96x128xf32>
    %get3A_3429 = arith.constant 44 : index
    %get3A_3430 = arith.constant 0 : index
    %get3A_3431 = vector.load %arg3[%get3A_3429, %get3A_3430] : memref<64x128xf32, #tpu.memory_space<vmem>>, vector<1x128xf32>
    %add3A_3432 = vector.broadcast %get3A_3431 : vector<1x128xf32> to vector<96x128xf32>
    %add3A_3433 = arith.addf %add3A_3428, %add3A_3432 : vector<96x128xf32>
    %lt3A_3434 = arith.cmpf olt, %add3A_3433, %select_n3A_3421 : vector<96x128xf32>
    %select_n3A_3435 = arith.select %lt3A_3434, %add3A_3433, %select_n3A_3421 : vector<96x128xi1>, vector<96x128xf32>
    %jit3A_3436 = arith.constant 44 : i32
    %broadcast_in_dim3A_3437 = vector.broadcast %jit3A_3436 : i32 to vector<96x128xi32>
    %select_n3A_3438 = arith.select %lt3A_3434, %broadcast_in_dim3A_3437, %select_n3A_3424 : vector<96x128xi1>, vector<96x128xi32>
    %get3A_3439 = arith.constant 288 : index
    %get3A_3440 = arith.constant 5760 : index
    %get3A_3441 = vector.load %arg7[%get3A_3439, %get3A_3440] : memref<576x8192xf32, #tpu.memory_space<vmem>>, vector<96x128xf32>
    %add3A_3442 = arith.addf %get3A_2804, %get3A_3441 : vector<96x128xf32>
    %get3A_3443 = arith.constant 45 : index
    %get3A_3444 = arith.constant 0 : index
    %get3A_3445 = vector.load %arg3[%get3A_3443, %get3A_3444] : memref<64x128xf32, #tpu.memory_space<vmem>>, vector<1x128xf32>
    %add3A_3446 = vector.broadcast %get3A_3445 : vector<1x128xf32> to vector<96x128xf32>
    %add3A_3447 = arith.addf %add3A_3442, %add3A_3446 : vector<96x128xf32>
    %lt3A_3448 = arith.cmpf olt, %add3A_3447, %select_n3A_3435 : vector<96x128xf32>
    %select_n3A_3449 = arith.select %lt3A_3448, %add3A_3447, %select_n3A_3435 : vector<96x128xi1>, vector<96x128xf32>
    %jit3A_3450 = arith.constant 45 : i32
    %broadcast_in_dim3A_3451 = vector.broadcast %jit3A_3450 : i32 to vector<96x128xi32>
    %select_n3A_3452 = arith.select %lt3A_3448, %broadcast_in_dim3A_3451, %select_n3A_3438 : vector<96x128xi1>, vector<96x128xi32>
    %get3A_3453 = arith.constant 288 : index
    %get3A_3454 = arith.constant 5888 : index
    %get3A_3455 = vector.load %arg7[%get3A_3453, %get3A_3454] : memref<576x8192xf32, #tpu.memory_space<vmem>>, vector<96x128xf32>
    %add3A_3456 = arith.addf %get3A_2804, %get3A_3455 : vector<96x128xf32>
    %get3A_3457 = arith.constant 46 : index
    %get3A_3458 = arith.constant 0 : index
    %get3A_3459 = vector.load %arg3[%get3A_3457, %get3A_3458] : memref<64x128xf32, #tpu.memory_space<vmem>>, vector<1x128xf32>
    %add3A_3460 = vector.broadcast %get3A_3459 : vector<1x128xf32> to vector<96x128xf32>
    %add3A_3461 = arith.addf %add3A_3456, %add3A_3460 : vector<96x128xf32>
    %lt3A_3462 = arith.cmpf olt, %add3A_3461, %select_n3A_3449 : vector<96x128xf32>
    %select_n3A_3463 = arith.select %lt3A_3462, %add3A_3461, %select_n3A_3449 : vector<96x128xi1>, vector<96x128xf32>
    %jit3A_3464 = arith.constant 46 : i32
    %broadcast_in_dim3A_3465 = vector.broadcast %jit3A_3464 : i32 to vector<96x128xi32>
    %select_n3A_3466 = arith.select %lt3A_3462, %broadcast_in_dim3A_3465, %select_n3A_3452 : vector<96x128xi1>, vector<96x128xi32>
    %get3A_3467 = arith.constant 288 : index
    %get3A_3468 = arith.constant 6016 : index
    %get3A_3469 = vector.load %arg7[%get3A_3467, %get3A_3468] : memref<576x8192xf32, #tpu.memory_space<vmem>>, vector<96x128xf32>
    %add3A_3470 = arith.addf %get3A_2804, %get3A_3469 : vector<96x128xf32>
    %get3A_3471 = arith.constant 47 : index
    %get3A_3472 = arith.constant 0 : index
    %get3A_3473 = vector.load %arg3[%get3A_3471, %get3A_3472] : memref<64x128xf32, #tpu.memory_space<vmem>>, vector<1x128xf32>
    %add3A_3474 = vector.broadcast %get3A_3473 : vector<1x128xf32> to vector<96x128xf32>
    %add3A_3475 = arith.addf %add3A_3470, %add3A_3474 : vector<96x128xf32>
    %lt3A_3476 = arith.cmpf olt, %add3A_3475, %select_n3A_3463 : vector<96x128xf32>
    %select_n3A_3477 = arith.select %lt3A_3476, %add3A_3475, %select_n3A_3463 : vector<96x128xi1>, vector<96x128xf32>
    %jit3A_3478 = arith.constant 47 : i32
    %broadcast_in_dim3A_3479 = vector.broadcast %jit3A_3478 : i32 to vector<96x128xi32>
    %select_n3A_3480 = arith.select %lt3A_3476, %broadcast_in_dim3A_3479, %select_n3A_3466 : vector<96x128xi1>, vector<96x128xi32>
    %get3A_3481 = arith.constant 288 : index
    %get3A_3482 = arith.constant 6144 : index
    %get3A_3483 = vector.load %arg7[%get3A_3481, %get3A_3482] : memref<576x8192xf32, #tpu.memory_space<vmem>>, vector<96x128xf32>
    %add3A_3484 = arith.addf %get3A_2804, %get3A_3483 : vector<96x128xf32>
    %get3A_3485 = arith.constant 48 : index
    %get3A_3486 = arith.constant 0 : index
    %get3A_3487 = vector.load %arg3[%get3A_3485, %get3A_3486] : memref<64x128xf32, #tpu.memory_space<vmem>>, vector<1x128xf32>
    %add3A_3488 = vector.broadcast %get3A_3487 : vector<1x128xf32> to vector<96x128xf32>
    %add3A_3489 = arith.addf %add3A_3484, %add3A_3488 : vector<96x128xf32>
    %lt3A_3490 = arith.cmpf olt, %add3A_3489, %select_n3A_3477 : vector<96x128xf32>
    %select_n3A_3491 = arith.select %lt3A_3490, %add3A_3489, %select_n3A_3477 : vector<96x128xi1>, vector<96x128xf32>
    %jit3A_3492 = arith.constant 48 : i32
    %broadcast_in_dim3A_3493 = vector.broadcast %jit3A_3492 : i32 to vector<96x128xi32>
    %select_n3A_3494 = arith.select %lt3A_3490, %broadcast_in_dim3A_3493, %select_n3A_3480 : vector<96x128xi1>, vector<96x128xi32>
    %get3A_3495 = arith.constant 288 : index
    %get3A_3496 = arith.constant 6272 : index
    %get3A_3497 = vector.load %arg7[%get3A_3495, %get3A_3496] : memref<576x8192xf32, #tpu.memory_space<vmem>>, vector<96x128xf32>
    %add3A_3498 = arith.addf %get3A_2804, %get3A_3497 : vector<96x128xf32>
    %get3A_3499 = arith.constant 49 : index
    %get3A_3500 = arith.constant 0 : index
    %get3A_3501 = vector.load %arg3[%get3A_3499, %get3A_3500] : memref<64x128xf32, #tpu.memory_space<vmem>>, vector<1x128xf32>
    %add3A_3502 = vector.broadcast %get3A_3501 : vector<1x128xf32> to vector<96x128xf32>
    %add3A_3503 = arith.addf %add3A_3498, %add3A_3502 : vector<96x128xf32>
    %lt3A_3504 = arith.cmpf olt, %add3A_3503, %select_n3A_3491 : vector<96x128xf32>
    %select_n3A_3505 = arith.select %lt3A_3504, %add3A_3503, %select_n3A_3491 : vector<96x128xi1>, vector<96x128xf32>
    %jit3A_3506 = arith.constant 49 : i32
    %broadcast_in_dim3A_3507 = vector.broadcast %jit3A_3506 : i32 to vector<96x128xi32>
    %select_n3A_3508 = arith.select %lt3A_3504, %broadcast_in_dim3A_3507, %select_n3A_3494 : vector<96x128xi1>, vector<96x128xi32>
    %get3A_3509 = arith.constant 288 : index
    %get3A_3510 = arith.constant 6400 : index
    %get3A_3511 = vector.load %arg7[%get3A_3509, %get3A_3510] : memref<576x8192xf32, #tpu.memory_space<vmem>>, vector<96x128xf32>
    %add3A_3512 = arith.addf %get3A_2804, %get3A_3511 : vector<96x128xf32>
    %get3A_3513 = arith.constant 50 : index
    %get3A_3514 = arith.constant 0 : index
    %get3A_3515 = vector.load %arg3[%get3A_3513, %get3A_3514] : memref<64x128xf32, #tpu.memory_space<vmem>>, vector<1x128xf32>
    %add3A_3516 = vector.broadcast %get3A_3515 : vector<1x128xf32> to vector<96x128xf32>
    %add3A_3517 = arith.addf %add3A_3512, %add3A_3516 : vector<96x128xf32>
    %lt3A_3518 = arith.cmpf olt, %add3A_3517, %select_n3A_3505 : vector<96x128xf32>
    %select_n3A_3519 = arith.select %lt3A_3518, %add3A_3517, %select_n3A_3505 : vector<96x128xi1>, vector<96x128xf32>
    %jit3A_3520 = arith.constant 50 : i32
    %broadcast_in_dim3A_3521 = vector.broadcast %jit3A_3520 : i32 to vector<96x128xi32>
    %select_n3A_3522 = arith.select %lt3A_3518, %broadcast_in_dim3A_3521, %select_n3A_3508 : vector<96x128xi1>, vector<96x128xi32>
    %get3A_3523 = arith.constant 288 : index
    %get3A_3524 = arith.constant 6528 : index
    %get3A_3525 = vector.load %arg7[%get3A_3523, %get3A_3524] : memref<576x8192xf32, #tpu.memory_space<vmem>>, vector<96x128xf32>
    %add3A_3526 = arith.addf %get3A_2804, %get3A_3525 : vector<96x128xf32>
    %get3A_3527 = arith.constant 51 : index
    %get3A_3528 = arith.constant 0 : index
    %get3A_3529 = vector.load %arg3[%get3A_3527, %get3A_3528] : memref<64x128xf32, #tpu.memory_space<vmem>>, vector<1x128xf32>
    %add3A_3530 = vector.broadcast %get3A_3529 : vector<1x128xf32> to vector<96x128xf32>
    %add3A_3531 = arith.addf %add3A_3526, %add3A_3530 : vector<96x128xf32>
    %lt3A_3532 = arith.cmpf olt, %add3A_3531, %select_n3A_3519 : vector<96x128xf32>
    %select_n3A_3533 = arith.select %lt3A_3532, %add3A_3531, %select_n3A_3519 : vector<96x128xi1>, vector<96x128xf32>
    %jit3A_3534 = arith.constant 51 : i32
    %broadcast_in_dim3A_3535 = vector.broadcast %jit3A_3534 : i32 to vector<96x128xi32>
    %select_n3A_3536 = arith.select %lt3A_3532, %broadcast_in_dim3A_3535, %select_n3A_3522 : vector<96x128xi1>, vector<96x128xi32>
    %get3A_3537 = arith.constant 288 : index
    %get3A_3538 = arith.constant 6656 : index
    %get3A_3539 = vector.load %arg7[%get3A_3537, %get3A_3538] : memref<576x8192xf32, #tpu.memory_space<vmem>>, vector<96x128xf32>
    %add3A_3540 = arith.addf %get3A_2804, %get3A_3539 : vector<96x128xf32>
    %get3A_3541 = arith.constant 52 : index
    %get3A_3542 = arith.constant 0 : index
    %get3A_3543 = vector.load %arg3[%get3A_3541, %get3A_3542] : memref<64x128xf32, #tpu.memory_space<vmem>>, vector<1x128xf32>
    %add3A_3544 = vector.broadcast %get3A_3543 : vector<1x128xf32> to vector<96x128xf32>
    %add3A_3545 = arith.addf %add3A_3540, %add3A_3544 : vector<96x128xf32>
    %lt3A_3546 = arith.cmpf olt, %add3A_3545, %select_n3A_3533 : vector<96x128xf32>
    %select_n3A_3547 = arith.select %lt3A_3546, %add3A_3545, %select_n3A_3533 : vector<96x128xi1>, vector<96x128xf32>
    %jit3A_3548 = arith.constant 52 : i32
    %broadcast_in_dim3A_3549 = vector.broadcast %jit3A_3548 : i32 to vector<96x128xi32>
    %select_n3A_3550 = arith.select %lt3A_3546, %broadcast_in_dim3A_3549, %select_n3A_3536 : vector<96x128xi1>, vector<96x128xi32>
    %get3A_3551 = arith.constant 288 : index
    %get3A_3552 = arith.constant 6784 : index
    %get3A_3553 = vector.load %arg7[%get3A_3551, %get3A_3552] : memref<576x8192xf32, #tpu.memory_space<vmem>>, vector<96x128xf32>
    %add3A_3554 = arith.addf %get3A_2804, %get3A_3553 : vector<96x128xf32>
    %get3A_3555 = arith.constant 53 : index
    %get3A_3556 = arith.constant 0 : index
    %get3A_3557 = vector.load %arg3[%get3A_3555, %get3A_3556] : memref<64x128xf32, #tpu.memory_space<vmem>>, vector<1x128xf32>
    %add3A_3558 = vector.broadcast %get3A_3557 : vector<1x128xf32> to vector<96x128xf32>
    %add3A_3559 = arith.addf %add3A_3554, %add3A_3558 : vector<96x128xf32>
    %lt3A_3560 = arith.cmpf olt, %add3A_3559, %select_n3A_3547 : vector<96x128xf32>
    %select_n3A_3561 = arith.select %lt3A_3560, %add3A_3559, %select_n3A_3547 : vector<96x128xi1>, vector<96x128xf32>
    %jit3A_3562 = arith.constant 53 : i32
    %broadcast_in_dim3A_3563 = vector.broadcast %jit3A_3562 : i32 to vector<96x128xi32>
    %select_n3A_3564 = arith.select %lt3A_3560, %broadcast_in_dim3A_3563, %select_n3A_3550 : vector<96x128xi1>, vector<96x128xi32>
    %get3A_3565 = arith.constant 288 : index
    %get3A_3566 = arith.constant 6912 : index
    %get3A_3567 = vector.load %arg7[%get3A_3565, %get3A_3566] : memref<576x8192xf32, #tpu.memory_space<vmem>>, vector<96x128xf32>
    %add3A_3568 = arith.addf %get3A_2804, %get3A_3567 : vector<96x128xf32>
    %get3A_3569 = arith.constant 54 : index
    %get3A_3570 = arith.constant 0 : index
    %get3A_3571 = vector.load %arg3[%get3A_3569, %get3A_3570] : memref<64x128xf32, #tpu.memory_space<vmem>>, vector<1x128xf32>
    %add3A_3572 = vector.broadcast %get3A_3571 : vector<1x128xf32> to vector<96x128xf32>
    %add3A_3573 = arith.addf %add3A_3568, %add3A_3572 : vector<96x128xf32>
    %lt3A_3574 = arith.cmpf olt, %add3A_3573, %select_n3A_3561 : vector<96x128xf32>
    %select_n3A_3575 = arith.select %lt3A_3574, %add3A_3573, %select_n3A_3561 : vector<96x128xi1>, vector<96x128xf32>
    %jit3A_3576 = arith.constant 54 : i32
    %broadcast_in_dim3A_3577 = vector.broadcast %jit3A_3576 : i32 to vector<96x128xi32>
    %select_n3A_3578 = arith.select %lt3A_3574, %broadcast_in_dim3A_3577, %select_n3A_3564 : vector<96x128xi1>, vector<96x128xi32>
    %get3A_3579 = arith.constant 288 : index
    %get3A_3580 = arith.constant 7040 : index
    %get3A_3581 = vector.load %arg7[%get3A_3579, %get3A_3580] : memref<576x8192xf32, #tpu.memory_space<vmem>>, vector<96x128xf32>
    %add3A_3582 = arith.addf %get3A_2804, %get3A_3581 : vector<96x128xf32>
    %get3A_3583 = arith.constant 55 : index
    %get3A_3584 = arith.constant 0 : index
    %get3A_3585 = vector.load %arg3[%get3A_3583, %get3A_3584] : memref<64x128xf32, #tpu.memory_space<vmem>>, vector<1x128xf32>
    %add3A_3586 = vector.broadcast %get3A_3585 : vector<1x128xf32> to vector<96x128xf32>
    %add3A_3587 = arith.addf %add3A_3582, %add3A_3586 : vector<96x128xf32>
    %lt3A_3588 = arith.cmpf olt, %add3A_3587, %select_n3A_3575 : vector<96x128xf32>
    %select_n3A_3589 = arith.select %lt3A_3588, %add3A_3587, %select_n3A_3575 : vector<96x128xi1>, vector<96x128xf32>
    %jit3A_3590 = arith.constant 55 : i32
    %broadcast_in_dim3A_3591 = vector.broadcast %jit3A_3590 : i32 to vector<96x128xi32>
    %select_n3A_3592 = arith.select %lt3A_3588, %broadcast_in_dim3A_3591, %select_n3A_3578 : vector<96x128xi1>, vector<96x128xi32>
    %get3A_3593 = arith.constant 288 : index
    %get3A_3594 = arith.constant 7168 : index
    %get3A_3595 = vector.load %arg7[%get3A_3593, %get3A_3594] : memref<576x8192xf32, #tpu.memory_space<vmem>>, vector<96x128xf32>
    %add3A_3596 = arith.addf %get3A_2804, %get3A_3595 : vector<96x128xf32>
    %get3A_3597 = arith.constant 56 : index
    %get3A_3598 = arith.constant 0 : index
    %get3A_3599 = vector.load %arg3[%get3A_3597, %get3A_3598] : memref<64x128xf32, #tpu.memory_space<vmem>>, vector<1x128xf32>
    %add3A_3600 = vector.broadcast %get3A_3599 : vector<1x128xf32> to vector<96x128xf32>
    %add3A_3601 = arith.addf %add3A_3596, %add3A_3600 : vector<96x128xf32>
    %lt3A_3602 = arith.cmpf olt, %add3A_3601, %select_n3A_3589 : vector<96x128xf32>
    %select_n3A_3603 = arith.select %lt3A_3602, %add3A_3601, %select_n3A_3589 : vector<96x128xi1>, vector<96x128xf32>
    %jit3A_3604 = arith.constant 56 : i32
    %broadcast_in_dim3A_3605 = vector.broadcast %jit3A_3604 : i32 to vector<96x128xi32>
    %select_n3A_3606 = arith.select %lt3A_3602, %broadcast_in_dim3A_3605, %select_n3A_3592 : vector<96x128xi1>, vector<96x128xi32>
    %get3A_3607 = arith.constant 288 : index
    %get3A_3608 = arith.constant 7296 : index
    %get3A_3609 = vector.load %arg7[%get3A_3607, %get3A_3608] : memref<576x8192xf32, #tpu.memory_space<vmem>>, vector<96x128xf32>
    %add3A_3610 = arith.addf %get3A_2804, %get3A_3609 : vector<96x128xf32>
    %get3A_3611 = arith.constant 57 : index
    %get3A_3612 = arith.constant 0 : index
    %get3A_3613 = vector.load %arg3[%get3A_3611, %get3A_3612] : memref<64x128xf32, #tpu.memory_space<vmem>>, vector<1x128xf32>
    %add3A_3614 = vector.broadcast %get3A_3613 : vector<1x128xf32> to vector<96x128xf32>
    %add3A_3615 = arith.addf %add3A_3610, %add3A_3614 : vector<96x128xf32>
    %lt3A_3616 = arith.cmpf olt, %add3A_3615, %select_n3A_3603 : vector<96x128xf32>
    %select_n3A_3617 = arith.select %lt3A_3616, %add3A_3615, %select_n3A_3603 : vector<96x128xi1>, vector<96x128xf32>
    %jit3A_3618 = arith.constant 57 : i32
    %broadcast_in_dim3A_3619 = vector.broadcast %jit3A_3618 : i32 to vector<96x128xi32>
    %select_n3A_3620 = arith.select %lt3A_3616, %broadcast_in_dim3A_3619, %select_n3A_3606 : vector<96x128xi1>, vector<96x128xi32>
    %get3A_3621 = arith.constant 288 : index
    %get3A_3622 = arith.constant 7424 : index
    %get3A_3623 = vector.load %arg7[%get3A_3621, %get3A_3622] : memref<576x8192xf32, #tpu.memory_space<vmem>>, vector<96x128xf32>
    %add3A_3624 = arith.addf %get3A_2804, %get3A_3623 : vector<96x128xf32>
    %get3A_3625 = arith.constant 58 : index
    %get3A_3626 = arith.constant 0 : index
    %get3A_3627 = vector.load %arg3[%get3A_3625, %get3A_3626] : memref<64x128xf32, #tpu.memory_space<vmem>>, vector<1x128xf32>
    %add3A_3628 = vector.broadcast %get3A_3627 : vector<1x128xf32> to vector<96x128xf32>
    %add3A_3629 = arith.addf %add3A_3624, %add3A_3628 : vector<96x128xf32>
    %lt3A_3630 = arith.cmpf olt, %add3A_3629, %select_n3A_3617 : vector<96x128xf32>
    %select_n3A_3631 = arith.select %lt3A_3630, %add3A_3629, %select_n3A_3617 : vector<96x128xi1>, vector<96x128xf32>
    %jit3A_3632 = arith.constant 58 : i32
    %broadcast_in_dim3A_3633 = vector.broadcast %jit3A_3632 : i32 to vector<96x128xi32>
    %select_n3A_3634 = arith.select %lt3A_3630, %broadcast_in_dim3A_3633, %select_n3A_3620 : vector<96x128xi1>, vector<96x128xi32>
    %get3A_3635 = arith.constant 288 : index
    %get3A_3636 = arith.constant 7552 : index
    %get3A_3637 = vector.load %arg7[%get3A_3635, %get3A_3636] : memref<576x8192xf32, #tpu.memory_space<vmem>>, vector<96x128xf32>
    %add3A_3638 = arith.addf %get3A_2804, %get3A_3637 : vector<96x128xf32>
    %get3A_3639 = arith.constant 59 : index
    %get3A_3640 = arith.constant 0 : index
    %get3A_3641 = vector.load %arg3[%get3A_3639, %get3A_3640] : memref<64x128xf32, #tpu.memory_space<vmem>>, vector<1x128xf32>
    %add3A_3642 = vector.broadcast %get3A_3641 : vector<1x128xf32> to vector<96x128xf32>
    %add3A_3643 = arith.addf %add3A_3638, %add3A_3642 : vector<96x128xf32>
    %lt3A_3644 = arith.cmpf olt, %add3A_3643, %select_n3A_3631 : vector<96x128xf32>
    %select_n3A_3645 = arith.select %lt3A_3644, %add3A_3643, %select_n3A_3631 : vector<96x128xi1>, vector<96x128xf32>
    %jit3A_3646 = arith.constant 59 : i32
    %broadcast_in_dim3A_3647 = vector.broadcast %jit3A_3646 : i32 to vector<96x128xi32>
    %select_n3A_3648 = arith.select %lt3A_3644, %broadcast_in_dim3A_3647, %select_n3A_3634 : vector<96x128xi1>, vector<96x128xi32>
    %get3A_3649 = arith.constant 288 : index
    %get3A_3650 = arith.constant 7680 : index
    %get3A_3651 = vector.load %arg7[%get3A_3649, %get3A_3650] : memref<576x8192xf32, #tpu.memory_space<vmem>>, vector<96x128xf32>
    %add3A_3652 = arith.addf %get3A_2804, %get3A_3651 : vector<96x128xf32>
    %get3A_3653 = arith.constant 60 : index
    %get3A_3654 = arith.constant 0 : index
    %get3A_3655 = vector.load %arg3[%get3A_3653, %get3A_3654] : memref<64x128xf32, #tpu.memory_space<vmem>>, vector<1x128xf32>
    %add3A_3656 = vector.broadcast %get3A_3655 : vector<1x128xf32> to vector<96x128xf32>
    %add3A_3657 = arith.addf %add3A_3652, %add3A_3656 : vector<96x128xf32>
    %lt3A_3658 = arith.cmpf olt, %add3A_3657, %select_n3A_3645 : vector<96x128xf32>
    %select_n3A_3659 = arith.select %lt3A_3658, %add3A_3657, %select_n3A_3645 : vector<96x128xi1>, vector<96x128xf32>
    %jit3A_3660 = arith.constant 60 : i32
    %broadcast_in_dim3A_3661 = vector.broadcast %jit3A_3660 : i32 to vector<96x128xi32>
    %select_n3A_3662 = arith.select %lt3A_3658, %broadcast_in_dim3A_3661, %select_n3A_3648 : vector<96x128xi1>, vector<96x128xi32>
    %get3A_3663 = arith.constant 288 : index
    %get3A_3664 = arith.constant 7808 : index
    %get3A_3665 = vector.load %arg7[%get3A_3663, %get3A_3664] : memref<576x8192xf32, #tpu.memory_space<vmem>>, vector<96x128xf32>
    %add3A_3666 = arith.addf %get3A_2804, %get3A_3665 : vector<96x128xf32>
    %get3A_3667 = arith.constant 61 : index
    %get3A_3668 = arith.constant 0 : index
    %get3A_3669 = vector.load %arg3[%get3A_3667, %get3A_3668] : memref<64x128xf32, #tpu.memory_space<vmem>>, vector<1x128xf32>
    %add3A_3670 = vector.broadcast %get3A_3669 : vector<1x128xf32> to vector<96x128xf32>
    %add3A_3671 = arith.addf %add3A_3666, %add3A_3670 : vector<96x128xf32>
    %lt3A_3672 = arith.cmpf olt, %add3A_3671, %select_n3A_3659 : vector<96x128xf32>
    %select_n3A_3673 = arith.select %lt3A_3672, %add3A_3671, %select_n3A_3659 : vector<96x128xi1>, vector<96x128xf32>
    %jit3A_3674 = arith.constant 61 : i32
    %broadcast_in_dim3A_3675 = vector.broadcast %jit3A_3674 : i32 to vector<96x128xi32>
    %select_n3A_3676 = arith.select %lt3A_3672, %broadcast_in_dim3A_3675, %select_n3A_3662 : vector<96x128xi1>, vector<96x128xi32>
    %get3A_3677 = arith.constant 288 : index
    %get3A_3678 = arith.constant 7936 : index
    %get3A_3679 = vector.load %arg7[%get3A_3677, %get3A_3678] : memref<576x8192xf32, #tpu.memory_space<vmem>>, vector<96x128xf32>
    %add3A_3680 = arith.addf %get3A_2804, %get3A_3679 : vector<96x128xf32>
    %get3A_3681 = arith.constant 62 : index
    %get3A_3682 = arith.constant 0 : index
    %get3A_3683 = vector.load %arg3[%get3A_3681, %get3A_3682] : memref<64x128xf32, #tpu.memory_space<vmem>>, vector<1x128xf32>
    %add3A_3684 = vector.broadcast %get3A_3683 : vector<1x128xf32> to vector<96x128xf32>
    %add3A_3685 = arith.addf %add3A_3680, %add3A_3684 : vector<96x128xf32>
    %lt3A_3686 = arith.cmpf olt, %add3A_3685, %select_n3A_3673 : vector<96x128xf32>
    %select_n3A_3687 = arith.select %lt3A_3686, %add3A_3685, %select_n3A_3673 : vector<96x128xi1>, vector<96x128xf32>
    %jit3A_3688 = arith.constant 62 : i32
    %broadcast_in_dim3A_3689 = vector.broadcast %jit3A_3688 : i32 to vector<96x128xi32>
    %select_n3A_3690 = arith.select %lt3A_3686, %broadcast_in_dim3A_3689, %select_n3A_3676 : vector<96x128xi1>, vector<96x128xi32>
    %get3A_3691 = arith.constant 288 : index
    %get3A_3692 = arith.constant 8064 : index
    %get3A_3693 = vector.load %arg7[%get3A_3691, %get3A_3692] : memref<576x8192xf32, #tpu.memory_space<vmem>>, vector<96x128xf32>
    %add3A_3694 = arith.addf %get3A_2804, %get3A_3693 : vector<96x128xf32>
    %get3A_3695 = arith.constant 63 : index
    %get3A_3696 = arith.constant 0 : index
    %get3A_3697 = vector.load %arg3[%get3A_3695, %get3A_3696] : memref<64x128xf32, #tpu.memory_space<vmem>>, vector<1x128xf32>
    %add3A_3698 = vector.broadcast %get3A_3697 : vector<1x128xf32> to vector<96x128xf32>
    %add3A_3699 = arith.addf %add3A_3694, %add3A_3698 : vector<96x128xf32>
    %lt3A_3700 = arith.cmpf olt, %add3A_3699, %select_n3A_3687 : vector<96x128xf32>
    %select_n3A_3701 = arith.select %lt3A_3700, %add3A_3699, %select_n3A_3687 : vector<96x128xi1>, vector<96x128xf32>
    %jit3A_3702 = arith.constant 63 : i32
    %broadcast_in_dim3A_3703 = vector.broadcast %jit3A_3702 : i32 to vector<96x128xi32>
    %select_n3A_3704 = arith.select %lt3A_3700, %broadcast_in_dim3A_3703, %select_n3A_3690 : vector<96x128xi1>, vector<96x128xi32>
    %reduce_min3A_3705 = arith.constant dense<0x7F800000> : vector<96xf32>
    %reduce_min3A_3706 = vector.multi_reduction <minimumf>, %select_n3A_3701, %reduce_min3A_3705 [1] : vector<96x128xf32> to vector<96xf32>
    %broadcast_in_dim3A_3707 = vector.shape_cast %reduce_min3A_3706 : vector<96xf32> to vector<96x1xf32>
    %mul3A_3708 = arith.constant 128 : i32
    %mul3A_3709 = vector.broadcast %mul3A_3708 : i32 to vector<96x128xi32>
    %mul3A_3710 = arith.muli %select_n3A_3704, %mul3A_3709 : vector<96x128xi32>
    %add3A_3711 = arith.addi %mul3A_3710, %iota3A : vector<96x128xi32>
    %eq3A_3712 = vector.broadcast %broadcast_in_dim3A_3707 : vector<96x1xf32> to vector<96x128xf32>
    %eq3A_3713 = arith.cmpf oeq, %select_n3A_3701, %eq3A_3712 : vector<96x128xf32>
    %jit3A_3714 = arith.constant 1073741824 : i32
    %broadcast_in_dim3A_3715 = vector.broadcast %jit3A_3714 : i32 to vector<96x128xi32>
    %select_n3A_3716 = arith.select %eq3A_3713, %add3A_3711, %broadcast_in_dim3A_3715 : vector<96x128xi1>, vector<96x128xi32>
    %reduce_min3A_3717 = arith.constant dense<2147483647> : vector<96xi32>
    %reduce_min3A_3718 = vector.multi_reduction <minsi>, %select_n3A_3716, %reduce_min3A_3717 [1] : vector<96x128xi32> to vector<96xi32>
    %broadcast_in_dim3A_3719 = vector.shape_cast %reduce_min3A_3718 : vector<96xi32> to vector<96x1xi32>
    %swap3A_3720 = arith.constant 288 : index
    %swap3A_3721 = arith.constant 0 : index
    %swap3A_3722 = vector.load %arg4[%swap3A_3720, %swap3A_3721] : memref<576x1xi32, #tpu.memory_space<vmem>>, vector<96x1xi32>
    tpu.vector_store %arg4[%swap3A_3720, %swap3A_3721], %broadcast_in_dim3A_3719 {strides = array<i32>} : memref<576x1xi32, #tpu.memory_space<vmem>>, vector<96x1xi32>,
    %reduce_sum3A_3723 = vector.shape_cast %broadcast_in_dim3A_3707 : vector<96x1xf32> to vector<1x96x1xf32>
    %reduce_sum3A_3724 = arith.constant dense<0.000000e+00> : vector<1xf32>
    %reduce_sum3A_3725 = vector.multi_reduction <add>, %reduce_sum3A_3723, %reduce_sum3A_3724 [1, 2] : vector<1x96x1xf32> to vector<1xf32>
    %reduce_sum3A_3726 = vector.shape_cast %reduce_sum3A_3725 : vector<1xf32> to vector<1x1x1xf32>
    %reduce_sum3A_3727 = vector.extract %reduce_sum3A_3726[0, 0, 0] : f32 from vector<1x1x1xf32>
    %broadcast_in_dim3A_3728 = vector.broadcast %reduce_sum3A_3727 : f32 to vector<1x1xf32>
    %add3A_3729 = arith.addf %add3A_2801, %broadcast_in_dim3A_3728 : vector<1x1xf32>
    %get3A_3730 = arith.constant 384 : index
    %get3A_3731 = arith.constant 0 : index
    %get3A_3732 = vector.load %arg8[%get3A_3730, %get3A_3731] : memref<576x128xf32, #tpu.memory_space<vmem>>, vector<96x128xf32>
    %broadcast_in_dim3A_3733 = arith.constant 0x7F800000 : f32
    %broadcast_in_dim3A_3734 = vector.broadcast %broadcast_in_dim3A_3733 : f32 to vector<96x128xf32>
    %broadcast_in_dim3A_3735 = arith.constant 0 : i32
    %broadcast_in_dim3A_3736 = vector.broadcast %broadcast_in_dim3A_3735 : i32 to vector<96x128xi32>
    %get3A_3737 = arith.constant 384 : index
    %get3A_3738 = arith.constant 0 : index
    %get3A_3739 = vector.load %arg7[%get3A_3737, %get3A_3738] : memref<576x8192xf32, #tpu.memory_space<vmem>>, vector<96x128xf32>
    %add3A_3740 = arith.addf %get3A_3732, %get3A_3739 : vector<96x128xf32>
    %get3A_3741 = arith.constant 0 : index
    %get3A_3742 = arith.constant 0 : index
    %get3A_3743 = vector.load %arg3[%get3A_3741, %get3A_3742] : memref<64x128xf32, #tpu.memory_space<vmem>>, vector<1x128xf32>
    %add3A_3744 = vector.broadcast %get3A_3743 : vector<1x128xf32> to vector<96x128xf32>
    %add3A_3745 = arith.addf %add3A_3740, %add3A_3744 : vector<96x128xf32>
    %lt3A_3746 = arith.cmpf olt, %add3A_3745, %broadcast_in_dim3A_3734 : vector<96x128xf32>
    %select_n3A_3747 = arith.select %lt3A_3746, %add3A_3745, %broadcast_in_dim3A_3734 : vector<96x128xi1>, vector<96x128xf32>
    %jit3A_3748 = arith.constant 0 : i32
    %broadcast_in_dim3A_3749 = vector.broadcast %jit3A_3748 : i32 to vector<96x128xi32>
    %select_n3A_3750 = arith.select %lt3A_3746, %broadcast_in_dim3A_3749, %broadcast_in_dim3A_3736 : vector<96x128xi1>, vector<96x128xi32>
    %get3A_3751 = arith.constant 384 : index
    %get3A_3752 = arith.constant 128 : index
    %get3A_3753 = vector.load %arg7[%get3A_3751, %get3A_3752] : memref<576x8192xf32, #tpu.memory_space<vmem>>, vector<96x128xf32>
    %add3A_3754 = arith.addf %get3A_3732, %get3A_3753 : vector<96x128xf32>
    %get3A_3755 = arith.constant 1 : index
    %get3A_3756 = arith.constant 0 : index
    %get3A_3757 = vector.load %arg3[%get3A_3755, %get3A_3756] : memref<64x128xf32, #tpu.memory_space<vmem>>, vector<1x128xf32>
    %add3A_3758 = vector.broadcast %get3A_3757 : vector<1x128xf32> to vector<96x128xf32>
    %add3A_3759 = arith.addf %add3A_3754, %add3A_3758 : vector<96x128xf32>
    %lt3A_3760 = arith.cmpf olt, %add3A_3759, %select_n3A_3747 : vector<96x128xf32>
    %select_n3A_3761 = arith.select %lt3A_3760, %add3A_3759, %select_n3A_3747 : vector<96x128xi1>, vector<96x128xf32>
    %jit3A_3762 = arith.constant 1 : i32
    %broadcast_in_dim3A_3763 = vector.broadcast %jit3A_3762 : i32 to vector<96x128xi32>
    %select_n3A_3764 = arith.select %lt3A_3760, %broadcast_in_dim3A_3763, %select_n3A_3750 : vector<96x128xi1>, vector<96x128xi32>
    %get3A_3765 = arith.constant 384 : index
    %get3A_3766 = arith.constant 256 : index
    %get3A_3767 = vector.load %arg7[%get3A_3765, %get3A_3766] : memref<576x8192xf32, #tpu.memory_space<vmem>>, vector<96x128xf32>
    %add3A_3768 = arith.addf %get3A_3732, %get3A_3767 : vector<96x128xf32>
    %get3A_3769 = arith.constant 2 : index
    %get3A_3770 = arith.constant 0 : index
    %get3A_3771 = vector.load %arg3[%get3A_3769, %get3A_3770] : memref<64x128xf32, #tpu.memory_space<vmem>>, vector<1x128xf32>
    %add3A_3772 = vector.broadcast %get3A_3771 : vector<1x128xf32> to vector<96x128xf32>
    %add3A_3773 = arith.addf %add3A_3768, %add3A_3772 : vector<96x128xf32>
    %lt3A_3774 = arith.cmpf olt, %add3A_3773, %select_n3A_3761 : vector<96x128xf32>
    %select_n3A_3775 = arith.select %lt3A_3774, %add3A_3773, %select_n3A_3761 : vector<96x128xi1>, vector<96x128xf32>
    %jit3A_3776 = arith.constant 2 : i32
    %broadcast_in_dim3A_3777 = vector.broadcast %jit3A_3776 : i32 to vector<96x128xi32>
    %select_n3A_3778 = arith.select %lt3A_3774, %broadcast_in_dim3A_3777, %select_n3A_3764 : vector<96x128xi1>, vector<96x128xi32>
    %get3A_3779 = arith.constant 384 : index
    %get3A_3780 = arith.constant 384 : index
    %get3A_3781 = vector.load %arg7[%get3A_3779, %get3A_3780] : memref<576x8192xf32, #tpu.memory_space<vmem>>, vector<96x128xf32>
    %add3A_3782 = arith.addf %get3A_3732, %get3A_3781 : vector<96x128xf32>
    %get3A_3783 = arith.constant 3 : index
    %get3A_3784 = arith.constant 0 : index
    %get3A_3785 = vector.load %arg3[%get3A_3783, %get3A_3784] : memref<64x128xf32, #tpu.memory_space<vmem>>, vector<1x128xf32>
    %add3A_3786 = vector.broadcast %get3A_3785 : vector<1x128xf32> to vector<96x128xf32>
    %add3A_3787 = arith.addf %add3A_3782, %add3A_3786 : vector<96x128xf32>
    %lt3A_3788 = arith.cmpf olt, %add3A_3787, %select_n3A_3775 : vector<96x128xf32>
    %select_n3A_3789 = arith.select %lt3A_3788, %add3A_3787, %select_n3A_3775 : vector<96x128xi1>, vector<96x128xf32>
    %jit3A_3790 = arith.constant 3 : i32
    %broadcast_in_dim3A_3791 = vector.broadcast %jit3A_3790 : i32 to vector<96x128xi32>
    %select_n3A_3792 = arith.select %lt3A_3788, %broadcast_in_dim3A_3791, %select_n3A_3778 : vector<96x128xi1>, vector<96x128xi32>
    %get3A_3793 = arith.constant 384 : index
    %get3A_3794 = arith.constant 512 : index
    %get3A_3795 = vector.load %arg7[%get3A_3793, %get3A_3794] : memref<576x8192xf32, #tpu.memory_space<vmem>>, vector<96x128xf32>
    %add3A_3796 = arith.addf %get3A_3732, %get3A_3795 : vector<96x128xf32>
    %get3A_3797 = arith.constant 4 : index
    %get3A_3798 = arith.constant 0 : index
    %get3A_3799 = vector.load %arg3[%get3A_3797, %get3A_3798] : memref<64x128xf32, #tpu.memory_space<vmem>>, vector<1x128xf32>
    %add3A_3800 = vector.broadcast %get3A_3799 : vector<1x128xf32> to vector<96x128xf32>
    %add3A_3801 = arith.addf %add3A_3796, %add3A_3800 : vector<96x128xf32>
    %lt3A_3802 = arith.cmpf olt, %add3A_3801, %select_n3A_3789 : vector<96x128xf32>
    %select_n3A_3803 = arith.select %lt3A_3802, %add3A_3801, %select_n3A_3789 : vector<96x128xi1>, vector<96x128xf32>
    %jit3A_3804 = arith.constant 4 : i32
    %broadcast_in_dim3A_3805 = vector.broadcast %jit3A_3804 : i32 to vector<96x128xi32>
    %select_n3A_3806 = arith.select %lt3A_3802, %broadcast_in_dim3A_3805, %select_n3A_3792 : vector<96x128xi1>, vector<96x128xi32>
    %get3A_3807 = arith.constant 384 : index
    %get3A_3808 = arith.constant 640 : index
    %get3A_3809 = vector.load %arg7[%get3A_3807, %get3A_3808] : memref<576x8192xf32, #tpu.memory_space<vmem>>, vector<96x128xf32>
    %add3A_3810 = arith.addf %get3A_3732, %get3A_3809 : vector<96x128xf32>
    %get3A_3811 = arith.constant 5 : index
    %get3A_3812 = arith.constant 0 : index
    %get3A_3813 = vector.load %arg3[%get3A_3811, %get3A_3812] : memref<64x128xf32, #tpu.memory_space<vmem>>, vector<1x128xf32>
    %add3A_3814 = vector.broadcast %get3A_3813 : vector<1x128xf32> to vector<96x128xf32>
    %add3A_3815 = arith.addf %add3A_3810, %add3A_3814 : vector<96x128xf32>
    %lt3A_3816 = arith.cmpf olt, %add3A_3815, %select_n3A_3803 : vector<96x128xf32>
    %select_n3A_3817 = arith.select %lt3A_3816, %add3A_3815, %select_n3A_3803 : vector<96x128xi1>, vector<96x128xf32>
    %jit3A_3818 = arith.constant 5 : i32
    %broadcast_in_dim3A_3819 = vector.broadcast %jit3A_3818 : i32 to vector<96x128xi32>
    %select_n3A_3820 = arith.select %lt3A_3816, %broadcast_in_dim3A_3819, %select_n3A_3806 : vector<96x128xi1>, vector<96x128xi32>
    %get3A_3821 = arith.constant 384 : index
    %get3A_3822 = arith.constant 768 : index
    %get3A_3823 = vector.load %arg7[%get3A_3821, %get3A_3822] : memref<576x8192xf32, #tpu.memory_space<vmem>>, vector<96x128xf32>
    %add3A_3824 = arith.addf %get3A_3732, %get3A_3823 : vector<96x128xf32>
    %get3A_3825 = arith.constant 6 : index
    %get3A_3826 = arith.constant 0 : index
    %get3A_3827 = vector.load %arg3[%get3A_3825, %get3A_3826] : memref<64x128xf32, #tpu.memory_space<vmem>>, vector<1x128xf32>
    %add3A_3828 = vector.broadcast %get3A_3827 : vector<1x128xf32> to vector<96x128xf32>
    %add3A_3829 = arith.addf %add3A_3824, %add3A_3828 : vector<96x128xf32>
    %lt3A_3830 = arith.cmpf olt, %add3A_3829, %select_n3A_3817 : vector<96x128xf32>
    %select_n3A_3831 = arith.select %lt3A_3830, %add3A_3829, %select_n3A_3817 : vector<96x128xi1>, vector<96x128xf32>
    %jit3A_3832 = arith.constant 6 : i32
    %broadcast_in_dim3A_3833 = vector.broadcast %jit3A_3832 : i32 to vector<96x128xi32>
    %select_n3A_3834 = arith.select %lt3A_3830, %broadcast_in_dim3A_3833, %select_n3A_3820 : vector<96x128xi1>, vector<96x128xi32>
    %get3A_3835 = arith.constant 384 : index
    %get3A_3836 = arith.constant 896 : index
    %get3A_3837 = vector.load %arg7[%get3A_3835, %get3A_3836] : memref<576x8192xf32, #tpu.memory_space<vmem>>, vector<96x128xf32>
    %add3A_3838 = arith.addf %get3A_3732, %get3A_3837 : vector<96x128xf32>
    %get3A_3839 = arith.constant 7 : index
    %get3A_3840 = arith.constant 0 : index
    %get3A_3841 = vector.load %arg3[%get3A_3839, %get3A_3840] : memref<64x128xf32, #tpu.memory_space<vmem>>, vector<1x128xf32>
    %add3A_3842 = vector.broadcast %get3A_3841 : vector<1x128xf32> to vector<96x128xf32>
    %add3A_3843 = arith.addf %add3A_3838, %add3A_3842 : vector<96x128xf32>
    %lt3A_3844 = arith.cmpf olt, %add3A_3843, %select_n3A_3831 : vector<96x128xf32>
    %select_n3A_3845 = arith.select %lt3A_3844, %add3A_3843, %select_n3A_3831 : vector<96x128xi1>, vector<96x128xf32>
    %jit3A_3846 = arith.constant 7 : i32
    %broadcast_in_dim3A_3847 = vector.broadcast %jit3A_3846 : i32 to vector<96x128xi32>
    %select_n3A_3848 = arith.select %lt3A_3844, %broadcast_in_dim3A_3847, %select_n3A_3834 : vector<96x128xi1>, vector<96x128xi32>
    %get3A_3849 = arith.constant 384 : index
    %get3A_3850 = arith.constant 1024 : index
    %get3A_3851 = vector.load %arg7[%get3A_3849, %get3A_3850] : memref<576x8192xf32, #tpu.memory_space<vmem>>, vector<96x128xf32>
    %add3A_3852 = arith.addf %get3A_3732, %get3A_3851 : vector<96x128xf32>
    %get3A_3853 = arith.constant 8 : index
    %get3A_3854 = arith.constant 0 : index
    %get3A_3855 = vector.load %arg3[%get3A_3853, %get3A_3854] : memref<64x128xf32, #tpu.memory_space<vmem>>, vector<1x128xf32>
    %add3A_3856 = vector.broadcast %get3A_3855 : vector<1x128xf32> to vector<96x128xf32>
    %add3A_3857 = arith.addf %add3A_3852, %add3A_3856 : vector<96x128xf32>
    %lt3A_3858 = arith.cmpf olt, %add3A_3857, %select_n3A_3845 : vector<96x128xf32>
    %select_n3A_3859 = arith.select %lt3A_3858, %add3A_3857, %select_n3A_3845 : vector<96x128xi1>, vector<96x128xf32>
    %jit3A_3860 = arith.constant 8 : i32
    %broadcast_in_dim3A_3861 = vector.broadcast %jit3A_3860 : i32 to vector<96x128xi32>
    %select_n3A_3862 = arith.select %lt3A_3858, %broadcast_in_dim3A_3861, %select_n3A_3848 : vector<96x128xi1>, vector<96x128xi32>
    %get3A_3863 = arith.constant 384 : index
    %get3A_3864 = arith.constant 1152 : index
    %get3A_3865 = vector.load %arg7[%get3A_3863, %get3A_3864] : memref<576x8192xf32, #tpu.memory_space<vmem>>, vector<96x128xf32>
    %add3A_3866 = arith.addf %get3A_3732, %get3A_3865 : vector<96x128xf32>
    %get3A_3867 = arith.constant 9 : index
    %get3A_3868 = arith.constant 0 : index
    %get3A_3869 = vector.load %arg3[%get3A_3867, %get3A_3868] : memref<64x128xf32, #tpu.memory_space<vmem>>, vector<1x128xf32>
    %add3A_3870 = vector.broadcast %get3A_3869 : vector<1x128xf32> to vector<96x128xf32>
    %add3A_3871 = arith.addf %add3A_3866, %add3A_3870 : vector<96x128xf32>
    %lt3A_3872 = arith.cmpf olt, %add3A_3871, %select_n3A_3859 : vector<96x128xf32>
    %select_n3A_3873 = arith.select %lt3A_3872, %add3A_3871, %select_n3A_3859 : vector<96x128xi1>, vector<96x128xf32>
    %jit3A_3874 = arith.constant 9 : i32
    %broadcast_in_dim3A_3875 = vector.broadcast %jit3A_3874 : i32 to vector<96x128xi32>
    %select_n3A_3876 = arith.select %lt3A_3872, %broadcast_in_dim3A_3875, %select_n3A_3862 : vector<96x128xi1>, vector<96x128xi32>
    %get3A_3877 = arith.constant 384 : index
    %get3A_3878 = arith.constant 1280 : index
    %get3A_3879 = vector.load %arg7[%get3A_3877, %get3A_3878] : memref<576x8192xf32, #tpu.memory_space<vmem>>, vector<96x128xf32>
    %add3A_3880 = arith.addf %get3A_3732, %get3A_3879 : vector<96x128xf32>
    %get3A_3881 = arith.constant 10 : index
    %get3A_3882 = arith.constant 0 : index
    %get3A_3883 = vector.load %arg3[%get3A_3881, %get3A_3882] : memref<64x128xf32, #tpu.memory_space<vmem>>, vector<1x128xf32>
    %add3A_3884 = vector.broadcast %get3A_3883 : vector<1x128xf32> to vector<96x128xf32>
    %add3A_3885 = arith.addf %add3A_3880, %add3A_3884 : vector<96x128xf32>
    %lt3A_3886 = arith.cmpf olt, %add3A_3885, %select_n3A_3873 : vector<96x128xf32>
    %select_n3A_3887 = arith.select %lt3A_3886, %add3A_3885, %select_n3A_3873 : vector<96x128xi1>, vector<96x128xf32>
    %jit3A_3888 = arith.constant 10 : i32
    %broadcast_in_dim3A_3889 = vector.broadcast %jit3A_3888 : i32 to vector<96x128xi32>
    %select_n3A_3890 = arith.select %lt3A_3886, %broadcast_in_dim3A_3889, %select_n3A_3876 : vector<96x128xi1>, vector<96x128xi32>
    %get3A_3891 = arith.constant 384 : index
    %get3A_3892 = arith.constant 1408 : index
    %get3A_3893 = vector.load %arg7[%get3A_3891, %get3A_3892] : memref<576x8192xf32, #tpu.memory_space<vmem>>, vector<96x128xf32>
    %add3A_3894 = arith.addf %get3A_3732, %get3A_3893 : vector<96x128xf32>
    %get3A_3895 = arith.constant 11 : index
    %get3A_3896 = arith.constant 0 : index
    %get3A_3897 = vector.load %arg3[%get3A_3895, %get3A_3896] : memref<64x128xf32, #tpu.memory_space<vmem>>, vector<1x128xf32>
    %add3A_3898 = vector.broadcast %get3A_3897 : vector<1x128xf32> to vector<96x128xf32>
    %add3A_3899 = arith.addf %add3A_3894, %add3A_3898 : vector<96x128xf32>
    %lt3A_3900 = arith.cmpf olt, %add3A_3899, %select_n3A_3887 : vector<96x128xf32>
    %select_n3A_3901 = arith.select %lt3A_3900, %add3A_3899, %select_n3A_3887 : vector<96x128xi1>, vector<96x128xf32>
    %jit3A_3902 = arith.constant 11 : i32
    %broadcast_in_dim3A_3903 = vector.broadcast %jit3A_3902 : i32 to vector<96x128xi32>
    %select_n3A_3904 = arith.select %lt3A_3900, %broadcast_in_dim3A_3903, %select_n3A_3890 : vector<96x128xi1>, vector<96x128xi32>
    %get3A_3905 = arith.constant 384 : index
    %get3A_3906 = arith.constant 1536 : index
    %get3A_3907 = vector.load %arg7[%get3A_3905, %get3A_3906] : memref<576x8192xf32, #tpu.memory_space<vmem>>, vector<96x128xf32>
    %add3A_3908 = arith.addf %get3A_3732, %get3A_3907 : vector<96x128xf32>
    %get3A_3909 = arith.constant 12 : index
    %get3A_3910 = arith.constant 0 : index
    %get3A_3911 = vector.load %arg3[%get3A_3909, %get3A_3910] : memref<64x128xf32, #tpu.memory_space<vmem>>, vector<1x128xf32>
    %add3A_3912 = vector.broadcast %get3A_3911 : vector<1x128xf32> to vector<96x128xf32>
    %add3A_3913 = arith.addf %add3A_3908, %add3A_3912 : vector<96x128xf32>
    %lt3A_3914 = arith.cmpf olt, %add3A_3913, %select_n3A_3901 : vector<96x128xf32>
    %select_n3A_3915 = arith.select %lt3A_3914, %add3A_3913, %select_n3A_3901 : vector<96x128xi1>, vector<96x128xf32>
    %jit3A_3916 = arith.constant 12 : i32
    %broadcast_in_dim3A_3917 = vector.broadcast %jit3A_3916 : i32 to vector<96x128xi32>
    %select_n3A_3918 = arith.select %lt3A_3914, %broadcast_in_dim3A_3917, %select_n3A_3904 : vector<96x128xi1>, vector<96x128xi32>
    %get3A_3919 = arith.constant 384 : index
    %get3A_3920 = arith.constant 1664 : index
    %get3A_3921 = vector.load %arg7[%get3A_3919, %get3A_3920] : memref<576x8192xf32, #tpu.memory_space<vmem>>, vector<96x128xf32>
    %add3A_3922 = arith.addf %get3A_3732, %get3A_3921 : vector<96x128xf32>
    %get3A_3923 = arith.constant 13 : index
    %get3A_3924 = arith.constant 0 : index
    %get3A_3925 = vector.load %arg3[%get3A_3923, %get3A_3924] : memref<64x128xf32, #tpu.memory_space<vmem>>, vector<1x128xf32>
    %add3A_3926 = vector.broadcast %get3A_3925 : vector<1x128xf32> to vector<96x128xf32>
    %add3A_3927 = arith.addf %add3A_3922, %add3A_3926 : vector<96x128xf32>
    %lt3A_3928 = arith.cmpf olt, %add3A_3927, %select_n3A_3915 : vector<96x128xf32>
    %select_n3A_3929 = arith.select %lt3A_3928, %add3A_3927, %select_n3A_3915 : vector<96x128xi1>, vector<96x128xf32>
    %jit3A_3930 = arith.constant 13 : i32
    %broadcast_in_dim3A_3931 = vector.broadcast %jit3A_3930 : i32 to vector<96x128xi32>
    %select_n3A_3932 = arith.select %lt3A_3928, %broadcast_in_dim3A_3931, %select_n3A_3918 : vector<96x128xi1>, vector<96x128xi32>
    %get3A_3933 = arith.constant 384 : index
    %get3A_3934 = arith.constant 1792 : index
    %get3A_3935 = vector.load %arg7[%get3A_3933, %get3A_3934] : memref<576x8192xf32, #tpu.memory_space<vmem>>, vector<96x128xf32>
    %add3A_3936 = arith.addf %get3A_3732, %get3A_3935 : vector<96x128xf32>
    %get3A_3937 = arith.constant 14 : index
    %get3A_3938 = arith.constant 0 : index
    %get3A_3939 = vector.load %arg3[%get3A_3937, %get3A_3938] : memref<64x128xf32, #tpu.memory_space<vmem>>, vector<1x128xf32>
    %add3A_3940 = vector.broadcast %get3A_3939 : vector<1x128xf32> to vector<96x128xf32>
    %add3A_3941 = arith.addf %add3A_3936, %add3A_3940 : vector<96x128xf32>
    %lt3A_3942 = arith.cmpf olt, %add3A_3941, %select_n3A_3929 : vector<96x128xf32>
    %select_n3A_3943 = arith.select %lt3A_3942, %add3A_3941, %select_n3A_3929 : vector<96x128xi1>, vector<96x128xf32>
    %jit3A_3944 = arith.constant 14 : i32
    %broadcast_in_dim3A_3945 = vector.broadcast %jit3A_3944 : i32 to vector<96x128xi32>
    %select_n3A_3946 = arith.select %lt3A_3942, %broadcast_in_dim3A_3945, %select_n3A_3932 : vector<96x128xi1>, vector<96x128xi32>
    %get3A_3947 = arith.constant 384 : index
    %get3A_3948 = arith.constant 1920 : index
    %get3A_3949 = vector.load %arg7[%get3A_3947, %get3A_3948] : memref<576x8192xf32, #tpu.memory_space<vmem>>, vector<96x128xf32>
    %add3A_3950 = arith.addf %get3A_3732, %get3A_3949 : vector<96x128xf32>
    %get3A_3951 = arith.constant 15 : index
    %get3A_3952 = arith.constant 0 : index
    %get3A_3953 = vector.load %arg3[%get3A_3951, %get3A_3952] : memref<64x128xf32, #tpu.memory_space<vmem>>, vector<1x128xf32>
    %add3A_3954 = vector.broadcast %get3A_3953 : vector<1x128xf32> to vector<96x128xf32>
    %add3A_3955 = arith.addf %add3A_3950, %add3A_3954 : vector<96x128xf32>
    %lt3A_3956 = arith.cmpf olt, %add3A_3955, %select_n3A_3943 : vector<96x128xf32>
    %select_n3A_3957 = arith.select %lt3A_3956, %add3A_3955, %select_n3A_3943 : vector<96x128xi1>, vector<96x128xf32>
    %jit3A_3958 = arith.constant 15 : i32
    %broadcast_in_dim3A_3959 = vector.broadcast %jit3A_3958 : i32 to vector<96x128xi32>
    %select_n3A_3960 = arith.select %lt3A_3956, %broadcast_in_dim3A_3959, %select_n3A_3946 : vector<96x128xi1>, vector<96x128xi32>
    %get3A_3961 = arith.constant 384 : index
    %get3A_3962 = arith.constant 2048 : index
    %get3A_3963 = vector.load %arg7[%get3A_3961, %get3A_3962] : memref<576x8192xf32, #tpu.memory_space<vmem>>, vector<96x128xf32>
    %add3A_3964 = arith.addf %get3A_3732, %get3A_3963 : vector<96x128xf32>
    %get3A_3965 = arith.constant 16 : index
    %get3A_3966 = arith.constant 0 : index
    %get3A_3967 = vector.load %arg3[%get3A_3965, %get3A_3966] : memref<64x128xf32, #tpu.memory_space<vmem>>, vector<1x128xf32>
    %add3A_3968 = vector.broadcast %get3A_3967 : vector<1x128xf32> to vector<96x128xf32>
    %add3A_3969 = arith.addf %add3A_3964, %add3A_3968 : vector<96x128xf32>
    %lt3A_3970 = arith.cmpf olt, %add3A_3969, %select_n3A_3957 : vector<96x128xf32>
    %select_n3A_3971 = arith.select %lt3A_3970, %add3A_3969, %select_n3A_3957 : vector<96x128xi1>, vector<96x128xf32>
    %jit3A_3972 = arith.constant 16 : i32
    %broadcast_in_dim3A_3973 = vector.broadcast %jit3A_3972 : i32 to vector<96x128xi32>
    %select_n3A_3974 = arith.select %lt3A_3970, %broadcast_in_dim3A_3973, %select_n3A_3960 : vector<96x128xi1>, vector<96x128xi32>
    %get3A_3975 = arith.constant 384 : index
    %get3A_3976 = arith.constant 2176 : index
    %get3A_3977 = vector.load %arg7[%get3A_3975, %get3A_3976] : memref<576x8192xf32, #tpu.memory_space<vmem>>, vector<96x128xf32>
    %add3A_3978 = arith.addf %get3A_3732, %get3A_3977 : vector<96x128xf32>
    %get3A_3979 = arith.constant 17 : index
    %get3A_3980 = arith.constant 0 : index
    %get3A_3981 = vector.load %arg3[%get3A_3979, %get3A_3980] : memref<64x128xf32, #tpu.memory_space<vmem>>, vector<1x128xf32>
    %add3A_3982 = vector.broadcast %get3A_3981 : vector<1x128xf32> to vector<96x128xf32>
    %add3A_3983 = arith.addf %add3A_3978, %add3A_3982 : vector<96x128xf32>
    %lt3A_3984 = arith.cmpf olt, %add3A_3983, %select_n3A_3971 : vector<96x128xf32>
    %select_n3A_3985 = arith.select %lt3A_3984, %add3A_3983, %select_n3A_3971 : vector<96x128xi1>, vector<96x128xf32>
    %jit3A_3986 = arith.constant 17 : i32
    %broadcast_in_dim3A_3987 = vector.broadcast %jit3A_3986 : i32 to vector<96x128xi32>
    %select_n3A_3988 = arith.select %lt3A_3984, %broadcast_in_dim3A_3987, %select_n3A_3974 : vector<96x128xi1>, vector<96x128xi32>
    %get3A_3989 = arith.constant 384 : index
    %get3A_3990 = arith.constant 2304 : index
    %get3A_3991 = vector.load %arg7[%get3A_3989, %get3A_3990] : memref<576x8192xf32, #tpu.memory_space<vmem>>, vector<96x128xf32>
    %add3A_3992 = arith.addf %get3A_3732, %get3A_3991 : vector<96x128xf32>
    %get3A_3993 = arith.constant 18 : index
    %get3A_3994 = arith.constant 0 : index
    %get3A_3995 = vector.load %arg3[%get3A_3993, %get3A_3994] : memref<64x128xf32, #tpu.memory_space<vmem>>, vector<1x128xf32>
    %add3A_3996 = vector.broadcast %get3A_3995 : vector<1x128xf32> to vector<96x128xf32>
    %add3A_3997 = arith.addf %add3A_3992, %add3A_3996 : vector<96x128xf32>
    %lt3A_3998 = arith.cmpf olt, %add3A_3997, %select_n3A_3985 : vector<96x128xf32>
    %select_n3A_3999 = arith.select %lt3A_3998, %add3A_3997, %select_n3A_3985 : vector<96x128xi1>, vector<96x128xf32>
    %jit3A_4000 = arith.constant 18 : i32
    %broadcast_in_dim3A_4001 = vector.broadcast %jit3A_4000 : i32 to vector<96x128xi32>
    %select_n3A_4002 = arith.select %lt3A_3998, %broadcast_in_dim3A_4001, %select_n3A_3988 : vector<96x128xi1>, vector<96x128xi32>
    %get3A_4003 = arith.constant 384 : index
    %get3A_4004 = arith.constant 2432 : index
    %get3A_4005 = vector.load %arg7[%get3A_4003, %get3A_4004] : memref<576x8192xf32, #tpu.memory_space<vmem>>, vector<96x128xf32>
    %add3A_4006 = arith.addf %get3A_3732, %get3A_4005 : vector<96x128xf32>
    %get3A_4007 = arith.constant 19 : index
    %get3A_4008 = arith.constant 0 : index
    %get3A_4009 = vector.load %arg3[%get3A_4007, %get3A_4008] : memref<64x128xf32, #tpu.memory_space<vmem>>, vector<1x128xf32>
    %add3A_4010 = vector.broadcast %get3A_4009 : vector<1x128xf32> to vector<96x128xf32>
    %add3A_4011 = arith.addf %add3A_4006, %add3A_4010 : vector<96x128xf32>
    %lt3A_4012 = arith.cmpf olt, %add3A_4011, %select_n3A_3999 : vector<96x128xf32>
    %select_n3A_4013 = arith.select %lt3A_4012, %add3A_4011, %select_n3A_3999 : vector<96x128xi1>, vector<96x128xf32>
    %jit3A_4014 = arith.constant 19 : i32
    %broadcast_in_dim3A_4015 = vector.broadcast %jit3A_4014 : i32 to vector<96x128xi32>
    %select_n3A_4016 = arith.select %lt3A_4012, %broadcast_in_dim3A_4015, %select_n3A_4002 : vector<96x128xi1>, vector<96x128xi32>
    %get3A_4017 = arith.constant 384 : index
    %get3A_4018 = arith.constant 2560 : index
    %get3A_4019 = vector.load %arg7[%get3A_4017, %get3A_4018] : memref<576x8192xf32, #tpu.memory_space<vmem>>, vector<96x128xf32>
    %add3A_4020 = arith.addf %get3A_3732, %get3A_4019 : vector<96x128xf32>
    %get3A_4021 = arith.constant 20 : index
    %get3A_4022 = arith.constant 0 : index
    %get3A_4023 = vector.load %arg3[%get3A_4021, %get3A_4022] : memref<64x128xf32, #tpu.memory_space<vmem>>, vector<1x128xf32>
    %add3A_4024 = vector.broadcast %get3A_4023 : vector<1x128xf32> to vector<96x128xf32>
    %add3A_4025 = arith.addf %add3A_4020, %add3A_4024 : vector<96x128xf32>
    %lt3A_4026 = arith.cmpf olt, %add3A_4025, %select_n3A_4013 : vector<96x128xf32>
    %select_n3A_4027 = arith.select %lt3A_4026, %add3A_4025, %select_n3A_4013 : vector<96x128xi1>, vector<96x128xf32>
    %jit3A_4028 = arith.constant 20 : i32
    %broadcast_in_dim3A_4029 = vector.broadcast %jit3A_4028 : i32 to vector<96x128xi32>
    %select_n3A_4030 = arith.select %lt3A_4026, %broadcast_in_dim3A_4029, %select_n3A_4016 : vector<96x128xi1>, vector<96x128xi32>
    %get3A_4031 = arith.constant 384 : index
    %get3A_4032 = arith.constant 2688 : index
    %get3A_4033 = vector.load %arg7[%get3A_4031, %get3A_4032] : memref<576x8192xf32, #tpu.memory_space<vmem>>, vector<96x128xf32>
    %add3A_4034 = arith.addf %get3A_3732, %get3A_4033 : vector<96x128xf32>
    %get3A_4035 = arith.constant 21 : index
    %get3A_4036 = arith.constant 0 : index
    %get3A_4037 = vector.load %arg3[%get3A_4035, %get3A_4036] : memref<64x128xf32, #tpu.memory_space<vmem>>, vector<1x128xf32>
    %add3A_4038 = vector.broadcast %get3A_4037 : vector<1x128xf32> to vector<96x128xf32>
    %add3A_4039 = arith.addf %add3A_4034, %add3A_4038 : vector<96x128xf32>
    %lt3A_4040 = arith.cmpf olt, %add3A_4039, %select_n3A_4027 : vector<96x128xf32>
    %select_n3A_4041 = arith.select %lt3A_4040, %add3A_4039, %select_n3A_4027 : vector<96x128xi1>, vector<96x128xf32>
    %jit3A_4042 = arith.constant 21 : i32
    %broadcast_in_dim3A_4043 = vector.broadcast %jit3A_4042 : i32 to vector<96x128xi32>
    %select_n3A_4044 = arith.select %lt3A_4040, %broadcast_in_dim3A_4043, %select_n3A_4030 : vector<96x128xi1>, vector<96x128xi32>
    %get3A_4045 = arith.constant 384 : index
    %get3A_4046 = arith.constant 2816 : index
    %get3A_4047 = vector.load %arg7[%get3A_4045, %get3A_4046] : memref<576x8192xf32, #tpu.memory_space<vmem>>, vector<96x128xf32>
    %add3A_4048 = arith.addf %get3A_3732, %get3A_4047 : vector<96x128xf32>
    %get3A_4049 = arith.constant 22 : index
    %get3A_4050 = arith.constant 0 : index
    %get3A_4051 = vector.load %arg3[%get3A_4049, %get3A_4050] : memref<64x128xf32, #tpu.memory_space<vmem>>, vector<1x128xf32>
    %add3A_4052 = vector.broadcast %get3A_4051 : vector<1x128xf32> to vector<96x128xf32>
    %add3A_4053 = arith.addf %add3A_4048, %add3A_4052 : vector<96x128xf32>
    %lt3A_4054 = arith.cmpf olt, %add3A_4053, %select_n3A_4041 : vector<96x128xf32>
    %select_n3A_4055 = arith.select %lt3A_4054, %add3A_4053, %select_n3A_4041 : vector<96x128xi1>, vector<96x128xf32>
    %jit3A_4056 = arith.constant 22 : i32
    %broadcast_in_dim3A_4057 = vector.broadcast %jit3A_4056 : i32 to vector<96x128xi32>
    %select_n3A_4058 = arith.select %lt3A_4054, %broadcast_in_dim3A_4057, %select_n3A_4044 : vector<96x128xi1>, vector<96x128xi32>
    %get3A_4059 = arith.constant 384 : index
    %get3A_4060 = arith.constant 2944 : index
    %get3A_4061 = vector.load %arg7[%get3A_4059, %get3A_4060] : memref<576x8192xf32, #tpu.memory_space<vmem>>, vector<96x128xf32>
    %add3A_4062 = arith.addf %get3A_3732, %get3A_4061 : vector<96x128xf32>
    %get3A_4063 = arith.constant 23 : index
    %get3A_4064 = arith.constant 0 : index
    %get3A_4065 = vector.load %arg3[%get3A_4063, %get3A_4064] : memref<64x128xf32, #tpu.memory_space<vmem>>, vector<1x128xf32>
    %add3A_4066 = vector.broadcast %get3A_4065 : vector<1x128xf32> to vector<96x128xf32>
    %add3A_4067 = arith.addf %add3A_4062, %add3A_4066 : vector<96x128xf32>
    %lt3A_4068 = arith.cmpf olt, %add3A_4067, %select_n3A_4055 : vector<96x128xf32>
    %select_n3A_4069 = arith.select %lt3A_4068, %add3A_4067, %select_n3A_4055 : vector<96x128xi1>, vector<96x128xf32>
    %jit3A_4070 = arith.constant 23 : i32
    %broadcast_in_dim3A_4071 = vector.broadcast %jit3A_4070 : i32 to vector<96x128xi32>
    %select_n3A_4072 = arith.select %lt3A_4068, %broadcast_in_dim3A_4071, %select_n3A_4058 : vector<96x128xi1>, vector<96x128xi32>
    %get3A_4073 = arith.constant 384 : index
    %get3A_4074 = arith.constant 3072 : index
    %get3A_4075 = vector.load %arg7[%get3A_4073, %get3A_4074] : memref<576x8192xf32, #tpu.memory_space<vmem>>, vector<96x128xf32>
    %add3A_4076 = arith.addf %get3A_3732, %get3A_4075 : vector<96x128xf32>
    %get3A_4077 = arith.constant 24 : index
    %get3A_4078 = arith.constant 0 : index
    %get3A_4079 = vector.load %arg3[%get3A_4077, %get3A_4078] : memref<64x128xf32, #tpu.memory_space<vmem>>, vector<1x128xf32>
    %add3A_4080 = vector.broadcast %get3A_4079 : vector<1x128xf32> to vector<96x128xf32>
    %add3A_4081 = arith.addf %add3A_4076, %add3A_4080 : vector<96x128xf32>
    %lt3A_4082 = arith.cmpf olt, %add3A_4081, %select_n3A_4069 : vector<96x128xf32>
    %select_n3A_4083 = arith.select %lt3A_4082, %add3A_4081, %select_n3A_4069 : vector<96x128xi1>, vector<96x128xf32>
    %jit3A_4084 = arith.constant 24 : i32
    %broadcast_in_dim3A_4085 = vector.broadcast %jit3A_4084 : i32 to vector<96x128xi32>
    %select_n3A_4086 = arith.select %lt3A_4082, %broadcast_in_dim3A_4085, %select_n3A_4072 : vector<96x128xi1>, vector<96x128xi32>
    %get3A_4087 = arith.constant 384 : index
    %get3A_4088 = arith.constant 3200 : index
    %get3A_4089 = vector.load %arg7[%get3A_4087, %get3A_4088] : memref<576x8192xf32, #tpu.memory_space<vmem>>, vector<96x128xf32>
    %add3A_4090 = arith.addf %get3A_3732, %get3A_4089 : vector<96x128xf32>
    %get3A_4091 = arith.constant 25 : index
    %get3A_4092 = arith.constant 0 : index
    %get3A_4093 = vector.load %arg3[%get3A_4091, %get3A_4092] : memref<64x128xf32, #tpu.memory_space<vmem>>, vector<1x128xf32>
    %add3A_4094 = vector.broadcast %get3A_4093 : vector<1x128xf32> to vector<96x128xf32>
    %add3A_4095 = arith.addf %add3A_4090, %add3A_4094 : vector<96x128xf32>
    %lt3A_4096 = arith.cmpf olt, %add3A_4095, %select_n3A_4083 : vector<96x128xf32>
    %select_n3A_4097 = arith.select %lt3A_4096, %add3A_4095, %select_n3A_4083 : vector<96x128xi1>, vector<96x128xf32>
    %jit3A_4098 = arith.constant 25 : i32
    %broadcast_in_dim3A_4099 = vector.broadcast %jit3A_4098 : i32 to vector<96x128xi32>
    %select_n3A_4100 = arith.select %lt3A_4096, %broadcast_in_dim3A_4099, %select_n3A_4086 : vector<96x128xi1>, vector<96x128xi32>
    %get3A_4101 = arith.constant 384 : index
    %get3A_4102 = arith.constant 3328 : index
    %get3A_4103 = vector.load %arg7[%get3A_4101, %get3A_4102] : memref<576x8192xf32, #tpu.memory_space<vmem>>, vector<96x128xf32>
    %add3A_4104 = arith.addf %get3A_3732, %get3A_4103 : vector<96x128xf32>
    %get3A_4105 = arith.constant 26 : index
    %get3A_4106 = arith.constant 0 : index
    %get3A_4107 = vector.load %arg3[%get3A_4105, %get3A_4106] : memref<64x128xf32, #tpu.memory_space<vmem>>, vector<1x128xf32>
    %add3A_4108 = vector.broadcast %get3A_4107 : vector<1x128xf32> to vector<96x128xf32>
    %add3A_4109 = arith.addf %add3A_4104, %add3A_4108 : vector<96x128xf32>
    %lt3A_4110 = arith.cmpf olt, %add3A_4109, %select_n3A_4097 : vector<96x128xf32>
    %select_n3A_4111 = arith.select %lt3A_4110, %add3A_4109, %select_n3A_4097 : vector<96x128xi1>, vector<96x128xf32>
    %jit3A_4112 = arith.constant 26 : i32
    %broadcast_in_dim3A_4113 = vector.broadcast %jit3A_4112 : i32 to vector<96x128xi32>
    %select_n3A_4114 = arith.select %lt3A_4110, %broadcast_in_dim3A_4113, %select_n3A_4100 : vector<96x128xi1>, vector<96x128xi32>
    %get3A_4115 = arith.constant 384 : index
    %get3A_4116 = arith.constant 3456 : index
    %get3A_4117 = vector.load %arg7[%get3A_4115, %get3A_4116] : memref<576x8192xf32, #tpu.memory_space<vmem>>, vector<96x128xf32>
    %add3A_4118 = arith.addf %get3A_3732, %get3A_4117 : vector<96x128xf32>
    %get3A_4119 = arith.constant 27 : index
    %get3A_4120 = arith.constant 0 : index
    %get3A_4121 = vector.load %arg3[%get3A_4119, %get3A_4120] : memref<64x128xf32, #tpu.memory_space<vmem>>, vector<1x128xf32>
    %add3A_4122 = vector.broadcast %get3A_4121 : vector<1x128xf32> to vector<96x128xf32>
    %add3A_4123 = arith.addf %add3A_4118, %add3A_4122 : vector<96x128xf32>
    %lt3A_4124 = arith.cmpf olt, %add3A_4123, %select_n3A_4111 : vector<96x128xf32>
    %select_n3A_4125 = arith.select %lt3A_4124, %add3A_4123, %select_n3A_4111 : vector<96x128xi1>, vector<96x128xf32>
    %jit3A_4126 = arith.constant 27 : i32
    %broadcast_in_dim3A_4127 = vector.broadcast %jit3A_4126 : i32 to vector<96x128xi32>
    %select_n3A_4128 = arith.select %lt3A_4124, %broadcast_in_dim3A_4127, %select_n3A_4114 : vector<96x128xi1>, vector<96x128xi32>
    %get3A_4129 = arith.constant 384 : index
    %get3A_4130 = arith.constant 3584 : index
    %get3A_4131 = vector.load %arg7[%get3A_4129, %get3A_4130] : memref<576x8192xf32, #tpu.memory_space<vmem>>, vector<96x128xf32>
    %add3A_4132 = arith.addf %get3A_3732, %get3A_4131 : vector<96x128xf32>
    %get3A_4133 = arith.constant 28 : index
    %get3A_4134 = arith.constant 0 : index
    %get3A_4135 = vector.load %arg3[%get3A_4133, %get3A_4134] : memref<64x128xf32, #tpu.memory_space<vmem>>, vector<1x128xf32>
    %add3A_4136 = vector.broadcast %get3A_4135 : vector<1x128xf32> to vector<96x128xf32>
    %add3A_4137 = arith.addf %add3A_4132, %add3A_4136 : vector<96x128xf32>
    %lt3A_4138 = arith.cmpf olt, %add3A_4137, %select_n3A_4125 : vector<96x128xf32>
    %select_n3A_4139 = arith.select %lt3A_4138, %add3A_4137, %select_n3A_4125 : vector<96x128xi1>, vector<96x128xf32>
    %jit3A_4140 = arith.constant 28 : i32
    %broadcast_in_dim3A_4141 = vector.broadcast %jit3A_4140 : i32 to vector<96x128xi32>
    %select_n3A_4142 = arith.select %lt3A_4138, %broadcast_in_dim3A_4141, %select_n3A_4128 : vector<96x128xi1>, vector<96x128xi32>
    %get3A_4143 = arith.constant 384 : index
    %get3A_4144 = arith.constant 3712 : index
    %get3A_4145 = vector.load %arg7[%get3A_4143, %get3A_4144] : memref<576x8192xf32, #tpu.memory_space<vmem>>, vector<96x128xf32>
    %add3A_4146 = arith.addf %get3A_3732, %get3A_4145 : vector<96x128xf32>
    %get3A_4147 = arith.constant 29 : index
    %get3A_4148 = arith.constant 0 : index
    %get3A_4149 = vector.load %arg3[%get3A_4147, %get3A_4148] : memref<64x128xf32, #tpu.memory_space<vmem>>, vector<1x128xf32>
    %add3A_4150 = vector.broadcast %get3A_4149 : vector<1x128xf32> to vector<96x128xf32>
    %add3A_4151 = arith.addf %add3A_4146, %add3A_4150 : vector<96x128xf32>
    %lt3A_4152 = arith.cmpf olt, %add3A_4151, %select_n3A_4139 : vector<96x128xf32>
    %select_n3A_4153 = arith.select %lt3A_4152, %add3A_4151, %select_n3A_4139 : vector<96x128xi1>, vector<96x128xf32>
    %jit3A_4154 = arith.constant 29 : i32
    %broadcast_in_dim3A_4155 = vector.broadcast %jit3A_4154 : i32 to vector<96x128xi32>
    %select_n3A_4156 = arith.select %lt3A_4152, %broadcast_in_dim3A_4155, %select_n3A_4142 : vector<96x128xi1>, vector<96x128xi32>
    %get3A_4157 = arith.constant 384 : index
    %get3A_4158 = arith.constant 3840 : index
    %get3A_4159 = vector.load %arg7[%get3A_4157, %get3A_4158] : memref<576x8192xf32, #tpu.memory_space<vmem>>, vector<96x128xf32>
    %add3A_4160 = arith.addf %get3A_3732, %get3A_4159 : vector<96x128xf32>
    %get3A_4161 = arith.constant 30 : index
    %get3A_4162 = arith.constant 0 : index
    %get3A_4163 = vector.load %arg3[%get3A_4161, %get3A_4162] : memref<64x128xf32, #tpu.memory_space<vmem>>, vector<1x128xf32>
    %add3A_4164 = vector.broadcast %get3A_4163 : vector<1x128xf32> to vector<96x128xf32>
    %add3A_4165 = arith.addf %add3A_4160, %add3A_4164 : vector<96x128xf32>
    %lt3A_4166 = arith.cmpf olt, %add3A_4165, %select_n3A_4153 : vector<96x128xf32>
    %select_n3A_4167 = arith.select %lt3A_4166, %add3A_4165, %select_n3A_4153 : vector<96x128xi1>, vector<96x128xf32>
    %jit3A_4168 = arith.constant 30 : i32
    %broadcast_in_dim3A_4169 = vector.broadcast %jit3A_4168 : i32 to vector<96x128xi32>
    %select_n3A_4170 = arith.select %lt3A_4166, %broadcast_in_dim3A_4169, %select_n3A_4156 : vector<96x128xi1>, vector<96x128xi32>
    %get3A_4171 = arith.constant 384 : index
    %get3A_4172 = arith.constant 3968 : index
    %get3A_4173 = vector.load %arg7[%get3A_4171, %get3A_4172] : memref<576x8192xf32, #tpu.memory_space<vmem>>, vector<96x128xf32>
    %add3A_4174 = arith.addf %get3A_3732, %get3A_4173 : vector<96x128xf32>
    %get3A_4175 = arith.constant 31 : index
    %get3A_4176 = arith.constant 0 : index
    %get3A_4177 = vector.load %arg3[%get3A_4175, %get3A_4176] : memref<64x128xf32, #tpu.memory_space<vmem>>, vector<1x128xf32>
    %add3A_4178 = vector.broadcast %get3A_4177 : vector<1x128xf32> to vector<96x128xf32>
    %add3A_4179 = arith.addf %add3A_4174, %add3A_4178 : vector<96x128xf32>
    %lt3A_4180 = arith.cmpf olt, %add3A_4179, %select_n3A_4167 : vector<96x128xf32>
    %select_n3A_4181 = arith.select %lt3A_4180, %add3A_4179, %select_n3A_4167 : vector<96x128xi1>, vector<96x128xf32>
    %jit3A_4182 = arith.constant 31 : i32
    %broadcast_in_dim3A_4183 = vector.broadcast %jit3A_4182 : i32 to vector<96x128xi32>
    %select_n3A_4184 = arith.select %lt3A_4180, %broadcast_in_dim3A_4183, %select_n3A_4170 : vector<96x128xi1>, vector<96x128xi32>
    %get3A_4185 = arith.constant 384 : index
    %get3A_4186 = arith.constant 4096 : index
    %get3A_4187 = vector.load %arg7[%get3A_4185, %get3A_4186] : memref<576x8192xf32, #tpu.memory_space<vmem>>, vector<96x128xf32>
    %add3A_4188 = arith.addf %get3A_3732, %get3A_4187 : vector<96x128xf32>
    %get3A_4189 = arith.constant 32 : index
    %get3A_4190 = arith.constant 0 : index
    %get3A_4191 = vector.load %arg3[%get3A_4189, %get3A_4190] : memref<64x128xf32, #tpu.memory_space<vmem>>, vector<1x128xf32>
    %add3A_4192 = vector.broadcast %get3A_4191 : vector<1x128xf32> to vector<96x128xf32>
    %add3A_4193 = arith.addf %add3A_4188, %add3A_4192 : vector<96x128xf32>
    %lt3A_4194 = arith.cmpf olt, %add3A_4193, %select_n3A_4181 : vector<96x128xf32>
    %select_n3A_4195 = arith.select %lt3A_4194, %add3A_4193, %select_n3A_4181 : vector<96x128xi1>, vector<96x128xf32>
    %jit3A_4196 = arith.constant 32 : i32
    %broadcast_in_dim3A_4197 = vector.broadcast %jit3A_4196 : i32 to vector<96x128xi32>
    %select_n3A_4198 = arith.select %lt3A_4194, %broadcast_in_dim3A_4197, %select_n3A_4184 : vector<96x128xi1>, vector<96x128xi32>
    %get3A_4199 = arith.constant 384 : index
    %get3A_4200 = arith.constant 4224 : index
    %get3A_4201 = vector.load %arg7[%get3A_4199, %get3A_4200] : memref<576x8192xf32, #tpu.memory_space<vmem>>, vector<96x128xf32>
    %add3A_4202 = arith.addf %get3A_3732, %get3A_4201 : vector<96x128xf32>
    %get3A_4203 = arith.constant 33 : index
    %get3A_4204 = arith.constant 0 : index
    %get3A_4205 = vector.load %arg3[%get3A_4203, %get3A_4204] : memref<64x128xf32, #tpu.memory_space<vmem>>, vector<1x128xf32>
    %add3A_4206 = vector.broadcast %get3A_4205 : vector<1x128xf32> to vector<96x128xf32>
    %add3A_4207 = arith.addf %add3A_4202, %add3A_4206 : vector<96x128xf32>
    %lt3A_4208 = arith.cmpf olt, %add3A_4207, %select_n3A_4195 : vector<96x128xf32>
    %select_n3A_4209 = arith.select %lt3A_4208, %add3A_4207, %select_n3A_4195 : vector<96x128xi1>, vector<96x128xf32>
    %jit3A_4210 = arith.constant 33 : i32
    %broadcast_in_dim3A_4211 = vector.broadcast %jit3A_4210 : i32 to vector<96x128xi32>
    %select_n3A_4212 = arith.select %lt3A_4208, %broadcast_in_dim3A_4211, %select_n3A_4198 : vector<96x128xi1>, vector<96x128xi32>
    %get3A_4213 = arith.constant 384 : index
    %get3A_4214 = arith.constant 4352 : index
    %get3A_4215 = vector.load %arg7[%get3A_4213, %get3A_4214] : memref<576x8192xf32, #tpu.memory_space<vmem>>, vector<96x128xf32>
    %add3A_4216 = arith.addf %get3A_3732, %get3A_4215 : vector<96x128xf32>
    %get3A_4217 = arith.constant 34 : index
    %get3A_4218 = arith.constant 0 : index
    %get3A_4219 = vector.load %arg3[%get3A_4217, %get3A_4218] : memref<64x128xf32, #tpu.memory_space<vmem>>, vector<1x128xf32>
    %add3A_4220 = vector.broadcast %get3A_4219 : vector<1x128xf32> to vector<96x128xf32>
    %add3A_4221 = arith.addf %add3A_4216, %add3A_4220 : vector<96x128xf32>
    %lt3A_4222 = arith.cmpf olt, %add3A_4221, %select_n3A_4209 : vector<96x128xf32>
    %select_n3A_4223 = arith.select %lt3A_4222, %add3A_4221, %select_n3A_4209 : vector<96x128xi1>, vector<96x128xf32>
    %jit3A_4224 = arith.constant 34 : i32
    %broadcast_in_dim3A_4225 = vector.broadcast %jit3A_4224 : i32 to vector<96x128xi32>
    %select_n3A_4226 = arith.select %lt3A_4222, %broadcast_in_dim3A_4225, %select_n3A_4212 : vector<96x128xi1>, vector<96x128xi32>
    %get3A_4227 = arith.constant 384 : index
    %get3A_4228 = arith.constant 4480 : index
    %get3A_4229 = vector.load %arg7[%get3A_4227, %get3A_4228] : memref<576x8192xf32, #tpu.memory_space<vmem>>, vector<96x128xf32>
    %add3A_4230 = arith.addf %get3A_3732, %get3A_4229 : vector<96x128xf32>
    %get3A_4231 = arith.constant 35 : index
    %get3A_4232 = arith.constant 0 : index
    %get3A_4233 = vector.load %arg3[%get3A_4231, %get3A_4232] : memref<64x128xf32, #tpu.memory_space<vmem>>, vector<1x128xf32>
    %add3A_4234 = vector.broadcast %get3A_4233 : vector<1x128xf32> to vector<96x128xf32>
    %add3A_4235 = arith.addf %add3A_4230, %add3A_4234 : vector<96x128xf32>
    %lt3A_4236 = arith.cmpf olt, %add3A_4235, %select_n3A_4223 : vector<96x128xf32>
    %select_n3A_4237 = arith.select %lt3A_4236, %add3A_4235, %select_n3A_4223 : vector<96x128xi1>, vector<96x128xf32>
    %jit3A_4238 = arith.constant 35 : i32
    %broadcast_in_dim3A_4239 = vector.broadcast %jit3A_4238 : i32 to vector<96x128xi32>
    %select_n3A_4240 = arith.select %lt3A_4236, %broadcast_in_dim3A_4239, %select_n3A_4226 : vector<96x128xi1>, vector<96x128xi32>
    %get3A_4241 = arith.constant 384 : index
    %get3A_4242 = arith.constant 4608 : index
    %get3A_4243 = vector.load %arg7[%get3A_4241, %get3A_4242] : memref<576x8192xf32, #tpu.memory_space<vmem>>, vector<96x128xf32>
    %add3A_4244 = arith.addf %get3A_3732, %get3A_4243 : vector<96x128xf32>
    %get3A_4245 = arith.constant 36 : index
    %get3A_4246 = arith.constant 0 : index
    %get3A_4247 = vector.load %arg3[%get3A_4245, %get3A_4246] : memref<64x128xf32, #tpu.memory_space<vmem>>, vector<1x128xf32>
    %add3A_4248 = vector.broadcast %get3A_4247 : vector<1x128xf32> to vector<96x128xf32>
    %add3A_4249 = arith.addf %add3A_4244, %add3A_4248 : vector<96x128xf32>
    %lt3A_4250 = arith.cmpf olt, %add3A_4249, %select_n3A_4237 : vector<96x128xf32>
    %select_n3A_4251 = arith.select %lt3A_4250, %add3A_4249, %select_n3A_4237 : vector<96x128xi1>, vector<96x128xf32>
    %jit3A_4252 = arith.constant 36 : i32
    %broadcast_in_dim3A_4253 = vector.broadcast %jit3A_4252 : i32 to vector<96x128xi32>
    %select_n3A_4254 = arith.select %lt3A_4250, %broadcast_in_dim3A_4253, %select_n3A_4240 : vector<96x128xi1>, vector<96x128xi32>
    %get3A_4255 = arith.constant 384 : index
    %get3A_4256 = arith.constant 4736 : index
    %get3A_4257 = vector.load %arg7[%get3A_4255, %get3A_4256] : memref<576x8192xf32, #tpu.memory_space<vmem>>, vector<96x128xf32>
    %add3A_4258 = arith.addf %get3A_3732, %get3A_4257 : vector<96x128xf32>
    %get3A_4259 = arith.constant 37 : index
    %get3A_4260 = arith.constant 0 : index
    %get3A_4261 = vector.load %arg3[%get3A_4259, %get3A_4260] : memref<64x128xf32, #tpu.memory_space<vmem>>, vector<1x128xf32>
    %add3A_4262 = vector.broadcast %get3A_4261 : vector<1x128xf32> to vector<96x128xf32>
    %add3A_4263 = arith.addf %add3A_4258, %add3A_4262 : vector<96x128xf32>
    %lt3A_4264 = arith.cmpf olt, %add3A_4263, %select_n3A_4251 : vector<96x128xf32>
    %select_n3A_4265 = arith.select %lt3A_4264, %add3A_4263, %select_n3A_4251 : vector<96x128xi1>, vector<96x128xf32>
    %jit3A_4266 = arith.constant 37 : i32
    %broadcast_in_dim3A_4267 = vector.broadcast %jit3A_4266 : i32 to vector<96x128xi32>
    %select_n3A_4268 = arith.select %lt3A_4264, %broadcast_in_dim3A_4267, %select_n3A_4254 : vector<96x128xi1>, vector<96x128xi32>
    %get3A_4269 = arith.constant 384 : index
    %get3A_4270 = arith.constant 4864 : index
    %get3A_4271 = vector.load %arg7[%get3A_4269, %get3A_4270] : memref<576x8192xf32, #tpu.memory_space<vmem>>, vector<96x128xf32>
    %add3A_4272 = arith.addf %get3A_3732, %get3A_4271 : vector<96x128xf32>
    %get3A_4273 = arith.constant 38 : index
    %get3A_4274 = arith.constant 0 : index
    %get3A_4275 = vector.load %arg3[%get3A_4273, %get3A_4274] : memref<64x128xf32, #tpu.memory_space<vmem>>, vector<1x128xf32>
    %add3A_4276 = vector.broadcast %get3A_4275 : vector<1x128xf32> to vector<96x128xf32>
    %add3A_4277 = arith.addf %add3A_4272, %add3A_4276 : vector<96x128xf32>
    %lt3A_4278 = arith.cmpf olt, %add3A_4277, %select_n3A_4265 : vector<96x128xf32>
    %select_n3A_4279 = arith.select %lt3A_4278, %add3A_4277, %select_n3A_4265 : vector<96x128xi1>, vector<96x128xf32>
    %jit3A_4280 = arith.constant 38 : i32
    %broadcast_in_dim3A_4281 = vector.broadcast %jit3A_4280 : i32 to vector<96x128xi32>
    %select_n3A_4282 = arith.select %lt3A_4278, %broadcast_in_dim3A_4281, %select_n3A_4268 : vector<96x128xi1>, vector<96x128xi32>
    %get3A_4283 = arith.constant 384 : index
    %get3A_4284 = arith.constant 4992 : index
    %get3A_4285 = vector.load %arg7[%get3A_4283, %get3A_4284] : memref<576x8192xf32, #tpu.memory_space<vmem>>, vector<96x128xf32>
    %add3A_4286 = arith.addf %get3A_3732, %get3A_4285 : vector<96x128xf32>
    %get3A_4287 = arith.constant 39 : index
    %get3A_4288 = arith.constant 0 : index
    %get3A_4289 = vector.load %arg3[%get3A_4287, %get3A_4288] : memref<64x128xf32, #tpu.memory_space<vmem>>, vector<1x128xf32>
    %add3A_4290 = vector.broadcast %get3A_4289 : vector<1x128xf32> to vector<96x128xf32>
    %add3A_4291 = arith.addf %add3A_4286, %add3A_4290 : vector<96x128xf32>
    %lt3A_4292 = arith.cmpf olt, %add3A_4291, %select_n3A_4279 : vector<96x128xf32>
    %select_n3A_4293 = arith.select %lt3A_4292, %add3A_4291, %select_n3A_4279 : vector<96x128xi1>, vector<96x128xf32>
    %jit3A_4294 = arith.constant 39 : i32
    %broadcast_in_dim3A_4295 = vector.broadcast %jit3A_4294 : i32 to vector<96x128xi32>
    %select_n3A_4296 = arith.select %lt3A_4292, %broadcast_in_dim3A_4295, %select_n3A_4282 : vector<96x128xi1>, vector<96x128xi32>
    %get3A_4297 = arith.constant 384 : index
    %get3A_4298 = arith.constant 5120 : index
    %get3A_4299 = vector.load %arg7[%get3A_4297, %get3A_4298] : memref<576x8192xf32, #tpu.memory_space<vmem>>, vector<96x128xf32>
    %add3A_4300 = arith.addf %get3A_3732, %get3A_4299 : vector<96x128xf32>
    %get3A_4301 = arith.constant 40 : index
    %get3A_4302 = arith.constant 0 : index
    %get3A_4303 = vector.load %arg3[%get3A_4301, %get3A_4302] : memref<64x128xf32, #tpu.memory_space<vmem>>, vector<1x128xf32>
    %add3A_4304 = vector.broadcast %get3A_4303 : vector<1x128xf32> to vector<96x128xf32>
    %add3A_4305 = arith.addf %add3A_4300, %add3A_4304 : vector<96x128xf32>
    %lt3A_4306 = arith.cmpf olt, %add3A_4305, %select_n3A_4293 : vector<96x128xf32>
    %select_n3A_4307 = arith.select %lt3A_4306, %add3A_4305, %select_n3A_4293 : vector<96x128xi1>, vector<96x128xf32>
    %jit3A_4308 = arith.constant 40 : i32
    %broadcast_in_dim3A_4309 = vector.broadcast %jit3A_4308 : i32 to vector<96x128xi32>
    %select_n3A_4310 = arith.select %lt3A_4306, %broadcast_in_dim3A_4309, %select_n3A_4296 : vector<96x128xi1>, vector<96x128xi32>
    %get3A_4311 = arith.constant 384 : index
    %get3A_4312 = arith.constant 5248 : index
    %get3A_4313 = vector.load %arg7[%get3A_4311, %get3A_4312] : memref<576x8192xf32, #tpu.memory_space<vmem>>, vector<96x128xf32>
    %add3A_4314 = arith.addf %get3A_3732, %get3A_4313 : vector<96x128xf32>
    %get3A_4315 = arith.constant 41 : index
    %get3A_4316 = arith.constant 0 : index
    %get3A_4317 = vector.load %arg3[%get3A_4315, %get3A_4316] : memref<64x128xf32, #tpu.memory_space<vmem>>, vector<1x128xf32>
    %add3A_4318 = vector.broadcast %get3A_4317 : vector<1x128xf32> to vector<96x128xf32>
    %add3A_4319 = arith.addf %add3A_4314, %add3A_4318 : vector<96x128xf32>
    %lt3A_4320 = arith.cmpf olt, %add3A_4319, %select_n3A_4307 : vector<96x128xf32>
    %select_n3A_4321 = arith.select %lt3A_4320, %add3A_4319, %select_n3A_4307 : vector<96x128xi1>, vector<96x128xf32>
    %jit3A_4322 = arith.constant 41 : i32
    %broadcast_in_dim3A_4323 = vector.broadcast %jit3A_4322 : i32 to vector<96x128xi32>
    %select_n3A_4324 = arith.select %lt3A_4320, %broadcast_in_dim3A_4323, %select_n3A_4310 : vector<96x128xi1>, vector<96x128xi32>
    %get3A_4325 = arith.constant 384 : index
    %get3A_4326 = arith.constant 5376 : index
    %get3A_4327 = vector.load %arg7[%get3A_4325, %get3A_4326] : memref<576x8192xf32, #tpu.memory_space<vmem>>, vector<96x128xf32>
    %add3A_4328 = arith.addf %get3A_3732, %get3A_4327 : vector<96x128xf32>
    %get3A_4329 = arith.constant 42 : index
    %get3A_4330 = arith.constant 0 : index
    %get3A_4331 = vector.load %arg3[%get3A_4329, %get3A_4330] : memref<64x128xf32, #tpu.memory_space<vmem>>, vector<1x128xf32>
    %add3A_4332 = vector.broadcast %get3A_4331 : vector<1x128xf32> to vector<96x128xf32>
    %add3A_4333 = arith.addf %add3A_4328, %add3A_4332 : vector<96x128xf32>
    %lt3A_4334 = arith.cmpf olt, %add3A_4333, %select_n3A_4321 : vector<96x128xf32>
    %select_n3A_4335 = arith.select %lt3A_4334, %add3A_4333, %select_n3A_4321 : vector<96x128xi1>, vector<96x128xf32>
    %jit3A_4336 = arith.constant 42 : i32
    %broadcast_in_dim3A_4337 = vector.broadcast %jit3A_4336 : i32 to vector<96x128xi32>
    %select_n3A_4338 = arith.select %lt3A_4334, %broadcast_in_dim3A_4337, %select_n3A_4324 : vector<96x128xi1>, vector<96x128xi32>
    %get3A_4339 = arith.constant 384 : index
    %get3A_4340 = arith.constant 5504 : index
    %get3A_4341 = vector.load %arg7[%get3A_4339, %get3A_4340] : memref<576x8192xf32, #tpu.memory_space<vmem>>, vector<96x128xf32>
    %add3A_4342 = arith.addf %get3A_3732, %get3A_4341 : vector<96x128xf32>
    %get3A_4343 = arith.constant 43 : index
    %get3A_4344 = arith.constant 0 : index
    %get3A_4345 = vector.load %arg3[%get3A_4343, %get3A_4344] : memref<64x128xf32, #tpu.memory_space<vmem>>, vector<1x128xf32>
    %add3A_4346 = vector.broadcast %get3A_4345 : vector<1x128xf32> to vector<96x128xf32>
    %add3A_4347 = arith.addf %add3A_4342, %add3A_4346 : vector<96x128xf32>
    %lt3A_4348 = arith.cmpf olt, %add3A_4347, %select_n3A_4335 : vector<96x128xf32>
    %select_n3A_4349 = arith.select %lt3A_4348, %add3A_4347, %select_n3A_4335 : vector<96x128xi1>, vector<96x128xf32>
    %jit3A_4350 = arith.constant 43 : i32
    %broadcast_in_dim3A_4351 = vector.broadcast %jit3A_4350 : i32 to vector<96x128xi32>
    %select_n3A_4352 = arith.select %lt3A_4348, %broadcast_in_dim3A_4351, %select_n3A_4338 : vector<96x128xi1>, vector<96x128xi32>
    %get3A_4353 = arith.constant 384 : index
    %get3A_4354 = arith.constant 5632 : index
    %get3A_4355 = vector.load %arg7[%get3A_4353, %get3A_4354] : memref<576x8192xf32, #tpu.memory_space<vmem>>, vector<96x128xf32>
    %add3A_4356 = arith.addf %get3A_3732, %get3A_4355 : vector<96x128xf32>
    %get3A_4357 = arith.constant 44 : index
    %get3A_4358 = arith.constant 0 : index
    %get3A_4359 = vector.load %arg3[%get3A_4357, %get3A_4358] : memref<64x128xf32, #tpu.memory_space<vmem>>, vector<1x128xf32>
    %add3A_4360 = vector.broadcast %get3A_4359 : vector<1x128xf32> to vector<96x128xf32>
    %add3A_4361 = arith.addf %add3A_4356, %add3A_4360 : vector<96x128xf32>
    %lt3A_4362 = arith.cmpf olt, %add3A_4361, %select_n3A_4349 : vector<96x128xf32>
    %select_n3A_4363 = arith.select %lt3A_4362, %add3A_4361, %select_n3A_4349 : vector<96x128xi1>, vector<96x128xf32>
    %jit3A_4364 = arith.constant 44 : i32
    %broadcast_in_dim3A_4365 = vector.broadcast %jit3A_4364 : i32 to vector<96x128xi32>
    %select_n3A_4366 = arith.select %lt3A_4362, %broadcast_in_dim3A_4365, %select_n3A_4352 : vector<96x128xi1>, vector<96x128xi32>
    %get3A_4367 = arith.constant 384 : index
    %get3A_4368 = arith.constant 5760 : index
    %get3A_4369 = vector.load %arg7[%get3A_4367, %get3A_4368] : memref<576x8192xf32, #tpu.memory_space<vmem>>, vector<96x128xf32>
    %add3A_4370 = arith.addf %get3A_3732, %get3A_4369 : vector<96x128xf32>
    %get3A_4371 = arith.constant 45 : index
    %get3A_4372 = arith.constant 0 : index
    %get3A_4373 = vector.load %arg3[%get3A_4371, %get3A_4372] : memref<64x128xf32, #tpu.memory_space<vmem>>, vector<1x128xf32>
    %add3A_4374 = vector.broadcast %get3A_4373 : vector<1x128xf32> to vector<96x128xf32>
    %add3A_4375 = arith.addf %add3A_4370, %add3A_4374 : vector<96x128xf32>
    %lt3A_4376 = arith.cmpf olt, %add3A_4375, %select_n3A_4363 : vector<96x128xf32>
    %select_n3A_4377 = arith.select %lt3A_4376, %add3A_4375, %select_n3A_4363 : vector<96x128xi1>, vector<96x128xf32>
    %jit3A_4378 = arith.constant 45 : i32
    %broadcast_in_dim3A_4379 = vector.broadcast %jit3A_4378 : i32 to vector<96x128xi32>
    %select_n3A_4380 = arith.select %lt3A_4376, %broadcast_in_dim3A_4379, %select_n3A_4366 : vector<96x128xi1>, vector<96x128xi32>
    %get3A_4381 = arith.constant 384 : index
    %get3A_4382 = arith.constant 5888 : index
    %get3A_4383 = vector.load %arg7[%get3A_4381, %get3A_4382] : memref<576x8192xf32, #tpu.memory_space<vmem>>, vector<96x128xf32>
    %add3A_4384 = arith.addf %get3A_3732, %get3A_4383 : vector<96x128xf32>
    %get3A_4385 = arith.constant 46 : index
    %get3A_4386 = arith.constant 0 : index
    %get3A_4387 = vector.load %arg3[%get3A_4385, %get3A_4386] : memref<64x128xf32, #tpu.memory_space<vmem>>, vector<1x128xf32>
    %add3A_4388 = vector.broadcast %get3A_4387 : vector<1x128xf32> to vector<96x128xf32>
    %add3A_4389 = arith.addf %add3A_4384, %add3A_4388 : vector<96x128xf32>
    %lt3A_4390 = arith.cmpf olt, %add3A_4389, %select_n3A_4377 : vector<96x128xf32>
    %select_n3A_4391 = arith.select %lt3A_4390, %add3A_4389, %select_n3A_4377 : vector<96x128xi1>, vector<96x128xf32>
    %jit3A_4392 = arith.constant 46 : i32
    %broadcast_in_dim3A_4393 = vector.broadcast %jit3A_4392 : i32 to vector<96x128xi32>
    %select_n3A_4394 = arith.select %lt3A_4390, %broadcast_in_dim3A_4393, %select_n3A_4380 : vector<96x128xi1>, vector<96x128xi32>
    %get3A_4395 = arith.constant 384 : index
    %get3A_4396 = arith.constant 6016 : index
    %get3A_4397 = vector.load %arg7[%get3A_4395, %get3A_4396] : memref<576x8192xf32, #tpu.memory_space<vmem>>, vector<96x128xf32>
    %add3A_4398 = arith.addf %get3A_3732, %get3A_4397 : vector<96x128xf32>
    %get3A_4399 = arith.constant 47 : index
    %get3A_4400 = arith.constant 0 : index
    %get3A_4401 = vector.load %arg3[%get3A_4399, %get3A_4400] : memref<64x128xf32, #tpu.memory_space<vmem>>, vector<1x128xf32>
    %add3A_4402 = vector.broadcast %get3A_4401 : vector<1x128xf32> to vector<96x128xf32>
    %add3A_4403 = arith.addf %add3A_4398, %add3A_4402 : vector<96x128xf32>
    %lt3A_4404 = arith.cmpf olt, %add3A_4403, %select_n3A_4391 : vector<96x128xf32>
    %select_n3A_4405 = arith.select %lt3A_4404, %add3A_4403, %select_n3A_4391 : vector<96x128xi1>, vector<96x128xf32>
    %jit3A_4406 = arith.constant 47 : i32
    %broadcast_in_dim3A_4407 = vector.broadcast %jit3A_4406 : i32 to vector<96x128xi32>
    %select_n3A_4408 = arith.select %lt3A_4404, %broadcast_in_dim3A_4407, %select_n3A_4394 : vector<96x128xi1>, vector<96x128xi32>
    %get3A_4409 = arith.constant 384 : index
    %get3A_4410 = arith.constant 6144 : index
    %get3A_4411 = vector.load %arg7[%get3A_4409, %get3A_4410] : memref<576x8192xf32, #tpu.memory_space<vmem>>, vector<96x128xf32>
    %add3A_4412 = arith.addf %get3A_3732, %get3A_4411 : vector<96x128xf32>
    %get3A_4413 = arith.constant 48 : index
    %get3A_4414 = arith.constant 0 : index
    %get3A_4415 = vector.load %arg3[%get3A_4413, %get3A_4414] : memref<64x128xf32, #tpu.memory_space<vmem>>, vector<1x128xf32>
    %add3A_4416 = vector.broadcast %get3A_4415 : vector<1x128xf32> to vector<96x128xf32>
    %add3A_4417 = arith.addf %add3A_4412, %add3A_4416 : vector<96x128xf32>
    %lt3A_4418 = arith.cmpf olt, %add3A_4417, %select_n3A_4405 : vector<96x128xf32>
    %select_n3A_4419 = arith.select %lt3A_4418, %add3A_4417, %select_n3A_4405 : vector<96x128xi1>, vector<96x128xf32>
    %jit3A_4420 = arith.constant 48 : i32
    %broadcast_in_dim3A_4421 = vector.broadcast %jit3A_4420 : i32 to vector<96x128xi32>
    %select_n3A_4422 = arith.select %lt3A_4418, %broadcast_in_dim3A_4421, %select_n3A_4408 : vector<96x128xi1>, vector<96x128xi32>
    %get3A_4423 = arith.constant 384 : index
    %get3A_4424 = arith.constant 6272 : index
    %get3A_4425 = vector.load %arg7[%get3A_4423, %get3A_4424] : memref<576x8192xf32, #tpu.memory_space<vmem>>, vector<96x128xf32>
    %add3A_4426 = arith.addf %get3A_3732, %get3A_4425 : vector<96x128xf32>
    %get3A_4427 = arith.constant 49 : index
    %get3A_4428 = arith.constant 0 : index
    %get3A_4429 = vector.load %arg3[%get3A_4427, %get3A_4428] : memref<64x128xf32, #tpu.memory_space<vmem>>, vector<1x128xf32>
    %add3A_4430 = vector.broadcast %get3A_4429 : vector<1x128xf32> to vector<96x128xf32>
    %add3A_4431 = arith.addf %add3A_4426, %add3A_4430 : vector<96x128xf32>
    %lt3A_4432 = arith.cmpf olt, %add3A_4431, %select_n3A_4419 : vector<96x128xf32>
    %select_n3A_4433 = arith.select %lt3A_4432, %add3A_4431, %select_n3A_4419 : vector<96x128xi1>, vector<96x128xf32>
    %jit3A_4434 = arith.constant 49 : i32
    %broadcast_in_dim3A_4435 = vector.broadcast %jit3A_4434 : i32 to vector<96x128xi32>
    %select_n3A_4436 = arith.select %lt3A_4432, %broadcast_in_dim3A_4435, %select_n3A_4422 : vector<96x128xi1>, vector<96x128xi32>
    %get3A_4437 = arith.constant 384 : index
    %get3A_4438 = arith.constant 6400 : index
    %get3A_4439 = vector.load %arg7[%get3A_4437, %get3A_4438] : memref<576x8192xf32, #tpu.memory_space<vmem>>, vector<96x128xf32>
    %add3A_4440 = arith.addf %get3A_3732, %get3A_4439 : vector<96x128xf32>
    %get3A_4441 = arith.constant 50 : index
    %get3A_4442 = arith.constant 0 : index
    %get3A_4443 = vector.load %arg3[%get3A_4441, %get3A_4442] : memref<64x128xf32, #tpu.memory_space<vmem>>, vector<1x128xf32>
    %add3A_4444 = vector.broadcast %get3A_4443 : vector<1x128xf32> to vector<96x128xf32>
    %add3A_4445 = arith.addf %add3A_4440, %add3A_4444 : vector<96x128xf32>
    %lt3A_4446 = arith.cmpf olt, %add3A_4445, %select_n3A_4433 : vector<96x128xf32>
    %select_n3A_4447 = arith.select %lt3A_4446, %add3A_4445, %select_n3A_4433 : vector<96x128xi1>, vector<96x128xf32>
    %jit3A_4448 = arith.constant 50 : i32
    %broadcast_in_dim3A_4449 = vector.broadcast %jit3A_4448 : i32 to vector<96x128xi32>
    %select_n3A_4450 = arith.select %lt3A_4446, %broadcast_in_dim3A_4449, %select_n3A_4436 : vector<96x128xi1>, vector<96x128xi32>
    %get3A_4451 = arith.constant 384 : index
    %get3A_4452 = arith.constant 6528 : index
    %get3A_4453 = vector.load %arg7[%get3A_4451, %get3A_4452] : memref<576x8192xf32, #tpu.memory_space<vmem>>, vector<96x128xf32>
    %add3A_4454 = arith.addf %get3A_3732, %get3A_4453 : vector<96x128xf32>
    %get3A_4455 = arith.constant 51 : index
    %get3A_4456 = arith.constant 0 : index
    %get3A_4457 = vector.load %arg3[%get3A_4455, %get3A_4456] : memref<64x128xf32, #tpu.memory_space<vmem>>, vector<1x128xf32>
    %add3A_4458 = vector.broadcast %get3A_4457 : vector<1x128xf32> to vector<96x128xf32>
    %add3A_4459 = arith.addf %add3A_4454, %add3A_4458 : vector<96x128xf32>
    %lt3A_4460 = arith.cmpf olt, %add3A_4459, %select_n3A_4447 : vector<96x128xf32>
    %select_n3A_4461 = arith.select %lt3A_4460, %add3A_4459, %select_n3A_4447 : vector<96x128xi1>, vector<96x128xf32>
    %jit3A_4462 = arith.constant 51 : i32
    %broadcast_in_dim3A_4463 = vector.broadcast %jit3A_4462 : i32 to vector<96x128xi32>
    %select_n3A_4464 = arith.select %lt3A_4460, %broadcast_in_dim3A_4463, %select_n3A_4450 : vector<96x128xi1>, vector<96x128xi32>
    %get3A_4465 = arith.constant 384 : index
    %get3A_4466 = arith.constant 6656 : index
    %get3A_4467 = vector.load %arg7[%get3A_4465, %get3A_4466] : memref<576x8192xf32, #tpu.memory_space<vmem>>, vector<96x128xf32>
    %add3A_4468 = arith.addf %get3A_3732, %get3A_4467 : vector<96x128xf32>
    %get3A_4469 = arith.constant 52 : index
    %get3A_4470 = arith.constant 0 : index
    %get3A_4471 = vector.load %arg3[%get3A_4469, %get3A_4470] : memref<64x128xf32, #tpu.memory_space<vmem>>, vector<1x128xf32>
    %add3A_4472 = vector.broadcast %get3A_4471 : vector<1x128xf32> to vector<96x128xf32>
    %add3A_4473 = arith.addf %add3A_4468, %add3A_4472 : vector<96x128xf32>
    %lt3A_4474 = arith.cmpf olt, %add3A_4473, %select_n3A_4461 : vector<96x128xf32>
    %select_n3A_4475 = arith.select %lt3A_4474, %add3A_4473, %select_n3A_4461 : vector<96x128xi1>, vector<96x128xf32>
    %jit3A_4476 = arith.constant 52 : i32
    %broadcast_in_dim3A_4477 = vector.broadcast %jit3A_4476 : i32 to vector<96x128xi32>
    %select_n3A_4478 = arith.select %lt3A_4474, %broadcast_in_dim3A_4477, %select_n3A_4464 : vector<96x128xi1>, vector<96x128xi32>
    %get3A_4479 = arith.constant 384 : index
    %get3A_4480 = arith.constant 6784 : index
    %get3A_4481 = vector.load %arg7[%get3A_4479, %get3A_4480] : memref<576x8192xf32, #tpu.memory_space<vmem>>, vector<96x128xf32>
    %add3A_4482 = arith.addf %get3A_3732, %get3A_4481 : vector<96x128xf32>
    %get3A_4483 = arith.constant 53 : index
    %get3A_4484 = arith.constant 0 : index
    %get3A_4485 = vector.load %arg3[%get3A_4483, %get3A_4484] : memref<64x128xf32, #tpu.memory_space<vmem>>, vector<1x128xf32>
    %add3A_4486 = vector.broadcast %get3A_4485 : vector<1x128xf32> to vector<96x128xf32>
    %add3A_4487 = arith.addf %add3A_4482, %add3A_4486 : vector<96x128xf32>
    %lt3A_4488 = arith.cmpf olt, %add3A_4487, %select_n3A_4475 : vector<96x128xf32>
    %select_n3A_4489 = arith.select %lt3A_4488, %add3A_4487, %select_n3A_4475 : vector<96x128xi1>, vector<96x128xf32>
    %jit3A_4490 = arith.constant 53 : i32
    %broadcast_in_dim3A_4491 = vector.broadcast %jit3A_4490 : i32 to vector<96x128xi32>
    %select_n3A_4492 = arith.select %lt3A_4488, %broadcast_in_dim3A_4491, %select_n3A_4478 : vector<96x128xi1>, vector<96x128xi32>
    %get3A_4493 = arith.constant 384 : index
    %get3A_4494 = arith.constant 6912 : index
    %get3A_4495 = vector.load %arg7[%get3A_4493, %get3A_4494] : memref<576x8192xf32, #tpu.memory_space<vmem>>, vector<96x128xf32>
    %add3A_4496 = arith.addf %get3A_3732, %get3A_4495 : vector<96x128xf32>
    %get3A_4497 = arith.constant 54 : index
    %get3A_4498 = arith.constant 0 : index
    %get3A_4499 = vector.load %arg3[%get3A_4497, %get3A_4498] : memref<64x128xf32, #tpu.memory_space<vmem>>, vector<1x128xf32>
    %add3A_4500 = vector.broadcast %get3A_4499 : vector<1x128xf32> to vector<96x128xf32>
    %add3A_4501 = arith.addf %add3A_4496, %add3A_4500 : vector<96x128xf32>
    %lt3A_4502 = arith.cmpf olt, %add3A_4501, %select_n3A_4489 : vector<96x128xf32>
    %select_n3A_4503 = arith.select %lt3A_4502, %add3A_4501, %select_n3A_4489 : vector<96x128xi1>, vector<96x128xf32>
    %jit3A_4504 = arith.constant 54 : i32
    %broadcast_in_dim3A_4505 = vector.broadcast %jit3A_4504 : i32 to vector<96x128xi32>
    %select_n3A_4506 = arith.select %lt3A_4502, %broadcast_in_dim3A_4505, %select_n3A_4492 : vector<96x128xi1>, vector<96x128xi32>
    %get3A_4507 = arith.constant 384 : index
    %get3A_4508 = arith.constant 7040 : index
    %get3A_4509 = vector.load %arg7[%get3A_4507, %get3A_4508] : memref<576x8192xf32, #tpu.memory_space<vmem>>, vector<96x128xf32>
    %add3A_4510 = arith.addf %get3A_3732, %get3A_4509 : vector<96x128xf32>
    %get3A_4511 = arith.constant 55 : index
    %get3A_4512 = arith.constant 0 : index
    %get3A_4513 = vector.load %arg3[%get3A_4511, %get3A_4512] : memref<64x128xf32, #tpu.memory_space<vmem>>, vector<1x128xf32>
    %add3A_4514 = vector.broadcast %get3A_4513 : vector<1x128xf32> to vector<96x128xf32>
    %add3A_4515 = arith.addf %add3A_4510, %add3A_4514 : vector<96x128xf32>
    %lt3A_4516 = arith.cmpf olt, %add3A_4515, %select_n3A_4503 : vector<96x128xf32>
    %select_n3A_4517 = arith.select %lt3A_4516, %add3A_4515, %select_n3A_4503 : vector<96x128xi1>, vector<96x128xf32>
    %jit3A_4518 = arith.constant 55 : i32
    %broadcast_in_dim3A_4519 = vector.broadcast %jit3A_4518 : i32 to vector<96x128xi32>
    %select_n3A_4520 = arith.select %lt3A_4516, %broadcast_in_dim3A_4519, %select_n3A_4506 : vector<96x128xi1>, vector<96x128xi32>
    %get3A_4521 = arith.constant 384 : index
    %get3A_4522 = arith.constant 7168 : index
    %get3A_4523 = vector.load %arg7[%get3A_4521, %get3A_4522] : memref<576x8192xf32, #tpu.memory_space<vmem>>, vector<96x128xf32>
    %add3A_4524 = arith.addf %get3A_3732, %get3A_4523 : vector<96x128xf32>
    %get3A_4525 = arith.constant 56 : index
    %get3A_4526 = arith.constant 0 : index
    %get3A_4527 = vector.load %arg3[%get3A_4525, %get3A_4526] : memref<64x128xf32, #tpu.memory_space<vmem>>, vector<1x128xf32>
    %add3A_4528 = vector.broadcast %get3A_4527 : vector<1x128xf32> to vector<96x128xf32>
    %add3A_4529 = arith.addf %add3A_4524, %add3A_4528 : vector<96x128xf32>
    %lt3A_4530 = arith.cmpf olt, %add3A_4529, %select_n3A_4517 : vector<96x128xf32>
    %select_n3A_4531 = arith.select %lt3A_4530, %add3A_4529, %select_n3A_4517 : vector<96x128xi1>, vector<96x128xf32>
    %jit3A_4532 = arith.constant 56 : i32
    %broadcast_in_dim3A_4533 = vector.broadcast %jit3A_4532 : i32 to vector<96x128xi32>
    %select_n3A_4534 = arith.select %lt3A_4530, %broadcast_in_dim3A_4533, %select_n3A_4520 : vector<96x128xi1>, vector<96x128xi32>
    %get3A_4535 = arith.constant 384 : index
    %get3A_4536 = arith.constant 7296 : index
    %get3A_4537 = vector.load %arg7[%get3A_4535, %get3A_4536] : memref<576x8192xf32, #tpu.memory_space<vmem>>, vector<96x128xf32>
    %add3A_4538 = arith.addf %get3A_3732, %get3A_4537 : vector<96x128xf32>
    %get3A_4539 = arith.constant 57 : index
    %get3A_4540 = arith.constant 0 : index
    %get3A_4541 = vector.load %arg3[%get3A_4539, %get3A_4540] : memref<64x128xf32, #tpu.memory_space<vmem>>, vector<1x128xf32>
    %add3A_4542 = vector.broadcast %get3A_4541 : vector<1x128xf32> to vector<96x128xf32>
    %add3A_4543 = arith.addf %add3A_4538, %add3A_4542 : vector<96x128xf32>
    %lt3A_4544 = arith.cmpf olt, %add3A_4543, %select_n3A_4531 : vector<96x128xf32>
    %select_n3A_4545 = arith.select %lt3A_4544, %add3A_4543, %select_n3A_4531 : vector<96x128xi1>, vector<96x128xf32>
    %jit3A_4546 = arith.constant 57 : i32
    %broadcast_in_dim3A_4547 = vector.broadcast %jit3A_4546 : i32 to vector<96x128xi32>
    %select_n3A_4548 = arith.select %lt3A_4544, %broadcast_in_dim3A_4547, %select_n3A_4534 : vector<96x128xi1>, vector<96x128xi32>
    %get3A_4549 = arith.constant 384 : index
    %get3A_4550 = arith.constant 7424 : index
    %get3A_4551 = vector.load %arg7[%get3A_4549, %get3A_4550] : memref<576x8192xf32, #tpu.memory_space<vmem>>, vector<96x128xf32>
    %add3A_4552 = arith.addf %get3A_3732, %get3A_4551 : vector<96x128xf32>
    %get3A_4553 = arith.constant 58 : index
    %get3A_4554 = arith.constant 0 : index
    %get3A_4555 = vector.load %arg3[%get3A_4553, %get3A_4554] : memref<64x128xf32, #tpu.memory_space<vmem>>, vector<1x128xf32>
    %add3A_4556 = vector.broadcast %get3A_4555 : vector<1x128xf32> to vector<96x128xf32>
    %add3A_4557 = arith.addf %add3A_4552, %add3A_4556 : vector<96x128xf32>
    %lt3A_4558 = arith.cmpf olt, %add3A_4557, %select_n3A_4545 : vector<96x128xf32>
    %select_n3A_4559 = arith.select %lt3A_4558, %add3A_4557, %select_n3A_4545 : vector<96x128xi1>, vector<96x128xf32>
    %jit3A_4560 = arith.constant 58 : i32
    %broadcast_in_dim3A_4561 = vector.broadcast %jit3A_4560 : i32 to vector<96x128xi32>
    %select_n3A_4562 = arith.select %lt3A_4558, %broadcast_in_dim3A_4561, %select_n3A_4548 : vector<96x128xi1>, vector<96x128xi32>
    %get3A_4563 = arith.constant 384 : index
    %get3A_4564 = arith.constant 7552 : index
    %get3A_4565 = vector.load %arg7[%get3A_4563, %get3A_4564] : memref<576x8192xf32, #tpu.memory_space<vmem>>, vector<96x128xf32>
    %add3A_4566 = arith.addf %get3A_3732, %get3A_4565 : vector<96x128xf32>
    %get3A_4567 = arith.constant 59 : index
    %get3A_4568 = arith.constant 0 : index
    %get3A_4569 = vector.load %arg3[%get3A_4567, %get3A_4568] : memref<64x128xf32, #tpu.memory_space<vmem>>, vector<1x128xf32>
    %add3A_4570 = vector.broadcast %get3A_4569 : vector<1x128xf32> to vector<96x128xf32>
    %add3A_4571 = arith.addf %add3A_4566, %add3A_4570 : vector<96x128xf32>
    %lt3A_4572 = arith.cmpf olt, %add3A_4571, %select_n3A_4559 : vector<96x128xf32>
    %select_n3A_4573 = arith.select %lt3A_4572, %add3A_4571, %select_n3A_4559 : vector<96x128xi1>, vector<96x128xf32>
    %jit3A_4574 = arith.constant 59 : i32
    %broadcast_in_dim3A_4575 = vector.broadcast %jit3A_4574 : i32 to vector<96x128xi32>
    %select_n3A_4576 = arith.select %lt3A_4572, %broadcast_in_dim3A_4575, %select_n3A_4562 : vector<96x128xi1>, vector<96x128xi32>
    %get3A_4577 = arith.constant 384 : index
    %get3A_4578 = arith.constant 7680 : index
    %get3A_4579 = vector.load %arg7[%get3A_4577, %get3A_4578] : memref<576x8192xf32, #tpu.memory_space<vmem>>, vector<96x128xf32>
    %add3A_4580 = arith.addf %get3A_3732, %get3A_4579 : vector<96x128xf32>
    %get3A_4581 = arith.constant 60 : index
    %get3A_4582 = arith.constant 0 : index
    %get3A_4583 = vector.load %arg3[%get3A_4581, %get3A_4582] : memref<64x128xf32, #tpu.memory_space<vmem>>, vector<1x128xf32>
    %add3A_4584 = vector.broadcast %get3A_4583 : vector<1x128xf32> to vector<96x128xf32>
    %add3A_4585 = arith.addf %add3A_4580, %add3A_4584 : vector<96x128xf32>
    %lt3A_4586 = arith.cmpf olt, %add3A_4585, %select_n3A_4573 : vector<96x128xf32>
    %select_n3A_4587 = arith.select %lt3A_4586, %add3A_4585, %select_n3A_4573 : vector<96x128xi1>, vector<96x128xf32>
    %jit3A_4588 = arith.constant 60 : i32
    %broadcast_in_dim3A_4589 = vector.broadcast %jit3A_4588 : i32 to vector<96x128xi32>
    %select_n3A_4590 = arith.select %lt3A_4586, %broadcast_in_dim3A_4589, %select_n3A_4576 : vector<96x128xi1>, vector<96x128xi32>
    %get3A_4591 = arith.constant 384 : index
    %get3A_4592 = arith.constant 7808 : index
    %get3A_4593 = vector.load %arg7[%get3A_4591, %get3A_4592] : memref<576x8192xf32, #tpu.memory_space<vmem>>, vector<96x128xf32>
    %add3A_4594 = arith.addf %get3A_3732, %get3A_4593 : vector<96x128xf32>
    %get3A_4595 = arith.constant 61 : index
    %get3A_4596 = arith.constant 0 : index
    %get3A_4597 = vector.load %arg3[%get3A_4595, %get3A_4596] : memref<64x128xf32, #tpu.memory_space<vmem>>, vector<1x128xf32>
    %add3A_4598 = vector.broadcast %get3A_4597 : vector<1x128xf32> to vector<96x128xf32>
    %add3A_4599 = arith.addf %add3A_4594, %add3A_4598 : vector<96x128xf32>
    %lt3A_4600 = arith.cmpf olt, %add3A_4599, %select_n3A_4587 : vector<96x128xf32>
    %select_n3A_4601 = arith.select %lt3A_4600, %add3A_4599, %select_n3A_4587 : vector<96x128xi1>, vector<96x128xf32>
    %jit3A_4602 = arith.constant 61 : i32
    %broadcast_in_dim3A_4603 = vector.broadcast %jit3A_4602 : i32 to vector<96x128xi32>
    %select_n3A_4604 = arith.select %lt3A_4600, %broadcast_in_dim3A_4603, %select_n3A_4590 : vector<96x128xi1>, vector<96x128xi32>
    %get3A_4605 = arith.constant 384 : index
    %get3A_4606 = arith.constant 7936 : index
    %get3A_4607 = vector.load %arg7[%get3A_4605, %get3A_4606] : memref<576x8192xf32, #tpu.memory_space<vmem>>, vector<96x128xf32>
    %add3A_4608 = arith.addf %get3A_3732, %get3A_4607 : vector<96x128xf32>
    %get3A_4609 = arith.constant 62 : index
    %get3A_4610 = arith.constant 0 : index
    %get3A_4611 = vector.load %arg3[%get3A_4609, %get3A_4610] : memref<64x128xf32, #tpu.memory_space<vmem>>, vector<1x128xf32>
    %add3A_4612 = vector.broadcast %get3A_4611 : vector<1x128xf32> to vector<96x128xf32>
    %add3A_4613 = arith.addf %add3A_4608, %add3A_4612 : vector<96x128xf32>
    %lt3A_4614 = arith.cmpf olt, %add3A_4613, %select_n3A_4601 : vector<96x128xf32>
    %select_n3A_4615 = arith.select %lt3A_4614, %add3A_4613, %select_n3A_4601 : vector<96x128xi1>, vector<96x128xf32>
    %jit3A_4616 = arith.constant 62 : i32
    %broadcast_in_dim3A_4617 = vector.broadcast %jit3A_4616 : i32 to vector<96x128xi32>
    %select_n3A_4618 = arith.select %lt3A_4614, %broadcast_in_dim3A_4617, %select_n3A_4604 : vector<96x128xi1>, vector<96x128xi32>
    %get3A_4619 = arith.constant 384 : index
    %get3A_4620 = arith.constant 8064 : index
    %get3A_4621 = vector.load %arg7[%get3A_4619, %get3A_4620] : memref<576x8192xf32, #tpu.memory_space<vmem>>, vector<96x128xf32>
    %add3A_4622 = arith.addf %get3A_3732, %get3A_4621 : vector<96x128xf32>
    %get3A_4623 = arith.constant 63 : index
    %get3A_4624 = arith.constant 0 : index
    %get3A_4625 = vector.load %arg3[%get3A_4623, %get3A_4624] : memref<64x128xf32, #tpu.memory_space<vmem>>, vector<1x128xf32>
    %add3A_4626 = vector.broadcast %get3A_4625 : vector<1x128xf32> to vector<96x128xf32>
    %add3A_4627 = arith.addf %add3A_4622, %add3A_4626 : vector<96x128xf32>
    %lt3A_4628 = arith.cmpf olt, %add3A_4627, %select_n3A_4615 : vector<96x128xf32>
    %select_n3A_4629 = arith.select %lt3A_4628, %add3A_4627, %select_n3A_4615 : vector<96x128xi1>, vector<96x128xf32>
    %jit3A_4630 = arith.constant 63 : i32
    %broadcast_in_dim3A_4631 = vector.broadcast %jit3A_4630 : i32 to vector<96x128xi32>
    %select_n3A_4632 = arith.select %lt3A_4628, %broadcast_in_dim3A_4631, %select_n3A_4618 : vector<96x128xi1>, vector<96x128xi32>
    %reduce_min3A_4633 = arith.constant dense<0x7F800000> : vector<96xf32>
    %reduce_min3A_4634 = vector.multi_reduction <minimumf>, %select_n3A_4629, %reduce_min3A_4633 [1] : vector<96x128xf32> to vector<96xf32>
    %broadcast_in_dim3A_4635 = vector.shape_cast %reduce_min3A_4634 : vector<96xf32> to vector<96x1xf32>
    %mul3A_4636 = arith.constant 128 : i32
    %mul3A_4637 = vector.broadcast %mul3A_4636 : i32 to vector<96x128xi32>
    %mul3A_4638 = arith.muli %select_n3A_4632, %mul3A_4637 : vector<96x128xi32>
    %add3A_4639 = arith.addi %mul3A_4638, %iota3A : vector<96x128xi32>
    %eq3A_4640 = vector.broadcast %broadcast_in_dim3A_4635 : vector<96x1xf32> to vector<96x128xf32>
    %eq3A_4641 = arith.cmpf oeq, %select_n3A_4629, %eq3A_4640 : vector<96x128xf32>
    %jit3A_4642 = arith.constant 1073741824 : i32
    %broadcast_in_dim3A_4643 = vector.broadcast %jit3A_4642 : i32 to vector<96x128xi32>
    %select_n3A_4644 = arith.select %eq3A_4641, %add3A_4639, %broadcast_in_dim3A_4643 : vector<96x128xi1>, vector<96x128xi32>
    %reduce_min3A_4645 = arith.constant dense<2147483647> : vector<96xi32>
    %reduce_min3A_4646 = vector.multi_reduction <minsi>, %select_n3A_4644, %reduce_min3A_4645 [1] : vector<96x128xi32> to vector<96xi32>
    %broadcast_in_dim3A_4647 = vector.shape_cast %reduce_min3A_4646 : vector<96xi32> to vector<96x1xi32>
    %swap3A_4648 = arith.constant 384 : index
    %swap3A_4649 = arith.constant 0 : index
    %swap3A_4650 = vector.load %arg4[%swap3A_4648, %swap3A_4649] : memref<576x1xi32, #tpu.memory_space<vmem>>, vector<96x1xi32>
    tpu.vector_store %arg4[%swap3A_4648, %swap3A_4649], %broadcast_in_dim3A_4647 {strides = array<i32>} : memref<576x1xi32, #tpu.memory_space<vmem>>, vector<96x1xi32>,
    %reduce_sum3A_4651 = vector.shape_cast %broadcast_in_dim3A_4635 : vector<96x1xf32> to vector<1x96x1xf32>
    %reduce_sum3A_4652 = arith.constant dense<0.000000e+00> : vector<1xf32>
    %reduce_sum3A_4653 = vector.multi_reduction <add>, %reduce_sum3A_4651, %reduce_sum3A_4652 [1, 2] : vector<1x96x1xf32> to vector<1xf32>
    %reduce_sum3A_4654 = vector.shape_cast %reduce_sum3A_4653 : vector<1xf32> to vector<1x1x1xf32>
    %reduce_sum3A_4655 = vector.extract %reduce_sum3A_4654[0, 0, 0] : f32 from vector<1x1x1xf32>
    %broadcast_in_dim3A_4656 = vector.broadcast %reduce_sum3A_4655 : f32 to vector<1x1xf32>
    %add3A_4657 = arith.addf %add3A_3729, %broadcast_in_dim3A_4656 : vector<1x1xf32>
    %get3A_4658 = arith.constant 480 : index
    %get3A_4659 = arith.constant 0 : index
    %get3A_4660 = vector.load %arg8[%get3A_4658, %get3A_4659] : memref<576x128xf32, #tpu.memory_space<vmem>>, vector<96x128xf32>
    %broadcast_in_dim3A_4661 = arith.constant 0x7F800000 : f32
    %broadcast_in_dim3A_4662 = vector.broadcast %broadcast_in_dim3A_4661 : f32 to vector<96x128xf32>
    %broadcast_in_dim3A_4663 = arith.constant 0 : i32
    %broadcast_in_dim3A_4664 = vector.broadcast %broadcast_in_dim3A_4663 : i32 to vector<96x128xi32>
    %get3A_4665 = arith.constant 480 : index
    %get3A_4666 = arith.constant 0 : index
    %get3A_4667 = vector.load %arg7[%get3A_4665, %get3A_4666] : memref<576x8192xf32, #tpu.memory_space<vmem>>, vector<96x128xf32>
    %add3A_4668 = arith.addf %get3A_4660, %get3A_4667 : vector<96x128xf32>
    %get3A_4669 = arith.constant 0 : index
    %get3A_4670 = arith.constant 0 : index
    %get3A_4671 = vector.load %arg3[%get3A_4669, %get3A_4670] : memref<64x128xf32, #tpu.memory_space<vmem>>, vector<1x128xf32>
    %add3A_4672 = vector.broadcast %get3A_4671 : vector<1x128xf32> to vector<96x128xf32>
    %add3A_4673 = arith.addf %add3A_4668, %add3A_4672 : vector<96x128xf32>
    %lt3A_4674 = arith.cmpf olt, %add3A_4673, %broadcast_in_dim3A_4662 : vector<96x128xf32>
    %select_n3A_4675 = arith.select %lt3A_4674, %add3A_4673, %broadcast_in_dim3A_4662 : vector<96x128xi1>, vector<96x128xf32>
    %jit3A_4676 = arith.constant 0 : i32
    %broadcast_in_dim3A_4677 = vector.broadcast %jit3A_4676 : i32 to vector<96x128xi32>
    %select_n3A_4678 = arith.select %lt3A_4674, %broadcast_in_dim3A_4677, %broadcast_in_dim3A_4664 : vector<96x128xi1>, vector<96x128xi32>
    %get3A_4679 = arith.constant 480 : index
    %get3A_4680 = arith.constant 128 : index
    %get3A_4681 = vector.load %arg7[%get3A_4679, %get3A_4680] : memref<576x8192xf32, #tpu.memory_space<vmem>>, vector<96x128xf32>
    %add3A_4682 = arith.addf %get3A_4660, %get3A_4681 : vector<96x128xf32>
    %get3A_4683 = arith.constant 1 : index
    %get3A_4684 = arith.constant 0 : index
    %get3A_4685 = vector.load %arg3[%get3A_4683, %get3A_4684] : memref<64x128xf32, #tpu.memory_space<vmem>>, vector<1x128xf32>
    %add3A_4686 = vector.broadcast %get3A_4685 : vector<1x128xf32> to vector<96x128xf32>
    %add3A_4687 = arith.addf %add3A_4682, %add3A_4686 : vector<96x128xf32>
    %lt3A_4688 = arith.cmpf olt, %add3A_4687, %select_n3A_4675 : vector<96x128xf32>
    %select_n3A_4689 = arith.select %lt3A_4688, %add3A_4687, %select_n3A_4675 : vector<96x128xi1>, vector<96x128xf32>
    %jit3A_4690 = arith.constant 1 : i32
    %broadcast_in_dim3A_4691 = vector.broadcast %jit3A_4690 : i32 to vector<96x128xi32>
    %select_n3A_4692 = arith.select %lt3A_4688, %broadcast_in_dim3A_4691, %select_n3A_4678 : vector<96x128xi1>, vector<96x128xi32>
    %get3A_4693 = arith.constant 480 : index
    %get3A_4694 = arith.constant 256 : index
    %get3A_4695 = vector.load %arg7[%get3A_4693, %get3A_4694] : memref<576x8192xf32, #tpu.memory_space<vmem>>, vector<96x128xf32>
    %add3A_4696 = arith.addf %get3A_4660, %get3A_4695 : vector<96x128xf32>
    %get3A_4697 = arith.constant 2 : index
    %get3A_4698 = arith.constant 0 : index
    %get3A_4699 = vector.load %arg3[%get3A_4697, %get3A_4698] : memref<64x128xf32, #tpu.memory_space<vmem>>, vector<1x128xf32>
    %add3A_4700 = vector.broadcast %get3A_4699 : vector<1x128xf32> to vector<96x128xf32>
    %add3A_4701 = arith.addf %add3A_4696, %add3A_4700 : vector<96x128xf32>
    %lt3A_4702 = arith.cmpf olt, %add3A_4701, %select_n3A_4689 : vector<96x128xf32>
    %select_n3A_4703 = arith.select %lt3A_4702, %add3A_4701, %select_n3A_4689 : vector<96x128xi1>, vector<96x128xf32>
    %jit3A_4704 = arith.constant 2 : i32
    %broadcast_in_dim3A_4705 = vector.broadcast %jit3A_4704 : i32 to vector<96x128xi32>
    %select_n3A_4706 = arith.select %lt3A_4702, %broadcast_in_dim3A_4705, %select_n3A_4692 : vector<96x128xi1>, vector<96x128xi32>
    %get3A_4707 = arith.constant 480 : index
    %get3A_4708 = arith.constant 384 : index
    %get3A_4709 = vector.load %arg7[%get3A_4707, %get3A_4708] : memref<576x8192xf32, #tpu.memory_space<vmem>>, vector<96x128xf32>
    %add3A_4710 = arith.addf %get3A_4660, %get3A_4709 : vector<96x128xf32>
    %get3A_4711 = arith.constant 3 : index
    %get3A_4712 = arith.constant 0 : index
    %get3A_4713 = vector.load %arg3[%get3A_4711, %get3A_4712] : memref<64x128xf32, #tpu.memory_space<vmem>>, vector<1x128xf32>
    %add3A_4714 = vector.broadcast %get3A_4713 : vector<1x128xf32> to vector<96x128xf32>
    %add3A_4715 = arith.addf %add3A_4710, %add3A_4714 : vector<96x128xf32>
    %lt3A_4716 = arith.cmpf olt, %add3A_4715, %select_n3A_4703 : vector<96x128xf32>
    %select_n3A_4717 = arith.select %lt3A_4716, %add3A_4715, %select_n3A_4703 : vector<96x128xi1>, vector<96x128xf32>
    %jit3A_4718 = arith.constant 3 : i32
    %broadcast_in_dim3A_4719 = vector.broadcast %jit3A_4718 : i32 to vector<96x128xi32>
    %select_n3A_4720 = arith.select %lt3A_4716, %broadcast_in_dim3A_4719, %select_n3A_4706 : vector<96x128xi1>, vector<96x128xi32>
    %get3A_4721 = arith.constant 480 : index
    %get3A_4722 = arith.constant 512 : index
    %get3A_4723 = vector.load %arg7[%get3A_4721, %get3A_4722] : memref<576x8192xf32, #tpu.memory_space<vmem>>, vector<96x128xf32>
    %add3A_4724 = arith.addf %get3A_4660, %get3A_4723 : vector<96x128xf32>
    %get3A_4725 = arith.constant 4 : index
    %get3A_4726 = arith.constant 0 : index
    %get3A_4727 = vector.load %arg3[%get3A_4725, %get3A_4726] : memref<64x128xf32, #tpu.memory_space<vmem>>, vector<1x128xf32>
    %add3A_4728 = vector.broadcast %get3A_4727 : vector<1x128xf32> to vector<96x128xf32>
    %add3A_4729 = arith.addf %add3A_4724, %add3A_4728 : vector<96x128xf32>
    %lt3A_4730 = arith.cmpf olt, %add3A_4729, %select_n3A_4717 : vector<96x128xf32>
    %select_n3A_4731 = arith.select %lt3A_4730, %add3A_4729, %select_n3A_4717 : vector<96x128xi1>, vector<96x128xf32>
    %jit3A_4732 = arith.constant 4 : i32
    %broadcast_in_dim3A_4733 = vector.broadcast %jit3A_4732 : i32 to vector<96x128xi32>
    %select_n3A_4734 = arith.select %lt3A_4730, %broadcast_in_dim3A_4733, %select_n3A_4720 : vector<96x128xi1>, vector<96x128xi32>
    %get3A_4735 = arith.constant 480 : index
    %get3A_4736 = arith.constant 640 : index
    %get3A_4737 = vector.load %arg7[%get3A_4735, %get3A_4736] : memref<576x8192xf32, #tpu.memory_space<vmem>>, vector<96x128xf32>
    %add3A_4738 = arith.addf %get3A_4660, %get3A_4737 : vector<96x128xf32>
    %get3A_4739 = arith.constant 5 : index
    %get3A_4740 = arith.constant 0 : index
    %get3A_4741 = vector.load %arg3[%get3A_4739, %get3A_4740] : memref<64x128xf32, #tpu.memory_space<vmem>>, vector<1x128xf32>
    %add3A_4742 = vector.broadcast %get3A_4741 : vector<1x128xf32> to vector<96x128xf32>
    %add3A_4743 = arith.addf %add3A_4738, %add3A_4742 : vector<96x128xf32>
    %lt3A_4744 = arith.cmpf olt, %add3A_4743, %select_n3A_4731 : vector<96x128xf32>
    %select_n3A_4745 = arith.select %lt3A_4744, %add3A_4743, %select_n3A_4731 : vector<96x128xi1>, vector<96x128xf32>
    %jit3A_4746 = arith.constant 5 : i32
    %broadcast_in_dim3A_4747 = vector.broadcast %jit3A_4746 : i32 to vector<96x128xi32>
    %select_n3A_4748 = arith.select %lt3A_4744, %broadcast_in_dim3A_4747, %select_n3A_4734 : vector<96x128xi1>, vector<96x128xi32>
    %get3A_4749 = arith.constant 480 : index
    %get3A_4750 = arith.constant 768 : index
    %get3A_4751 = vector.load %arg7[%get3A_4749, %get3A_4750] : memref<576x8192xf32, #tpu.memory_space<vmem>>, vector<96x128xf32>
    %add3A_4752 = arith.addf %get3A_4660, %get3A_4751 : vector<96x128xf32>
    %get3A_4753 = arith.constant 6 : index
    %get3A_4754 = arith.constant 0 : index
    %get3A_4755 = vector.load %arg3[%get3A_4753, %get3A_4754] : memref<64x128xf32, #tpu.memory_space<vmem>>, vector<1x128xf32>
    %add3A_4756 = vector.broadcast %get3A_4755 : vector<1x128xf32> to vector<96x128xf32>
    %add3A_4757 = arith.addf %add3A_4752, %add3A_4756 : vector<96x128xf32>
    %lt3A_4758 = arith.cmpf olt, %add3A_4757, %select_n3A_4745 : vector<96x128xf32>
    %select_n3A_4759 = arith.select %lt3A_4758, %add3A_4757, %select_n3A_4745 : vector<96x128xi1>, vector<96x128xf32>
    %jit3A_4760 = arith.constant 6 : i32
    %broadcast_in_dim3A_4761 = vector.broadcast %jit3A_4760 : i32 to vector<96x128xi32>
    %select_n3A_4762 = arith.select %lt3A_4758, %broadcast_in_dim3A_4761, %select_n3A_4748 : vector<96x128xi1>, vector<96x128xi32>
    %get3A_4763 = arith.constant 480 : index
    %get3A_4764 = arith.constant 896 : index
    %get3A_4765 = vector.load %arg7[%get3A_4763, %get3A_4764] : memref<576x8192xf32, #tpu.memory_space<vmem>>, vector<96x128xf32>
    %add3A_4766 = arith.addf %get3A_4660, %get3A_4765 : vector<96x128xf32>
    %get3A_4767 = arith.constant 7 : index
    %get3A_4768 = arith.constant 0 : index
    %get3A_4769 = vector.load %arg3[%get3A_4767, %get3A_4768] : memref<64x128xf32, #tpu.memory_space<vmem>>, vector<1x128xf32>
    %add3A_4770 = vector.broadcast %get3A_4769 : vector<1x128xf32> to vector<96x128xf32>
    %add3A_4771 = arith.addf %add3A_4766, %add3A_4770 : vector<96x128xf32>
    %lt3A_4772 = arith.cmpf olt, %add3A_4771, %select_n3A_4759 : vector<96x128xf32>
    %select_n3A_4773 = arith.select %lt3A_4772, %add3A_4771, %select_n3A_4759 : vector<96x128xi1>, vector<96x128xf32>
    %jit3A_4774 = arith.constant 7 : i32
    %broadcast_in_dim3A_4775 = vector.broadcast %jit3A_4774 : i32 to vector<96x128xi32>
    %select_n3A_4776 = arith.select %lt3A_4772, %broadcast_in_dim3A_4775, %select_n3A_4762 : vector<96x128xi1>, vector<96x128xi32>
    %get3A_4777 = arith.constant 480 : index
    %get3A_4778 = arith.constant 1024 : index
    %get3A_4779 = vector.load %arg7[%get3A_4777, %get3A_4778] : memref<576x8192xf32, #tpu.memory_space<vmem>>, vector<96x128xf32>
    %add3A_4780 = arith.addf %get3A_4660, %get3A_4779 : vector<96x128xf32>
    %get3A_4781 = arith.constant 8 : index
    %get3A_4782 = arith.constant 0 : index
    %get3A_4783 = vector.load %arg3[%get3A_4781, %get3A_4782] : memref<64x128xf32, #tpu.memory_space<vmem>>, vector<1x128xf32>
    %add3A_4784 = vector.broadcast %get3A_4783 : vector<1x128xf32> to vector<96x128xf32>
    %add3A_4785 = arith.addf %add3A_4780, %add3A_4784 : vector<96x128xf32>
    %lt3A_4786 = arith.cmpf olt, %add3A_4785, %select_n3A_4773 : vector<96x128xf32>
    %select_n3A_4787 = arith.select %lt3A_4786, %add3A_4785, %select_n3A_4773 : vector<96x128xi1>, vector<96x128xf32>
    %jit3A_4788 = arith.constant 8 : i32
    %broadcast_in_dim3A_4789 = vector.broadcast %jit3A_4788 : i32 to vector<96x128xi32>
    %select_n3A_4790 = arith.select %lt3A_4786, %broadcast_in_dim3A_4789, %select_n3A_4776 : vector<96x128xi1>, vector<96x128xi32>
    %get3A_4791 = arith.constant 480 : index
    %get3A_4792 = arith.constant 1152 : index
    %get3A_4793 = vector.load %arg7[%get3A_4791, %get3A_4792] : memref<576x8192xf32, #tpu.memory_space<vmem>>, vector<96x128xf32>
    %add3A_4794 = arith.addf %get3A_4660, %get3A_4793 : vector<96x128xf32>
    %get3A_4795 = arith.constant 9 : index
    %get3A_4796 = arith.constant 0 : index
    %get3A_4797 = vector.load %arg3[%get3A_4795, %get3A_4796] : memref<64x128xf32, #tpu.memory_space<vmem>>, vector<1x128xf32>
    %add3A_4798 = vector.broadcast %get3A_4797 : vector<1x128xf32> to vector<96x128xf32>
    %add3A_4799 = arith.addf %add3A_4794, %add3A_4798 : vector<96x128xf32>
    %lt3A_4800 = arith.cmpf olt, %add3A_4799, %select_n3A_4787 : vector<96x128xf32>
    %select_n3A_4801 = arith.select %lt3A_4800, %add3A_4799, %select_n3A_4787 : vector<96x128xi1>, vector<96x128xf32>
    %jit3A_4802 = arith.constant 9 : i32
    %broadcast_in_dim3A_4803 = vector.broadcast %jit3A_4802 : i32 to vector<96x128xi32>
    %select_n3A_4804 = arith.select %lt3A_4800, %broadcast_in_dim3A_4803, %select_n3A_4790 : vector<96x128xi1>, vector<96x128xi32>
    %get3A_4805 = arith.constant 480 : index
    %get3A_4806 = arith.constant 1280 : index
    %get3A_4807 = vector.load %arg7[%get3A_4805, %get3A_4806] : memref<576x8192xf32, #tpu.memory_space<vmem>>, vector<96x128xf32>
    %add3A_4808 = arith.addf %get3A_4660, %get3A_4807 : vector<96x128xf32>
    %get3A_4809 = arith.constant 10 : index
    %get3A_4810 = arith.constant 0 : index
    %get3A_4811 = vector.load %arg3[%get3A_4809, %get3A_4810] : memref<64x128xf32, #tpu.memory_space<vmem>>, vector<1x128xf32>
    %add3A_4812 = vector.broadcast %get3A_4811 : vector<1x128xf32> to vector<96x128xf32>
    %add3A_4813 = arith.addf %add3A_4808, %add3A_4812 : vector<96x128xf32>
    %lt3A_4814 = arith.cmpf olt, %add3A_4813, %select_n3A_4801 : vector<96x128xf32>
    %select_n3A_4815 = arith.select %lt3A_4814, %add3A_4813, %select_n3A_4801 : vector<96x128xi1>, vector<96x128xf32>
    %jit3A_4816 = arith.constant 10 : i32
    %broadcast_in_dim3A_4817 = vector.broadcast %jit3A_4816 : i32 to vector<96x128xi32>
    %select_n3A_4818 = arith.select %lt3A_4814, %broadcast_in_dim3A_4817, %select_n3A_4804 : vector<96x128xi1>, vector<96x128xi32>
    %get3A_4819 = arith.constant 480 : index
    %get3A_4820 = arith.constant 1408 : index
    %get3A_4821 = vector.load %arg7[%get3A_4819, %get3A_4820] : memref<576x8192xf32, #tpu.memory_space<vmem>>, vector<96x128xf32>
    %add3A_4822 = arith.addf %get3A_4660, %get3A_4821 : vector<96x128xf32>
    %get3A_4823 = arith.constant 11 : index
    %get3A_4824 = arith.constant 0 : index
    %get3A_4825 = vector.load %arg3[%get3A_4823, %get3A_4824] : memref<64x128xf32, #tpu.memory_space<vmem>>, vector<1x128xf32>
    %add3A_4826 = vector.broadcast %get3A_4825 : vector<1x128xf32> to vector<96x128xf32>
    %add3A_4827 = arith.addf %add3A_4822, %add3A_4826 : vector<96x128xf32>
    %lt3A_4828 = arith.cmpf olt, %add3A_4827, %select_n3A_4815 : vector<96x128xf32>
    %select_n3A_4829 = arith.select %lt3A_4828, %add3A_4827, %select_n3A_4815 : vector<96x128xi1>, vector<96x128xf32>
    %jit3A_4830 = arith.constant 11 : i32
    %broadcast_in_dim3A_4831 = vector.broadcast %jit3A_4830 : i32 to vector<96x128xi32>
    %select_n3A_4832 = arith.select %lt3A_4828, %broadcast_in_dim3A_4831, %select_n3A_4818 : vector<96x128xi1>, vector<96x128xi32>
    %get3A_4833 = arith.constant 480 : index
    %get3A_4834 = arith.constant 1536 : index
    %get3A_4835 = vector.load %arg7[%get3A_4833, %get3A_4834] : memref<576x8192xf32, #tpu.memory_space<vmem>>, vector<96x128xf32>
    %add3A_4836 = arith.addf %get3A_4660, %get3A_4835 : vector<96x128xf32>
    %get3A_4837 = arith.constant 12 : index
    %get3A_4838 = arith.constant 0 : index
    %get3A_4839 = vector.load %arg3[%get3A_4837, %get3A_4838] : memref<64x128xf32, #tpu.memory_space<vmem>>, vector<1x128xf32>
    %add3A_4840 = vector.broadcast %get3A_4839 : vector<1x128xf32> to vector<96x128xf32>
    %add3A_4841 = arith.addf %add3A_4836, %add3A_4840 : vector<96x128xf32>
    %lt3A_4842 = arith.cmpf olt, %add3A_4841, %select_n3A_4829 : vector<96x128xf32>
    %select_n3A_4843 = arith.select %lt3A_4842, %add3A_4841, %select_n3A_4829 : vector<96x128xi1>, vector<96x128xf32>
    %jit3A_4844 = arith.constant 12 : i32
    %broadcast_in_dim3A_4845 = vector.broadcast %jit3A_4844 : i32 to vector<96x128xi32>
    %select_n3A_4846 = arith.select %lt3A_4842, %broadcast_in_dim3A_4845, %select_n3A_4832 : vector<96x128xi1>, vector<96x128xi32>
    %get3A_4847 = arith.constant 480 : index
    %get3A_4848 = arith.constant 1664 : index
    %get3A_4849 = vector.load %arg7[%get3A_4847, %get3A_4848] : memref<576x8192xf32, #tpu.memory_space<vmem>>, vector<96x128xf32>
    %add3A_4850 = arith.addf %get3A_4660, %get3A_4849 : vector<96x128xf32>
    %get3A_4851 = arith.constant 13 : index
    %get3A_4852 = arith.constant 0 : index
    %get3A_4853 = vector.load %arg3[%get3A_4851, %get3A_4852] : memref<64x128xf32, #tpu.memory_space<vmem>>, vector<1x128xf32>
    %add3A_4854 = vector.broadcast %get3A_4853 : vector<1x128xf32> to vector<96x128xf32>
    %add3A_4855 = arith.addf %add3A_4850, %add3A_4854 : vector<96x128xf32>
    %lt3A_4856 = arith.cmpf olt, %add3A_4855, %select_n3A_4843 : vector<96x128xf32>
    %select_n3A_4857 = arith.select %lt3A_4856, %add3A_4855, %select_n3A_4843 : vector<96x128xi1>, vector<96x128xf32>
    %jit3A_4858 = arith.constant 13 : i32
    %broadcast_in_dim3A_4859 = vector.broadcast %jit3A_4858 : i32 to vector<96x128xi32>
    %select_n3A_4860 = arith.select %lt3A_4856, %broadcast_in_dim3A_4859, %select_n3A_4846 : vector<96x128xi1>, vector<96x128xi32>
    %get3A_4861 = arith.constant 480 : index
    %get3A_4862 = arith.constant 1792 : index
    %get3A_4863 = vector.load %arg7[%get3A_4861, %get3A_4862] : memref<576x8192xf32, #tpu.memory_space<vmem>>, vector<96x128xf32>
    %add3A_4864 = arith.addf %get3A_4660, %get3A_4863 : vector<96x128xf32>
    %get3A_4865 = arith.constant 14 : index
    %get3A_4866 = arith.constant 0 : index
    %get3A_4867 = vector.load %arg3[%get3A_4865, %get3A_4866] : memref<64x128xf32, #tpu.memory_space<vmem>>, vector<1x128xf32>
    %add3A_4868 = vector.broadcast %get3A_4867 : vector<1x128xf32> to vector<96x128xf32>
    %add3A_4869 = arith.addf %add3A_4864, %add3A_4868 : vector<96x128xf32>
    %lt3A_4870 = arith.cmpf olt, %add3A_4869, %select_n3A_4857 : vector<96x128xf32>
    %select_n3A_4871 = arith.select %lt3A_4870, %add3A_4869, %select_n3A_4857 : vector<96x128xi1>, vector<96x128xf32>
    %jit3A_4872 = arith.constant 14 : i32
    %broadcast_in_dim3A_4873 = vector.broadcast %jit3A_4872 : i32 to vector<96x128xi32>
    %select_n3A_4874 = arith.select %lt3A_4870, %broadcast_in_dim3A_4873, %select_n3A_4860 : vector<96x128xi1>, vector<96x128xi32>
    %get3A_4875 = arith.constant 480 : index
    %get3A_4876 = arith.constant 1920 : index
    %get3A_4877 = vector.load %arg7[%get3A_4875, %get3A_4876] : memref<576x8192xf32, #tpu.memory_space<vmem>>, vector<96x128xf32>
    %add3A_4878 = arith.addf %get3A_4660, %get3A_4877 : vector<96x128xf32>
    %get3A_4879 = arith.constant 15 : index
    %get3A_4880 = arith.constant 0 : index
    %get3A_4881 = vector.load %arg3[%get3A_4879, %get3A_4880] : memref<64x128xf32, #tpu.memory_space<vmem>>, vector<1x128xf32>
    %add3A_4882 = vector.broadcast %get3A_4881 : vector<1x128xf32> to vector<96x128xf32>
    %add3A_4883 = arith.addf %add3A_4878, %add3A_4882 : vector<96x128xf32>
    %lt3A_4884 = arith.cmpf olt, %add3A_4883, %select_n3A_4871 : vector<96x128xf32>
    %select_n3A_4885 = arith.select %lt3A_4884, %add3A_4883, %select_n3A_4871 : vector<96x128xi1>, vector<96x128xf32>
    %jit3A_4886 = arith.constant 15 : i32
    %broadcast_in_dim3A_4887 = vector.broadcast %jit3A_4886 : i32 to vector<96x128xi32>
    %select_n3A_4888 = arith.select %lt3A_4884, %broadcast_in_dim3A_4887, %select_n3A_4874 : vector<96x128xi1>, vector<96x128xi32>
    %get3A_4889 = arith.constant 480 : index
    %get3A_4890 = arith.constant 2048 : index
    %get3A_4891 = vector.load %arg7[%get3A_4889, %get3A_4890] : memref<576x8192xf32, #tpu.memory_space<vmem>>, vector<96x128xf32>
    %add3A_4892 = arith.addf %get3A_4660, %get3A_4891 : vector<96x128xf32>
    %get3A_4893 = arith.constant 16 : index
    %get3A_4894 = arith.constant 0 : index
    %get3A_4895 = vector.load %arg3[%get3A_4893, %get3A_4894] : memref<64x128xf32, #tpu.memory_space<vmem>>, vector<1x128xf32>
    %add3A_4896 = vector.broadcast %get3A_4895 : vector<1x128xf32> to vector<96x128xf32>
    %add3A_4897 = arith.addf %add3A_4892, %add3A_4896 : vector<96x128xf32>
    %lt3A_4898 = arith.cmpf olt, %add3A_4897, %select_n3A_4885 : vector<96x128xf32>
    %select_n3A_4899 = arith.select %lt3A_4898, %add3A_4897, %select_n3A_4885 : vector<96x128xi1>, vector<96x128xf32>
    %jit3A_4900 = arith.constant 16 : i32
    %broadcast_in_dim3A_4901 = vector.broadcast %jit3A_4900 : i32 to vector<96x128xi32>
    %select_n3A_4902 = arith.select %lt3A_4898, %broadcast_in_dim3A_4901, %select_n3A_4888 : vector<96x128xi1>, vector<96x128xi32>
    %get3A_4903 = arith.constant 480 : index
    %get3A_4904 = arith.constant 2176 : index
    %get3A_4905 = vector.load %arg7[%get3A_4903, %get3A_4904] : memref<576x8192xf32, #tpu.memory_space<vmem>>, vector<96x128xf32>
    %add3A_4906 = arith.addf %get3A_4660, %get3A_4905 : vector<96x128xf32>
    %get3A_4907 = arith.constant 17 : index
    %get3A_4908 = arith.constant 0 : index
    %get3A_4909 = vector.load %arg3[%get3A_4907, %get3A_4908] : memref<64x128xf32, #tpu.memory_space<vmem>>, vector<1x128xf32>
    %add3A_4910 = vector.broadcast %get3A_4909 : vector<1x128xf32> to vector<96x128xf32>
    %add3A_4911 = arith.addf %add3A_4906, %add3A_4910 : vector<96x128xf32>
    %lt3A_4912 = arith.cmpf olt, %add3A_4911, %select_n3A_4899 : vector<96x128xf32>
    %select_n3A_4913 = arith.select %lt3A_4912, %add3A_4911, %select_n3A_4899 : vector<96x128xi1>, vector<96x128xf32>
    %jit3A_4914 = arith.constant 17 : i32
    %broadcast_in_dim3A_4915 = vector.broadcast %jit3A_4914 : i32 to vector<96x128xi32>
    %select_n3A_4916 = arith.select %lt3A_4912, %broadcast_in_dim3A_4915, %select_n3A_4902 : vector<96x128xi1>, vector<96x128xi32>
    %get3A_4917 = arith.constant 480 : index
    %get3A_4918 = arith.constant 2304 : index
    %get3A_4919 = vector.load %arg7[%get3A_4917, %get3A_4918] : memref<576x8192xf32, #tpu.memory_space<vmem>>, vector<96x128xf32>
    %add3A_4920 = arith.addf %get3A_4660, %get3A_4919 : vector<96x128xf32>
    %get3A_4921 = arith.constant 18 : index
    %get3A_4922 = arith.constant 0 : index
    %get3A_4923 = vector.load %arg3[%get3A_4921, %get3A_4922] : memref<64x128xf32, #tpu.memory_space<vmem>>, vector<1x128xf32>
    %add3A_4924 = vector.broadcast %get3A_4923 : vector<1x128xf32> to vector<96x128xf32>
    %add3A_4925 = arith.addf %add3A_4920, %add3A_4924 : vector<96x128xf32>
    %lt3A_4926 = arith.cmpf olt, %add3A_4925, %select_n3A_4913 : vector<96x128xf32>
    %select_n3A_4927 = arith.select %lt3A_4926, %add3A_4925, %select_n3A_4913 : vector<96x128xi1>, vector<96x128xf32>
    %jit3A_4928 = arith.constant 18 : i32
    %broadcast_in_dim3A_4929 = vector.broadcast %jit3A_4928 : i32 to vector<96x128xi32>
    %select_n3A_4930 = arith.select %lt3A_4926, %broadcast_in_dim3A_4929, %select_n3A_4916 : vector<96x128xi1>, vector<96x128xi32>
    %get3A_4931 = arith.constant 480 : index
    %get3A_4932 = arith.constant 2432 : index
    %get3A_4933 = vector.load %arg7[%get3A_4931, %get3A_4932] : memref<576x8192xf32, #tpu.memory_space<vmem>>, vector<96x128xf32>
    %add3A_4934 = arith.addf %get3A_4660, %get3A_4933 : vector<96x128xf32>
    %get3A_4935 = arith.constant 19 : index
    %get3A_4936 = arith.constant 0 : index
    %get3A_4937 = vector.load %arg3[%get3A_4935, %get3A_4936] : memref<64x128xf32, #tpu.memory_space<vmem>>, vector<1x128xf32>
    %add3A_4938 = vector.broadcast %get3A_4937 : vector<1x128xf32> to vector<96x128xf32>
    %add3A_4939 = arith.addf %add3A_4934, %add3A_4938 : vector<96x128xf32>
    %lt3A_4940 = arith.cmpf olt, %add3A_4939, %select_n3A_4927 : vector<96x128xf32>
    %select_n3A_4941 = arith.select %lt3A_4940, %add3A_4939, %select_n3A_4927 : vector<96x128xi1>, vector<96x128xf32>
    %jit3A_4942 = arith.constant 19 : i32
    %broadcast_in_dim3A_4943 = vector.broadcast %jit3A_4942 : i32 to vector<96x128xi32>
    %select_n3A_4944 = arith.select %lt3A_4940, %broadcast_in_dim3A_4943, %select_n3A_4930 : vector<96x128xi1>, vector<96x128xi32>
    %get3A_4945 = arith.constant 480 : index
    %get3A_4946 = arith.constant 2560 : index
    %get3A_4947 = vector.load %arg7[%get3A_4945, %get3A_4946] : memref<576x8192xf32, #tpu.memory_space<vmem>>, vector<96x128xf32>
    %add3A_4948 = arith.addf %get3A_4660, %get3A_4947 : vector<96x128xf32>
    %get3A_4949 = arith.constant 20 : index
    %get3A_4950 = arith.constant 0 : index
    %get3A_4951 = vector.load %arg3[%get3A_4949, %get3A_4950] : memref<64x128xf32, #tpu.memory_space<vmem>>, vector<1x128xf32>
    %add3A_4952 = vector.broadcast %get3A_4951 : vector<1x128xf32> to vector<96x128xf32>
    %add3A_4953 = arith.addf %add3A_4948, %add3A_4952 : vector<96x128xf32>
    %lt3A_4954 = arith.cmpf olt, %add3A_4953, %select_n3A_4941 : vector<96x128xf32>
    %select_n3A_4955 = arith.select %lt3A_4954, %add3A_4953, %select_n3A_4941 : vector<96x128xi1>, vector<96x128xf32>
    %jit3A_4956 = arith.constant 20 : i32
    %broadcast_in_dim3A_4957 = vector.broadcast %jit3A_4956 : i32 to vector<96x128xi32>
    %select_n3A_4958 = arith.select %lt3A_4954, %broadcast_in_dim3A_4957, %select_n3A_4944 : vector<96x128xi1>, vector<96x128xi32>
    %get3A_4959 = arith.constant 480 : index
    %get3A_4960 = arith.constant 2688 : index
    %get3A_4961 = vector.load %arg7[%get3A_4959, %get3A_4960] : memref<576x8192xf32, #tpu.memory_space<vmem>>, vector<96x128xf32>
    %add3A_4962 = arith.addf %get3A_4660, %get3A_4961 : vector<96x128xf32>
    %get3A_4963 = arith.constant 21 : index
    %get3A_4964 = arith.constant 0 : index
    %get3A_4965 = vector.load %arg3[%get3A_4963, %get3A_4964] : memref<64x128xf32, #tpu.memory_space<vmem>>, vector<1x128xf32>
    %add3A_4966 = vector.broadcast %get3A_4965 : vector<1x128xf32> to vector<96x128xf32>
    %add3A_4967 = arith.addf %add3A_4962, %add3A_4966 : vector<96x128xf32>
    %lt3A_4968 = arith.cmpf olt, %add3A_4967, %select_n3A_4955 : vector<96x128xf32>
    %select_n3A_4969 = arith.select %lt3A_4968, %add3A_4967, %select_n3A_4955 : vector<96x128xi1>, vector<96x128xf32>
    %jit3A_4970 = arith.constant 21 : i32
    %broadcast_in_dim3A_4971 = vector.broadcast %jit3A_4970 : i32 to vector<96x128xi32>
    %select_n3A_4972 = arith.select %lt3A_4968, %broadcast_in_dim3A_4971, %select_n3A_4958 : vector<96x128xi1>, vector<96x128xi32>
    %get3A_4973 = arith.constant 480 : index
    %get3A_4974 = arith.constant 2816 : index
    %get3A_4975 = vector.load %arg7[%get3A_4973, %get3A_4974] : memref<576x8192xf32, #tpu.memory_space<vmem>>, vector<96x128xf32>
    %add3A_4976 = arith.addf %get3A_4660, %get3A_4975 : vector<96x128xf32>
    %get3A_4977 = arith.constant 22 : index
    %get3A_4978 = arith.constant 0 : index
    %get3A_4979 = vector.load %arg3[%get3A_4977, %get3A_4978] : memref<64x128xf32, #tpu.memory_space<vmem>>, vector<1x128xf32>
    %add3A_4980 = vector.broadcast %get3A_4979 : vector<1x128xf32> to vector<96x128xf32>
    %add3A_4981 = arith.addf %add3A_4976, %add3A_4980 : vector<96x128xf32>
    %lt3A_4982 = arith.cmpf olt, %add3A_4981, %select_n3A_4969 : vector<96x128xf32>
    %select_n3A_4983 = arith.select %lt3A_4982, %add3A_4981, %select_n3A_4969 : vector<96x128xi1>, vector<96x128xf32>
    %jit3A_4984 = arith.constant 22 : i32
    %broadcast_in_dim3A_4985 = vector.broadcast %jit3A_4984 : i32 to vector<96x128xi32>
    %select_n3A_4986 = arith.select %lt3A_4982, %broadcast_in_dim3A_4985, %select_n3A_4972 : vector<96x128xi1>, vector<96x128xi32>
    %get3A_4987 = arith.constant 480 : index
    %get3A_4988 = arith.constant 2944 : index
    %get3A_4989 = vector.load %arg7[%get3A_4987, %get3A_4988] : memref<576x8192xf32, #tpu.memory_space<vmem>>, vector<96x128xf32>
    %add3A_4990 = arith.addf %get3A_4660, %get3A_4989 : vector<96x128xf32>
    %get3A_4991 = arith.constant 23 : index
    %get3A_4992 = arith.constant 0 : index
    %get3A_4993 = vector.load %arg3[%get3A_4991, %get3A_4992] : memref<64x128xf32, #tpu.memory_space<vmem>>, vector<1x128xf32>
    %add3A_4994 = vector.broadcast %get3A_4993 : vector<1x128xf32> to vector<96x128xf32>
    %add3A_4995 = arith.addf %add3A_4990, %add3A_4994 : vector<96x128xf32>
    %lt3A_4996 = arith.cmpf olt, %add3A_4995, %select_n3A_4983 : vector<96x128xf32>
    %select_n3A_4997 = arith.select %lt3A_4996, %add3A_4995, %select_n3A_4983 : vector<96x128xi1>, vector<96x128xf32>
    %jit3A_4998 = arith.constant 23 : i32
    %broadcast_in_dim3A_4999 = vector.broadcast %jit3A_4998 : i32 to vector<96x128xi32>
    %select_n3A_5000 = arith.select %lt3A_4996, %broadcast_in_dim3A_4999, %select_n3A_4986 : vector<96x128xi1>, vector<96x128xi32>
    %get3A_5001 = arith.constant 480 : index
    %get3A_5002 = arith.constant 3072 : index
    %get3A_5003 = vector.load %arg7[%get3A_5001, %get3A_5002] : memref<576x8192xf32, #tpu.memory_space<vmem>>, vector<96x128xf32>
    %add3A_5004 = arith.addf %get3A_4660, %get3A_5003 : vector<96x128xf32>
    %get3A_5005 = arith.constant 24 : index
    %get3A_5006 = arith.constant 0 : index
    %get3A_5007 = vector.load %arg3[%get3A_5005, %get3A_5006] : memref<64x128xf32, #tpu.memory_space<vmem>>, vector<1x128xf32>
    %add3A_5008 = vector.broadcast %get3A_5007 : vector<1x128xf32> to vector<96x128xf32>
    %add3A_5009 = arith.addf %add3A_5004, %add3A_5008 : vector<96x128xf32>
    %lt3A_5010 = arith.cmpf olt, %add3A_5009, %select_n3A_4997 : vector<96x128xf32>
    %select_n3A_5011 = arith.select %lt3A_5010, %add3A_5009, %select_n3A_4997 : vector<96x128xi1>, vector<96x128xf32>
    %jit3A_5012 = arith.constant 24 : i32
    %broadcast_in_dim3A_5013 = vector.broadcast %jit3A_5012 : i32 to vector<96x128xi32>
    %select_n3A_5014 = arith.select %lt3A_5010, %broadcast_in_dim3A_5013, %select_n3A_5000 : vector<96x128xi1>, vector<96x128xi32>
    %get3A_5015 = arith.constant 480 : index
    %get3A_5016 = arith.constant 3200 : index
    %get3A_5017 = vector.load %arg7[%get3A_5015, %get3A_5016] : memref<576x8192xf32, #tpu.memory_space<vmem>>, vector<96x128xf32>
    %add3A_5018 = arith.addf %get3A_4660, %get3A_5017 : vector<96x128xf32>
    %get3A_5019 = arith.constant 25 : index
    %get3A_5020 = arith.constant 0 : index
    %get3A_5021 = vector.load %arg3[%get3A_5019, %get3A_5020] : memref<64x128xf32, #tpu.memory_space<vmem>>, vector<1x128xf32>
    %add3A_5022 = vector.broadcast %get3A_5021 : vector<1x128xf32> to vector<96x128xf32>
    %add3A_5023 = arith.addf %add3A_5018, %add3A_5022 : vector<96x128xf32>
    %lt3A_5024 = arith.cmpf olt, %add3A_5023, %select_n3A_5011 : vector<96x128xf32>
    %select_n3A_5025 = arith.select %lt3A_5024, %add3A_5023, %select_n3A_5011 : vector<96x128xi1>, vector<96x128xf32>
    %jit3A_5026 = arith.constant 25 : i32
    %broadcast_in_dim3A_5027 = vector.broadcast %jit3A_5026 : i32 to vector<96x128xi32>
    %select_n3A_5028 = arith.select %lt3A_5024, %broadcast_in_dim3A_5027, %select_n3A_5014 : vector<96x128xi1>, vector<96x128xi32>
    %get3A_5029 = arith.constant 480 : index
    %get3A_5030 = arith.constant 3328 : index
    %get3A_5031 = vector.load %arg7[%get3A_5029, %get3A_5030] : memref<576x8192xf32, #tpu.memory_space<vmem>>, vector<96x128xf32>
    %add3A_5032 = arith.addf %get3A_4660, %get3A_5031 : vector<96x128xf32>
    %get3A_5033 = arith.constant 26 : index
    %get3A_5034 = arith.constant 0 : index
    %get3A_5035 = vector.load %arg3[%get3A_5033, %get3A_5034] : memref<64x128xf32, #tpu.memory_space<vmem>>, vector<1x128xf32>
    %add3A_5036 = vector.broadcast %get3A_5035 : vector<1x128xf32> to vector<96x128xf32>
    %add3A_5037 = arith.addf %add3A_5032, %add3A_5036 : vector<96x128xf32>
    %lt3A_5038 = arith.cmpf olt, %add3A_5037, %select_n3A_5025 : vector<96x128xf32>
    %select_n3A_5039 = arith.select %lt3A_5038, %add3A_5037, %select_n3A_5025 : vector<96x128xi1>, vector<96x128xf32>
    %jit3A_5040 = arith.constant 26 : i32
    %broadcast_in_dim3A_5041 = vector.broadcast %jit3A_5040 : i32 to vector<96x128xi32>
    %select_n3A_5042 = arith.select %lt3A_5038, %broadcast_in_dim3A_5041, %select_n3A_5028 : vector<96x128xi1>, vector<96x128xi32>
    %get3A_5043 = arith.constant 480 : index
    %get3A_5044 = arith.constant 3456 : index
    %get3A_5045 = vector.load %arg7[%get3A_5043, %get3A_5044] : memref<576x8192xf32, #tpu.memory_space<vmem>>, vector<96x128xf32>
    %add3A_5046 = arith.addf %get3A_4660, %get3A_5045 : vector<96x128xf32>
    %get3A_5047 = arith.constant 27 : index
    %get3A_5048 = arith.constant 0 : index
    %get3A_5049 = vector.load %arg3[%get3A_5047, %get3A_5048] : memref<64x128xf32, #tpu.memory_space<vmem>>, vector<1x128xf32>
    %add3A_5050 = vector.broadcast %get3A_5049 : vector<1x128xf32> to vector<96x128xf32>
    %add3A_5051 = arith.addf %add3A_5046, %add3A_5050 : vector<96x128xf32>
    %lt3A_5052 = arith.cmpf olt, %add3A_5051, %select_n3A_5039 : vector<96x128xf32>
    %select_n3A_5053 = arith.select %lt3A_5052, %add3A_5051, %select_n3A_5039 : vector<96x128xi1>, vector<96x128xf32>
    %jit3A_5054 = arith.constant 27 : i32
    %broadcast_in_dim3A_5055 = vector.broadcast %jit3A_5054 : i32 to vector<96x128xi32>
    %select_n3A_5056 = arith.select %lt3A_5052, %broadcast_in_dim3A_5055, %select_n3A_5042 : vector<96x128xi1>, vector<96x128xi32>
    %get3A_5057 = arith.constant 480 : index
    %get3A_5058 = arith.constant 3584 : index
    %get3A_5059 = vector.load %arg7[%get3A_5057, %get3A_5058] : memref<576x8192xf32, #tpu.memory_space<vmem>>, vector<96x128xf32>
    %add3A_5060 = arith.addf %get3A_4660, %get3A_5059 : vector<96x128xf32>
    %get3A_5061 = arith.constant 28 : index
    %get3A_5062 = arith.constant 0 : index
    %get3A_5063 = vector.load %arg3[%get3A_5061, %get3A_5062] : memref<64x128xf32, #tpu.memory_space<vmem>>, vector<1x128xf32>
    %add3A_5064 = vector.broadcast %get3A_5063 : vector<1x128xf32> to vector<96x128xf32>
    %add3A_5065 = arith.addf %add3A_5060, %add3A_5064 : vector<96x128xf32>
    %lt3A_5066 = arith.cmpf olt, %add3A_5065, %select_n3A_5053 : vector<96x128xf32>
    %select_n3A_5067 = arith.select %lt3A_5066, %add3A_5065, %select_n3A_5053 : vector<96x128xi1>, vector<96x128xf32>
    %jit3A_5068 = arith.constant 28 : i32
    %broadcast_in_dim3A_5069 = vector.broadcast %jit3A_5068 : i32 to vector<96x128xi32>
    %select_n3A_5070 = arith.select %lt3A_5066, %broadcast_in_dim3A_5069, %select_n3A_5056 : vector<96x128xi1>, vector<96x128xi32>
    %get3A_5071 = arith.constant 480 : index
    %get3A_5072 = arith.constant 3712 : index
    %get3A_5073 = vector.load %arg7[%get3A_5071, %get3A_5072] : memref<576x8192xf32, #tpu.memory_space<vmem>>, vector<96x128xf32>
    %add3A_5074 = arith.addf %get3A_4660, %get3A_5073 : vector<96x128xf32>
    %get3A_5075 = arith.constant 29 : index
    %get3A_5076 = arith.constant 0 : index
    %get3A_5077 = vector.load %arg3[%get3A_5075, %get3A_5076] : memref<64x128xf32, #tpu.memory_space<vmem>>, vector<1x128xf32>
    %add3A_5078 = vector.broadcast %get3A_5077 : vector<1x128xf32> to vector<96x128xf32>
    %add3A_5079 = arith.addf %add3A_5074, %add3A_5078 : vector<96x128xf32>
    %lt3A_5080 = arith.cmpf olt, %add3A_5079, %select_n3A_5067 : vector<96x128xf32>
    %select_n3A_5081 = arith.select %lt3A_5080, %add3A_5079, %select_n3A_5067 : vector<96x128xi1>, vector<96x128xf32>
    %jit3A_5082 = arith.constant 29 : i32
    %broadcast_in_dim3A_5083 = vector.broadcast %jit3A_5082 : i32 to vector<96x128xi32>
    %select_n3A_5084 = arith.select %lt3A_5080, %broadcast_in_dim3A_5083, %select_n3A_5070 : vector<96x128xi1>, vector<96x128xi32>
    %get3A_5085 = arith.constant 480 : index
    %get3A_5086 = arith.constant 3840 : index
    %get3A_5087 = vector.load %arg7[%get3A_5085, %get3A_5086] : memref<576x8192xf32, #tpu.memory_space<vmem>>, vector<96x128xf32>
    %add3A_5088 = arith.addf %get3A_4660, %get3A_5087 : vector<96x128xf32>
    %get3A_5089 = arith.constant 30 : index
    %get3A_5090 = arith.constant 0 : index
    %get3A_5091 = vector.load %arg3[%get3A_5089, %get3A_5090] : memref<64x128xf32, #tpu.memory_space<vmem>>, vector<1x128xf32>
    %add3A_5092 = vector.broadcast %get3A_5091 : vector<1x128xf32> to vector<96x128xf32>
    %add3A_5093 = arith.addf %add3A_5088, %add3A_5092 : vector<96x128xf32>
    %lt3A_5094 = arith.cmpf olt, %add3A_5093, %select_n3A_5081 : vector<96x128xf32>
    %select_n3A_5095 = arith.select %lt3A_5094, %add3A_5093, %select_n3A_5081 : vector<96x128xi1>, vector<96x128xf32>
    %jit3A_5096 = arith.constant 30 : i32
    %broadcast_in_dim3A_5097 = vector.broadcast %jit3A_5096 : i32 to vector<96x128xi32>
    %select_n3A_5098 = arith.select %lt3A_5094, %broadcast_in_dim3A_5097, %select_n3A_5084 : vector<96x128xi1>, vector<96x128xi32>
    %get3A_5099 = arith.constant 480 : index
    %get3A_5100 = arith.constant 3968 : index
    %get3A_5101 = vector.load %arg7[%get3A_5099, %get3A_5100] : memref<576x8192xf32, #tpu.memory_space<vmem>>, vector<96x128xf32>
    %add3A_5102 = arith.addf %get3A_4660, %get3A_5101 : vector<96x128xf32>
    %get3A_5103 = arith.constant 31 : index
    %get3A_5104 = arith.constant 0 : index
    %get3A_5105 = vector.load %arg3[%get3A_5103, %get3A_5104] : memref<64x128xf32, #tpu.memory_space<vmem>>, vector<1x128xf32>
    %add3A_5106 = vector.broadcast %get3A_5105 : vector<1x128xf32> to vector<96x128xf32>
    %add3A_5107 = arith.addf %add3A_5102, %add3A_5106 : vector<96x128xf32>
    %lt3A_5108 = arith.cmpf olt, %add3A_5107, %select_n3A_5095 : vector<96x128xf32>
    %select_n3A_5109 = arith.select %lt3A_5108, %add3A_5107, %select_n3A_5095 : vector<96x128xi1>, vector<96x128xf32>
    %jit3A_5110 = arith.constant 31 : i32
    %broadcast_in_dim3A_5111 = vector.broadcast %jit3A_5110 : i32 to vector<96x128xi32>
    %select_n3A_5112 = arith.select %lt3A_5108, %broadcast_in_dim3A_5111, %select_n3A_5098 : vector<96x128xi1>, vector<96x128xi32>
    %get3A_5113 = arith.constant 480 : index
    %get3A_5114 = arith.constant 4096 : index
    %get3A_5115 = vector.load %arg7[%get3A_5113, %get3A_5114] : memref<576x8192xf32, #tpu.memory_space<vmem>>, vector<96x128xf32>
    %add3A_5116 = arith.addf %get3A_4660, %get3A_5115 : vector<96x128xf32>
    %get3A_5117 = arith.constant 32 : index
    %get3A_5118 = arith.constant 0 : index
    %get3A_5119 = vector.load %arg3[%get3A_5117, %get3A_5118] : memref<64x128xf32, #tpu.memory_space<vmem>>, vector<1x128xf32>
    %add3A_5120 = vector.broadcast %get3A_5119 : vector<1x128xf32> to vector<96x128xf32>
    %add3A_5121 = arith.addf %add3A_5116, %add3A_5120 : vector<96x128xf32>
    %lt3A_5122 = arith.cmpf olt, %add3A_5121, %select_n3A_5109 : vector<96x128xf32>
    %select_n3A_5123 = arith.select %lt3A_5122, %add3A_5121, %select_n3A_5109 : vector<96x128xi1>, vector<96x128xf32>
    %jit3A_5124 = arith.constant 32 : i32
    %broadcast_in_dim3A_5125 = vector.broadcast %jit3A_5124 : i32 to vector<96x128xi32>
    %select_n3A_5126 = arith.select %lt3A_5122, %broadcast_in_dim3A_5125, %select_n3A_5112 : vector<96x128xi1>, vector<96x128xi32>
    %get3A_5127 = arith.constant 480 : index
    %get3A_5128 = arith.constant 4224 : index
    %get3A_5129 = vector.load %arg7[%get3A_5127, %get3A_5128] : memref<576x8192xf32, #tpu.memory_space<vmem>>, vector<96x128xf32>
    %add3A_5130 = arith.addf %get3A_4660, %get3A_5129 : vector<96x128xf32>
    %get3A_5131 = arith.constant 33 : index
    %get3A_5132 = arith.constant 0 : index
    %get3A_5133 = vector.load %arg3[%get3A_5131, %get3A_5132] : memref<64x128xf32, #tpu.memory_space<vmem>>, vector<1x128xf32>
    %add3A_5134 = vector.broadcast %get3A_5133 : vector<1x128xf32> to vector<96x128xf32>
    %add3A_5135 = arith.addf %add3A_5130, %add3A_5134 : vector<96x128xf32>
    %lt3A_5136 = arith.cmpf olt, %add3A_5135, %select_n3A_5123 : vector<96x128xf32>
    %select_n3A_5137 = arith.select %lt3A_5136, %add3A_5135, %select_n3A_5123 : vector<96x128xi1>, vector<96x128xf32>
    %jit3A_5138 = arith.constant 33 : i32
    %broadcast_in_dim3A_5139 = vector.broadcast %jit3A_5138 : i32 to vector<96x128xi32>
    %select_n3A_5140 = arith.select %lt3A_5136, %broadcast_in_dim3A_5139, %select_n3A_5126 : vector<96x128xi1>, vector<96x128xi32>
    %get3A_5141 = arith.constant 480 : index
    %get3A_5142 = arith.constant 4352 : index
    %get3A_5143 = vector.load %arg7[%get3A_5141, %get3A_5142] : memref<576x8192xf32, #tpu.memory_space<vmem>>, vector<96x128xf32>
    %add3A_5144 = arith.addf %get3A_4660, %get3A_5143 : vector<96x128xf32>
    %get3A_5145 = arith.constant 34 : index
    %get3A_5146 = arith.constant 0 : index
    %get3A_5147 = vector.load %arg3[%get3A_5145, %get3A_5146] : memref<64x128xf32, #tpu.memory_space<vmem>>, vector<1x128xf32>
    %add3A_5148 = vector.broadcast %get3A_5147 : vector<1x128xf32> to vector<96x128xf32>
    %add3A_5149 = arith.addf %add3A_5144, %add3A_5148 : vector<96x128xf32>
    %lt3A_5150 = arith.cmpf olt, %add3A_5149, %select_n3A_5137 : vector<96x128xf32>
    %select_n3A_5151 = arith.select %lt3A_5150, %add3A_5149, %select_n3A_5137 : vector<96x128xi1>, vector<96x128xf32>
    %jit3A_5152 = arith.constant 34 : i32
    %broadcast_in_dim3A_5153 = vector.broadcast %jit3A_5152 : i32 to vector<96x128xi32>
    %select_n3A_5154 = arith.select %lt3A_5150, %broadcast_in_dim3A_5153, %select_n3A_5140 : vector<96x128xi1>, vector<96x128xi32>
    %get3A_5155 = arith.constant 480 : index
    %get3A_5156 = arith.constant 4480 : index
    %get3A_5157 = vector.load %arg7[%get3A_5155, %get3A_5156] : memref<576x8192xf32, #tpu.memory_space<vmem>>, vector<96x128xf32>
    %add3A_5158 = arith.addf %get3A_4660, %get3A_5157 : vector<96x128xf32>
    %get3A_5159 = arith.constant 35 : index
    %get3A_5160 = arith.constant 0 : index
    %get3A_5161 = vector.load %arg3[%get3A_5159, %get3A_5160] : memref<64x128xf32, #tpu.memory_space<vmem>>, vector<1x128xf32>
    %add3A_5162 = vector.broadcast %get3A_5161 : vector<1x128xf32> to vector<96x128xf32>
    %add3A_5163 = arith.addf %add3A_5158, %add3A_5162 : vector<96x128xf32>
    %lt3A_5164 = arith.cmpf olt, %add3A_5163, %select_n3A_5151 : vector<96x128xf32>
    %select_n3A_5165 = arith.select %lt3A_5164, %add3A_5163, %select_n3A_5151 : vector<96x128xi1>, vector<96x128xf32>
    %jit3A_5166 = arith.constant 35 : i32
    %broadcast_in_dim3A_5167 = vector.broadcast %jit3A_5166 : i32 to vector<96x128xi32>
    %select_n3A_5168 = arith.select %lt3A_5164, %broadcast_in_dim3A_5167, %select_n3A_5154 : vector<96x128xi1>, vector<96x128xi32>
    %get3A_5169 = arith.constant 480 : index
    %get3A_5170 = arith.constant 4608 : index
    %get3A_5171 = vector.load %arg7[%get3A_5169, %get3A_5170] : memref<576x8192xf32, #tpu.memory_space<vmem>>, vector<96x128xf32>
    %add3A_5172 = arith.addf %get3A_4660, %get3A_5171 : vector<96x128xf32>
    %get3A_5173 = arith.constant 36 : index
    %get3A_5174 = arith.constant 0 : index
    %get3A_5175 = vector.load %arg3[%get3A_5173, %get3A_5174] : memref<64x128xf32, #tpu.memory_space<vmem>>, vector<1x128xf32>
    %add3A_5176 = vector.broadcast %get3A_5175 : vector<1x128xf32> to vector<96x128xf32>
    %add3A_5177 = arith.addf %add3A_5172, %add3A_5176 : vector<96x128xf32>
    %lt3A_5178 = arith.cmpf olt, %add3A_5177, %select_n3A_5165 : vector<96x128xf32>
    %select_n3A_5179 = arith.select %lt3A_5178, %add3A_5177, %select_n3A_5165 : vector<96x128xi1>, vector<96x128xf32>
    %jit3A_5180 = arith.constant 36 : i32
    %broadcast_in_dim3A_5181 = vector.broadcast %jit3A_5180 : i32 to vector<96x128xi32>
    %select_n3A_5182 = arith.select %lt3A_5178, %broadcast_in_dim3A_5181, %select_n3A_5168 : vector<96x128xi1>, vector<96x128xi32>
    %get3A_5183 = arith.constant 480 : index
    %get3A_5184 = arith.constant 4736 : index
    %get3A_5185 = vector.load %arg7[%get3A_5183, %get3A_5184] : memref<576x8192xf32, #tpu.memory_space<vmem>>, vector<96x128xf32>
    %add3A_5186 = arith.addf %get3A_4660, %get3A_5185 : vector<96x128xf32>
    %get3A_5187 = arith.constant 37 : index
    %get3A_5188 = arith.constant 0 : index
    %get3A_5189 = vector.load %arg3[%get3A_5187, %get3A_5188] : memref<64x128xf32, #tpu.memory_space<vmem>>, vector<1x128xf32>
    %add3A_5190 = vector.broadcast %get3A_5189 : vector<1x128xf32> to vector<96x128xf32>
    %add3A_5191 = arith.addf %add3A_5186, %add3A_5190 : vector<96x128xf32>
    %lt3A_5192 = arith.cmpf olt, %add3A_5191, %select_n3A_5179 : vector<96x128xf32>
    %select_n3A_5193 = arith.select %lt3A_5192, %add3A_5191, %select_n3A_5179 : vector<96x128xi1>, vector<96x128xf32>
    %jit3A_5194 = arith.constant 37 : i32
    %broadcast_in_dim3A_5195 = vector.broadcast %jit3A_5194 : i32 to vector<96x128xi32>
    %select_n3A_5196 = arith.select %lt3A_5192, %broadcast_in_dim3A_5195, %select_n3A_5182 : vector<96x128xi1>, vector<96x128xi32>
    %get3A_5197 = arith.constant 480 : index
    %get3A_5198 = arith.constant 4864 : index
    %get3A_5199 = vector.load %arg7[%get3A_5197, %get3A_5198] : memref<576x8192xf32, #tpu.memory_space<vmem>>, vector<96x128xf32>
    %add3A_5200 = arith.addf %get3A_4660, %get3A_5199 : vector<96x128xf32>
    %get3A_5201 = arith.constant 38 : index
    %get3A_5202 = arith.constant 0 : index
    %get3A_5203 = vector.load %arg3[%get3A_5201, %get3A_5202] : memref<64x128xf32, #tpu.memory_space<vmem>>, vector<1x128xf32>
    %add3A_5204 = vector.broadcast %get3A_5203 : vector<1x128xf32> to vector<96x128xf32>
    %add3A_5205 = arith.addf %add3A_5200, %add3A_5204 : vector<96x128xf32>
    %lt3A_5206 = arith.cmpf olt, %add3A_5205, %select_n3A_5193 : vector<96x128xf32>
    %select_n3A_5207 = arith.select %lt3A_5206, %add3A_5205, %select_n3A_5193 : vector<96x128xi1>, vector<96x128xf32>
    %jit3A_5208 = arith.constant 38 : i32
    %broadcast_in_dim3A_5209 = vector.broadcast %jit3A_5208 : i32 to vector<96x128xi32>
    %select_n3A_5210 = arith.select %lt3A_5206, %broadcast_in_dim3A_5209, %select_n3A_5196 : vector<96x128xi1>, vector<96x128xi32>
    %get3A_5211 = arith.constant 480 : index
    %get3A_5212 = arith.constant 4992 : index
    %get3A_5213 = vector.load %arg7[%get3A_5211, %get3A_5212] : memref<576x8192xf32, #tpu.memory_space<vmem>>, vector<96x128xf32>
    %add3A_5214 = arith.addf %get3A_4660, %get3A_5213 : vector<96x128xf32>
    %get3A_5215 = arith.constant 39 : index
    %get3A_5216 = arith.constant 0 : index
    %get3A_5217 = vector.load %arg3[%get3A_5215, %get3A_5216] : memref<64x128xf32, #tpu.memory_space<vmem>>, vector<1x128xf32>
    %add3A_5218 = vector.broadcast %get3A_5217 : vector<1x128xf32> to vector<96x128xf32>
    %add3A_5219 = arith.addf %add3A_5214, %add3A_5218 : vector<96x128xf32>
    %lt3A_5220 = arith.cmpf olt, %add3A_5219, %select_n3A_5207 : vector<96x128xf32>
    %select_n3A_5221 = arith.select %lt3A_5220, %add3A_5219, %select_n3A_5207 : vector<96x128xi1>, vector<96x128xf32>
    %jit3A_5222 = arith.constant 39 : i32
    %broadcast_in_dim3A_5223 = vector.broadcast %jit3A_5222 : i32 to vector<96x128xi32>
    %select_n3A_5224 = arith.select %lt3A_5220, %broadcast_in_dim3A_5223, %select_n3A_5210 : vector<96x128xi1>, vector<96x128xi32>
    %get3A_5225 = arith.constant 480 : index
    %get3A_5226 = arith.constant 5120 : index
    %get3A_5227 = vector.load %arg7[%get3A_5225, %get3A_5226] : memref<576x8192xf32, #tpu.memory_space<vmem>>, vector<96x128xf32>
    %add3A_5228 = arith.addf %get3A_4660, %get3A_5227 : vector<96x128xf32>
    %get3A_5229 = arith.constant 40 : index
    %get3A_5230 = arith.constant 0 : index
    %get3A_5231 = vector.load %arg3[%get3A_5229, %get3A_5230] : memref<64x128xf32, #tpu.memory_space<vmem>>, vector<1x128xf32>
    %add3A_5232 = vector.broadcast %get3A_5231 : vector<1x128xf32> to vector<96x128xf32>
    %add3A_5233 = arith.addf %add3A_5228, %add3A_5232 : vector<96x128xf32>
    %lt3A_5234 = arith.cmpf olt, %add3A_5233, %select_n3A_5221 : vector<96x128xf32>
    %select_n3A_5235 = arith.select %lt3A_5234, %add3A_5233, %select_n3A_5221 : vector<96x128xi1>, vector<96x128xf32>
    %jit3A_5236 = arith.constant 40 : i32
    %broadcast_in_dim3A_5237 = vector.broadcast %jit3A_5236 : i32 to vector<96x128xi32>
    %select_n3A_5238 = arith.select %lt3A_5234, %broadcast_in_dim3A_5237, %select_n3A_5224 : vector<96x128xi1>, vector<96x128xi32>
    %get3A_5239 = arith.constant 480 : index
    %get3A_5240 = arith.constant 5248 : index
    %get3A_5241 = vector.load %arg7[%get3A_5239, %get3A_5240] : memref<576x8192xf32, #tpu.memory_space<vmem>>, vector<96x128xf32>
    %add3A_5242 = arith.addf %get3A_4660, %get3A_5241 : vector<96x128xf32>
    %get3A_5243 = arith.constant 41 : index
    %get3A_5244 = arith.constant 0 : index
    %get3A_5245 = vector.load %arg3[%get3A_5243, %get3A_5244] : memref<64x128xf32, #tpu.memory_space<vmem>>, vector<1x128xf32>
    %add3A_5246 = vector.broadcast %get3A_5245 : vector<1x128xf32> to vector<96x128xf32>
    %add3A_5247 = arith.addf %add3A_5242, %add3A_5246 : vector<96x128xf32>
    %lt3A_5248 = arith.cmpf olt, %add3A_5247, %select_n3A_5235 : vector<96x128xf32>
    %select_n3A_5249 = arith.select %lt3A_5248, %add3A_5247, %select_n3A_5235 : vector<96x128xi1>, vector<96x128xf32>
    %jit3A_5250 = arith.constant 41 : i32
    %broadcast_in_dim3A_5251 = vector.broadcast %jit3A_5250 : i32 to vector<96x128xi32>
    %select_n3A_5252 = arith.select %lt3A_5248, %broadcast_in_dim3A_5251, %select_n3A_5238 : vector<96x128xi1>, vector<96x128xi32>
    %get3A_5253 = arith.constant 480 : index
    %get3A_5254 = arith.constant 5376 : index
    %get3A_5255 = vector.load %arg7[%get3A_5253, %get3A_5254] : memref<576x8192xf32, #tpu.memory_space<vmem>>, vector<96x128xf32>
    %add3A_5256 = arith.addf %get3A_4660, %get3A_5255 : vector<96x128xf32>
    %get3A_5257 = arith.constant 42 : index
    %get3A_5258 = arith.constant 0 : index
    %get3A_5259 = vector.load %arg3[%get3A_5257, %get3A_5258] : memref<64x128xf32, #tpu.memory_space<vmem>>, vector<1x128xf32>
    %add3A_5260 = vector.broadcast %get3A_5259 : vector<1x128xf32> to vector<96x128xf32>
    %add3A_5261 = arith.addf %add3A_5256, %add3A_5260 : vector<96x128xf32>
    %lt3A_5262 = arith.cmpf olt, %add3A_5261, %select_n3A_5249 : vector<96x128xf32>
    %select_n3A_5263 = arith.select %lt3A_5262, %add3A_5261, %select_n3A_5249 : vector<96x128xi1>, vector<96x128xf32>
    %jit3A_5264 = arith.constant 42 : i32
    %broadcast_in_dim3A_5265 = vector.broadcast %jit3A_5264 : i32 to vector<96x128xi32>
    %select_n3A_5266 = arith.select %lt3A_5262, %broadcast_in_dim3A_5265, %select_n3A_5252 : vector<96x128xi1>, vector<96x128xi32>
    %get3A_5267 = arith.constant 480 : index
    %get3A_5268 = arith.constant 5504 : index
    %get3A_5269 = vector.load %arg7[%get3A_5267, %get3A_5268] : memref<576x8192xf32, #tpu.memory_space<vmem>>, vector<96x128xf32>
    %add3A_5270 = arith.addf %get3A_4660, %get3A_5269 : vector<96x128xf32>
    %get3A_5271 = arith.constant 43 : index
    %get3A_5272 = arith.constant 0 : index
    %get3A_5273 = vector.load %arg3[%get3A_5271, %get3A_5272] : memref<64x128xf32, #tpu.memory_space<vmem>>, vector<1x128xf32>
    %add3A_5274 = vector.broadcast %get3A_5273 : vector<1x128xf32> to vector<96x128xf32>
    %add3A_5275 = arith.addf %add3A_5270, %add3A_5274 : vector<96x128xf32>
    %lt3A_5276 = arith.cmpf olt, %add3A_5275, %select_n3A_5263 : vector<96x128xf32>
    %select_n3A_5277 = arith.select %lt3A_5276, %add3A_5275, %select_n3A_5263 : vector<96x128xi1>, vector<96x128xf32>
    %jit3A_5278 = arith.constant 43 : i32
    %broadcast_in_dim3A_5279 = vector.broadcast %jit3A_5278 : i32 to vector<96x128xi32>
    %select_n3A_5280 = arith.select %lt3A_5276, %broadcast_in_dim3A_5279, %select_n3A_5266 : vector<96x128xi1>, vector<96x128xi32>
    %get3A_5281 = arith.constant 480 : index
    %get3A_5282 = arith.constant 5632 : index
    %get3A_5283 = vector.load %arg7[%get3A_5281, %get3A_5282] : memref<576x8192xf32, #tpu.memory_space<vmem>>, vector<96x128xf32>
    %add3A_5284 = arith.addf %get3A_4660, %get3A_5283 : vector<96x128xf32>
    %get3A_5285 = arith.constant 44 : index
    %get3A_5286 = arith.constant 0 : index
    %get3A_5287 = vector.load %arg3[%get3A_5285, %get3A_5286] : memref<64x128xf32, #tpu.memory_space<vmem>>, vector<1x128xf32>
    %add3A_5288 = vector.broadcast %get3A_5287 : vector<1x128xf32> to vector<96x128xf32>
    %add3A_5289 = arith.addf %add3A_5284, %add3A_5288 : vector<96x128xf32>
    %lt3A_5290 = arith.cmpf olt, %add3A_5289, %select_n3A_5277 : vector<96x128xf32>
    %select_n3A_5291 = arith.select %lt3A_5290, %add3A_5289, %select_n3A_5277 : vector<96x128xi1>, vector<96x128xf32>
    %jit3A_5292 = arith.constant 44 : i32
    %broadcast_in_dim3A_5293 = vector.broadcast %jit3A_5292 : i32 to vector<96x128xi32>
    %select_n3A_5294 = arith.select %lt3A_5290, %broadcast_in_dim3A_5293, %select_n3A_5280 : vector<96x128xi1>, vector<96x128xi32>
    %get3A_5295 = arith.constant 480 : index
    %get3A_5296 = arith.constant 5760 : index
    %get3A_5297 = vector.load %arg7[%get3A_5295, %get3A_5296] : memref<576x8192xf32, #tpu.memory_space<vmem>>, vector<96x128xf32>
    %add3A_5298 = arith.addf %get3A_4660, %get3A_5297 : vector<96x128xf32>
    %get3A_5299 = arith.constant 45 : index
    %get3A_5300 = arith.constant 0 : index
    %get3A_5301 = vector.load %arg3[%get3A_5299, %get3A_5300] : memref<64x128xf32, #tpu.memory_space<vmem>>, vector<1x128xf32>
    %add3A_5302 = vector.broadcast %get3A_5301 : vector<1x128xf32> to vector<96x128xf32>
    %add3A_5303 = arith.addf %add3A_5298, %add3A_5302 : vector<96x128xf32>
    %lt3A_5304 = arith.cmpf olt, %add3A_5303, %select_n3A_5291 : vector<96x128xf32>
    %select_n3A_5305 = arith.select %lt3A_5304, %add3A_5303, %select_n3A_5291 : vector<96x128xi1>, vector<96x128xf32>
    %jit3A_5306 = arith.constant 45 : i32
    %broadcast_in_dim3A_5307 = vector.broadcast %jit3A_5306 : i32 to vector<96x128xi32>
    %select_n3A_5308 = arith.select %lt3A_5304, %broadcast_in_dim3A_5307, %select_n3A_5294 : vector<96x128xi1>, vector<96x128xi32>
    %get3A_5309 = arith.constant 480 : index
    %get3A_5310 = arith.constant 5888 : index
    %get3A_5311 = vector.load %arg7[%get3A_5309, %get3A_5310] : memref<576x8192xf32, #tpu.memory_space<vmem>>, vector<96x128xf32>
    %add3A_5312 = arith.addf %get3A_4660, %get3A_5311 : vector<96x128xf32>
    %get3A_5313 = arith.constant 46 : index
    %get3A_5314 = arith.constant 0 : index
    %get3A_5315 = vector.load %arg3[%get3A_5313, %get3A_5314] : memref<64x128xf32, #tpu.memory_space<vmem>>, vector<1x128xf32>
    %add3A_5316 = vector.broadcast %get3A_5315 : vector<1x128xf32> to vector<96x128xf32>
    %add3A_5317 = arith.addf %add3A_5312, %add3A_5316 : vector<96x128xf32>
    %lt3A_5318 = arith.cmpf olt, %add3A_5317, %select_n3A_5305 : vector<96x128xf32>
    %select_n3A_5319 = arith.select %lt3A_5318, %add3A_5317, %select_n3A_5305 : vector<96x128xi1>, vector<96x128xf32>
    %jit3A_5320 = arith.constant 46 : i32
    %broadcast_in_dim3A_5321 = vector.broadcast %jit3A_5320 : i32 to vector<96x128xi32>
    %select_n3A_5322 = arith.select %lt3A_5318, %broadcast_in_dim3A_5321, %select_n3A_5308 : vector<96x128xi1>, vector<96x128xi32>
    %get3A_5323 = arith.constant 480 : index
    %get3A_5324 = arith.constant 6016 : index
    %get3A_5325 = vector.load %arg7[%get3A_5323, %get3A_5324] : memref<576x8192xf32, #tpu.memory_space<vmem>>, vector<96x128xf32>
    %add3A_5326 = arith.addf %get3A_4660, %get3A_5325 : vector<96x128xf32>
    %get3A_5327 = arith.constant 47 : index
    %get3A_5328 = arith.constant 0 : index
    %get3A_5329 = vector.load %arg3[%get3A_5327, %get3A_5328] : memref<64x128xf32, #tpu.memory_space<vmem>>, vector<1x128xf32>
    %add3A_5330 = vector.broadcast %get3A_5329 : vector<1x128xf32> to vector<96x128xf32>
    %add3A_5331 = arith.addf %add3A_5326, %add3A_5330 : vector<96x128xf32>
    %lt3A_5332 = arith.cmpf olt, %add3A_5331, %select_n3A_5319 : vector<96x128xf32>
    %select_n3A_5333 = arith.select %lt3A_5332, %add3A_5331, %select_n3A_5319 : vector<96x128xi1>, vector<96x128xf32>
    %jit3A_5334 = arith.constant 47 : i32
    %broadcast_in_dim3A_5335 = vector.broadcast %jit3A_5334 : i32 to vector<96x128xi32>
    %select_n3A_5336 = arith.select %lt3A_5332, %broadcast_in_dim3A_5335, %select_n3A_5322 : vector<96x128xi1>, vector<96x128xi32>
    %get3A_5337 = arith.constant 480 : index
    %get3A_5338 = arith.constant 6144 : index
    %get3A_5339 = vector.load %arg7[%get3A_5337, %get3A_5338] : memref<576x8192xf32, #tpu.memory_space<vmem>>, vector<96x128xf32>
    %add3A_5340 = arith.addf %get3A_4660, %get3A_5339 : vector<96x128xf32>
    %get3A_5341 = arith.constant 48 : index
    %get3A_5342 = arith.constant 0 : index
    %get3A_5343 = vector.load %arg3[%get3A_5341, %get3A_5342] : memref<64x128xf32, #tpu.memory_space<vmem>>, vector<1x128xf32>
    %add3A_5344 = vector.broadcast %get3A_5343 : vector<1x128xf32> to vector<96x128xf32>
    %add3A_5345 = arith.addf %add3A_5340, %add3A_5344 : vector<96x128xf32>
    %lt3A_5346 = arith.cmpf olt, %add3A_5345, %select_n3A_5333 : vector<96x128xf32>
    %select_n3A_5347 = arith.select %lt3A_5346, %add3A_5345, %select_n3A_5333 : vector<96x128xi1>, vector<96x128xf32>
    %jit3A_5348 = arith.constant 48 : i32
    %broadcast_in_dim3A_5349 = vector.broadcast %jit3A_5348 : i32 to vector<96x128xi32>
    %select_n3A_5350 = arith.select %lt3A_5346, %broadcast_in_dim3A_5349, %select_n3A_5336 : vector<96x128xi1>, vector<96x128xi32>
    %get3A_5351 = arith.constant 480 : index
    %get3A_5352 = arith.constant 6272 : index
    %get3A_5353 = vector.load %arg7[%get3A_5351, %get3A_5352] : memref<576x8192xf32, #tpu.memory_space<vmem>>, vector<96x128xf32>
    %add3A_5354 = arith.addf %get3A_4660, %get3A_5353 : vector<96x128xf32>
    %get3A_5355 = arith.constant 49 : index
    %get3A_5356 = arith.constant 0 : index
    %get3A_5357 = vector.load %arg3[%get3A_5355, %get3A_5356] : memref<64x128xf32, #tpu.memory_space<vmem>>, vector<1x128xf32>
    %add3A_5358 = vector.broadcast %get3A_5357 : vector<1x128xf32> to vector<96x128xf32>
    %add3A_5359 = arith.addf %add3A_5354, %add3A_5358 : vector<96x128xf32>
    %lt3A_5360 = arith.cmpf olt, %add3A_5359, %select_n3A_5347 : vector<96x128xf32>
    %select_n3A_5361 = arith.select %lt3A_5360, %add3A_5359, %select_n3A_5347 : vector<96x128xi1>, vector<96x128xf32>
    %jit3A_5362 = arith.constant 49 : i32
    %broadcast_in_dim3A_5363 = vector.broadcast %jit3A_5362 : i32 to vector<96x128xi32>
    %select_n3A_5364 = arith.select %lt3A_5360, %broadcast_in_dim3A_5363, %select_n3A_5350 : vector<96x128xi1>, vector<96x128xi32>
    %get3A_5365 = arith.constant 480 : index
    %get3A_5366 = arith.constant 6400 : index
    %get3A_5367 = vector.load %arg7[%get3A_5365, %get3A_5366] : memref<576x8192xf32, #tpu.memory_space<vmem>>, vector<96x128xf32>
    %add3A_5368 = arith.addf %get3A_4660, %get3A_5367 : vector<96x128xf32>
    %get3A_5369 = arith.constant 50 : index
    %get3A_5370 = arith.constant 0 : index
    %get3A_5371 = vector.load %arg3[%get3A_5369, %get3A_5370] : memref<64x128xf32, #tpu.memory_space<vmem>>, vector<1x128xf32>
    %add3A_5372 = vector.broadcast %get3A_5371 : vector<1x128xf32> to vector<96x128xf32>
    %add3A_5373 = arith.addf %add3A_5368, %add3A_5372 : vector<96x128xf32>
    %lt3A_5374 = arith.cmpf olt, %add3A_5373, %select_n3A_5361 : vector<96x128xf32>
    %select_n3A_5375 = arith.select %lt3A_5374, %add3A_5373, %select_n3A_5361 : vector<96x128xi1>, vector<96x128xf32>
    %jit3A_5376 = arith.constant 50 : i32
    %broadcast_in_dim3A_5377 = vector.broadcast %jit3A_5376 : i32 to vector<96x128xi32>
    %select_n3A_5378 = arith.select %lt3A_5374, %broadcast_in_dim3A_5377, %select_n3A_5364 : vector<96x128xi1>, vector<96x128xi32>
    %get3A_5379 = arith.constant 480 : index
    %get3A_5380 = arith.constant 6528 : index
    %get3A_5381 = vector.load %arg7[%get3A_5379, %get3A_5380] : memref<576x8192xf32, #tpu.memory_space<vmem>>, vector<96x128xf32>
    %add3A_5382 = arith.addf %get3A_4660, %get3A_5381 : vector<96x128xf32>
    %get3A_5383 = arith.constant 51 : index
    %get3A_5384 = arith.constant 0 : index
    %get3A_5385 = vector.load %arg3[%get3A_5383, %get3A_5384] : memref<64x128xf32, #tpu.memory_space<vmem>>, vector<1x128xf32>
    %add3A_5386 = vector.broadcast %get3A_5385 : vector<1x128xf32> to vector<96x128xf32>
    %add3A_5387 = arith.addf %add3A_5382, %add3A_5386 : vector<96x128xf32>
    %lt3A_5388 = arith.cmpf olt, %add3A_5387, %select_n3A_5375 : vector<96x128xf32>
    %select_n3A_5389 = arith.select %lt3A_5388, %add3A_5387, %select_n3A_5375 : vector<96x128xi1>, vector<96x128xf32>
    %jit3A_5390 = arith.constant 51 : i32
    %broadcast_in_dim3A_5391 = vector.broadcast %jit3A_5390 : i32 to vector<96x128xi32>
    %select_n3A_5392 = arith.select %lt3A_5388, %broadcast_in_dim3A_5391, %select_n3A_5378 : vector<96x128xi1>, vector<96x128xi32>
    %get3A_5393 = arith.constant 480 : index
    %get3A_5394 = arith.constant 6656 : index
    %get3A_5395 = vector.load %arg7[%get3A_5393, %get3A_5394] : memref<576x8192xf32, #tpu.memory_space<vmem>>, vector<96x128xf32>
    %add3A_5396 = arith.addf %get3A_4660, %get3A_5395 : vector<96x128xf32>
    %get3A_5397 = arith.constant 52 : index
    %get3A_5398 = arith.constant 0 : index
    %get3A_5399 = vector.load %arg3[%get3A_5397, %get3A_5398] : memref<64x128xf32, #tpu.memory_space<vmem>>, vector<1x128xf32>
    %add3A_5400 = vector.broadcast %get3A_5399 : vector<1x128xf32> to vector<96x128xf32>
    %add3A_5401 = arith.addf %add3A_5396, %add3A_5400 : vector<96x128xf32>
    %lt3A_5402 = arith.cmpf olt, %add3A_5401, %select_n3A_5389 : vector<96x128xf32>
    %select_n3A_5403 = arith.select %lt3A_5402, %add3A_5401, %select_n3A_5389 : vector<96x128xi1>, vector<96x128xf32>
    %jit3A_5404 = arith.constant 52 : i32
    %broadcast_in_dim3A_5405 = vector.broadcast %jit3A_5404 : i32 to vector<96x128xi32>
    %select_n3A_5406 = arith.select %lt3A_5402, %broadcast_in_dim3A_5405, %select_n3A_5392 : vector<96x128xi1>, vector<96x128xi32>
    %get3A_5407 = arith.constant 480 : index
    %get3A_5408 = arith.constant 6784 : index
    %get3A_5409 = vector.load %arg7[%get3A_5407, %get3A_5408] : memref<576x8192xf32, #tpu.memory_space<vmem>>, vector<96x128xf32>
    %add3A_5410 = arith.addf %get3A_4660, %get3A_5409 : vector<96x128xf32>
    %get3A_5411 = arith.constant 53 : index
    %get3A_5412 = arith.constant 0 : index
    %get3A_5413 = vector.load %arg3[%get3A_5411, %get3A_5412] : memref<64x128xf32, #tpu.memory_space<vmem>>, vector<1x128xf32>
    %add3A_5414 = vector.broadcast %get3A_5413 : vector<1x128xf32> to vector<96x128xf32>
    %add3A_5415 = arith.addf %add3A_5410, %add3A_5414 : vector<96x128xf32>
    %lt3A_5416 = arith.cmpf olt, %add3A_5415, %select_n3A_5403 : vector<96x128xf32>
    %select_n3A_5417 = arith.select %lt3A_5416, %add3A_5415, %select_n3A_5403 : vector<96x128xi1>, vector<96x128xf32>
    %jit3A_5418 = arith.constant 53 : i32
    %broadcast_in_dim3A_5419 = vector.broadcast %jit3A_5418 : i32 to vector<96x128xi32>
    %select_n3A_5420 = arith.select %lt3A_5416, %broadcast_in_dim3A_5419, %select_n3A_5406 : vector<96x128xi1>, vector<96x128xi32>
    %get3A_5421 = arith.constant 480 : index
    %get3A_5422 = arith.constant 6912 : index
    %get3A_5423 = vector.load %arg7[%get3A_5421, %get3A_5422] : memref<576x8192xf32, #tpu.memory_space<vmem>>, vector<96x128xf32>
    %add3A_5424 = arith.addf %get3A_4660, %get3A_5423 : vector<96x128xf32>
    %get3A_5425 = arith.constant 54 : index
    %get3A_5426 = arith.constant 0 : index
    %get3A_5427 = vector.load %arg3[%get3A_5425, %get3A_5426] : memref<64x128xf32, #tpu.memory_space<vmem>>, vector<1x128xf32>
    %add3A_5428 = vector.broadcast %get3A_5427 : vector<1x128xf32> to vector<96x128xf32>
    %add3A_5429 = arith.addf %add3A_5424, %add3A_5428 : vector<96x128xf32>
    %lt3A_5430 = arith.cmpf olt, %add3A_5429, %select_n3A_5417 : vector<96x128xf32>
    %select_n3A_5431 = arith.select %lt3A_5430, %add3A_5429, %select_n3A_5417 : vector<96x128xi1>, vector<96x128xf32>
    %jit3A_5432 = arith.constant 54 : i32
    %broadcast_in_dim3A_5433 = vector.broadcast %jit3A_5432 : i32 to vector<96x128xi32>
    %select_n3A_5434 = arith.select %lt3A_5430, %broadcast_in_dim3A_5433, %select_n3A_5420 : vector<96x128xi1>, vector<96x128xi32>
    %get3A_5435 = arith.constant 480 : index
    %get3A_5436 = arith.constant 7040 : index
    %get3A_5437 = vector.load %arg7[%get3A_5435, %get3A_5436] : memref<576x8192xf32, #tpu.memory_space<vmem>>, vector<96x128xf32>
    %add3A_5438 = arith.addf %get3A_4660, %get3A_5437 : vector<96x128xf32>
    %get3A_5439 = arith.constant 55 : index
    %get3A_5440 = arith.constant 0 : index
    %get3A_5441 = vector.load %arg3[%get3A_5439, %get3A_5440] : memref<64x128xf32, #tpu.memory_space<vmem>>, vector<1x128xf32>
    %add3A_5442 = vector.broadcast %get3A_5441 : vector<1x128xf32> to vector<96x128xf32>
    %add3A_5443 = arith.addf %add3A_5438, %add3A_5442 : vector<96x128xf32>
    %lt3A_5444 = arith.cmpf olt, %add3A_5443, %select_n3A_5431 : vector<96x128xf32>
    %select_n3A_5445 = arith.select %lt3A_5444, %add3A_5443, %select_n3A_5431 : vector<96x128xi1>, vector<96x128xf32>
    %jit3A_5446 = arith.constant 55 : i32
    %broadcast_in_dim3A_5447 = vector.broadcast %jit3A_5446 : i32 to vector<96x128xi32>
    %select_n3A_5448 = arith.select %lt3A_5444, %broadcast_in_dim3A_5447, %select_n3A_5434 : vector<96x128xi1>, vector<96x128xi32>
    %get3A_5449 = arith.constant 480 : index
    %get3A_5450 = arith.constant 7168 : index
    %get3A_5451 = vector.load %arg7[%get3A_5449, %get3A_5450] : memref<576x8192xf32, #tpu.memory_space<vmem>>, vector<96x128xf32>
    %add3A_5452 = arith.addf %get3A_4660, %get3A_5451 : vector<96x128xf32>
    %get3A_5453 = arith.constant 56 : index
    %get3A_5454 = arith.constant 0 : index
    %get3A_5455 = vector.load %arg3[%get3A_5453, %get3A_5454] : memref<64x128xf32, #tpu.memory_space<vmem>>, vector<1x128xf32>
    %add3A_5456 = vector.broadcast %get3A_5455 : vector<1x128xf32> to vector<96x128xf32>
    %add3A_5457 = arith.addf %add3A_5452, %add3A_5456 : vector<96x128xf32>
    %lt3A_5458 = arith.cmpf olt, %add3A_5457, %select_n3A_5445 : vector<96x128xf32>
    %select_n3A_5459 = arith.select %lt3A_5458, %add3A_5457, %select_n3A_5445 : vector<96x128xi1>, vector<96x128xf32>
    %jit3A_5460 = arith.constant 56 : i32
    %broadcast_in_dim3A_5461 = vector.broadcast %jit3A_5460 : i32 to vector<96x128xi32>
    %select_n3A_5462 = arith.select %lt3A_5458, %broadcast_in_dim3A_5461, %select_n3A_5448 : vector<96x128xi1>, vector<96x128xi32>
    %get3A_5463 = arith.constant 480 : index
    %get3A_5464 = arith.constant 7296 : index
    %get3A_5465 = vector.load %arg7[%get3A_5463, %get3A_5464] : memref<576x8192xf32, #tpu.memory_space<vmem>>, vector<96x128xf32>
    %add3A_5466 = arith.addf %get3A_4660, %get3A_5465 : vector<96x128xf32>
    %get3A_5467 = arith.constant 57 : index
    %get3A_5468 = arith.constant 0 : index
    %get3A_5469 = vector.load %arg3[%get3A_5467, %get3A_5468] : memref<64x128xf32, #tpu.memory_space<vmem>>, vector<1x128xf32>
    %add3A_5470 = vector.broadcast %get3A_5469 : vector<1x128xf32> to vector<96x128xf32>
    %add3A_5471 = arith.addf %add3A_5466, %add3A_5470 : vector<96x128xf32>
    %lt3A_5472 = arith.cmpf olt, %add3A_5471, %select_n3A_5459 : vector<96x128xf32>
    %select_n3A_5473 = arith.select %lt3A_5472, %add3A_5471, %select_n3A_5459 : vector<96x128xi1>, vector<96x128xf32>
    %jit3A_5474 = arith.constant 57 : i32
    %broadcast_in_dim3A_5475 = vector.broadcast %jit3A_5474 : i32 to vector<96x128xi32>
    %select_n3A_5476 = arith.select %lt3A_5472, %broadcast_in_dim3A_5475, %select_n3A_5462 : vector<96x128xi1>, vector<96x128xi32>
    %get3A_5477 = arith.constant 480 : index
    %get3A_5478 = arith.constant 7424 : index
    %get3A_5479 = vector.load %arg7[%get3A_5477, %get3A_5478] : memref<576x8192xf32, #tpu.memory_space<vmem>>, vector<96x128xf32>
    %add3A_5480 = arith.addf %get3A_4660, %get3A_5479 : vector<96x128xf32>
    %get3A_5481 = arith.constant 58 : index
    %get3A_5482 = arith.constant 0 : index
    %get3A_5483 = vector.load %arg3[%get3A_5481, %get3A_5482] : memref<64x128xf32, #tpu.memory_space<vmem>>, vector<1x128xf32>
    %add3A_5484 = vector.broadcast %get3A_5483 : vector<1x128xf32> to vector<96x128xf32>
    %add3A_5485 = arith.addf %add3A_5480, %add3A_5484 : vector<96x128xf32>
    %lt3A_5486 = arith.cmpf olt, %add3A_5485, %select_n3A_5473 : vector<96x128xf32>
    %select_n3A_5487 = arith.select %lt3A_5486, %add3A_5485, %select_n3A_5473 : vector<96x128xi1>, vector<96x128xf32>
    %jit3A_5488 = arith.constant 58 : i32
    %broadcast_in_dim3A_5489 = vector.broadcast %jit3A_5488 : i32 to vector<96x128xi32>
    %select_n3A_5490 = arith.select %lt3A_5486, %broadcast_in_dim3A_5489, %select_n3A_5476 : vector<96x128xi1>, vector<96x128xi32>
    %get3A_5491 = arith.constant 480 : index
    %get3A_5492 = arith.constant 7552 : index
    %get3A_5493 = vector.load %arg7[%get3A_5491, %get3A_5492] : memref<576x8192xf32, #tpu.memory_space<vmem>>, vector<96x128xf32>
    %add3A_5494 = arith.addf %get3A_4660, %get3A_5493 : vector<96x128xf32>
    %get3A_5495 = arith.constant 59 : index
    %get3A_5496 = arith.constant 0 : index
    %get3A_5497 = vector.load %arg3[%get3A_5495, %get3A_5496] : memref<64x128xf32, #tpu.memory_space<vmem>>, vector<1x128xf32>
    %add3A_5498 = vector.broadcast %get3A_5497 : vector<1x128xf32> to vector<96x128xf32>
    %add3A_5499 = arith.addf %add3A_5494, %add3A_5498 : vector<96x128xf32>
    %lt3A_5500 = arith.cmpf olt, %add3A_5499, %select_n3A_5487 : vector<96x128xf32>
    %select_n3A_5501 = arith.select %lt3A_5500, %add3A_5499, %select_n3A_5487 : vector<96x128xi1>, vector<96x128xf32>
    %jit3A_5502 = arith.constant 59 : i32
    %broadcast_in_dim3A_5503 = vector.broadcast %jit3A_5502 : i32 to vector<96x128xi32>
    %select_n3A_5504 = arith.select %lt3A_5500, %broadcast_in_dim3A_5503, %select_n3A_5490 : vector<96x128xi1>, vector<96x128xi32>
    %get3A_5505 = arith.constant 480 : index
    %get3A_5506 = arith.constant 7680 : index
    %get3A_5507 = vector.load %arg7[%get3A_5505, %get3A_5506] : memref<576x8192xf32, #tpu.memory_space<vmem>>, vector<96x128xf32>
    %add3A_5508 = arith.addf %get3A_4660, %get3A_5507 : vector<96x128xf32>
    %get3A_5509 = arith.constant 60 : index
    %get3A_5510 = arith.constant 0 : index
    %get3A_5511 = vector.load %arg3[%get3A_5509, %get3A_5510] : memref<64x128xf32, #tpu.memory_space<vmem>>, vector<1x128xf32>
    %add3A_5512 = vector.broadcast %get3A_5511 : vector<1x128xf32> to vector<96x128xf32>
    %add3A_5513 = arith.addf %add3A_5508, %add3A_5512 : vector<96x128xf32>
    %lt3A_5514 = arith.cmpf olt, %add3A_5513, %select_n3A_5501 : vector<96x128xf32>
    %select_n3A_5515 = arith.select %lt3A_5514, %add3A_5513, %select_n3A_5501 : vector<96x128xi1>, vector<96x128xf32>
    %jit3A_5516 = arith.constant 60 : i32
    %broadcast_in_dim3A_5517 = vector.broadcast %jit3A_5516 : i32 to vector<96x128xi32>
    %select_n3A_5518 = arith.select %lt3A_5514, %broadcast_in_dim3A_5517, %select_n3A_5504 : vector<96x128xi1>, vector<96x128xi32>
    %get3A_5519 = arith.constant 480 : index
    %get3A_5520 = arith.constant 7808 : index
    %get3A_5521 = vector.load %arg7[%get3A_5519, %get3A_5520] : memref<576x8192xf32, #tpu.memory_space<vmem>>, vector<96x128xf32>
    %add3A_5522 = arith.addf %get3A_4660, %get3A_5521 : vector<96x128xf32>
    %get3A_5523 = arith.constant 61 : index
    %get3A_5524 = arith.constant 0 : index
    %get3A_5525 = vector.load %arg3[%get3A_5523, %get3A_5524] : memref<64x128xf32, #tpu.memory_space<vmem>>, vector<1x128xf32>
    %add3A_5526 = vector.broadcast %get3A_5525 : vector<1x128xf32> to vector<96x128xf32>
    %add3A_5527 = arith.addf %add3A_5522, %add3A_5526 : vector<96x128xf32>
    %lt3A_5528 = arith.cmpf olt, %add3A_5527, %select_n3A_5515 : vector<96x128xf32>
    %select_n3A_5529 = arith.select %lt3A_5528, %add3A_5527, %select_n3A_5515 : vector<96x128xi1>, vector<96x128xf32>
    %jit3A_5530 = arith.constant 61 : i32
    %broadcast_in_dim3A_5531 = vector.broadcast %jit3A_5530 : i32 to vector<96x128xi32>
    %select_n3A_5532 = arith.select %lt3A_5528, %broadcast_in_dim3A_5531, %select_n3A_5518 : vector<96x128xi1>, vector<96x128xi32>
    %get3A_5533 = arith.constant 480 : index
    %get3A_5534 = arith.constant 7936 : index
    %get3A_5535 = vector.load %arg7[%get3A_5533, %get3A_5534] : memref<576x8192xf32, #tpu.memory_space<vmem>>, vector<96x128xf32>
    %add3A_5536 = arith.addf %get3A_4660, %get3A_5535 : vector<96x128xf32>
    %get3A_5537 = arith.constant 62 : index
    %get3A_5538 = arith.constant 0 : index
    %get3A_5539 = vector.load %arg3[%get3A_5537, %get3A_5538] : memref<64x128xf32, #tpu.memory_space<vmem>>, vector<1x128xf32>
    %add3A_5540 = vector.broadcast %get3A_5539 : vector<1x128xf32> to vector<96x128xf32>
    %add3A_5541 = arith.addf %add3A_5536, %add3A_5540 : vector<96x128xf32>
    %lt3A_5542 = arith.cmpf olt, %add3A_5541, %select_n3A_5529 : vector<96x128xf32>
    %select_n3A_5543 = arith.select %lt3A_5542, %add3A_5541, %select_n3A_5529 : vector<96x128xi1>, vector<96x128xf32>
    %jit3A_5544 = arith.constant 62 : i32
    %broadcast_in_dim3A_5545 = vector.broadcast %jit3A_5544 : i32 to vector<96x128xi32>
    %select_n3A_5546 = arith.select %lt3A_5542, %broadcast_in_dim3A_5545, %select_n3A_5532 : vector<96x128xi1>, vector<96x128xi32>
    %get3A_5547 = arith.constant 480 : index
    %get3A_5548 = arith.constant 8064 : index
    %get3A_5549 = vector.load %arg7[%get3A_5547, %get3A_5548] : memref<576x8192xf32, #tpu.memory_space<vmem>>, vector<96x128xf32>
    %add3A_5550 = arith.addf %get3A_4660, %get3A_5549 : vector<96x128xf32>
    %get3A_5551 = arith.constant 63 : index
    %get3A_5552 = arith.constant 0 : index
    %get3A_5553 = vector.load %arg3[%get3A_5551, %get3A_5552] : memref<64x128xf32, #tpu.memory_space<vmem>>, vector<1x128xf32>
    %add3A_5554 = vector.broadcast %get3A_5553 : vector<1x128xf32> to vector<96x128xf32>
    %add3A_5555 = arith.addf %add3A_5550, %add3A_5554 : vector<96x128xf32>
    %lt3A_5556 = arith.cmpf olt, %add3A_5555, %select_n3A_5543 : vector<96x128xf32>
    %select_n3A_5557 = arith.select %lt3A_5556, %add3A_5555, %select_n3A_5543 : vector<96x128xi1>, vector<96x128xf32>
    %jit3A_5558 = arith.constant 63 : i32
    %broadcast_in_dim3A_5559 = vector.broadcast %jit3A_5558 : i32 to vector<96x128xi32>
    %select_n3A_5560 = arith.select %lt3A_5556, %broadcast_in_dim3A_5559, %select_n3A_5546 : vector<96x128xi1>, vector<96x128xi32>
    %reduce_min3A_5561 = arith.constant dense<0x7F800000> : vector<96xf32>
    %reduce_min3A_5562 = vector.multi_reduction <minimumf>, %select_n3A_5557, %reduce_min3A_5561 [1] : vector<96x128xf32> to vector<96xf32>
    %broadcast_in_dim3A_5563 = vector.shape_cast %reduce_min3A_5562 : vector<96xf32> to vector<96x1xf32>
    %mul3A_5564 = arith.constant 128 : i32
    %mul3A_5565 = vector.broadcast %mul3A_5564 : i32 to vector<96x128xi32>
    %mul3A_5566 = arith.muli %select_n3A_5560, %mul3A_5565 : vector<96x128xi32>
    %add3A_5567 = arith.addi %mul3A_5566, %iota3A : vector<96x128xi32>
    %eq3A_5568 = vector.broadcast %broadcast_in_dim3A_5563 : vector<96x1xf32> to vector<96x128xf32>
    %eq3A_5569 = arith.cmpf oeq, %select_n3A_5557, %eq3A_5568 : vector<96x128xf32>
    %jit3A_5570 = arith.constant 1073741824 : i32
    %broadcast_in_dim3A_5571 = vector.broadcast %jit3A_5570 : i32 to vector<96x128xi32>
    %select_n3A_5572 = arith.select %eq3A_5569, %add3A_5567, %broadcast_in_dim3A_5571 : vector<96x128xi1>, vector<96x128xi32>
    %reduce_min3A_5573 = arith.constant dense<2147483647> : vector<96xi32>
    %reduce_min3A_5574 = vector.multi_reduction <minsi>, %select_n3A_5572, %reduce_min3A_5573 [1] : vector<96x128xi32> to vector<96xi32>
    %broadcast_in_dim3A_5575 = vector.shape_cast %reduce_min3A_5574 : vector<96xi32> to vector<96x1xi32>
    %swap3A_5576 = arith.constant 480 : index
    %swap3A_5577 = arith.constant 0 : index
    %swap3A_5578 = vector.load %arg4[%swap3A_5576, %swap3A_5577] : memref<576x1xi32, #tpu.memory_space<vmem>>, vector<96x1xi32>
    tpu.vector_store %arg4[%swap3A_5576, %swap3A_5577], %broadcast_in_dim3A_5575 {strides = array<i32>} : memref<576x1xi32, #tpu.memory_space<vmem>>, vector<96x1xi32>,
    %reduce_sum3A_5579 = vector.shape_cast %broadcast_in_dim3A_5563 : vector<96x1xf32> to vector<1x96x1xf32>
    %reduce_sum3A_5580 = arith.constant dense<0.000000e+00> : vector<1xf32>
    %reduce_sum3A_5581 = vector.multi_reduction <add>, %reduce_sum3A_5579, %reduce_sum3A_5580 [1, 2] : vector<1x96x1xf32> to vector<1xf32>
    %reduce_sum3A_5582 = vector.shape_cast %reduce_sum3A_5581 : vector<1xf32> to vector<1x1x1xf32>
    %reduce_sum3A_5583 = vector.extract %reduce_sum3A_5582[0, 0, 0] : f32 from vector<1x1x1xf32>
    %broadcast_in_dim3A_5584 = vector.broadcast %reduce_sum3A_5583 : f32 to vector<1x1xf32>
    %add3A_5585 = arith.addf %add3A_4657, %broadcast_in_dim3A_5584 : vector<1x1xf32>
    %eq3A_5586 = arith.constant 0 : i32
    %eq3A_5587 = arith.cmpi eq, %arg0, %eq3A_5586 : i32
    %broadcast_in_dim3A_5588 = arith.constant 0.000000e+00 : f32
    %broadcast_in_dim3A_5589 = vector.broadcast %broadcast_in_dim3A_5588 : f32 to vector<1x1xf32>
    %get3A_5590 = arith.constant 0 : index
    %get3A_5591 = arith.constant 0 : index
    %get3A_5592 = vector.load %arg5[%get3A_5590, %get3A_5591] : memref<1x1xf32, #tpu.memory_space<vmem>>, vector<1x1xf32>
    %select_n3A_5593 = arith.select %eq3A_5587, %broadcast_in_dim3A_5589, %get3A_5592 : vector<1x1xf32>
    %mul3A_5594 = arith.constant 2.71267374E-4 : f32
    %mul3A_5595 = vector.broadcast %mul3A_5594 : f32 to vector<1x1xf32>
    %mul3A_5596 = arith.mulf %add3A_5585, %mul3A_5595 : vector<1x1xf32>
    %add3A_5597 = arith.addf %select_n3A_5593, %mul3A_5596 : vector<1x1xf32>
    %swap3A_5598 = arith.constant 0 : index
    %swap3A_5599 = arith.constant 0 : index
    %swap3A_5600 = vector.load %arg5[%swap3A_5598, %swap3A_5599] : memref<1x1xf32, #tpu.memory_space<vmem>>, vector<1x1xf32>
    tpu.vector_store %arg5[%swap3A_5598, %swap3A_5599], %add3A_5597 {strides = array<i32>} : memref<1x1xf32, #tpu.memory_space<vmem>>, vector<1x1xf32>,
    return
  }
  func.func @transform_0(%arg0: i32) -> (i32, i32) {
    %c0_i32 = arith.constant 0 : i32
    %c0_i32_0 = arith.constant 0 : i32
    return %arg0, %c0_i32 : i32, i32
  }
  func.func @transform_1(%arg0: i32) -> (i32, i32) {
    %c0_i32 = arith.constant 0 : i32
    %c0_i32_0 = arith.constant 0 : i32
    %c0_i32_1 = arith.constant 0 : i32
    return %c0_i32, %c0_i32_0 : i32, i32
  }
  func.func @transform_2(%arg0: i32) -> (i32, i32) {
    %c0_i32 = arith.constant 0 : i32
    %c0_i32_0 = arith.constant 0 : i32
    %c0_i32_1 = arith.constant 0 : i32
    return %c0_i32, %c0_i32_0 : i32, i32
  }
  func.func @transform_3(%arg0: i32) -> (i32, i32) {
    %c0_i32 = arith.constant 0 : i32
    %c0_i32_0 = arith.constant 0 : i32
    return %arg0, %c0_i32 : i32, i32
  }
  func.func @transform_4(%arg0: i32) -> (i32, i32) {
    %c0_i32 = arith.constant 0 : i32
    %c0_i32_0 = arith.constant 0 : i32
    %c0_i32_1 = arith.constant 0 : i32
    return %c0_i32, %c0_i32_0 : i32, i32
  }
  func.func @transform_5(%arg0: i32) -> (i32, i32) {
    %c0_i32 = arith.constant 0 : i32
    %c0_i32_0 = arith.constant 0 : i32
    %c0_i32_1 = arith.constant 0 : i32
    return %c0_i32, %c0_i32_0 : i32, i32
  }
}

</mosaic_0001>

<sc_bundles>
// kernel: kernel.4.cloned.1.call-start
scs
__scs_entry_jumppad:
0x0: {  	(pc) =	sbr.rel $0x88, $3  }
0x1: {  	(tag) =	ssettag $0x0;
	lr =	simm.s32 $0x1  }
0x2: {  	[smem:$0x3F9F] =	sst lr;
	_ =	strace $0xD0000000  }
0x3: {  	_ = 	snop  }
0x4: {  	_ = 	snop  }
0x5: {  	_ = 	snop  }
0x6: {  	_ = 	snop  }
0x7: {  	_ = 	snop  }
__scs_overlays_trampoline_lowered:
0x8: {  	[smem:$0x3FAE] =	sst s0  }
0x9: {  	[smem:$0x3FAF] =	sst s1  }
0xa: {  	[smem:$0x3FB0] =	sst s2  }
0xb: {  	[smem:$0x3FB1] =	sst s3  }
0xc: {  	[smem:$0x3FB2] =	sst s4  }
0xd: {  	[smem:$0x3FB3] =	sst s5  }
0xe: {  	[smem:$0x3FB4] =	sst s6  }
0xf: {  	[smem:$0x3FB5] =	sst s7  }
0x10: {  	[smem:$0x3FB6] =	sst s8  }
0x11: {  	[smem:$0x3FB7] =	sst s9;
	s0 =	simm.s32 @!p0 $0x0  }
0x12: {  	s1 =	sld [smem:$0x3F9D];
	s0 =	simm.s32 @p0 $0x1  }
0x13: {  	[smem:$0x3FB8] =	sst s0;
	s0 =	simm.s32 @!p1 $0x0  }
0x14: {  	s2 =	sld [smem:$0x3F9C];
	s0 =	simm.s32 @p1 $0x1  }
0x15: {  	[smem:$0x3FB9] =	sst s0;
	s0 =	simm.s32 @!p2 $0x0  }
0x16: {  	s3 =	sld [smem:$0x3FDB];
	s0 =	simm.s32 @p2 $0x1  }
0x17: {  	s4 =	simm.s32 $0x1BF5;
	[smem:$0x3FBB] =	sst s0  }
0x18: {  	s0 =	sld [smem:$0x3F9E];
	_ =	swait.ge [sflag:s4], $0x0  }
0x19: {  	s7 =	sld [smem:$0x3F9F]  }
0x1a: {  	s8 =	sadd.s32 $0xFFFFE003, lr  }
0x1b: {  	s9 =	sadd.s32 $0xFFFFFEF7, lr;
	s5 =	simm.s32 $0xFFFFFFFF;
	p2 =	slt.u32 s8, $0xFFFFF086  }
0x1c: {  	p1 =	slt.u32 s9, $0xF7A;
	s5 =	simm.s32 @!p2 $0x0  }
0x1d: {  	s5 =	simm.s32 @p1 $0x1;
	p0 =	seq.s32 s7, s2  }
0x1e: {  	s7 =	smul.u32 @!p0 $0xF7A, s2;
	p2 =	seq.s32 @!p0 s5, $0x0  }
0x1f: {  	s9 =	smul.u32 $0xF7A, s1;
	s8 =	simm.s32 @!p0 $0x1BF5;
	p2 =	por !p2, p0  }
0x20: {  	[sflag:s8] =	ssyncset.s32 @!p0 $0xFFFFF086;
	s6 =	sadd.s32 @!p0 s3, s7;
	s7 =	simm.s32 @!p0 $0x108  }
0x21: {  	s3 =	sadd.s32 s3, s9;
	s6 =	sadd.s32 @!p0 $0x88, s6;
	s7 =	simm.s32 @p2 $0x1082  }
0x22: {  	[simem:s7], [sflag:s8] =	dma.local @!p0 [hbm:s6], $0xF7A  }
0x23: {  	s9 =	sor.u32 $0xD0000000, s2;
	s6 =	simm.s32 $0x108;
	_ =	swait.ge @!p0 [sflag:s8], $0x0  }
0x24: {  	s3 =	sadd.s32 $0x88, s3;
	s6 =	simm.s32 @!p1 $0x1082;
	[sflag:s4] =	ssyncset.s32 $0xFFFFF086  }
0x25: {  	[simem:s6], [sflag:s4] =	dma.local [hbm:s3], $0xF7A  }
0x26: {  	[smem:$0x3F9F] =	sst s1;
	(tag) =	ssettag s2;
	_ =	strace s9  }
0x27: {  	s1 =	sld [smem:$0x3FAF]  }
0x28: {  	s2 =	sld [smem:$0x3FB0]  }
0x29: {  	s4 =	sld [smem:$0x3FB2]  }
0x2a: {  	p0 =	seq.s32 s5, $0x0;
	s5 =	sld [smem:$0x3FB3]  }
0x2b: {  	s6 =	sld [smem:$0x3FB4]  }
0x2c: {  	s7 =	sld [smem:$0x3FB5]  }
0x2d: {  	s3 =	simm.s32 $0x108;
	s8 =	sld [smem:$0x3FB6]  }
0x2e: {  	s3 =	simm.s32 @!p0 $0x1082;
	s9 =	sld [smem:$0x3FB7]  }
0x2f: {  	lr =	sadd.s32 s0, s3;
	s0 =	sld [smem:$0x3FAE]  }
0x30: {  	s3 =	sld [smem:$0x3FB1]  }
0x31: {  	[smem:$0x3FBA] =	sst s10  }
0x32: {  	s10 =	sld [smem:$0x3FB8];
	_ =	sdelay $0x3  }
0x33: {  	p0 =	seq.s32 s10, $0x1;
	s10 =	sld [smem:$0x3FBA];
	_ =	sdelay $0x3  }
0x34: {  	[smem:$0x3FBA] =	sst s10  }
0x35: {  	s10 =	sld [smem:$0x3FB9];
	_ =	sdelay $0x3  }
0x36: {  	p1 =	seq.s32 s10, $0x1;
	s10 =	sld [smem:$0x3FBA];
	_ =	sdelay $0x3  }
0x37: {  	[smem:$0x3FBA] =	sst s10  }
0x38: {  	s10 =	sld [smem:$0x3FBB]  }
0x39: {  	_ = 	snop;
	(pc) =	sbr.ind lr, $3  }
0x3a: {  	_ = 	snop  }
0x3b: {  	_ = 	snop  }
0x3c: {  	p2 =	seq.s32 s10, $0x1;
	s10 =	sld [smem:$0x3FBA]  }
0x3d: {  	_ =	shalt  }
0x3e: {  	_ =	shalt  }
0x3f: {  	_ =	shalt  }
0x40: {  	_ =	shalt  }
0x41: {  	_ =	shalt  }
0x42: {  	_ =	shalt  }
0x43: {  	_ =	shalt  }
0x44: {  	_ =	shalt  }
0x45: {  	_ =	shalt  }
0x46: {  	_ =	shalt  }
0x47: {  	_ =	shalt  }
0x48: {  	_ =	shalt  }
0x49: {  	_ =	shalt  }
0x4a: {  	_ =	shalt  }
0x4b: {  	_ =	shalt  }
0x4c: {  	_ =	shalt  }
0x4d: {  	_ =	shalt  }
0x4e: {  	_ =	shalt  }
0x4f: {  	_ =	shalt  }
0x50: {  	_ =	shalt  }
0x51: {  	_ =	shalt  }
0x52: {  	_ =	shalt  }
0x53: {  	_ =	shalt  }
0x54: {  	_ =	shalt  }
0x55: {  	_ =	shalt  }
0x56: {  	_ =	shalt  }
0x57: {  	_ =	shalt  }
0x58: {  	_ =	shalt  }
0x59: {  	_ =	shalt  }
0x5a: {  	_ =	shalt  }
0x5b: {  	_ =	shalt  }
0x5c: {  	_ =	shalt  }
0x5d: {  	_ =	shalt  }
0x5e: {  	_ =	shalt  }
0x5f: {  	_ =	shalt  }
0x60: {  	_ =	shalt  }
0x61: {  	_ =	shalt  }
0x62: {  	_ =	shalt  }
0x63: {  	_ =	shalt  }
0x64: {  	_ =	shalt  }
0x65: {  	_ =	shalt  }
0x66: {  	_ =	shalt  }
0x67: {  	_ =	shalt  }
0x68: {  	_ =	shalt  }
0x69: {  	_ =	shalt  }
0x6a: {  	_ =	shalt  }
0x6b: {  	_ =	shalt  }
0x6c: {  	_ =	shalt  }
0x6d: {  	_ =	shalt  }
0x6e: {  	_ =	shalt  }
0x6f: {  	_ =	shalt  }
0x70: {  	_ =	shalt  }
0x71: {  	_ =	shalt  }
0x72: {  	_ =	shalt  }
0x73: {  	_ =	shalt  }
0x74: {  	_ =	shalt  }
0x75: {  	_ =	shalt  }
0x76: {  	_ =	shalt  }
0x77: {  	_ =	shalt  }
0x78: {  	_ =	shalt  }
0x79: {  	_ =	shalt  }
0x7a: {  	_ =	shalt  }
0x7b: {  	_ =	shalt  }
0x7c: {  	_ =	shalt  }
0x7d: {  	_ =	shalt  }
0x7e: {  	_ =	shalt  }
0x7f: {  	_ =	shalt  }
0x80: {  	_ =	shalt  }
0x81: {  	_ =	shalt  }
0x82: {  	_ =	shalt  }
0x83: {  	_ =	shalt  }
0x84: {  	_ =	shalt  }
0x85: {  	_ =	shalt  }
0x86: {  	_ =	shalt  }
0x87: {  	_ =	shalt  }
.Lfunc_end0:
.L_simem_size_0:
called_computation_lowered:
.L_overlay_start_0:
0x88: {  	s2 =	sld [smem:$0x3FD9]  }
0x89: {  	s3 =	sld [smem:$0x3FFE];
	_ =	sdelay $0x1  }
0x8a: {  	s1 =	srdreg.scid  }
0x8b: {  	s0 =	sand.u32 $0x1, s1  }
0x8c: {  	s14 =	sshll.u32 s0, $0xA;
	s2 =	sadd.s32 s3, s2  }
0x8d: {  	s2 =	sadd.s32 s2, s14  }
0x8e: {  	[smem:$0x3FC6] =	sst s2  }
0x8f: {  	_ = 	snop  }
0x90: {  	s2 =	sld [smem:$0x3FD0];
	_ =	sdelay $0x2  }
0x91: {  	s15 =	simm.s32 $0xA;
	s4 =	simm.s32 $0x10  }
0x92: {  	[smem:s4], [sflag:s15] =	dma.local [hbm:s2], $0x1  }
0x93: {  	_ =	swait.eq [sflag:s15], $0x1  }
0x94: {  	[sflag:s15] =	ssyncset.done $0x0  }
0x95: {  	[sflag:s15] =	ssyncadd.s32 $0xFFFFFFFF  }
0x96: {  	s16 =	sld [smem:$0x10];
	(tm) =	ssettm $0x1  }
0x97: {  	s17 =	sld [smem:$0x3FFB];
	_ =	sdelay $0x3  }
0x98: {  	_ =	strace s17  }
0x99: {  	s3 =	sld [smem:$0x3FFC];
	_ =	sdelay $0x3  }
0x9a: {  	_ =	strace s3  }
0x9b: {  	s3 =	sld [smem:$0x3FFD];
	_ =	sdelay $0x3  }
0x9c: {  	_ =	strace s3  }
0x9d: {  	_ =	strace $0x8FFFFFFF  }
0x9e: {  	s18 =	sld [smem:$0x3FDB];
	_ =	sdelay $0x1  }
0x9f: {  	s19 =	simm.s32 $_scs_section_size  }
0xa0: {  	s5 =	simm.s32 $_size__tile_overlayer_lowered;
	s6 =	simm.s32 $_tile_overlayer_lowered  }
0xa1: {  	s22 =	simm.s32 $0x1BFF;
	s21 =	sshll.u32 s6, $0x1;
	s3 =	sadd.s32 s19, s18  }
0xa2: {  	s7 =	simm.s32 $0x0;
	s20 =	sshll.u32 s5, $0x1;
	s5 =	sadd.s32 s21, s3  }
0xa3: {  	[timem:s7], [sflag:s22] =	dma.local [hbm:s5], s20  }
0xa4: {  	_ =	swait.ge [sflag:s22], s20  }
0xa5: {  	s4 =	ssub.s32 $0x0, s20;
	[sflag:s22] =	ssyncset.done $0x0  }
0xa6: {  	[sflag:s22] =	ssyncadd.s32 s4;
	_ =	sdelay $0x1  }
0xa7: {  	s23 =	simm.s32 $0x1B8B  }
0xa8: {  	_ =	swait.ge [sflag:s23], $0x1  }
0xa9: {  	[sflag:s23] =	ssyncset.done $0x0  }
0xaa: {  	s25 =	simm.s32 $0x1B8E;
	s24 =	sld [smem:$0x3FFE];
	[sflag:s23] =	ssyncadd.s32 $0xFFFFFFFF  }
0xab: {  	s26 =	simm.s32 $execute0_lowered;
	[smem:$0x3FD2] =	sst s25  }
0xac: {  	s5 =	sshll.u32 s26, $0x1;
	_ =	strace $0x80000046;
	[dreg:$0x1] =	wrdreg $0xFFFFFFFF  }
0xad: {  	s28 =	simm.s32 $_size_execute0_lowered;
	s3 =	sadd.s32 s3, s5;
	[dreg:$0x0] =	wrdreg $0x0  }
0xae: {  	s5 =	sshll.u32 s28, $0x1;
	[dreg:$0x2] =	wrdreg s3  }
0xaf: {  	[dreg:$0x3] =	wrdreg s5  }
0xb0: {  	[dreg:$0x4] =	wrdreg $0xC0  }
0xb1: {  	_ =	task [dreg:s7], $0x5FFFF  }
0xb2: {  	[dreg:$0x1] =	wrdreg $0xFFFFFFFF  }
0xb3: {  	[dreg:$0x0] =	wrdreg $0x60  }
0xb4: {  	[dreg:$0x2] =	wrdreg s24  }
0xb5: {  	[dreg:$0x3] =	wrdreg s16  }
0xb6: {  	[dreg:$0x4] =	wrdreg $0x9  }
0xb7: {  	_ =	task.clear_ibuf [dreg:s7], $0x5FFFF;
	_ =	strace $0x90000046  }
0xb8: {  	s29 =	simm.s32 $0x9;
	_ =	strace $0x80000048  }
0xb9: {  	_ =	swait.ge [sflag:s29], $0x1  }
0xba: {  	[sflag:s29] =	ssyncadd.s32 $0xFFFFFFFF  }
0xbb: {  	_ =	strace $0x90000048  }
0xbc: {  	_ =	sfence  }
0xbd: {  	s30 =	sld [smem:$0x0];
	_ =	sdelay $0x2  }
0xbe: {  	s31 =	sshll.u32 s1, $0xD;
	s1 =	sshrl.u32 s1, $0x2  }
0xbf: {  	s3 =	sand.u32 $0x4000, s31;
	s1 =	sadd.s32 s1, s30  }
0xc0: {  	s0 =	sor.u32 s3, s0;
	s1 =	sshll.u32 s1, $0x11  }
0xc1: {  	s0 =	sor.u32 s1, s0  }
0xc2: {  	s0 =	sadd.s32 $0x8F2B, s0  }
0xc3: {  	[sflag:s0] =	ssyncadd.remote.s32 $0x1  }
0xc4: {  	_ =	sfence.sel $0xFFFF  }
0xc5: {  	[dreg:$0x0] =	wrdreg $0xFFFFFFFF;
	(pc) =	sbr.abs _section_cstart, $3  }
0xc6: {  	[dreg:$0x1] =	wrdreg $0xFFFFFFFF  }
0xc7: {  	_ =	task.clear_ibuf [dreg:s7], $0x2FFFF;
	_ =	strace $0x9FFFFFFF  }
0xc8: {  	(tm) =	ssettm $0x7FFFFFFF  }
0xc9: {  	_ =	shalt  }
tec
execute0_lowered:
.L_overlay_start_1:
0x0: {  	(tag) =	ssettag $0x1  }
0x1: {  	s1 =	srdreg.scid;
	s0 =	stileid.u32  }
0x2: {  	s12 =	sand.u32 $0x1, s1;
	s29 =	sshll.u32 s0, $0x1  }
0x3: {  	s13 =	rddreg [dreg:$0x0];
	s14 =	sor.u32 s12, s29  }
0x4: {  	s5 =	rddreg [dreg:$0x1];
	s6 =	smul.u32 $0x90, s14  }
0x5: {  	s2 =	simm.s32 $0x0;
	s1 =	rddreg [dreg:$0x2]  }
0x6: {  	[smem:$0x7FF] =	sst s2;
	s3 =	sshrl.u32 s6, $0x3  }
0x7: {  	_ =	strace $0x80000047;
	s4 =	sadd.s32 s5, s3;
	s3 =	simm.s32 $0x2  }
0x8: {  	[tilespmem:s2], [sflag:$0x2] =	stream.linear.gather [hbm4b:s4+s2], $0x48, $0x38;
	[tilespmem:$0x4900] =	vst v63  }
0x9: {  	s6 =	sadd.s32 $0x48, s6;
	_ =	swait.ge [sflag:s3], $0x48  }
0xa: {  	s6 =	sshrl.u32 s6, $0x3;
	[sflag:s3] =	ssyncset.done $0x0  }
0xb: {  	s5 =	sadd.s32 s5, s6;
	s6 =	simm.s32 $0x80;
	[sflag:s3] =	ssyncadd.s32 $0xFFFFFFB8  }
0xc: {  	[tilespmem:s6], [sflag:$0x2] =	stream.linear.gather [hbm4b:s5+s2], $0x48, $0x38;
	[tilespmem:$0x4900] =	vst v63  }
0xd: {  	_ =	swait.ge [sflag:s3], $0x48  }
0xe: {  	s8 =	simm.s32 $0x48;
	[sflag:s3] =	ssyncset.done $0x0  }
0xf: {  	s9 =	simm.s32 $0x100;
	s7 =	sadd.s32 $0x400, s13;
	[sflag:s3] =	ssyncadd.s32 $0xFFFFFFB8  }
0x10: {  	[tilespmem:s9], [sflag:$0x1] =	stream.indirect.gather [hbm4b:s7+s8], $0x80, s2, s8, $0xb8;
	[tilespmem:$0x4900] =	vst v63  }
0x11: {  	s10 =	simm.s32 $0x2500;
	s11 =	simm.s32 $0x1;
	s12 =	ssub.s32 $0x2, s12  }
0x12: {  	[tilespmem:s10], [sflag:$0x1] =	stream.indirect.gather [hbm4b:s7+s8], $0x80, s6, s8, $0xb8;
	[tilespmem:$0x4900] =	vst v63  }
0x13: {  	s15 =	sshrl.u32 s12, $0x1;
	_ =	swait.ge [sflag:s11], $0x2400  }
0x14: {  	s30 =	ssub.s32 s12, s15;
	[sflag:s11] =	ssyncset.done $0x0  }
0x15: {  	s14 =	smul.u32 $0x900, s14;
	s31 =	smax.u32 s30, $0x1;
	[sflag:s11] =	ssyncadd.s32 $0xFFFFDC00  }
0x16: {  	p0 =	sne.s32 s31, $0x1;
	_ =	swait.ge [sflag:s11], $0x2400  }
.Ltmp0:
0x17: {  	s13 =	sadd.s32 s14, s13;
	[sflag:s11] =	ssyncset.done $0x0;
	(pc) =	sbr.rel @!p0 .LBB2_2-.Ltmp0, $4  }
0x18: {  	s12 =	sadd.s32 $0x20400, s13;
	[sflag:s11] =	ssyncadd.s32 $0xFFFFDC00  }
0x19: {  	[hbm4b:s12+s2] =	stream.linear.scatter [tilespmem:s9], [sflag:$0x2], $0x4800, $0x38;
	[tilespmem:$0x4900] =	vst v63  }
0x1a: {  	_ =	swait.ge [sflag:s3], $0x4800  }
0x1b: {  	s13 =	sadd.s32 $0xFFFFFFFF, s31;
	[sflag:s3] =	ssyncset.done $0x0  }
.LBB2_1:
0x1c: {  	p0 =	sne.s32 s13, $0x1;
	s13 =	sadd.s32 $0xFFFFFFFF, s13;
	[sflag:s3] =	ssyncadd.s32 $0xFFFFB800  }
0x1d: {  	[tilespmem:s2], [sflag:$0x2] =	stream.linear.gather [hbm4b:s4+s2], $0x48, $0x38;
	[tilespmem:$0x4900] =	vst v63  }
0x1e: {  	_ =	swait.ge [sflag:s3], $0x48  }
0x1f: {  	[sflag:s3] =	ssyncset.done $0x0  }
0x20: {  	[sflag:s3] =	ssyncadd.s32 $0xFFFFFFB8  }
0x21: {  	[tilespmem:s6], [sflag:$0x2] =	stream.linear.gather [hbm4b:s5+s2], $0x48, $0x38;
	[tilespmem:$0x4900] =	vst v63  }
0x22: {  	_ =	swait.ge [sflag:s3], $0x48  }
0x23: {  	[sflag:s3] =	ssyncset.done $0x0  }
0x24: {  	[sflag:s3] =	ssyncadd.s32 $0xFFFFFFB8  }
0x25: {  	[tilespmem:s9], [sflag:$0x1] =	stream.indirect.gather [hbm4b:s7+s8], $0x80, s2, s8, $0xb8;
	[tilespmem:$0x4900] =	vst v63  }
0x26: {  	_ = 	snop  }
0x27: {  	[tilespmem:s10], [sflag:$0x1] =	stream.indirect.gather [hbm4b:s7+s8], $0x80, s6, s8, $0xb8;
	[tilespmem:$0x4900] =	vst v63  }
0x28: {  	_ =	swait.ge [sflag:s11], $0x2400  }
0x29: {  	[sflag:s11] =	ssyncset.done $0x0  }
0x2a: {  	[sflag:s11] =	ssyncadd.s32 $0xFFFFDC00  }
0x2b: {  	_ =	swait.ge [sflag:s11], $0x2400  }
.Ltmp1:
0x2c: {  	[sflag:s11] =	ssyncset.done $0x0;
	(pc) =	sbr.rel @p0 .LBB2_1-.Ltmp1, $4  }
0x2d: {  	[sflag:s11] =	ssyncadd.s32 $0xFFFFDC00  }
0x2e: {  	[hbm4b:s12+s2] =	stream.linear.scatter [tilespmem:s9], [sflag:$0x2], $0x4800, $0x38;
	[tilespmem:$0x4900] =	vst v63  }
0x2f: {  	_ =	swait.ge [sflag:s3], $0x4800  }
0x30: {  	[sflag:s3] =	ssyncset.done $0x0  }
.LBB2_2:
0x31: {  	[sflag:s3] =	ssyncadd.s32 $0xFFFFB800  }
0x32: {  	_ =	sfence.sel $0x180000  }
0x33: {  	[bflag:$0x0] =	sbarrier.arrive $0xFFFF  }
0x34: {  	p0 =	sne.s32 s0, $0x0;
	_ =	strace $0x90000047  }
0x35: {  	s0 =	sadd.s32 @!p0 $0x100000, s1;
	[bflag:$0x2] =	sbarrier.arrive $0xFFFF  }
0x36: {  	[sflag:s0] =	ssyncadd.tile.s32 @!p0 $0x1;
	_ =	shalt  }
.Lfunc_end2:
_tile_overlayer_lowered:
.L_overlay_start_2:
0x37: {  	(tag) =	ssettag $0x2  }
0x38: {  	s0 =	rddreg [dreg:$0x0];
	s2 =	stileid.u32  }
0x39: {  	s1 =	rddreg [dreg:$0x1];
	p0 =	sne.s32 s2, $0x0  }
0x3a: {  	s3 =	rddreg [dreg:$0x2];
	[bflag:$0x3] =	sbarrier.arrive $0xFFFF;
	s2 =	simm.s32 @!p0 $0x1C02  }
0x3b: {  	[timem:s3], [sflag:s2] =	dma.local @!p0 [hbm:s0], s1  }
0x3c: {  	s0 =	simm.s32 @!p0 $0x2  }
0x3d: {  	_ =	swait.ge @!p0 [sflag:s0], s1  }
0x3e: {  	s1 =	ssub.s32 @!p0 $0x0, s1;
	[sflag:s0] =	ssyncset.done @!p0 $0x0  }
0x3f: {  	[sflag:s0] =	ssyncadd.s32 @!p0 s1  }
0x40: {  	[bflag:$0x3] =	sbarrier.arrive $0xFFFF  }
0x41: {  	_ =	shalt  }

</sc_bundles>
